<compile_context>
chip_gen: v7x
topology: tpu7x:2x2x1
jax: 0.10.2.dev20260603
libtpu: 0.0.44.dev20260713+nightly
codegen_flags: <defaults>
</compile_context>

<pallas_src>
import functools

import jax
import jax.numpy as jnp
from jax import lax
from jax.experimental import pallas as pl
from jax.experimental.pallas import tpu as pltpu
from jax.experimental.pallas import tpu_sc as plsc

TOPK = 4
LTILE = 512
SC_SPLIT = 1536

NC, NS = 2, 16
NW = NC * NS
_mesh = plsc.VectorSubcoreMesh(core_axis_name="c", subcore_axis_name="s")


def _scores_fusion_body(text_tile_ref, text_hbm, vis_hbm, w_ref, b_ref,
                        small_t_ref, small_v_ref,
                        scores_ref, tk_ref, vk_ref, sem_g):
    i = pl.program_id(0)
    nsteps = pl.num_programs(0)
    B, _, D = text_tile_ref.shape
    L = scores_ref.shape[1]

    @pl.when(i == 0)
    def _():
        for bb in range(B):
            pltpu.make_async_copy(
                vis_hbm.at[bb].at[pl.ds(0, TOPK), :], vk_ref.at[bb],
                sem_g.at[B * TOPK + bb]).start()

    x = text_tile_ref[...]
    scores_ref[:, pl.ds(i * LTILE, LTILE)] = jnp.sum(x * x, axis=-1)

    @pl.when(i == nsteps - 1)
    def _():
        sc = scores_ref[...]
        lane_idx = jax.lax.broadcasted_iota(jnp.int32, (B, L), 1)
        big = jnp.int32(2**30)
        gathers = []
        for bb in range(B):
            row = sc[bb:bb + 1, :]
            li = lane_idx[bb:bb + 1, :]
            for t in range(TOPK):
                m = jnp.max(row)
                a = jnp.min(jnp.where(row == m, li, big))
                cp = pltpu.make_async_copy(
                    text_hbm.at[bb].at[pl.ds(a, 1), :],
                    tk_ref.at[bb].at[pl.ds(t, 1), :],
                    sem_g.at[bb * TOPK + t])
                cp.start()
                gathers.append(cp)
                row = jnp.where(li == a, jnp.float32(-1.0), row)
        for bb in range(B):
            gathers.append(pltpu.make_async_copy(
                vis_hbm.at[bb].at[pl.ds(0, TOPK), :], vk_ref.at[bb],
                sem_g.at[B * TOPK + bb]))
        for cp in gathers:
            cp.wait()

        w = w_ref[...]
        bias = b_ref[...]
        hi = jax.lax.Precision.HIGHEST
        small_t_ref[...] = jnp.zeros_like(small_t_ref)
        small_v_ref[...] = jnp.zeros_like(small_v_ref)
        for bb in range(B):
            tk = tk_ref[bb]
            vk = vk_ref[bb]
            proj = jax.lax.dot_general(tk, w, (((1,), (1,)), ((), ())),
                                       precision=hi) + bias
            sim = jax.lax.dot_general(proj, vk, (((1,), (1,)), ((), ())),
                                      precision=hi)
            edges = jax.nn.softmax(sim, axis=-1)
            small_t_ref[bb, 0:TOPK, :] = jax.lax.dot_general(
                edges, vk, (((1,), (0,)), ((), ())), precision=hi)
            small_v_ref[bb, 0:TOPK, :] = jax.lax.dot_general(
                edges, tk, (((0,), (0,)), ((), ())), precision=hi)


def _write_body(small_t_ref, small_v_ref, scbuf_hbm, out_t_hbm, out_v_hbm,
                zeros_ref, sem_out):
    del scbuf_hbm
    B, L, D = out_t_hbm.shape
    nsteps = L // LTILE
    nv = SC_SPLIT // LTILE
    zeros_ref[...] = jnp.zeros_like(zeros_ref)
    copies = [
        pltpu.make_async_copy(
            small_t_ref, out_t_hbm.at[:, pl.ds(0, 8), :], sem_out.at[0]),
        pltpu.make_async_copy(
            small_v_ref, out_v_hbm.at[:, pl.ds(0, 8), :], sem_out.at[1]),
        pltpu.make_async_copy(
            zeros_ref.at[:, pl.ds(0, LTILE - 8), :],
            out_t_hbm.at[:, pl.ds(8, LTILE - 8), :], sem_out.at[2]),
        pltpu.make_async_copy(
            zeros_ref.at[:, pl.ds(0, LTILE - 8), :],
            out_v_hbm.at[:, pl.ds(8, LTILE - 8), :], sem_out.at[3]),
    ]
    n = 4
    for j in range(1, nsteps):
        copies.append(pltpu.make_async_copy(
            zeros_ref, out_t_hbm.at[:, pl.ds(j * LTILE, LTILE), :],
            sem_out.at[n]))
        n += 1
    for j in range(1, nv):
        copies.append(pltpu.make_async_copy(
            zeros_ref, out_v_hbm.at[:, pl.ds(j * LTILE, LTILE), :],
            sem_out.at[n]))
        n += 1
    for cp in copies:
        cp.start()
    for cp in copies:
        cp.wait()


_SC_ROWS = 4 * (4096 - SC_SPLIT)
_RPW = _SC_ROWS // NW
_CH = 16
_NCH = _RPW // _CH


@functools.partial(
    pl.kernel, mesh=_mesh,
    out_type=jax.ShapeDtypeStruct((4, 4096, 768), jnp.float32),
    scratch_types=[
        pltpu.VMEM((_CH, 768), jnp.float32),
        pltpu.SemaphoreType.DMA,
    ],
)
def _sc_fill(out_hbm, zbuf, sem):
    @pl.loop(0, _CH)
    def _(r):
        @pl.loop(0, 768, step=16)
        def _(c):
            zbuf.at[r, pl.ds(c, 16)][...] = jnp.zeros((16,), jnp.float32)

    wid = lax.axis_index("s") * NC + lax.axis_index("c")
    rows_per_batch = 4096 - SC_SPLIT
    copies = []
    for k in range(_NCH):
        flat = wid * _RPW + k * _CH
        bb = flat // rows_per_batch
        r = flat % rows_per_batch
        copies.append(pltpu.async_copy(
            zbuf,
            out_hbm.at[bb].at[pl.ds(SC_SPLIT + r, _CH), :],
            sem))
    for cp in copies:
        cp.wait()


@jax.jit
def kernel(text_feats, visual_feats, W, b):
    B, L, D = text_feats.shape
    nsteps = L // LTILE

    small_t, small_v = pl.pallas_call(
        _scores_fusion_body,
        grid=(nsteps,),
        in_specs=[
            pl.BlockSpec((B, LTILE, D), lambda i: (0, i, 0)),
            pl.BlockSpec(memory_space=pl.ANY),
            pl.BlockSpec(memory_space=pl.ANY),
            pl.BlockSpec((D, D), lambda i: (0, 0)),
            pl.BlockSpec((1, D), lambda i: (0, 0)),
        ],
        out_specs=[
            pl.BlockSpec((B, 8, D), lambda i: (0, 0, 0)),
            pl.BlockSpec((B, 8, D), lambda i: (0, 0, 0)),
        ],
        out_shape=[
            jax.ShapeDtypeStruct((B, 8, D), jnp.float32),
            jax.ShapeDtypeStruct((B, 8, D), jnp.float32),
        ],
        scratch_shapes=[
            pltpu.VMEM((B, L), jnp.float32),
            pltpu.VMEM((B, TOPK, D), jnp.float32),
            pltpu.VMEM((B, TOPK, D), jnp.float32),
            pltpu.SemaphoreType.DMA((B * TOPK + B,)),
        ],
    )(text_feats, text_feats, visual_feats, W, b.reshape(1, D))

    scbuf = _sc_fill()

    out_t, out_v = pl.pallas_call(
        _write_body,
        in_specs=[
            pl.BlockSpec((B, 8, D), lambda: (0, 0, 0)),
            pl.BlockSpec((B, 8, D), lambda: (0, 0, 0)),
            pl.BlockSpec(memory_space=pl.ANY),
        ],
        out_specs=[
            pl.BlockSpec(memory_space=pl.ANY),
            pl.BlockSpec(memory_space=pl.ANY),
        ],
        out_shape=[
            jax.ShapeDtypeStruct((B, L, D), jnp.float32),
            jax.ShapeDtypeStruct((B, L, D), jnp.float32),
        ],
        scratch_shapes=[
            pltpu.VMEM((B, LTILE, D), jnp.float32),
            pltpu.SemaphoreType.DMA((nsteps + SC_SPLIT // LTILE + 2,)),
        ],
        input_output_aliases={2: 1},
    )(small_t, small_v, scbuf)
    return (out_t, out_v)

# --- scband reference (transcript-rebuilt; emitter-appended) ---
"""Pipeline reference for scband-hyper-graph-fusion-70514773066071 (READ-ONLY COPY).

The authoritative reference and input builder live on the scoring server;
editing this copy changes nothing except your own understanding.
"""

import jax, jax.numpy as jnp
import numpy as np

TOPK = 4
DIM = 768

def setup_inputs(seed: int = 0) -> dict:
    key = jax.random.key(seed)
    k1, k2, k3, k4 = jax.random.split(key, 4)
    text_feats = jax.random.normal(k1, (4, 4096, DIM), dtype=jnp.float32)
    visual_feats = jax.random.normal(k2, (4, 4096, DIM), dtype=jnp.float32)
    # nn.Linear(dim, dim): weight [out, in], bias [out], kaiming-uniform-ish init
    bound = 1.0 / np.sqrt(DIM)
    W = jax.random.uniform(k3, (DIM, DIM), dtype=jnp.float32, minval=-bound, maxval=bound)
    b = jax.random.uniform(k4, (DIM,), dtype=jnp.float32, minval=-bound, maxval=bound)
    return {"text_feats": text_feats, "visual_feats": visual_feats, "W": W, "b": b}

def _get_key_nodes_text(feats, topk):
    # scores = ||feats||_2 along last dim; gather topk rows per batch
    scores = jnp.linalg.norm(feats, axis=-1)  # [B, L]
    _, idx = jax.lax.top_k(scores, topk)      # [B, topk]
    return jnp.take_along_axis(feats, idx[:, :, None], axis=1)  # [B, topk, D]

def _get_key_nodes_visual(feats, topk):
    # forward path: no grads available -> grads = ones_like(feats)
    grads = jnp.ones_like(feats)
    scores = jnp.mean(grads, axis=-1)  # [B, L] all-ones
    _, idx = jax.lax.top_k(scores, topk)  # ties -> lowest indices, matching torch.topk behavior
    return jnp.take_along_axis(feats, idx[:, :, None], axis=1)

def reference(text_feats, visual_feats, W, b):
    B, L, D = text_feats.shape
    text_keys = _get_key_nodes_text(text_feats, TOPK)      # [B, k, D]
    visual_keys = _get_key_nodes_visual(visual_feats, TOPK)  # [B, k, D]
    proj = jnp.einsum('btd,kd->btk', text_keys, W) + b      # key_proj(text_keys)
    sim_matrix = jnp.einsum('btk,bvk->btv', proj, visual_keys)  # [B, k, k]
    hyper_edges = jax.nn.softmax(sim_matrix, axis=-1)
    text_out = jnp.einsum('btv,bvd->btd', hyper_edges, visual_keys)   # [B, k, D]
    visual_out = jnp.einsum('btv,btd->bvd', hyper_edges, text_keys)   # [B, k, D]
    pad_size = L - text_out.shape[1]
    if pad_size > 0:
        text_out = jnp.pad(text_out, ((0, 0), (0, pad_size), (0, 0)))
        visual_out = jnp.pad(visual_out, ((0, 0), (0, pad_size), (0, 0)))
    return (text_out, visual_out)

if __name__ == "__main__":
    import jax
    _d = setup_inputs()
    print(jax.jit(kernel)(*tuple(_d.values())))

</pallas_src>

<mosaic_0001>
#map = affine_map<(d0, d1) -> (0, 0, 0)>
module attributes {stable_mosaic.version = 14 : i64} {
  func.func @_sc_fill(%arg0: i32, %arg1: i32, %arg2: memref<4x4096x768xf32, #tpu.memory_space<hbm>>, %arg3: memref<16x768xf32, #tpu.memory_space<vmem>>, %arg4: memref<!tpu.dma_semaphore, #tpu.memory_space<semaphore_mem>>) attributes {dimension_semantics = [#tpu.dimension_semantics<core_parallel>, #tpu.dimension_semantics<subcore_parallel>], iteration_bounds = array<i64: 2, 16>, scalar_prefetch = 0 : i64, scratch_operands = 2 : i64, tpu.core_type = #tpu.core_type<sc_vector_subcore>, window_params = [{transform_indices = #map}]} {
    %scan3A = arith.constant 0 : i32
    %scan3A_0 = arith.constant 16 : i32
    %scan3A_1 = arith.addi %scan3A, %scan3A_0 : i32
    %scan3A_2 = arith.constant 1 : i32
    scf.for %scan3A_1393 = %scan3A to %scan3A_1 step %scan3A_2  : i32 {
      %mul3A_1394 = arith.constant 1 : i32
      %mul3A_1395 = arith.muli %scan3A_1393, %mul3A_1394 : i32
      %add3A_1396 = arith.constant 0 : i32
      %add3A_1397 = arith.addi %add3A_1396, %mul3A_1395 : i32
      %scan3A_1398 = arith.constant 0 : i32
      %scan3A_1399 = arith.constant 48 : i32
      %scan3A_1400 = arith.addi %scan3A_1398, %scan3A_1399 : i32
      %scan3A_1401 = arith.constant 1 : i32
      scf.for %scan3A_1403 = %scan3A_1398 to %scan3A_1400 step %scan3A_1401  : i32 {
        %mul3A_1404 = arith.constant 16 : i32
        %mul3A_1405 = arith.muli %scan3A_1403, %mul3A_1404 : i32
        %add3A_1406 = arith.constant 0 : i32
        %add3A_1407 = arith.addi %add3A_1406, %mul3A_1405 : i32
        %broadcast_in_dim3A = arith.constant 0.000000e+00 : f32
        %broadcast_in_dim3A_1408 = vector.broadcast %broadcast_in_dim3A : f32 to vector<16xf32>
        %swap3A = arith.index_cast %add3A_1397 : i32 to index
        %swap3A_1409 = arith.index_cast %add3A_1407 : i32 to index
        %swap3A_1410 = tpu.vector_load %arg3[%swap3A, %swap3A_1409] {strides = array<i32>} : memref<16x768xf32, #tpu.memory_space<vmem>>, vector<1x16xf32>,
        %swap3A_1411 = vector.shape_cast %swap3A_1410 : vector<1x16xf32> to vector<16xf32>
        %swap3A_1412 = vector.shape_cast %broadcast_in_dim3A_1408 : vector<16xf32> to vector<1x16xf32>
        tpu.vector_store %arg3[%swap3A, %swap3A_1409], %swap3A_1412 {strides = array<i32>} : memref<16x768xf32, #tpu.memory_space<vmem>>, vector<1x16xf32>,
      }
      %scan3A_1402 = arith.constant 48 : i32
    }
    %scan3A_3 = arith.constant 16 : i32
    %mul3A = arith.constant 2 : i32
    %mul3A_4 = arith.muli %arg1, %mul3A : i32
    %add3A = arith.addi %mul3A_4, %arg0 : i32
    %mul3A_5 = arith.constant 320 : i32
    %mul3A_6 = arith.muli %add3A, %mul3A_5 : i32
    %add3A_7 = arith.constant 0 : i32
    %add3A_8 = arith.addi %mul3A_6, %add3A_7 : i32
    %jit3A = arith.constant 2560 : i32
    %div3A = arith.divsi %add3A_8, %jit3A : i32
    %sign3A = arith.constant 0 : i32
    %sign3A_9 = arith.cmpi sgt, %add3A_8, %sign3A : i32
    %sign3A_10 = arith.extui %sign3A_9 : i1 to i32
    %sign3A_11 = arith.constant 0 : i32
    %sign3A_12 = arith.cmpi slt, %add3A_8, %sign3A_11 : i32
    %sign3A_13 = arith.extui %sign3A_12 : i1 to i32
    %sign3A_14 = arith.subi %sign3A_10, %sign3A_13 : i32
    %sign3A_15 = arith.constant 0 : i32
    %sign3A_16 = arith.cmpi sgt, %jit3A, %sign3A_15 : i32
    %sign3A_17 = arith.extui %sign3A_16 : i1 to i32
    %sign3A_18 = arith.constant 0 : i32
    %sign3A_19 = arith.cmpi slt, %jit3A, %sign3A_18 : i32
    %sign3A_20 = arith.extui %sign3A_19 : i1 to i32
    %sign3A_21 = arith.subi %sign3A_17, %sign3A_20 : i32
    %ne3A = arith.cmpi ne, %sign3A_14, %sign3A_21 : i32
    %rem3A = arith.remsi %add3A_8, %jit3A : i32
    %ne3A_22 = arith.constant 0 : i32
    %ne3A_23 = arith.cmpi ne, %rem3A, %ne3A_22 : i32
    %and3A = arith.andi %ne3A, %ne3A_23 : i1
    %sub3A = arith.constant 1 : i32
    %sub3A_24 = arith.subi %div3A, %sub3A : i32
    %select_n3A = arith.select %and3A, %sub3A_24, %div3A : i32
    %jit3A_25 = arith.constant 2560 : i32
    %eq3A = arith.constant 0 : i32
    %eq3A_26 = arith.cmpi eq, %jit3A_25, %eq3A : i32
    %jit3A_27 = arith.constant 1 : i32
    %select_n3A_28 = arith.select %eq3A_26, %jit3A_27, %jit3A_25 : i32
    %rem3A_29 = arith.remsi %add3A_8, %select_n3A_28 : i32
    %ne3A_30 = arith.constant 0 : i32
    %ne3A_31 = arith.cmpi ne, %rem3A_29, %ne3A_30 : i32
    %lt3A = arith.constant 0 : i32
    %lt3A_32 = arith.cmpi slt, %rem3A_29, %lt3A : i32
    %lt3A_33 = arith.constant 0 : i32
    %lt3A_34 = arith.cmpi slt, %select_n3A_28, %lt3A_33 : i32
    %ne3A_35 = arith.xori %lt3A_32, %lt3A_34 : i1
    %and3A_36 = arith.andi %ne3A_35, %ne3A_31 : i1
    %add3A_37 = arith.addi %rem3A_29, %select_n3A_28 : i32
    %select_n3A_38 = arith.select %and3A_36, %add3A_37, %rem3A_29 : i32
    %add3A_39 = arith.constant 1536 : i32
    %add3A_40 = arith.addi %add3A_39, %select_n3A_38 : i32
    %dma_start3A = arith.constant 0 : i32
    %dma_start3A_41 = arith.constant 0 : i32
    %dma_start3A_42 = tpu.memref_slice %arg2[%select_n3A, %dma_start3A, %dma_start3A_41] : memref<4x4096x768xf32, #tpu.memory_space<hbm>> -> memref<1x4096x768xf32, #tpu.memory_space<hbm>>
    %dma_start3A_43 = tpu.memref_squeeze %dma_start3A_42 : memref<1x4096x768xf32, #tpu.memory_space<hbm>> -> memref<4096x768xf32, #tpu.memory_space<hbm>>
    %dma_start3A_44 = arith.constant 0 : i32
    %dma_start3A_45 = tpu.memref_slice %dma_start3A_43[%add3A_40, %dma_start3A_44] : memref<4096x768xf32, #tpu.memory_space<hbm>> -> memref<16x768xf32, #tpu.memory_space<hbm>>
    %dma_start3A_46 = arith.constant 0 : i32
    %dma_start3A_47 = arith.constant 0 : i32
    %dma_start3A_48 = tpu.memref_slice %arg2[%select_n3A, %dma_start3A_46, %dma_start3A_47] : memref<4x4096x768xf32, #tpu.memory_space<hbm>> -> memref<1x4096x768xf32, #tpu.memory_space<hbm>>
    %dma_start3A_49 = tpu.memref_squeeze %dma_start3A_48 : memref<1x4096x768xf32, #tpu.memory_space<hbm>> -> memref<4096x768xf32, #tpu.memory_space<hbm>>
    %dma_start3A_50 = arith.constant 0 : i32
    %dma_start3A_51 = tpu.memref_slice %dma_start3A_49[%add3A_40, %dma_start3A_50] : memref<4096x768xf32, #tpu.memory_space<hbm>> -> memref<16x768xf32, #tpu.memory_space<hbm>>
    tpu.enqueue_dma source(%arg3 : memref<16x768xf32, #tpu.memory_space<vmem>>) target(%dma_start3A_51 : memref<16x768xf32, #tpu.memory_space<hbm>>) target_semaphore(%arg4 : memref<!tpu.dma_semaphore, #tpu.memory_space<semaphore_mem>>)
    %mul3A_52 = arith.constant 320 : i32
    %mul3A_53 = arith.muli %add3A, %mul3A_52 : i32
    %add3A_54 = arith.constant 16 : i32
    %add3A_55 = arith.addi %mul3A_53, %add3A_54 : i32
    %jit3A_56 = arith.constant 2560 : i32
    %div3A_57 = arith.divsi %add3A_55, %jit3A_56 : i32
    %sign3A_58 = arith.constant 0 : i32
    %sign3A_59 = arith.cmpi sgt, %add3A_55, %sign3A_58 : i32
    %sign3A_60 = arith.extui %sign3A_59 : i1 to i32
    %sign3A_61 = arith.constant 0 : i32
    %sign3A_62 = arith.cmpi slt, %add3A_55, %sign3A_61 : i32
    %sign3A_63 = arith.extui %sign3A_62 : i1 to i32
    %sign3A_64 = arith.subi %sign3A_60, %sign3A_63 : i32
    %sign3A_65 = arith.constant 0 : i32
    %sign3A_66 = arith.cmpi sgt, %jit3A_56, %sign3A_65 : i32
    %sign3A_67 = arith.extui %sign3A_66 : i1 to i32
    %sign3A_68 = arith.constant 0 : i32
    %sign3A_69 = arith.cmpi slt, %jit3A_56, %sign3A_68 : i32
    %sign3A_70 = arith.extui %sign3A_69 : i1 to i32
    %sign3A_71 = arith.subi %sign3A_67, %sign3A_70 : i32
    %ne3A_72 = arith.cmpi ne, %sign3A_64, %sign3A_71 : i32
    %rem3A_73 = arith.remsi %add3A_55, %jit3A_56 : i32
    %ne3A_74 = arith.constant 0 : i32
    %ne3A_75 = arith.cmpi ne, %rem3A_73, %ne3A_74 : i32
    %and3A_76 = arith.andi %ne3A_72, %ne3A_75 : i1
    %sub3A_77 = arith.constant 1 : i32
    %sub3A_78 = arith.subi %div3A_57, %sub3A_77 : i32
    %select_n3A_79 = arith.select %and3A_76, %sub3A_78, %div3A_57 : i32
    %jit3A_80 = arith.constant 2560 : i32
    %eq3A_81 = arith.constant 0 : i32
    %eq3A_82 = arith.cmpi eq, %jit3A_80, %eq3A_81 : i32
    %jit3A_83 = arith.constant 1 : i32
    %select_n3A_84 = arith.select %eq3A_82, %jit3A_83, %jit3A_80 : i32
    %rem3A_85 = arith.remsi %add3A_55, %select_n3A_84 : i32
    %ne3A_86 = arith.constant 0 : i32
    %ne3A_87 = arith.cmpi ne, %rem3A_85, %ne3A_86 : i32
    %lt3A_88 = arith.constant 0 : i32
    %lt3A_89 = arith.cmpi slt, %rem3A_85, %lt3A_88 : i32
    %lt3A_90 = arith.constant 0 : i32
    %lt3A_91 = arith.cmpi slt, %select_n3A_84, %lt3A_90 : i32
    %ne3A_92 = arith.xori %lt3A_89, %lt3A_91 : i1
    %and3A_93 = arith.andi %ne3A_92, %ne3A_87 : i1
    %add3A_94 = arith.addi %rem3A_85, %select_n3A_84 : i32
    %select_n3A_95 = arith.select %and3A_93, %add3A_94, %rem3A_85 : i32
    %add3A_96 = arith.constant 1536 : i32
    %add3A_97 = arith.addi %add3A_96, %select_n3A_95 : i32
    %dma_start3A_98 = arith.constant 0 : i32
    %dma_start3A_99 = arith.constant 0 : i32
    %dma_start3A_100 = tpu.memref_slice %arg2[%select_n3A_79, %dma_start3A_98, %dma_start3A_99] : memref<4x4096x768xf32, #tpu.memory_space<hbm>> -> memref<1x4096x768xf32, #tpu.memory_space<hbm>>
    %dma_start3A_101 = tpu.memref_squeeze %dma_start3A_100 : memref<1x4096x768xf32, #tpu.memory_space<hbm>> -> memref<4096x768xf32, #tpu.memory_space<hbm>>
    %dma_start3A_102 = arith.constant 0 : i32
    %dma_start3A_103 = tpu.memref_slice %dma_start3A_101[%add3A_97, %dma_start3A_102] : memref<4096x768xf32, #tpu.memory_space<hbm>> -> memref<16x768xf32, #tpu.memory_space<hbm>>
    %dma_start3A_104 = arith.constant 0 : i32
    %dma_start3A_105 = arith.constant 0 : i32
    %dma_start3A_106 = tpu.memref_slice %arg2[%select_n3A_79, %dma_start3A_104, %dma_start3A_105] : memref<4x4096x768xf32, #tpu.memory_space<hbm>> -> memref<1x4096x768xf32, #tpu.memory_space<hbm>>
    %dma_start3A_107 = tpu.memref_squeeze %dma_start3A_106 : memref<1x4096x768xf32, #tpu.memory_space<hbm>> -> memref<4096x768xf32, #tpu.memory_space<hbm>>
    %dma_start3A_108 = arith.constant 0 : i32
    %dma_start3A_109 = tpu.memref_slice %dma_start3A_107[%add3A_97, %dma_start3A_108] : memref<4096x768xf32, #tpu.memory_space<hbm>> -> memref<16x768xf32, #tpu.memory_space<hbm>>
    tpu.enqueue_dma source(%arg3 : memref<16x768xf32, #tpu.memory_space<vmem>>) target(%dma_start3A_109 : memref<16x768xf32, #tpu.memory_space<hbm>>) target_semaphore(%arg4 : memref<!tpu.dma_semaphore, #tpu.memory_space<semaphore_mem>>)
    %mul3A_110 = arith.constant 320 : i32
    %mul3A_111 = arith.muli %add3A, %mul3A_110 : i32
    %add3A_112 = arith.constant 32 : i32
    %add3A_113 = arith.addi %mul3A_111, %add3A_112 : i32
    %jit3A_114 = arith.constant 2560 : i32
    %div3A_115 = arith.divsi %add3A_113, %jit3A_114 : i32
    %sign3A_116 = arith.constant 0 : i32
    %sign3A_117 = arith.cmpi sgt, %add3A_113, %sign3A_116 : i32
    %sign3A_118 = arith.extui %sign3A_117 : i1 to i32
    %sign3A_119 = arith.constant 0 : i32
    %sign3A_120 = arith.cmpi slt, %add3A_113, %sign3A_119 : i32
    %sign3A_121 = arith.extui %sign3A_120 : i1 to i32
    %sign3A_122 = arith.subi %sign3A_118, %sign3A_121 : i32
    %sign3A_123 = arith.constant 0 : i32
    %sign3A_124 = arith.cmpi sgt, %jit3A_114, %sign3A_123 : i32
    %sign3A_125 = arith.extui %sign3A_124 : i1 to i32
    %sign3A_126 = arith.constant 0 : i32
    %sign3A_127 = arith.cmpi slt, %jit3A_114, %sign3A_126 : i32
    %sign3A_128 = arith.extui %sign3A_127 : i1 to i32
    %sign3A_129 = arith.subi %sign3A_125, %sign3A_128 : i32
    %ne3A_130 = arith.cmpi ne, %sign3A_122, %sign3A_129 : i32
    %rem3A_131 = arith.remsi %add3A_113, %jit3A_114 : i32
    %ne3A_132 = arith.constant 0 : i32
    %ne3A_133 = arith.cmpi ne, %rem3A_131, %ne3A_132 : i32
    %and3A_134 = arith.andi %ne3A_130, %ne3A_133 : i1
    %sub3A_135 = arith.constant 1 : i32
    %sub3A_136 = arith.subi %div3A_115, %sub3A_135 : i32
    %select_n3A_137 = arith.select %and3A_134, %sub3A_136, %div3A_115 : i32
    %jit3A_138 = arith.constant 2560 : i32
    %eq3A_139 = arith.constant 0 : i32
    %eq3A_140 = arith.cmpi eq, %jit3A_138, %eq3A_139 : i32
    %jit3A_141 = arith.constant 1 : i32
    %select_n3A_142 = arith.select %eq3A_140, %jit3A_141, %jit3A_138 : i32
    %rem3A_143 = arith.remsi %add3A_113, %select_n3A_142 : i32
    %ne3A_144 = arith.constant 0 : i32
    %ne3A_145 = arith.cmpi ne, %rem3A_143, %ne3A_144 : i32
    %lt3A_146 = arith.constant 0 : i32
    %lt3A_147 = arith.cmpi slt, %rem3A_143, %lt3A_146 : i32
    %lt3A_148 = arith.constant 0 : i32
    %lt3A_149 = arith.cmpi slt, %select_n3A_142, %lt3A_148 : i32
    %ne3A_150 = arith.xori %lt3A_147, %lt3A_149 : i1
    %and3A_151 = arith.andi %ne3A_150, %ne3A_145 : i1
    %add3A_152 = arith.addi %rem3A_143, %select_n3A_142 : i32
    %select_n3A_153 = arith.select %and3A_151, %add3A_152, %rem3A_143 : i32
    %add3A_154 = arith.constant 1536 : i32
    %add3A_155 = arith.addi %add3A_154, %select_n3A_153 : i32
    %dma_start3A_156 = arith.constant 0 : i32
    %dma_start3A_157 = arith.constant 0 : i32
    %dma_start3A_158 = tpu.memref_slice %arg2[%select_n3A_137, %dma_start3A_156, %dma_start3A_157] : memref<4x4096x768xf32, #tpu.memory_space<hbm>> -> memref<1x4096x768xf32, #tpu.memory_space<hbm>>
    %dma_start3A_159 = tpu.memref_squeeze %dma_start3A_158 : memref<1x4096x768xf32, #tpu.memory_space<hbm>> -> memref<4096x768xf32, #tpu.memory_space<hbm>>
    %dma_start3A_160 = arith.constant 0 : i32
    %dma_start3A_161 = tpu.memref_slice %dma_start3A_159[%add3A_155, %dma_start3A_160] : memref<4096x768xf32, #tpu.memory_space<hbm>> -> memref<16x768xf32, #tpu.memory_space<hbm>>
    %dma_start3A_162 = arith.constant 0 : i32
    %dma_start3A_163 = arith.constant 0 : i32
    %dma_start3A_164 = tpu.memref_slice %arg2[%select_n3A_137, %dma_start3A_162, %dma_start3A_163] : memref<4x4096x768xf32, #tpu.memory_space<hbm>> -> memref<1x4096x768xf32, #tpu.memory_space<hbm>>
    %dma_start3A_165 = tpu.memref_squeeze %dma_start3A_164 : memref<1x4096x768xf32, #tpu.memory_space<hbm>> -> memref<4096x768xf32, #tpu.memory_space<hbm>>
    %dma_start3A_166 = arith.constant 0 : i32
    %dma_start3A_167 = tpu.memref_slice %dma_start3A_165[%add3A_155, %dma_start3A_166] : memref<4096x768xf32, #tpu.memory_space<hbm>> -> memref<16x768xf32, #tpu.memory_space<hbm>>
    tpu.enqueue_dma source(%arg3 : memref<16x768xf32, #tpu.memory_space<vmem>>) target(%dma_start3A_167 : memref<16x768xf32, #tpu.memory_space<hbm>>) target_semaphore(%arg4 : memref<!tpu.dma_semaphore, #tpu.memory_space<semaphore_mem>>)
    %mul3A_168 = arith.constant 320 : i32
    %mul3A_169 = arith.muli %add3A, %mul3A_168 : i32
    %add3A_170 = arith.constant 48 : i32
    %add3A_171 = arith.addi %mul3A_169, %add3A_170 : i32
    %jit3A_172 = arith.constant 2560 : i32
    %div3A_173 = arith.divsi %add3A_171, %jit3A_172 : i32
    %sign3A_174 = arith.constant 0 : i32
    %sign3A_175 = arith.cmpi sgt, %add3A_171, %sign3A_174 : i32
    %sign3A_176 = arith.extui %sign3A_175 : i1 to i32
    %sign3A_177 = arith.constant 0 : i32
    %sign3A_178 = arith.cmpi slt, %add3A_171, %sign3A_177 : i32
    %sign3A_179 = arith.extui %sign3A_178 : i1 to i32
    %sign3A_180 = arith.subi %sign3A_176, %sign3A_179 : i32
    %sign3A_181 = arith.constant 0 : i32
    %sign3A_182 = arith.cmpi sgt, %jit3A_172, %sign3A_181 : i32
    %sign3A_183 = arith.extui %sign3A_182 : i1 to i32
    %sign3A_184 = arith.constant 0 : i32
    %sign3A_185 = arith.cmpi slt, %jit3A_172, %sign3A_184 : i32
    %sign3A_186 = arith.extui %sign3A_185 : i1 to i32
    %sign3A_187 = arith.subi %sign3A_183, %sign3A_186 : i32
    %ne3A_188 = arith.cmpi ne, %sign3A_180, %sign3A_187 : i32
    %rem3A_189 = arith.remsi %add3A_171, %jit3A_172 : i32
    %ne3A_190 = arith.constant 0 : i32
    %ne3A_191 = arith.cmpi ne, %rem3A_189, %ne3A_190 : i32
    %and3A_192 = arith.andi %ne3A_188, %ne3A_191 : i1
    %sub3A_193 = arith.constant 1 : i32
    %sub3A_194 = arith.subi %div3A_173, %sub3A_193 : i32
    %select_n3A_195 = arith.select %and3A_192, %sub3A_194, %div3A_173 : i32
    %jit3A_196 = arith.constant 2560 : i32
    %eq3A_197 = arith.constant 0 : i32
    %eq3A_198 = arith.cmpi eq, %jit3A_196, %eq3A_197 : i32
    %jit3A_199 = arith.constant 1 : i32
    %select_n3A_200 = arith.select %eq3A_198, %jit3A_199, %jit3A_196 : i32
    %rem3A_201 = arith.remsi %add3A_171, %select_n3A_200 : i32
    %ne3A_202 = arith.constant 0 : i32
    %ne3A_203 = arith.cmpi ne, %rem3A_201, %ne3A_202 : i32
    %lt3A_204 = arith.constant 0 : i32
    %lt3A_205 = arith.cmpi slt, %rem3A_201, %lt3A_204 : i32
    %lt3A_206 = arith.constant 0 : i32
    %lt3A_207 = arith.cmpi slt, %select_n3A_200, %lt3A_206 : i32
    %ne3A_208 = arith.xori %lt3A_205, %lt3A_207 : i1
    %and3A_209 = arith.andi %ne3A_208, %ne3A_203 : i1
    %add3A_210 = arith.addi %rem3A_201, %select_n3A_200 : i32
    %select_n3A_211 = arith.select %and3A_209, %add3A_210, %rem3A_201 : i32
    %add3A_212 = arith.constant 1536 : i32
    %add3A_213 = arith.addi %add3A_212, %select_n3A_211 : i32
    %dma_start3A_214 = arith.constant 0 : i32
    %dma_start3A_215 = arith.constant 0 : i32
    %dma_start3A_216 = tpu.memref_slice %arg2[%select_n3A_195, %dma_start3A_214, %dma_start3A_215] : memref<4x4096x768xf32, #tpu.memory_space<hbm>> -> memref<1x4096x768xf32, #tpu.memory_space<hbm>>
    %dma_start3A_217 = tpu.memref_squeeze %dma_start3A_216 : memref<1x4096x768xf32, #tpu.memory_space<hbm>> -> memref<4096x768xf32, #tpu.memory_space<hbm>>
    %dma_start3A_218 = arith.constant 0 : i32
    %dma_start3A_219 = tpu.memref_slice %dma_start3A_217[%add3A_213, %dma_start3A_218] : memref<4096x768xf32, #tpu.memory_space<hbm>> -> memref<16x768xf32, #tpu.memory_space<hbm>>
    %dma_start3A_220 = arith.constant 0 : i32
    %dma_start3A_221 = arith.constant 0 : i32
    %dma_start3A_222 = tpu.memref_slice %arg2[%select_n3A_195, %dma_start3A_220, %dma_start3A_221] : memref<4x4096x768xf32, #tpu.memory_space<hbm>> -> memref<1x4096x768xf32, #tpu.memory_space<hbm>>
    %dma_start3A_223 = tpu.memref_squeeze %dma_start3A_222 : memref<1x4096x768xf32, #tpu.memory_space<hbm>> -> memref<4096x768xf32, #tpu.memory_space<hbm>>
    %dma_start3A_224 = arith.constant 0 : i32
    %dma_start3A_225 = tpu.memref_slice %dma_start3A_223[%add3A_213, %dma_start3A_224] : memref<4096x768xf32, #tpu.memory_space<hbm>> -> memref<16x768xf32, #tpu.memory_space<hbm>>
    tpu.enqueue_dma source(%arg3 : memref<16x768xf32, #tpu.memory_space<vmem>>) target(%dma_start3A_225 : memref<16x768xf32, #tpu.memory_space<hbm>>) target_semaphore(%arg4 : memref<!tpu.dma_semaphore, #tpu.memory_space<semaphore_mem>>)
    %mul3A_226 = arith.constant 320 : i32
    %mul3A_227 = arith.muli %add3A, %mul3A_226 : i32
    %add3A_228 = arith.constant 64 : i32
    %add3A_229 = arith.addi %mul3A_227, %add3A_228 : i32
    %jit3A_230 = arith.constant 2560 : i32
    %div3A_231 = arith.divsi %add3A_229, %jit3A_230 : i32
    %sign3A_232 = arith.constant 0 : i32
    %sign3A_233 = arith.cmpi sgt, %add3A_229, %sign3A_232 : i32
    %sign3A_234 = arith.extui %sign3A_233 : i1 to i32
    %sign3A_235 = arith.constant 0 : i32
    %sign3A_236 = arith.cmpi slt, %add3A_229, %sign3A_235 : i32
    %sign3A_237 = arith.extui %sign3A_236 : i1 to i32
    %sign3A_238 = arith.subi %sign3A_234, %sign3A_237 : i32
    %sign3A_239 = arith.constant 0 : i32
    %sign3A_240 = arith.cmpi sgt, %jit3A_230, %sign3A_239 : i32
    %sign3A_241 = arith.extui %sign3A_240 : i1 to i32
    %sign3A_242 = arith.constant 0 : i32
    %sign3A_243 = arith.cmpi slt, %jit3A_230, %sign3A_242 : i32
    %sign3A_244 = arith.extui %sign3A_243 : i1 to i32
    %sign3A_245 = arith.subi %sign3A_241, %sign3A_244 : i32
    %ne3A_246 = arith.cmpi ne, %sign3A_238, %sign3A_245 : i32
    %rem3A_247 = arith.remsi %add3A_229, %jit3A_230 : i32
    %ne3A_248 = arith.constant 0 : i32
    %ne3A_249 = arith.cmpi ne, %rem3A_247, %ne3A_248 : i32
    %and3A_250 = arith.andi %ne3A_246, %ne3A_249 : i1
    %sub3A_251 = arith.constant 1 : i32
    %sub3A_252 = arith.subi %div3A_231, %sub3A_251 : i32
    %select_n3A_253 = arith.select %and3A_250, %sub3A_252, %div3A_231 : i32
    %jit3A_254 = arith.constant 2560 : i32
    %eq3A_255 = arith.constant 0 : i32
    %eq3A_256 = arith.cmpi eq, %jit3A_254, %eq3A_255 : i32
    %jit3A_257 = arith.constant 1 : i32
    %select_n3A_258 = arith.select %eq3A_256, %jit3A_257, %jit3A_254 : i32
    %rem3A_259 = arith.remsi %add3A_229, %select_n3A_258 : i32
    %ne3A_260 = arith.constant 0 : i32
    %ne3A_261 = arith.cmpi ne, %rem3A_259, %ne3A_260 : i32
    %lt3A_262 = arith.constant 0 : i32
    %lt3A_263 = arith.cmpi slt, %rem3A_259, %lt3A_262 : i32
    %lt3A_264 = arith.constant 0 : i32
    %lt3A_265 = arith.cmpi slt, %select_n3A_258, %lt3A_264 : i32
    %ne3A_266 = arith.xori %lt3A_263, %lt3A_265 : i1
    %and3A_267 = arith.andi %ne3A_266, %ne3A_261 : i1
    %add3A_268 = arith.addi %rem3A_259, %select_n3A_258 : i32
    %select_n3A_269 = arith.select %and3A_267, %add3A_268, %rem3A_259 : i32
    %add3A_270 = arith.constant 1536 : i32
    %add3A_271 = arith.addi %add3A_270, %select_n3A_269 : i32
    %dma_start3A_272 = arith.constant 0 : i32
    %dma_start3A_273 = arith.constant 0 : i32
    %dma_start3A_274 = tpu.memref_slice %arg2[%select_n3A_253, %dma_start3A_272, %dma_start3A_273] : memref<4x4096x768xf32, #tpu.memory_space<hbm>> -> memref<1x4096x768xf32, #tpu.memory_space<hbm>>
    %dma_start3A_275 = tpu.memref_squeeze %dma_start3A_274 : memref<1x4096x768xf32, #tpu.memory_space<hbm>> -> memref<4096x768xf32, #tpu.memory_space<hbm>>
    %dma_start3A_276 = arith.constant 0 : i32
    %dma_start3A_277 = tpu.memref_slice %dma_start3A_275[%add3A_271, %dma_start3A_276] : memref<4096x768xf32, #tpu.memory_space<hbm>> -> memref<16x768xf32, #tpu.memory_space<hbm>>
    %dma_start3A_278 = arith.constant 0 : i32
    %dma_start3A_279 = arith.constant 0 : i32
    %dma_start3A_280 = tpu.memref_slice %arg2[%select_n3A_253, %dma_start3A_278, %dma_start3A_279] : memref<4x4096x768xf32, #tpu.memory_space<hbm>> -> memref<1x4096x768xf32, #tpu.memory_space<hbm>>
    %dma_start3A_281 = tpu.memref_squeeze %dma_start3A_280 : memref<1x4096x768xf32, #tpu.memory_space<hbm>> -> memref<4096x768xf32, #tpu.memory_space<hbm>>
    %dma_start3A_282 = arith.constant 0 : i32
    %dma_start3A_283 = tpu.memref_slice %dma_start3A_281[%add3A_271, %dma_start3A_282] : memref<4096x768xf32, #tpu.memory_space<hbm>> -> memref<16x768xf32, #tpu.memory_space<hbm>>
    tpu.enqueue_dma source(%arg3 : memref<16x768xf32, #tpu.memory_space<vmem>>) target(%dma_start3A_283 : memref<16x768xf32, #tpu.memory_space<hbm>>) target_semaphore(%arg4 : memref<!tpu.dma_semaphore, #tpu.memory_space<semaphore_mem>>)
    %mul3A_284 = arith.constant 320 : i32
    %mul3A_285 = arith.muli %add3A, %mul3A_284 : i32
    %add3A_286 = arith.constant 80 : i32
    %add3A_287 = arith.addi %mul3A_285, %add3A_286 : i32
    %jit3A_288 = arith.constant 2560 : i32
    %div3A_289 = arith.divsi %add3A_287, %jit3A_288 : i32
    %sign3A_290 = arith.constant 0 : i32
    %sign3A_291 = arith.cmpi sgt, %add3A_287, %sign3A_290 : i32
    %sign3A_292 = arith.extui %sign3A_291 : i1 to i32
    %sign3A_293 = arith.constant 0 : i32
    %sign3A_294 = arith.cmpi slt, %add3A_287, %sign3A_293 : i32
    %sign3A_295 = arith.extui %sign3A_294 : i1 to i32
    %sign3A_296 = arith.subi %sign3A_292, %sign3A_295 : i32
    %sign3A_297 = arith.constant 0 : i32
    %sign3A_298 = arith.cmpi sgt, %jit3A_288, %sign3A_297 : i32
    %sign3A_299 = arith.extui %sign3A_298 : i1 to i32
    %sign3A_300 = arith.constant 0 : i32
    %sign3A_301 = arith.cmpi slt, %jit3A_288, %sign3A_300 : i32
    %sign3A_302 = arith.extui %sign3A_301 : i1 to i32
    %sign3A_303 = arith.subi %sign3A_299, %sign3A_302 : i32
    %ne3A_304 = arith.cmpi ne, %sign3A_296, %sign3A_303 : i32
    %rem3A_305 = arith.remsi %add3A_287, %jit3A_288 : i32
    %ne3A_306 = arith.constant 0 : i32
    %ne3A_307 = arith.cmpi ne, %rem3A_305, %ne3A_306 : i32
    %and3A_308 = arith.andi %ne3A_304, %ne3A_307 : i1
    %sub3A_309 = arith.constant 1 : i32
    %sub3A_310 = arith.subi %div3A_289, %sub3A_309 : i32
    %select_n3A_311 = arith.select %and3A_308, %sub3A_310, %div3A_289 : i32
    %jit3A_312 = arith.constant 2560 : i32
    %eq3A_313 = arith.constant 0 : i32
    %eq3A_314 = arith.cmpi eq, %jit3A_312, %eq3A_313 : i32
    %jit3A_315 = arith.constant 1 : i32
    %select_n3A_316 = arith.select %eq3A_314, %jit3A_315, %jit3A_312 : i32
    %rem3A_317 = arith.remsi %add3A_287, %select_n3A_316 : i32
    %ne3A_318 = arith.constant 0 : i32
    %ne3A_319 = arith.cmpi ne, %rem3A_317, %ne3A_318 : i32
    %lt3A_320 = arith.constant 0 : i32
    %lt3A_321 = arith.cmpi slt, %rem3A_317, %lt3A_320 : i32
    %lt3A_322 = arith.constant 0 : i32
    %lt3A_323 = arith.cmpi slt, %select_n3A_316, %lt3A_322 : i32
    %ne3A_324 = arith.xori %lt3A_321, %lt3A_323 : i1
    %and3A_325 = arith.andi %ne3A_324, %ne3A_319 : i1
    %add3A_326 = arith.addi %rem3A_317, %select_n3A_316 : i32
    %select_n3A_327 = arith.select %and3A_325, %add3A_326, %rem3A_317 : i32
    %add3A_328 = arith.constant 1536 : i32
    %add3A_329 = arith.addi %add3A_328, %select_n3A_327 : i32
    %dma_start3A_330 = arith.constant 0 : i32
    %dma_start3A_331 = arith.constant 0 : i32
    %dma_start3A_332 = tpu.memref_slice %arg2[%select_n3A_311, %dma_start3A_330, %dma_start3A_331] : memref<4x4096x768xf32, #tpu.memory_space<hbm>> -> memref<1x4096x768xf32, #tpu.memory_space<hbm>>
    %dma_start3A_333 = tpu.memref_squeeze %dma_start3A_332 : memref<1x4096x768xf32, #tpu.memory_space<hbm>> -> memref<4096x768xf32, #tpu.memory_space<hbm>>
    %dma_start3A_334 = arith.constant 0 : i32
    %dma_start3A_335 = tpu.memref_slice %dma_start3A_333[%add3A_329, %dma_start3A_334] : memref<4096x768xf32, #tpu.memory_space<hbm>> -> memref<16x768xf32, #tpu.memory_space<hbm>>
    %dma_start3A_336 = arith.constant 0 : i32
    %dma_start3A_337 = arith.constant 0 : i32
    %dma_start3A_338 = tpu.memref_slice %arg2[%select_n3A_311, %dma_start3A_336, %dma_start3A_337] : memref<4x4096x768xf32, #tpu.memory_space<hbm>> -> memref<1x4096x768xf32, #tpu.memory_space<hbm>>
    %dma_start3A_339 = tpu.memref_squeeze %dma_start3A_338 : memref<1x4096x768xf32, #tpu.memory_space<hbm>> -> memref<4096x768xf32, #tpu.memory_space<hbm>>
    %dma_start3A_340 = arith.constant 0 : i32
    %dma_start3A_341 = tpu.memref_slice %dma_start3A_339[%add3A_329, %dma_start3A_340] : memref<4096x768xf32, #tpu.memory_space<hbm>> -> memref<16x768xf32, #tpu.memory_space<hbm>>
    tpu.enqueue_dma source(%arg3 : memref<16x768xf32, #tpu.memory_space<vmem>>) target(%dma_start3A_341 : memref<16x768xf32, #tpu.memory_space<hbm>>) target_semaphore(%arg4 : memref<!tpu.dma_semaphore, #tpu.memory_space<semaphore_mem>>)
    %mul3A_342 = arith.constant 320 : i32
    %mul3A_343 = arith.muli %add3A, %mul3A_342 : i32
    %add3A_344 = arith.constant 96 : i32
    %add3A_345 = arith.addi %mul3A_343, %add3A_344 : i32
    %jit3A_346 = arith.constant 2560 : i32
    %div3A_347 = arith.divsi %add3A_345, %jit3A_346 : i32
    %sign3A_348 = arith.constant 0 : i32
    %sign3A_349 = arith.cmpi sgt, %add3A_345, %sign3A_348 : i32
    %sign3A_350 = arith.extui %sign3A_349 : i1 to i32
    %sign3A_351 = arith.constant 0 : i32
    %sign3A_352 = arith.cmpi slt, %add3A_345, %sign3A_351 : i32
    %sign3A_353 = arith.extui %sign3A_352 : i1 to i32
    %sign3A_354 = arith.subi %sign3A_350, %sign3A_353 : i32
    %sign3A_355 = arith.constant 0 : i32
    %sign3A_356 = arith.cmpi sgt, %jit3A_346, %sign3A_355 : i32
    %sign3A_357 = arith.extui %sign3A_356 : i1 to i32
    %sign3A_358 = arith.constant 0 : i32
    %sign3A_359 = arith.cmpi slt, %jit3A_346, %sign3A_358 : i32
    %sign3A_360 = arith.extui %sign3A_359 : i1 to i32
    %sign3A_361 = arith.subi %sign3A_357, %sign3A_360 : i32
    %ne3A_362 = arith.cmpi ne, %sign3A_354, %sign3A_361 : i32
    %rem3A_363 = arith.remsi %add3A_345, %jit3A_346 : i32
    %ne3A_364 = arith.constant 0 : i32
    %ne3A_365 = arith.cmpi ne, %rem3A_363, %ne3A_364 : i32
    %and3A_366 = arith.andi %ne3A_362, %ne3A_365 : i1
    %sub3A_367 = arith.constant 1 : i32
    %sub3A_368 = arith.subi %div3A_347, %sub3A_367 : i32
    %select_n3A_369 = arith.select %and3A_366, %sub3A_368, %div3A_347 : i32
    %jit3A_370 = arith.constant 2560 : i32
    %eq3A_371 = arith.constant 0 : i32
    %eq3A_372 = arith.cmpi eq, %jit3A_370, %eq3A_371 : i32
    %jit3A_373 = arith.constant 1 : i32
    %select_n3A_374 = arith.select %eq3A_372, %jit3A_373, %jit3A_370 : i32
    %rem3A_375 = arith.remsi %add3A_345, %select_n3A_374 : i32
    %ne3A_376 = arith.constant 0 : i32
    %ne3A_377 = arith.cmpi ne, %rem3A_375, %ne3A_376 : i32
    %lt3A_378 = arith.constant 0 : i32
    %lt3A_379 = arith.cmpi slt, %rem3A_375, %lt3A_378 : i32
    %lt3A_380 = arith.constant 0 : i32
    %lt3A_381 = arith.cmpi slt, %select_n3A_374, %lt3A_380 : i32
    %ne3A_382 = arith.xori %lt3A_379, %lt3A_381 : i1
    %and3A_383 = arith.andi %ne3A_382, %ne3A_377 : i1
    %add3A_384 = arith.addi %rem3A_375, %select_n3A_374 : i32
    %select_n3A_385 = arith.select %and3A_383, %add3A_384, %rem3A_375 : i32
    %add3A_386 = arith.constant 1536 : i32
    %add3A_387 = arith.addi %add3A_386, %select_n3A_385 : i32
    %dma_start3A_388 = arith.constant 0 : i32
    %dma_start3A_389 = arith.constant 0 : i32
    %dma_start3A_390 = tpu.memref_slice %arg2[%select_n3A_369, %dma_start3A_388, %dma_start3A_389] : memref<4x4096x768xf32, #tpu.memory_space<hbm>> -> memref<1x4096x768xf32, #tpu.memory_space<hbm>>
    %dma_start3A_391 = tpu.memref_squeeze %dma_start3A_390 : memref<1x4096x768xf32, #tpu.memory_space<hbm>> -> memref<4096x768xf32, #tpu.memory_space<hbm>>
    %dma_start3A_392 = arith.constant 0 : i32
    %dma_start3A_393 = tpu.memref_slice %dma_start3A_391[%add3A_387, %dma_start3A_392] : memref<4096x768xf32, #tpu.memory_space<hbm>> -> memref<16x768xf32, #tpu.memory_space<hbm>>
    %dma_start3A_394 = arith.constant 0 : i32
    %dma_start3A_395 = arith.constant 0 : i32
    %dma_start3A_396 = tpu.memref_slice %arg2[%select_n3A_369, %dma_start3A_394, %dma_start3A_395] : memref<4x4096x768xf32, #tpu.memory_space<hbm>> -> memref<1x4096x768xf32, #tpu.memory_space<hbm>>
    %dma_start3A_397 = tpu.memref_squeeze %dma_start3A_396 : memref<1x4096x768xf32, #tpu.memory_space<hbm>> -> memref<4096x768xf32, #tpu.memory_space<hbm>>
    %dma_start3A_398 = arith.constant 0 : i32
    %dma_start3A_399 = tpu.memref_slice %dma_start3A_397[%add3A_387, %dma_start3A_398] : memref<4096x768xf32, #tpu.memory_space<hbm>> -> memref<16x768xf32, #tpu.memory_space<hbm>>
    tpu.enqueue_dma source(%arg3 : memref<16x768xf32, #tpu.memory_space<vmem>>) target(%dma_start3A_399 : memref<16x768xf32, #tpu.memory_space<hbm>>) target_semaphore(%arg4 : memref<!tpu.dma_semaphore, #tpu.memory_space<semaphore_mem>>)
    %mul3A_400 = arith.constant 320 : i32
    %mul3A_401 = arith.muli %add3A, %mul3A_400 : i32
    %add3A_402 = arith.constant 112 : i32
    %add3A_403 = arith.addi %mul3A_401, %add3A_402 : i32
    %jit3A_404 = arith.constant 2560 : i32
    %div3A_405 = arith.divsi %add3A_403, %jit3A_404 : i32
    %sign3A_406 = arith.constant 0 : i32
    %sign3A_407 = arith.cmpi sgt, %add3A_403, %sign3A_406 : i32
    %sign3A_408 = arith.extui %sign3A_407 : i1 to i32
    %sign3A_409 = arith.constant 0 : i32
    %sign3A_410 = arith.cmpi slt, %add3A_403, %sign3A_409 : i32
    %sign3A_411 = arith.extui %sign3A_410 : i1 to i32
    %sign3A_412 = arith.subi %sign3A_408, %sign3A_411 : i32
    %sign3A_413 = arith.constant 0 : i32
    %sign3A_414 = arith.cmpi sgt, %jit3A_404, %sign3A_413 : i32
    %sign3A_415 = arith.extui %sign3A_414 : i1 to i32
    %sign3A_416 = arith.constant 0 : i32
    %sign3A_417 = arith.cmpi slt, %jit3A_404, %sign3A_416 : i32
    %sign3A_418 = arith.extui %sign3A_417 : i1 to i32
    %sign3A_419 = arith.subi %sign3A_415, %sign3A_418 : i32
    %ne3A_420 = arith.cmpi ne, %sign3A_412, %sign3A_419 : i32
    %rem3A_421 = arith.remsi %add3A_403, %jit3A_404 : i32
    %ne3A_422 = arith.constant 0 : i32
    %ne3A_423 = arith.cmpi ne, %rem3A_421, %ne3A_422 : i32
    %and3A_424 = arith.andi %ne3A_420, %ne3A_423 : i1
    %sub3A_425 = arith.constant 1 : i32
    %sub3A_426 = arith.subi %div3A_405, %sub3A_425 : i32
    %select_n3A_427 = arith.select %and3A_424, %sub3A_426, %div3A_405 : i32
    %jit3A_428 = arith.constant 2560 : i32
    %eq3A_429 = arith.constant 0 : i32
    %eq3A_430 = arith.cmpi eq, %jit3A_428, %eq3A_429 : i32
    %jit3A_431 = arith.constant 1 : i32
    %select_n3A_432 = arith.select %eq3A_430, %jit3A_431, %jit3A_428 : i32
    %rem3A_433 = arith.remsi %add3A_403, %select_n3A_432 : i32
    %ne3A_434 = arith.constant 0 : i32
    %ne3A_435 = arith.cmpi ne, %rem3A_433, %ne3A_434 : i32
    %lt3A_436 = arith.constant 0 : i32
    %lt3A_437 = arith.cmpi slt, %rem3A_433, %lt3A_436 : i32
    %lt3A_438 = arith.constant 0 : i32
    %lt3A_439 = arith.cmpi slt, %select_n3A_432, %lt3A_438 : i32
    %ne3A_440 = arith.xori %lt3A_437, %lt3A_439 : i1
    %and3A_441 = arith.andi %ne3A_440, %ne3A_435 : i1
    %add3A_442 = arith.addi %rem3A_433, %select_n3A_432 : i32
    %select_n3A_443 = arith.select %and3A_441, %add3A_442, %rem3A_433 : i32
    %add3A_444 = arith.constant 1536 : i32
    %add3A_445 = arith.addi %add3A_444, %select_n3A_443 : i32
    %dma_start3A_446 = arith.constant 0 : i32
    %dma_start3A_447 = arith.constant 0 : i32
    %dma_start3A_448 = tpu.memref_slice %arg2[%select_n3A_427, %dma_start3A_446, %dma_start3A_447] : memref<4x4096x768xf32, #tpu.memory_space<hbm>> -> memref<1x4096x768xf32, #tpu.memory_space<hbm>>
    %dma_start3A_449 = tpu.memref_squeeze %dma_start3A_448 : memref<1x4096x768xf32, #tpu.memory_space<hbm>> -> memref<4096x768xf32, #tpu.memory_space<hbm>>
    %dma_start3A_450 = arith.constant 0 : i32
    %dma_start3A_451 = tpu.memref_slice %dma_start3A_449[%add3A_445, %dma_start3A_450] : memref<4096x768xf32, #tpu.memory_space<hbm>> -> memref<16x768xf32, #tpu.memory_space<hbm>>
    %dma_start3A_452 = arith.constant 0 : i32
    %dma_start3A_453 = arith.constant 0 : i32
    %dma_start3A_454 = tpu.memref_slice %arg2[%select_n3A_427, %dma_start3A_452, %dma_start3A_453] : memref<4x4096x768xf32, #tpu.memory_space<hbm>> -> memref<1x4096x768xf32, #tpu.memory_space<hbm>>
    %dma_start3A_455 = tpu.memref_squeeze %dma_start3A_454 : memref<1x4096x768xf32, #tpu.memory_space<hbm>> -> memref<4096x768xf32, #tpu.memory_space<hbm>>
    %dma_start3A_456 = arith.constant 0 : i32
    %dma_start3A_457 = tpu.memref_slice %dma_start3A_455[%add3A_445, %dma_start3A_456] : memref<4096x768xf32, #tpu.memory_space<hbm>> -> memref<16x768xf32, #tpu.memory_space<hbm>>
    tpu.enqueue_dma source(%arg3 : memref<16x768xf32, #tpu.memory_space<vmem>>) target(%dma_start3A_457 : memref<16x768xf32, #tpu.memory_space<hbm>>) target_semaphore(%arg4 : memref<!tpu.dma_semaphore, #tpu.memory_space<semaphore_mem>>)
    %mul3A_458 = arith.constant 320 : i32
    %mul3A_459 = arith.muli %add3A, %mul3A_458 : i32
    %add3A_460 = arith.constant 128 : i32
    %add3A_461 = arith.addi %mul3A_459, %add3A_460 : i32
    %jit3A_462 = arith.constant 2560 : i32
    %div3A_463 = arith.divsi %add3A_461, %jit3A_462 : i32
    %sign3A_464 = arith.constant 0 : i32
    %sign3A_465 = arith.cmpi sgt, %add3A_461, %sign3A_464 : i32
    %sign3A_466 = arith.extui %sign3A_465 : i1 to i32
    %sign3A_467 = arith.constant 0 : i32
    %sign3A_468 = arith.cmpi slt, %add3A_461, %sign3A_467 : i32
    %sign3A_469 = arith.extui %sign3A_468 : i1 to i32
    %sign3A_470 = arith.subi %sign3A_466, %sign3A_469 : i32
    %sign3A_471 = arith.constant 0 : i32
    %sign3A_472 = arith.cmpi sgt, %jit3A_462, %sign3A_471 : i32
    %sign3A_473 = arith.extui %sign3A_472 : i1 to i32
    %sign3A_474 = arith.constant 0 : i32
    %sign3A_475 = arith.cmpi slt, %jit3A_462, %sign3A_474 : i32
    %sign3A_476 = arith.extui %sign3A_475 : i1 to i32
    %sign3A_477 = arith.subi %sign3A_473, %sign3A_476 : i32
    %ne3A_478 = arith.cmpi ne, %sign3A_470, %sign3A_477 : i32
    %rem3A_479 = arith.remsi %add3A_461, %jit3A_462 : i32
    %ne3A_480 = arith.constant 0 : i32
    %ne3A_481 = arith.cmpi ne, %rem3A_479, %ne3A_480 : i32
    %and3A_482 = arith.andi %ne3A_478, %ne3A_481 : i1
    %sub3A_483 = arith.constant 1 : i32
    %sub3A_484 = arith.subi %div3A_463, %sub3A_483 : i32
    %select_n3A_485 = arith.select %and3A_482, %sub3A_484, %div3A_463 : i32
    %jit3A_486 = arith.constant 2560 : i32
    %eq3A_487 = arith.constant 0 : i32
    %eq3A_488 = arith.cmpi eq, %jit3A_486, %eq3A_487 : i32
    %jit3A_489 = arith.constant 1 : i32
    %select_n3A_490 = arith.select %eq3A_488, %jit3A_489, %jit3A_486 : i32
    %rem3A_491 = arith.remsi %add3A_461, %select_n3A_490 : i32
    %ne3A_492 = arith.constant 0 : i32
    %ne3A_493 = arith.cmpi ne, %rem3A_491, %ne3A_492 : i32
    %lt3A_494 = arith.constant 0 : i32
    %lt3A_495 = arith.cmpi slt, %rem3A_491, %lt3A_494 : i32
    %lt3A_496 = arith.constant 0 : i32
    %lt3A_497 = arith.cmpi slt, %select_n3A_490, %lt3A_496 : i32
    %ne3A_498 = arith.xori %lt3A_495, %lt3A_497 : i1
    %and3A_499 = arith.andi %ne3A_498, %ne3A_493 : i1
    %add3A_500 = arith.addi %rem3A_491, %select_n3A_490 : i32
    %select_n3A_501 = arith.select %and3A_499, %add3A_500, %rem3A_491 : i32
    %add3A_502 = arith.constant 1536 : i32
    %add3A_503 = arith.addi %add3A_502, %select_n3A_501 : i32
    %dma_start3A_504 = arith.constant 0 : i32
    %dma_start3A_505 = arith.constant 0 : i32
    %dma_start3A_506 = tpu.memref_slice %arg2[%select_n3A_485, %dma_start3A_504, %dma_start3A_505] : memref<4x4096x768xf32, #tpu.memory_space<hbm>> -> memref<1x4096x768xf32, #tpu.memory_space<hbm>>
    %dma_start3A_507 = tpu.memref_squeeze %dma_start3A_506 : memref<1x4096x768xf32, #tpu.memory_space<hbm>> -> memref<4096x768xf32, #tpu.memory_space<hbm>>
    %dma_start3A_508 = arith.constant 0 : i32
    %dma_start3A_509 = tpu.memref_slice %dma_start3A_507[%add3A_503, %dma_start3A_508] : memref<4096x768xf32, #tpu.memory_space<hbm>> -> memref<16x768xf32, #tpu.memory_space<hbm>>
    %dma_start3A_510 = arith.constant 0 : i32
    %dma_start3A_511 = arith.constant 0 : i32
    %dma_start3A_512 = tpu.memref_slice %arg2[%select_n3A_485, %dma_start3A_510, %dma_start3A_511] : memref<4x4096x768xf32, #tpu.memory_space<hbm>> -> memref<1x4096x768xf32, #tpu.memory_space<hbm>>
    %dma_start3A_513 = tpu.memref_squeeze %dma_start3A_512 : memref<1x4096x768xf32, #tpu.memory_space<hbm>> -> memref<4096x768xf32, #tpu.memory_space<hbm>>
    %dma_start3A_514 = arith.constant 0 : i32
    %dma_start3A_515 = tpu.memref_slice %dma_start3A_513[%add3A_503, %dma_start3A_514] : memref<4096x768xf32, #tpu.memory_space<hbm>> -> memref<16x768xf32, #tpu.memory_space<hbm>>
    tpu.enqueue_dma source(%arg3 : memref<16x768xf32, #tpu.memory_space<vmem>>) target(%dma_start3A_515 : memref<16x768xf32, #tpu.memory_space<hbm>>) target_semaphore(%arg4 : memref<!tpu.dma_semaphore, #tpu.memory_space<semaphore_mem>>)
    %mul3A_516 = arith.constant 320 : i32
    %mul3A_517 = arith.muli %add3A, %mul3A_516 : i32
    %add3A_518 = arith.constant 144 : i32
    %add3A_519 = arith.addi %mul3A_517, %add3A_518 : i32
    %jit3A_520 = arith.constant 2560 : i32
    %div3A_521 = arith.divsi %add3A_519, %jit3A_520 : i32
    %sign3A_522 = arith.constant 0 : i32
    %sign3A_523 = arith.cmpi sgt, %add3A_519, %sign3A_522 : i32
    %sign3A_524 = arith.extui %sign3A_523 : i1 to i32
    %sign3A_525 = arith.constant 0 : i32
    %sign3A_526 = arith.cmpi slt, %add3A_519, %sign3A_525 : i32
    %sign3A_527 = arith.extui %sign3A_526 : i1 to i32
    %sign3A_528 = arith.subi %sign3A_524, %sign3A_527 : i32
    %sign3A_529 = arith.constant 0 : i32
    %sign3A_530 = arith.cmpi sgt, %jit3A_520, %sign3A_529 : i32
    %sign3A_531 = arith.extui %sign3A_530 : i1 to i32
    %sign3A_532 = arith.constant 0 : i32
    %sign3A_533 = arith.cmpi slt, %jit3A_520, %sign3A_532 : i32
    %sign3A_534 = arith.extui %sign3A_533 : i1 to i32
    %sign3A_535 = arith.subi %sign3A_531, %sign3A_534 : i32
    %ne3A_536 = arith.cmpi ne, %sign3A_528, %sign3A_535 : i32
    %rem3A_537 = arith.remsi %add3A_519, %jit3A_520 : i32
    %ne3A_538 = arith.constant 0 : i32
    %ne3A_539 = arith.cmpi ne, %rem3A_537, %ne3A_538 : i32
    %and3A_540 = arith.andi %ne3A_536, %ne3A_539 : i1
    %sub3A_541 = arith.constant 1 : i32
    %sub3A_542 = arith.subi %div3A_521, %sub3A_541 : i32
    %select_n3A_543 = arith.select %and3A_540, %sub3A_542, %div3A_521 : i32
    %jit3A_544 = arith.constant 2560 : i32
    %eq3A_545 = arith.constant 0 : i32
    %eq3A_546 = arith.cmpi eq, %jit3A_544, %eq3A_545 : i32
    %jit3A_547 = arith.constant 1 : i32
    %select_n3A_548 = arith.select %eq3A_546, %jit3A_547, %jit3A_544 : i32
    %rem3A_549 = arith.remsi %add3A_519, %select_n3A_548 : i32
    %ne3A_550 = arith.constant 0 : i32
    %ne3A_551 = arith.cmpi ne, %rem3A_549, %ne3A_550 : i32
    %lt3A_552 = arith.constant 0 : i32
    %lt3A_553 = arith.cmpi slt, %rem3A_549, %lt3A_552 : i32
    %lt3A_554 = arith.constant 0 : i32
    %lt3A_555 = arith.cmpi slt, %select_n3A_548, %lt3A_554 : i32
    %ne3A_556 = arith.xori %lt3A_553, %lt3A_555 : i1
    %and3A_557 = arith.andi %ne3A_556, %ne3A_551 : i1
    %add3A_558 = arith.addi %rem3A_549, %select_n3A_548 : i32
    %select_n3A_559 = arith.select %and3A_557, %add3A_558, %rem3A_549 : i32
    %add3A_560 = arith.constant 1536 : i32
    %add3A_561 = arith.addi %add3A_560, %select_n3A_559 : i32
    %dma_start3A_562 = arith.constant 0 : i32
    %dma_start3A_563 = arith.constant 0 : i32
    %dma_start3A_564 = tpu.memref_slice %arg2[%select_n3A_543, %dma_start3A_562, %dma_start3A_563] : memref<4x4096x768xf32, #tpu.memory_space<hbm>> -> memref<1x4096x768xf32, #tpu.memory_space<hbm>>
    %dma_start3A_565 = tpu.memref_squeeze %dma_start3A_564 : memref<1x4096x768xf32, #tpu.memory_space<hbm>> -> memref<4096x768xf32, #tpu.memory_space<hbm>>
    %dma_start3A_566 = arith.constant 0 : i32
    %dma_start3A_567 = tpu.memref_slice %dma_start3A_565[%add3A_561, %dma_start3A_566] : memref<4096x768xf32, #tpu.memory_space<hbm>> -> memref<16x768xf32, #tpu.memory_space<hbm>>
    %dma_start3A_568 = arith.constant 0 : i32
    %dma_start3A_569 = arith.constant 0 : i32
    %dma_start3A_570 = tpu.memref_slice %arg2[%select_n3A_543, %dma_start3A_568, %dma_start3A_569] : memref<4x4096x768xf32, #tpu.memory_space<hbm>> -> memref<1x4096x768xf32, #tpu.memory_space<hbm>>
    %dma_start3A_571 = tpu.memref_squeeze %dma_start3A_570 : memref<1x4096x768xf32, #tpu.memory_space<hbm>> -> memref<4096x768xf32, #tpu.memory_space<hbm>>
    %dma_start3A_572 = arith.constant 0 : i32
    %dma_start3A_573 = tpu.memref_slice %dma_start3A_571[%add3A_561, %dma_start3A_572] : memref<4096x768xf32, #tpu.memory_space<hbm>> -> memref<16x768xf32, #tpu.memory_space<hbm>>
    tpu.enqueue_dma source(%arg3 : memref<16x768xf32, #tpu.memory_space<vmem>>) target(%dma_start3A_573 : memref<16x768xf32, #tpu.memory_space<hbm>>) target_semaphore(%arg4 : memref<!tpu.dma_semaphore, #tpu.memory_space<semaphore_mem>>)
    %mul3A_574 = arith.constant 320 : i32
    %mul3A_575 = arith.muli %add3A, %mul3A_574 : i32
    %add3A_576 = arith.constant 160 : i32
    %add3A_577 = arith.addi %mul3A_575, %add3A_576 : i32
    %jit3A_578 = arith.constant 2560 : i32
    %div3A_579 = arith.divsi %add3A_577, %jit3A_578 : i32
    %sign3A_580 = arith.constant 0 : i32
    %sign3A_581 = arith.cmpi sgt, %add3A_577, %sign3A_580 : i32
    %sign3A_582 = arith.extui %sign3A_581 : i1 to i32
    %sign3A_583 = arith.constant 0 : i32
    %sign3A_584 = arith.cmpi slt, %add3A_577, %sign3A_583 : i32
    %sign3A_585 = arith.extui %sign3A_584 : i1 to i32
    %sign3A_586 = arith.subi %sign3A_582, %sign3A_585 : i32
    %sign3A_587 = arith.constant 0 : i32
    %sign3A_588 = arith.cmpi sgt, %jit3A_578, %sign3A_587 : i32
    %sign3A_589 = arith.extui %sign3A_588 : i1 to i32
    %sign3A_590 = arith.constant 0 : i32
    %sign3A_591 = arith.cmpi slt, %jit3A_578, %sign3A_590 : i32
    %sign3A_592 = arith.extui %sign3A_591 : i1 to i32
    %sign3A_593 = arith.subi %sign3A_589, %sign3A_592 : i32
    %ne3A_594 = arith.cmpi ne, %sign3A_586, %sign3A_593 : i32
    %rem3A_595 = arith.remsi %add3A_577, %jit3A_578 : i32
    %ne3A_596 = arith.constant 0 : i32
    %ne3A_597 = arith.cmpi ne, %rem3A_595, %ne3A_596 : i32
    %and3A_598 = arith.andi %ne3A_594, %ne3A_597 : i1
    %sub3A_599 = arith.constant 1 : i32
    %sub3A_600 = arith.subi %div3A_579, %sub3A_599 : i32
    %select_n3A_601 = arith.select %and3A_598, %sub3A_600, %div3A_579 : i32
    %jit3A_602 = arith.constant 2560 : i32
    %eq3A_603 = arith.constant 0 : i32
    %eq3A_604 = arith.cmpi eq, %jit3A_602, %eq3A_603 : i32
    %jit3A_605 = arith.constant 1 : i32
    %select_n3A_606 = arith.select %eq3A_604, %jit3A_605, %jit3A_602 : i32
    %rem3A_607 = arith.remsi %add3A_577, %select_n3A_606 : i32
    %ne3A_608 = arith.constant 0 : i32
    %ne3A_609 = arith.cmpi ne, %rem3A_607, %ne3A_608 : i32
    %lt3A_610 = arith.constant 0 : i32
    %lt3A_611 = arith.cmpi slt, %rem3A_607, %lt3A_610 : i32
    %lt3A_612 = arith.constant 0 : i32
    %lt3A_613 = arith.cmpi slt, %select_n3A_606, %lt3A_612 : i32
    %ne3A_614 = arith.xori %lt3A_611, %lt3A_613 : i1
    %and3A_615 = arith.andi %ne3A_614, %ne3A_609 : i1
    %add3A_616 = arith.addi %rem3A_607, %select_n3A_606 : i32
    %select_n3A_617 = arith.select %and3A_615, %add3A_616, %rem3A_607 : i32
    %add3A_618 = arith.constant 1536 : i32
    %add3A_619 = arith.addi %add3A_618, %select_n3A_617 : i32
    %dma_start3A_620 = arith.constant 0 : i32
    %dma_start3A_621 = arith.constant 0 : i32
    %dma_start3A_622 = tpu.memref_slice %arg2[%select_n3A_601, %dma_start3A_620, %dma_start3A_621] : memref<4x4096x768xf32, #tpu.memory_space<hbm>> -> memref<1x4096x768xf32, #tpu.memory_space<hbm>>
    %dma_start3A_623 = tpu.memref_squeeze %dma_start3A_622 : memref<1x4096x768xf32, #tpu.memory_space<hbm>> -> memref<4096x768xf32, #tpu.memory_space<hbm>>
    %dma_start3A_624 = arith.constant 0 : i32
    %dma_start3A_625 = tpu.memref_slice %dma_start3A_623[%add3A_619, %dma_start3A_624] : memref<4096x768xf32, #tpu.memory_space<hbm>> -> memref<16x768xf32, #tpu.memory_space<hbm>>
    %dma_start3A_626 = arith.constant 0 : i32
    %dma_start3A_627 = arith.constant 0 : i32
    %dma_start3A_628 = tpu.memref_slice %arg2[%select_n3A_601, %dma_start3A_626, %dma_start3A_627] : memref<4x4096x768xf32, #tpu.memory_space<hbm>> -> memref<1x4096x768xf32, #tpu.memory_space<hbm>>
    %dma_start3A_629 = tpu.memref_squeeze %dma_start3A_628 : memref<1x4096x768xf32, #tpu.memory_space<hbm>> -> memref<4096x768xf32, #tpu.memory_space<hbm>>
    %dma_start3A_630 = arith.constant 0 : i32
    %dma_start3A_631 = tpu.memref_slice %dma_start3A_629[%add3A_619, %dma_start3A_630] : memref<4096x768xf32, #tpu.memory_space<hbm>> -> memref<16x768xf32, #tpu.memory_space<hbm>>
    tpu.enqueue_dma source(%arg3 : memref<16x768xf32, #tpu.memory_space<vmem>>) target(%dma_start3A_631 : memref<16x768xf32, #tpu.memory_space<hbm>>) target_semaphore(%arg4 : memref<!tpu.dma_semaphore, #tpu.memory_space<semaphore_mem>>)
    %mul3A_632 = arith.constant 320 : i32
    %mul3A_633 = arith.muli %add3A, %mul3A_632 : i32
    %add3A_634 = arith.constant 176 : i32
    %add3A_635 = arith.addi %mul3A_633, %add3A_634 : i32
    %jit3A_636 = arith.constant 2560 : i32
    %div3A_637 = arith.divsi %add3A_635, %jit3A_636 : i32
    %sign3A_638 = arith.constant 0 : i32
    %sign3A_639 = arith.cmpi sgt, %add3A_635, %sign3A_638 : i32
    %sign3A_640 = arith.extui %sign3A_639 : i1 to i32
    %sign3A_641 = arith.constant 0 : i32
    %sign3A_642 = arith.cmpi slt, %add3A_635, %sign3A_641 : i32
    %sign3A_643 = arith.extui %sign3A_642 : i1 to i32
    %sign3A_644 = arith.subi %sign3A_640, %sign3A_643 : i32
    %sign3A_645 = arith.constant 0 : i32
    %sign3A_646 = arith.cmpi sgt, %jit3A_636, %sign3A_645 : i32
    %sign3A_647 = arith.extui %sign3A_646 : i1 to i32
    %sign3A_648 = arith.constant 0 : i32
    %sign3A_649 = arith.cmpi slt, %jit3A_636, %sign3A_648 : i32
    %sign3A_650 = arith.extui %sign3A_649 : i1 to i32
    %sign3A_651 = arith.subi %sign3A_647, %sign3A_650 : i32
    %ne3A_652 = arith.cmpi ne, %sign3A_644, %sign3A_651 : i32
    %rem3A_653 = arith.remsi %add3A_635, %jit3A_636 : i32
    %ne3A_654 = arith.constant 0 : i32
    %ne3A_655 = arith.cmpi ne, %rem3A_653, %ne3A_654 : i32
    %and3A_656 = arith.andi %ne3A_652, %ne3A_655 : i1
    %sub3A_657 = arith.constant 1 : i32
    %sub3A_658 = arith.subi %div3A_637, %sub3A_657 : i32
    %select_n3A_659 = arith.select %and3A_656, %sub3A_658, %div3A_637 : i32
    %jit3A_660 = arith.constant 2560 : i32
    %eq3A_661 = arith.constant 0 : i32
    %eq3A_662 = arith.cmpi eq, %jit3A_660, %eq3A_661 : i32
    %jit3A_663 = arith.constant 1 : i32
    %select_n3A_664 = arith.select %eq3A_662, %jit3A_663, %jit3A_660 : i32
    %rem3A_665 = arith.remsi %add3A_635, %select_n3A_664 : i32
    %ne3A_666 = arith.constant 0 : i32
    %ne3A_667 = arith.cmpi ne, %rem3A_665, %ne3A_666 : i32
    %lt3A_668 = arith.constant 0 : i32
    %lt3A_669 = arith.cmpi slt, %rem3A_665, %lt3A_668 : i32
    %lt3A_670 = arith.constant 0 : i32
    %lt3A_671 = arith.cmpi slt, %select_n3A_664, %lt3A_670 : i32
    %ne3A_672 = arith.xori %lt3A_669, %lt3A_671 : i1
    %and3A_673 = arith.andi %ne3A_672, %ne3A_667 : i1
    %add3A_674 = arith.addi %rem3A_665, %select_n3A_664 : i32
    %select_n3A_675 = arith.select %and3A_673, %add3A_674, %rem3A_665 : i32
    %add3A_676 = arith.constant 1536 : i32
    %add3A_677 = arith.addi %add3A_676, %select_n3A_675 : i32
    %dma_start3A_678 = arith.constant 0 : i32
    %dma_start3A_679 = arith.constant 0 : i32
    %dma_start3A_680 = tpu.memref_slice %arg2[%select_n3A_659, %dma_start3A_678, %dma_start3A_679] : memref<4x4096x768xf32, #tpu.memory_space<hbm>> -> memref<1x4096x768xf32, #tpu.memory_space<hbm>>
    %dma_start3A_681 = tpu.memref_squeeze %dma_start3A_680 : memref<1x4096x768xf32, #tpu.memory_space<hbm>> -> memref<4096x768xf32, #tpu.memory_space<hbm>>
    %dma_start3A_682 = arith.constant 0 : i32
    %dma_start3A_683 = tpu.memref_slice %dma_start3A_681[%add3A_677, %dma_start3A_682] : memref<4096x768xf32, #tpu.memory_space<hbm>> -> memref<16x768xf32, #tpu.memory_space<hbm>>
    %dma_start3A_684 = arith.constant 0 : i32
    %dma_start3A_685 = arith.constant 0 : i32
    %dma_start3A_686 = tpu.memref_slice %arg2[%select_n3A_659, %dma_start3A_684, %dma_start3A_685] : memref<4x4096x768xf32, #tpu.memory_space<hbm>> -> memref<1x4096x768xf32, #tpu.memory_space<hbm>>
    %dma_start3A_687 = tpu.memref_squeeze %dma_start3A_686 : memref<1x4096x768xf32, #tpu.memory_space<hbm>> -> memref<4096x768xf32, #tpu.memory_space<hbm>>
    %dma_start3A_688 = arith.constant 0 : i32
    %dma_start3A_689 = tpu.memref_slice %dma_start3A_687[%add3A_677, %dma_start3A_688] : memref<4096x768xf32, #tpu.memory_space<hbm>> -> memref<16x768xf32, #tpu.memory_space<hbm>>
    tpu.enqueue_dma source(%arg3 : memref<16x768xf32, #tpu.memory_space<vmem>>) target(%dma_start3A_689 : memref<16x768xf32, #tpu.memory_space<hbm>>) target_semaphore(%arg4 : memref<!tpu.dma_semaphore, #tpu.memory_space<semaphore_mem>>)
    %mul3A_690 = arith.constant 320 : i32
    %mul3A_691 = arith.muli %add3A, %mul3A_690 : i32
    %add3A_692 = arith.constant 192 : i32
    %add3A_693 = arith.addi %mul3A_691, %add3A_692 : i32
    %jit3A_694 = arith.constant 2560 : i32
    %div3A_695 = arith.divsi %add3A_693, %jit3A_694 : i32
    %sign3A_696 = arith.constant 0 : i32
    %sign3A_697 = arith.cmpi sgt, %add3A_693, %sign3A_696 : i32
    %sign3A_698 = arith.extui %sign3A_697 : i1 to i32
    %sign3A_699 = arith.constant 0 : i32
    %sign3A_700 = arith.cmpi slt, %add3A_693, %sign3A_699 : i32
    %sign3A_701 = arith.extui %sign3A_700 : i1 to i32
    %sign3A_702 = arith.subi %sign3A_698, %sign3A_701 : i32
    %sign3A_703 = arith.constant 0 : i32
    %sign3A_704 = arith.cmpi sgt, %jit3A_694, %sign3A_703 : i32
    %sign3A_705 = arith.extui %sign3A_704 : i1 to i32
    %sign3A_706 = arith.constant 0 : i32
    %sign3A_707 = arith.cmpi slt, %jit3A_694, %sign3A_706 : i32
    %sign3A_708 = arith.extui %sign3A_707 : i1 to i32
    %sign3A_709 = arith.subi %sign3A_705, %sign3A_708 : i32
    %ne3A_710 = arith.cmpi ne, %sign3A_702, %sign3A_709 : i32
    %rem3A_711 = arith.remsi %add3A_693, %jit3A_694 : i32
    %ne3A_712 = arith.constant 0 : i32
    %ne3A_713 = arith.cmpi ne, %rem3A_711, %ne3A_712 : i32
    %and3A_714 = arith.andi %ne3A_710, %ne3A_713 : i1
    %sub3A_715 = arith.constant 1 : i32
    %sub3A_716 = arith.subi %div3A_695, %sub3A_715 : i32
    %select_n3A_717 = arith.select %and3A_714, %sub3A_716, %div3A_695 : i32
    %jit3A_718 = arith.constant 2560 : i32
    %eq3A_719 = arith.constant 0 : i32
    %eq3A_720 = arith.cmpi eq, %jit3A_718, %eq3A_719 : i32
    %jit3A_721 = arith.constant 1 : i32
    %select_n3A_722 = arith.select %eq3A_720, %jit3A_721, %jit3A_718 : i32
    %rem3A_723 = arith.remsi %add3A_693, %select_n3A_722 : i32
    %ne3A_724 = arith.constant 0 : i32
    %ne3A_725 = arith.cmpi ne, %rem3A_723, %ne3A_724 : i32
    %lt3A_726 = arith.constant 0 : i32
    %lt3A_727 = arith.cmpi slt, %rem3A_723, %lt3A_726 : i32
    %lt3A_728 = arith.constant 0 : i32
    %lt3A_729 = arith.cmpi slt, %select_n3A_722, %lt3A_728 : i32
    %ne3A_730 = arith.xori %lt3A_727, %lt3A_729 : i1
    %and3A_731 = arith.andi %ne3A_730, %ne3A_725 : i1
    %add3A_732 = arith.addi %rem3A_723, %select_n3A_722 : i32
    %select_n3A_733 = arith.select %and3A_731, %add3A_732, %rem3A_723 : i32
    %add3A_734 = arith.constant 1536 : i32
    %add3A_735 = arith.addi %add3A_734, %select_n3A_733 : i32
    %dma_start3A_736 = arith.constant 0 : i32
    %dma_start3A_737 = arith.constant 0 : i32
    %dma_start3A_738 = tpu.memref_slice %arg2[%select_n3A_717, %dma_start3A_736, %dma_start3A_737] : memref<4x4096x768xf32, #tpu.memory_space<hbm>> -> memref<1x4096x768xf32, #tpu.memory_space<hbm>>
    %dma_start3A_739 = tpu.memref_squeeze %dma_start3A_738 : memref<1x4096x768xf32, #tpu.memory_space<hbm>> -> memref<4096x768xf32, #tpu.memory_space<hbm>>
    %dma_start3A_740 = arith.constant 0 : i32
    %dma_start3A_741 = tpu.memref_slice %dma_start3A_739[%add3A_735, %dma_start3A_740] : memref<4096x768xf32, #tpu.memory_space<hbm>> -> memref<16x768xf32, #tpu.memory_space<hbm>>
    %dma_start3A_742 = arith.constant 0 : i32
    %dma_start3A_743 = arith.constant 0 : i32
    %dma_start3A_744 = tpu.memref_slice %arg2[%select_n3A_717, %dma_start3A_742, %dma_start3A_743] : memref<4x4096x768xf32, #tpu.memory_space<hbm>> -> memref<1x4096x768xf32, #tpu.memory_space<hbm>>
    %dma_start3A_745 = tpu.memref_squeeze %dma_start3A_744 : memref<1x4096x768xf32, #tpu.memory_space<hbm>> -> memref<4096x768xf32, #tpu.memory_space<hbm>>
    %dma_start3A_746 = arith.constant 0 : i32
    %dma_start3A_747 = tpu.memref_slice %dma_start3A_745[%add3A_735, %dma_start3A_746] : memref<4096x768xf32, #tpu.memory_space<hbm>> -> memref<16x768xf32, #tpu.memory_space<hbm>>
    tpu.enqueue_dma source(%arg3 : memref<16x768xf32, #tpu.memory_space<vmem>>) target(%dma_start3A_747 : memref<16x768xf32, #tpu.memory_space<hbm>>) target_semaphore(%arg4 : memref<!tpu.dma_semaphore, #tpu.memory_space<semaphore_mem>>)
    %mul3A_748 = arith.constant 320 : i32
    %mul3A_749 = arith.muli %add3A, %mul3A_748 : i32
    %add3A_750 = arith.constant 208 : i32
    %add3A_751 = arith.addi %mul3A_749, %add3A_750 : i32
    %jit3A_752 = arith.constant 2560 : i32
    %div3A_753 = arith.divsi %add3A_751, %jit3A_752 : i32
    %sign3A_754 = arith.constant 0 : i32
    %sign3A_755 = arith.cmpi sgt, %add3A_751, %sign3A_754 : i32
    %sign3A_756 = arith.extui %sign3A_755 : i1 to i32
    %sign3A_757 = arith.constant 0 : i32
    %sign3A_758 = arith.cmpi slt, %add3A_751, %sign3A_757 : i32
    %sign3A_759 = arith.extui %sign3A_758 : i1 to i32
    %sign3A_760 = arith.subi %sign3A_756, %sign3A_759 : i32
    %sign3A_761 = arith.constant 0 : i32
    %sign3A_762 = arith.cmpi sgt, %jit3A_752, %sign3A_761 : i32
    %sign3A_763 = arith.extui %sign3A_762 : i1 to i32
    %sign3A_764 = arith.constant 0 : i32
    %sign3A_765 = arith.cmpi slt, %jit3A_752, %sign3A_764 : i32
    %sign3A_766 = arith.extui %sign3A_765 : i1 to i32
    %sign3A_767 = arith.subi %sign3A_763, %sign3A_766 : i32
    %ne3A_768 = arith.cmpi ne, %sign3A_760, %sign3A_767 : i32
    %rem3A_769 = arith.remsi %add3A_751, %jit3A_752 : i32
    %ne3A_770 = arith.constant 0 : i32
    %ne3A_771 = arith.cmpi ne, %rem3A_769, %ne3A_770 : i32
    %and3A_772 = arith.andi %ne3A_768, %ne3A_771 : i1
    %sub3A_773 = arith.constant 1 : i32
    %sub3A_774 = arith.subi %div3A_753, %sub3A_773 : i32
    %select_n3A_775 = arith.select %and3A_772, %sub3A_774, %div3A_753 : i32
    %jit3A_776 = arith.constant 2560 : i32
    %eq3A_777 = arith.constant 0 : i32
    %eq3A_778 = arith.cmpi eq, %jit3A_776, %eq3A_777 : i32
    %jit3A_779 = arith.constant 1 : i32
    %select_n3A_780 = arith.select %eq3A_778, %jit3A_779, %jit3A_776 : i32
    %rem3A_781 = arith.remsi %add3A_751, %select_n3A_780 : i32
    %ne3A_782 = arith.constant 0 : i32
    %ne3A_783 = arith.cmpi ne, %rem3A_781, %ne3A_782 : i32
    %lt3A_784 = arith.constant 0 : i32
    %lt3A_785 = arith.cmpi slt, %rem3A_781, %lt3A_784 : i32
    %lt3A_786 = arith.constant 0 : i32
    %lt3A_787 = arith.cmpi slt, %select_n3A_780, %lt3A_786 : i32
    %ne3A_788 = arith.xori %lt3A_785, %lt3A_787 : i1
    %and3A_789 = arith.andi %ne3A_788, %ne3A_783 : i1
    %add3A_790 = arith.addi %rem3A_781, %select_n3A_780 : i32
    %select_n3A_791 = arith.select %and3A_789, %add3A_790, %rem3A_781 : i32
    %add3A_792 = arith.constant 1536 : i32
    %add3A_793 = arith.addi %add3A_792, %select_n3A_791 : i32
    %dma_start3A_794 = arith.constant 0 : i32
    %dma_start3A_795 = arith.constant 0 : i32
    %dma_start3A_796 = tpu.memref_slice %arg2[%select_n3A_775, %dma_start3A_794, %dma_start3A_795] : memref<4x4096x768xf32, #tpu.memory_space<hbm>> -> memref<1x4096x768xf32, #tpu.memory_space<hbm>>
    %dma_start3A_797 = tpu.memref_squeeze %dma_start3A_796 : memref<1x4096x768xf32, #tpu.memory_space<hbm>> -> memref<4096x768xf32, #tpu.memory_space<hbm>>
    %dma_start3A_798 = arith.constant 0 : i32
    %dma_start3A_799 = tpu.memref_slice %dma_start3A_797[%add3A_793, %dma_start3A_798] : memref<4096x768xf32, #tpu.memory_space<hbm>> -> memref<16x768xf32, #tpu.memory_space<hbm>>
    %dma_start3A_800 = arith.constant 0 : i32
    %dma_start3A_801 = arith.constant 0 : i32
    %dma_start3A_802 = tpu.memref_slice %arg2[%select_n3A_775, %dma_start3A_800, %dma_start3A_801] : memref<4x4096x768xf32, #tpu.memory_space<hbm>> -> memref<1x4096x768xf32, #tpu.memory_space<hbm>>
    %dma_start3A_803 = tpu.memref_squeeze %dma_start3A_802 : memref<1x4096x768xf32, #tpu.memory_space<hbm>> -> memref<4096x768xf32, #tpu.memory_space<hbm>>
    %dma_start3A_804 = arith.constant 0 : i32
    %dma_start3A_805 = tpu.memref_slice %dma_start3A_803[%add3A_793, %dma_start3A_804] : memref<4096x768xf32, #tpu.memory_space<hbm>> -> memref<16x768xf32, #tpu.memory_space<hbm>>
    tpu.enqueue_dma source(%arg3 : memref<16x768xf32, #tpu.memory_space<vmem>>) target(%dma_start3A_805 : memref<16x768xf32, #tpu.memory_space<hbm>>) target_semaphore(%arg4 : memref<!tpu.dma_semaphore, #tpu.memory_space<semaphore_mem>>)
    %mul3A_806 = arith.constant 320 : i32
    %mul3A_807 = arith.muli %add3A, %mul3A_806 : i32
    %add3A_808 = arith.constant 224 : i32
    %add3A_809 = arith.addi %mul3A_807, %add3A_808 : i32
    %jit3A_810 = arith.constant 2560 : i32
    %div3A_811 = arith.divsi %add3A_809, %jit3A_810 : i32
    %sign3A_812 = arith.constant 0 : i32
    %sign3A_813 = arith.cmpi sgt, %add3A_809, %sign3A_812 : i32
    %sign3A_814 = arith.extui %sign3A_813 : i1 to i32
    %sign3A_815 = arith.constant 0 : i32
    %sign3A_816 = arith.cmpi slt, %add3A_809, %sign3A_815 : i32
    %sign3A_817 = arith.extui %sign3A_816 : i1 to i32
    %sign3A_818 = arith.subi %sign3A_814, %sign3A_817 : i32
    %sign3A_819 = arith.constant 0 : i32
    %sign3A_820 = arith.cmpi sgt, %jit3A_810, %sign3A_819 : i32
    %sign3A_821 = arith.extui %sign3A_820 : i1 to i32
    %sign3A_822 = arith.constant 0 : i32
    %sign3A_823 = arith.cmpi slt, %jit3A_810, %sign3A_822 : i32
    %sign3A_824 = arith.extui %sign3A_823 : i1 to i32
    %sign3A_825 = arith.subi %sign3A_821, %sign3A_824 : i32
    %ne3A_826 = arith.cmpi ne, %sign3A_818, %sign3A_825 : i32
    %rem3A_827 = arith.remsi %add3A_809, %jit3A_810 : i32
    %ne3A_828 = arith.constant 0 : i32
    %ne3A_829 = arith.cmpi ne, %rem3A_827, %ne3A_828 : i32
    %and3A_830 = arith.andi %ne3A_826, %ne3A_829 : i1
    %sub3A_831 = arith.constant 1 : i32
    %sub3A_832 = arith.subi %div3A_811, %sub3A_831 : i32
    %select_n3A_833 = arith.select %and3A_830, %sub3A_832, %div3A_811 : i32
    %jit3A_834 = arith.constant 2560 : i32
    %eq3A_835 = arith.constant 0 : i32
    %eq3A_836 = arith.cmpi eq, %jit3A_834, %eq3A_835 : i32
    %jit3A_837 = arith.constant 1 : i32
    %select_n3A_838 = arith.select %eq3A_836, %jit3A_837, %jit3A_834 : i32
    %rem3A_839 = arith.remsi %add3A_809, %select_n3A_838 : i32
    %ne3A_840 = arith.constant 0 : i32
    %ne3A_841 = arith.cmpi ne, %rem3A_839, %ne3A_840 : i32
    %lt3A_842 = arith.constant 0 : i32
    %lt3A_843 = arith.cmpi slt, %rem3A_839, %lt3A_842 : i32
    %lt3A_844 = arith.constant 0 : i32
    %lt3A_845 = arith.cmpi slt, %select_n3A_838, %lt3A_844 : i32
    %ne3A_846 = arith.xori %lt3A_843, %lt3A_845 : i1
    %and3A_847 = arith.andi %ne3A_846, %ne3A_841 : i1
    %add3A_848 = arith.addi %rem3A_839, %select_n3A_838 : i32
    %select_n3A_849 = arith.select %and3A_847, %add3A_848, %rem3A_839 : i32
    %add3A_850 = arith.constant 1536 : i32
    %add3A_851 = arith.addi %add3A_850, %select_n3A_849 : i32
    %dma_start3A_852 = arith.constant 0 : i32
    %dma_start3A_853 = arith.constant 0 : i32
    %dma_start3A_854 = tpu.memref_slice %arg2[%select_n3A_833, %dma_start3A_852, %dma_start3A_853] : memref<4x4096x768xf32, #tpu.memory_space<hbm>> -> memref<1x4096x768xf32, #tpu.memory_space<hbm>>
    %dma_start3A_855 = tpu.memref_squeeze %dma_start3A_854 : memref<1x4096x768xf32, #tpu.memory_space<hbm>> -> memref<4096x768xf32, #tpu.memory_space<hbm>>
    %dma_start3A_856 = arith.constant 0 : i32
    %dma_start3A_857 = tpu.memref_slice %dma_start3A_855[%add3A_851, %dma_start3A_856] : memref<4096x768xf32, #tpu.memory_space<hbm>> -> memref<16x768xf32, #tpu.memory_space<hbm>>
    %dma_start3A_858 = arith.constant 0 : i32
    %dma_start3A_859 = arith.constant 0 : i32
    %dma_start3A_860 = tpu.memref_slice %arg2[%select_n3A_833, %dma_start3A_858, %dma_start3A_859] : memref<4x4096x768xf32, #tpu.memory_space<hbm>> -> memref<1x4096x768xf32, #tpu.memory_space<hbm>>
    %dma_start3A_861 = tpu.memref_squeeze %dma_start3A_860 : memref<1x4096x768xf32, #tpu.memory_space<hbm>> -> memref<4096x768xf32, #tpu.memory_space<hbm>>
    %dma_start3A_862 = arith.constant 0 : i32
    %dma_start3A_863 = tpu.memref_slice %dma_start3A_861[%add3A_851, %dma_start3A_862] : memref<4096x768xf32, #tpu.memory_space<hbm>> -> memref<16x768xf32, #tpu.memory_space<hbm>>
    tpu.enqueue_dma source(%arg3 : memref<16x768xf32, #tpu.memory_space<vmem>>) target(%dma_start3A_863 : memref<16x768xf32, #tpu.memory_space<hbm>>) target_semaphore(%arg4 : memref<!tpu.dma_semaphore, #tpu.memory_space<semaphore_mem>>)
    %mul3A_864 = arith.constant 320 : i32
    %mul3A_865 = arith.muli %add3A, %mul3A_864 : i32
    %add3A_866 = arith.constant 240 : i32
    %add3A_867 = arith.addi %mul3A_865, %add3A_866 : i32
    %jit3A_868 = arith.constant 2560 : i32
    %div3A_869 = arith.divsi %add3A_867, %jit3A_868 : i32
    %sign3A_870 = arith.constant 0 : i32
    %sign3A_871 = arith.cmpi sgt, %add3A_867, %sign3A_870 : i32
    %sign3A_872 = arith.extui %sign3A_871 : i1 to i32
    %sign3A_873 = arith.constant 0 : i32
    %sign3A_874 = arith.cmpi slt, %add3A_867, %sign3A_873 : i32
    %sign3A_875 = arith.extui %sign3A_874 : i1 to i32
    %sign3A_876 = arith.subi %sign3A_872, %sign3A_875 : i32
    %sign3A_877 = arith.constant 0 : i32
    %sign3A_878 = arith.cmpi sgt, %jit3A_868, %sign3A_877 : i32
    %sign3A_879 = arith.extui %sign3A_878 : i1 to i32
    %sign3A_880 = arith.constant 0 : i32
    %sign3A_881 = arith.cmpi slt, %jit3A_868, %sign3A_880 : i32
    %sign3A_882 = arith.extui %sign3A_881 : i1 to i32
    %sign3A_883 = arith.subi %sign3A_879, %sign3A_882 : i32
    %ne3A_884 = arith.cmpi ne, %sign3A_876, %sign3A_883 : i32
    %rem3A_885 = arith.remsi %add3A_867, %jit3A_868 : i32
    %ne3A_886 = arith.constant 0 : i32
    %ne3A_887 = arith.cmpi ne, %rem3A_885, %ne3A_886 : i32
    %and3A_888 = arith.andi %ne3A_884, %ne3A_887 : i1
    %sub3A_889 = arith.constant 1 : i32
    %sub3A_890 = arith.subi %div3A_869, %sub3A_889 : i32
    %select_n3A_891 = arith.select %and3A_888, %sub3A_890, %div3A_869 : i32
    %jit3A_892 = arith.constant 2560 : i32
    %eq3A_893 = arith.constant 0 : i32
    %eq3A_894 = arith.cmpi eq, %jit3A_892, %eq3A_893 : i32
    %jit3A_895 = arith.constant 1 : i32
    %select_n3A_896 = arith.select %eq3A_894, %jit3A_895, %jit3A_892 : i32
    %rem3A_897 = arith.remsi %add3A_867, %select_n3A_896 : i32
    %ne3A_898 = arith.constant 0 : i32
    %ne3A_899 = arith.cmpi ne, %rem3A_897, %ne3A_898 : i32
    %lt3A_900 = arith.constant 0 : i32
    %lt3A_901 = arith.cmpi slt, %rem3A_897, %lt3A_900 : i32
    %lt3A_902 = arith.constant 0 : i32
    %lt3A_903 = arith.cmpi slt, %select_n3A_896, %lt3A_902 : i32
    %ne3A_904 = arith.xori %lt3A_901, %lt3A_903 : i1
    %and3A_905 = arith.andi %ne3A_904, %ne3A_899 : i1
    %add3A_906 = arith.addi %rem3A_897, %select_n3A_896 : i32
    %select_n3A_907 = arith.select %and3A_905, %add3A_906, %rem3A_897 : i32
    %add3A_908 = arith.constant 1536 : i32
    %add3A_909 = arith.addi %add3A_908, %select_n3A_907 : i32
    %dma_start3A_910 = arith.constant 0 : i32
    %dma_start3A_911 = arith.constant 0 : i32
    %dma_start3A_912 = tpu.memref_slice %arg2[%select_n3A_891, %dma_start3A_910, %dma_start3A_911] : memref<4x4096x768xf32, #tpu.memory_space<hbm>> -> memref<1x4096x768xf32, #tpu.memory_space<hbm>>
    %dma_start3A_913 = tpu.memref_squeeze %dma_start3A_912 : memref<1x4096x768xf32, #tpu.memory_space<hbm>> -> memref<4096x768xf32, #tpu.memory_space<hbm>>
    %dma_start3A_914 = arith.constant 0 : i32
    %dma_start3A_915 = tpu.memref_slice %dma_start3A_913[%add3A_909, %dma_start3A_914] : memref<4096x768xf32, #tpu.memory_space<hbm>> -> memref<16x768xf32, #tpu.memory_space<hbm>>
    %dma_start3A_916 = arith.constant 0 : i32
    %dma_start3A_917 = arith.constant 0 : i32
    %dma_start3A_918 = tpu.memref_slice %arg2[%select_n3A_891, %dma_start3A_916, %dma_start3A_917] : memref<4x4096x768xf32, #tpu.memory_space<hbm>> -> memref<1x4096x768xf32, #tpu.memory_space<hbm>>
    %dma_start3A_919 = tpu.memref_squeeze %dma_start3A_918 : memref<1x4096x768xf32, #tpu.memory_space<hbm>> -> memref<4096x768xf32, #tpu.memory_space<hbm>>
    %dma_start3A_920 = arith.constant 0 : i32
    %dma_start3A_921 = tpu.memref_slice %dma_start3A_919[%add3A_909, %dma_start3A_920] : memref<4096x768xf32, #tpu.memory_space<hbm>> -> memref<16x768xf32, #tpu.memory_space<hbm>>
    tpu.enqueue_dma source(%arg3 : memref<16x768xf32, #tpu.memory_space<vmem>>) target(%dma_start3A_921 : memref<16x768xf32, #tpu.memory_space<hbm>>) target_semaphore(%arg4 : memref<!tpu.dma_semaphore, #tpu.memory_space<semaphore_mem>>)
    %mul3A_922 = arith.constant 320 : i32
    %mul3A_923 = arith.muli %add3A, %mul3A_922 : i32
    %add3A_924 = arith.constant 256 : i32
    %add3A_925 = arith.addi %mul3A_923, %add3A_924 : i32
    %jit3A_926 = arith.constant 2560 : i32
    %div3A_927 = arith.divsi %add3A_925, %jit3A_926 : i32
    %sign3A_928 = arith.constant 0 : i32
    %sign3A_929 = arith.cmpi sgt, %add3A_925, %sign3A_928 : i32
    %sign3A_930 = arith.extui %sign3A_929 : i1 to i32
    %sign3A_931 = arith.constant 0 : i32
    %sign3A_932 = arith.cmpi slt, %add3A_925, %sign3A_931 : i32
    %sign3A_933 = arith.extui %sign3A_932 : i1 to i32
    %sign3A_934 = arith.subi %sign3A_930, %sign3A_933 : i32
    %sign3A_935 = arith.constant 0 : i32
    %sign3A_936 = arith.cmpi sgt, %jit3A_926, %sign3A_935 : i32
    %sign3A_937 = arith.extui %sign3A_936 : i1 to i32
    %sign3A_938 = arith.constant 0 : i32
    %sign3A_939 = arith.cmpi slt, %jit3A_926, %sign3A_938 : i32
    %sign3A_940 = arith.extui %sign3A_939 : i1 to i32
    %sign3A_941 = arith.subi %sign3A_937, %sign3A_940 : i32
    %ne3A_942 = arith.cmpi ne, %sign3A_934, %sign3A_941 : i32
    %rem3A_943 = arith.remsi %add3A_925, %jit3A_926 : i32
    %ne3A_944 = arith.constant 0 : i32
    %ne3A_945 = arith.cmpi ne, %rem3A_943, %ne3A_944 : i32
    %and3A_946 = arith.andi %ne3A_942, %ne3A_945 : i1
    %sub3A_947 = arith.constant 1 : i32
    %sub3A_948 = arith.subi %div3A_927, %sub3A_947 : i32
    %select_n3A_949 = arith.select %and3A_946, %sub3A_948, %div3A_927 : i32
    %jit3A_950 = arith.constant 2560 : i32
    %eq3A_951 = arith.constant 0 : i32
    %eq3A_952 = arith.cmpi eq, %jit3A_950, %eq3A_951 : i32
    %jit3A_953 = arith.constant 1 : i32
    %select_n3A_954 = arith.select %eq3A_952, %jit3A_953, %jit3A_950 : i32
    %rem3A_955 = arith.remsi %add3A_925, %select_n3A_954 : i32
    %ne3A_956 = arith.constant 0 : i32
    %ne3A_957 = arith.cmpi ne, %rem3A_955, %ne3A_956 : i32
    %lt3A_958 = arith.constant 0 : i32
    %lt3A_959 = arith.cmpi slt, %rem3A_955, %lt3A_958 : i32
    %lt3A_960 = arith.constant 0 : i32
    %lt3A_961 = arith.cmpi slt, %select_n3A_954, %lt3A_960 : i32
    %ne3A_962 = arith.xori %lt3A_959, %lt3A_961 : i1
    %and3A_963 = arith.andi %ne3A_962, %ne3A_957 : i1
    %add3A_964 = arith.addi %rem3A_955, %select_n3A_954 : i32
    %select_n3A_965 = arith.select %and3A_963, %add3A_964, %rem3A_955 : i32
    %add3A_966 = arith.constant 1536 : i32
    %add3A_967 = arith.addi %add3A_966, %select_n3A_965 : i32
    %dma_start3A_968 = arith.constant 0 : i32
    %dma_start3A_969 = arith.constant 0 : i32
    %dma_start3A_970 = tpu.memref_slice %arg2[%select_n3A_949, %dma_start3A_968, %dma_start3A_969] : memref<4x4096x768xf32, #tpu.memory_space<hbm>> -> memref<1x4096x768xf32, #tpu.memory_space<hbm>>
    %dma_start3A_971 = tpu.memref_squeeze %dma_start3A_970 : memref<1x4096x768xf32, #tpu.memory_space<hbm>> -> memref<4096x768xf32, #tpu.memory_space<hbm>>
    %dma_start3A_972 = arith.constant 0 : i32
    %dma_start3A_973 = tpu.memref_slice %dma_start3A_971[%add3A_967, %dma_start3A_972] : memref<4096x768xf32, #tpu.memory_space<hbm>> -> memref<16x768xf32, #tpu.memory_space<hbm>>
    %dma_start3A_974 = arith.constant 0 : i32
    %dma_start3A_975 = arith.constant 0 : i32
    %dma_start3A_976 = tpu.memref_slice %arg2[%select_n3A_949, %dma_start3A_974, %dma_start3A_975] : memref<4x4096x768xf32, #tpu.memory_space<hbm>> -> memref<1x4096x768xf32, #tpu.memory_space<hbm>>
    %dma_start3A_977 = tpu.memref_squeeze %dma_start3A_976 : memref<1x4096x768xf32, #tpu.memory_space<hbm>> -> memref<4096x768xf32, #tpu.memory_space<hbm>>
    %dma_start3A_978 = arith.constant 0 : i32
    %dma_start3A_979 = tpu.memref_slice %dma_start3A_977[%add3A_967, %dma_start3A_978] : memref<4096x768xf32, #tpu.memory_space<hbm>> -> memref<16x768xf32, #tpu.memory_space<hbm>>
    tpu.enqueue_dma source(%arg3 : memref<16x768xf32, #tpu.memory_space<vmem>>) target(%dma_start3A_979 : memref<16x768xf32, #tpu.memory_space<hbm>>) target_semaphore(%arg4 : memref<!tpu.dma_semaphore, #tpu.memory_space<semaphore_mem>>)
    %mul3A_980 = arith.constant 320 : i32
    %mul3A_981 = arith.muli %add3A, %mul3A_980 : i32
    %add3A_982 = arith.constant 272 : i32
    %add3A_983 = arith.addi %mul3A_981, %add3A_982 : i32
    %jit3A_984 = arith.constant 2560 : i32
    %div3A_985 = arith.divsi %add3A_983, %jit3A_984 : i32
    %sign3A_986 = arith.constant 0 : i32
    %sign3A_987 = arith.cmpi sgt, %add3A_983, %sign3A_986 : i32
    %sign3A_988 = arith.extui %sign3A_987 : i1 to i32
    %sign3A_989 = arith.constant 0 : i32
    %sign3A_990 = arith.cmpi slt, %add3A_983, %sign3A_989 : i32
    %sign3A_991 = arith.extui %sign3A_990 : i1 to i32
    %sign3A_992 = arith.subi %sign3A_988, %sign3A_991 : i32
    %sign3A_993 = arith.constant 0 : i32
    %sign3A_994 = arith.cmpi sgt, %jit3A_984, %sign3A_993 : i32
    %sign3A_995 = arith.extui %sign3A_994 : i1 to i32
    %sign3A_996 = arith.constant 0 : i32
    %sign3A_997 = arith.cmpi slt, %jit3A_984, %sign3A_996 : i32
    %sign3A_998 = arith.extui %sign3A_997 : i1 to i32
    %sign3A_999 = arith.subi %sign3A_995, %sign3A_998 : i32
    %ne3A_1000 = arith.cmpi ne, %sign3A_992, %sign3A_999 : i32
    %rem3A_1001 = arith.remsi %add3A_983, %jit3A_984 : i32
    %ne3A_1002 = arith.constant 0 : i32
    %ne3A_1003 = arith.cmpi ne, %rem3A_1001, %ne3A_1002 : i32
    %and3A_1004 = arith.andi %ne3A_1000, %ne3A_1003 : i1
    %sub3A_1005 = arith.constant 1 : i32
    %sub3A_1006 = arith.subi %div3A_985, %sub3A_1005 : i32
    %select_n3A_1007 = arith.select %and3A_1004, %sub3A_1006, %div3A_985 : i32
    %jit3A_1008 = arith.constant 2560 : i32
    %eq3A_1009 = arith.constant 0 : i32
    %eq3A_1010 = arith.cmpi eq, %jit3A_1008, %eq3A_1009 : i32
    %jit3A_1011 = arith.constant 1 : i32
    %select_n3A_1012 = arith.select %eq3A_1010, %jit3A_1011, %jit3A_1008 : i32
    %rem3A_1013 = arith.remsi %add3A_983, %select_n3A_1012 : i32
    %ne3A_1014 = arith.constant 0 : i32
    %ne3A_1015 = arith.cmpi ne, %rem3A_1013, %ne3A_1014 : i32
    %lt3A_1016 = arith.constant 0 : i32
    %lt3A_1017 = arith.cmpi slt, %rem3A_1013, %lt3A_1016 : i32
    %lt3A_1018 = arith.constant 0 : i32
    %lt3A_1019 = arith.cmpi slt, %select_n3A_1012, %lt3A_1018 : i32
    %ne3A_1020 = arith.xori %lt3A_1017, %lt3A_1019 : i1
    %and3A_1021 = arith.andi %ne3A_1020, %ne3A_1015 : i1
    %add3A_1022 = arith.addi %rem3A_1013, %select_n3A_1012 : i32
    %select_n3A_1023 = arith.select %and3A_1021, %add3A_1022, %rem3A_1013 : i32
    %add3A_1024 = arith.constant 1536 : i32
    %add3A_1025 = arith.addi %add3A_1024, %select_n3A_1023 : i32
    %dma_start3A_1026 = arith.constant 0 : i32
    %dma_start3A_1027 = arith.constant 0 : i32
    %dma_start3A_1028 = tpu.memref_slice %arg2[%select_n3A_1007, %dma_start3A_1026, %dma_start3A_1027] : memref<4x4096x768xf32, #tpu.memory_space<hbm>> -> memref<1x4096x768xf32, #tpu.memory_space<hbm>>
    %dma_start3A_1029 = tpu.memref_squeeze %dma_start3A_1028 : memref<1x4096x768xf32, #tpu.memory_space<hbm>> -> memref<4096x768xf32, #tpu.memory_space<hbm>>
    %dma_start3A_1030 = arith.constant 0 : i32
    %dma_start3A_1031 = tpu.memref_slice %dma_start3A_1029[%add3A_1025, %dma_start3A_1030] : memref<4096x768xf32, #tpu.memory_space<hbm>> -> memref<16x768xf32, #tpu.memory_space<hbm>>
    %dma_start3A_1032 = arith.constant 0 : i32
    %dma_start3A_1033 = arith.constant 0 : i32
    %dma_start3A_1034 = tpu.memref_slice %arg2[%select_n3A_1007, %dma_start3A_1032, %dma_start3A_1033] : memref<4x4096x768xf32, #tpu.memory_space<hbm>> -> memref<1x4096x768xf32, #tpu.memory_space<hbm>>
    %dma_start3A_1035 = tpu.memref_squeeze %dma_start3A_1034 : memref<1x4096x768xf32, #tpu.memory_space<hbm>> -> memref<4096x768xf32, #tpu.memory_space<hbm>>
    %dma_start3A_1036 = arith.constant 0 : i32
    %dma_start3A_1037 = tpu.memref_slice %dma_start3A_1035[%add3A_1025, %dma_start3A_1036] : memref<4096x768xf32, #tpu.memory_space<hbm>> -> memref<16x768xf32, #tpu.memory_space<hbm>>
    tpu.enqueue_dma source(%arg3 : memref<16x768xf32, #tpu.memory_space<vmem>>) target(%dma_start3A_1037 : memref<16x768xf32, #tpu.memory_space<hbm>>) target_semaphore(%arg4 : memref<!tpu.dma_semaphore, #tpu.memory_space<semaphore_mem>>)
    %mul3A_1038 = arith.constant 320 : i32
    %mul3A_1039 = arith.muli %add3A, %mul3A_1038 : i32
    %add3A_1040 = arith.constant 288 : i32
    %add3A_1041 = arith.addi %mul3A_1039, %add3A_1040 : i32
    %jit3A_1042 = arith.constant 2560 : i32
    %div3A_1043 = arith.divsi %add3A_1041, %jit3A_1042 : i32
    %sign3A_1044 = arith.constant 0 : i32
    %sign3A_1045 = arith.cmpi sgt, %add3A_1041, %sign3A_1044 : i32
    %sign3A_1046 = arith.extui %sign3A_1045 : i1 to i32
    %sign3A_1047 = arith.constant 0 : i32
    %sign3A_1048 = arith.cmpi slt, %add3A_1041, %sign3A_1047 : i32
    %sign3A_1049 = arith.extui %sign3A_1048 : i1 to i32
    %sign3A_1050 = arith.subi %sign3A_1046, %sign3A_1049 : i32
    %sign3A_1051 = arith.constant 0 : i32
    %sign3A_1052 = arith.cmpi sgt, %jit3A_1042, %sign3A_1051 : i32
    %sign3A_1053 = arith.extui %sign3A_1052 : i1 to i32
    %sign3A_1054 = arith.constant 0 : i32
    %sign3A_1055 = arith.cmpi slt, %jit3A_1042, %sign3A_1054 : i32
    %sign3A_1056 = arith.extui %sign3A_1055 : i1 to i32
    %sign3A_1057 = arith.subi %sign3A_1053, %sign3A_1056 : i32
    %ne3A_1058 = arith.cmpi ne, %sign3A_1050, %sign3A_1057 : i32
    %rem3A_1059 = arith.remsi %add3A_1041, %jit3A_1042 : i32
    %ne3A_1060 = arith.constant 0 : i32
    %ne3A_1061 = arith.cmpi ne, %rem3A_1059, %ne3A_1060 : i32
    %and3A_1062 = arith.andi %ne3A_1058, %ne3A_1061 : i1
    %sub3A_1063 = arith.constant 1 : i32
    %sub3A_1064 = arith.subi %div3A_1043, %sub3A_1063 : i32
    %select_n3A_1065 = arith.select %and3A_1062, %sub3A_1064, %div3A_1043 : i32
    %jit3A_1066 = arith.constant 2560 : i32
    %eq3A_1067 = arith.constant 0 : i32
    %eq3A_1068 = arith.cmpi eq, %jit3A_1066, %eq3A_1067 : i32
    %jit3A_1069 = arith.constant 1 : i32
    %select_n3A_1070 = arith.select %eq3A_1068, %jit3A_1069, %jit3A_1066 : i32
    %rem3A_1071 = arith.remsi %add3A_1041, %select_n3A_1070 : i32
    %ne3A_1072 = arith.constant 0 : i32
    %ne3A_1073 = arith.cmpi ne, %rem3A_1071, %ne3A_1072 : i32
    %lt3A_1074 = arith.constant 0 : i32
    %lt3A_1075 = arith.cmpi slt, %rem3A_1071, %lt3A_1074 : i32
    %lt3A_1076 = arith.constant 0 : i32
    %lt3A_1077 = arith.cmpi slt, %select_n3A_1070, %lt3A_1076 : i32
    %ne3A_1078 = arith.xori %lt3A_1075, %lt3A_1077 : i1
    %and3A_1079 = arith.andi %ne3A_1078, %ne3A_1073 : i1
    %add3A_1080 = arith.addi %rem3A_1071, %select_n3A_1070 : i32
    %select_n3A_1081 = arith.select %and3A_1079, %add3A_1080, %rem3A_1071 : i32
    %add3A_1082 = arith.constant 1536 : i32
    %add3A_1083 = arith.addi %add3A_1082, %select_n3A_1081 : i32
    %dma_start3A_1084 = arith.constant 0 : i32
    %dma_start3A_1085 = arith.constant 0 : i32
    %dma_start3A_1086 = tpu.memref_slice %arg2[%select_n3A_1065, %dma_start3A_1084, %dma_start3A_1085] : memref<4x4096x768xf32, #tpu.memory_space<hbm>> -> memref<1x4096x768xf32, #tpu.memory_space<hbm>>
    %dma_start3A_1087 = tpu.memref_squeeze %dma_start3A_1086 : memref<1x4096x768xf32, #tpu.memory_space<hbm>> -> memref<4096x768xf32, #tpu.memory_space<hbm>>
    %dma_start3A_1088 = arith.constant 0 : i32
    %dma_start3A_1089 = tpu.memref_slice %dma_start3A_1087[%add3A_1083, %dma_start3A_1088] : memref<4096x768xf32, #tpu.memory_space<hbm>> -> memref<16x768xf32, #tpu.memory_space<hbm>>
    %dma_start3A_1090 = arith.constant 0 : i32
    %dma_start3A_1091 = arith.constant 0 : i32
    %dma_start3A_1092 = tpu.memref_slice %arg2[%select_n3A_1065, %dma_start3A_1090, %dma_start3A_1091] : memref<4x4096x768xf32, #tpu.memory_space<hbm>> -> memref<1x4096x768xf32, #tpu.memory_space<hbm>>
    %dma_start3A_1093 = tpu.memref_squeeze %dma_start3A_1092 : memref<1x4096x768xf32, #tpu.memory_space<hbm>> -> memref<4096x768xf32, #tpu.memory_space<hbm>>
    %dma_start3A_1094 = arith.constant 0 : i32
    %dma_start3A_1095 = tpu.memref_slice %dma_start3A_1093[%add3A_1083, %dma_start3A_1094] : memref<4096x768xf32, #tpu.memory_space<hbm>> -> memref<16x768xf32, #tpu.memory_space<hbm>>
    tpu.enqueue_dma source(%arg3 : memref<16x768xf32, #tpu.memory_space<vmem>>) target(%dma_start3A_1095 : memref<16x768xf32, #tpu.memory_space<hbm>>) target_semaphore(%arg4 : memref<!tpu.dma_semaphore, #tpu.memory_space<semaphore_mem>>)
    %mul3A_1096 = arith.constant 320 : i32
    %mul3A_1097 = arith.muli %add3A, %mul3A_1096 : i32
    %add3A_1098 = arith.constant 304 : i32
    %add3A_1099 = arith.addi %mul3A_1097, %add3A_1098 : i32
    %jit3A_1100 = arith.constant 2560 : i32
    %div3A_1101 = arith.divsi %add3A_1099, %jit3A_1100 : i32
    %sign3A_1102 = arith.constant 0 : i32
    %sign3A_1103 = arith.cmpi sgt, %add3A_1099, %sign3A_1102 : i32
    %sign3A_1104 = arith.extui %sign3A_1103 : i1 to i32
    %sign3A_1105 = arith.constant 0 : i32
    %sign3A_1106 = arith.cmpi slt, %add3A_1099, %sign3A_1105 : i32
    %sign3A_1107 = arith.extui %sign3A_1106 : i1 to i32
    %sign3A_1108 = arith.subi %sign3A_1104, %sign3A_1107 : i32
    %sign3A_1109 = arith.constant 0 : i32
    %sign3A_1110 = arith.cmpi sgt, %jit3A_1100, %sign3A_1109 : i32
    %sign3A_1111 = arith.extui %sign3A_1110 : i1 to i32
    %sign3A_1112 = arith.constant 0 : i32
    %sign3A_1113 = arith.cmpi slt, %jit3A_1100, %sign3A_1112 : i32
    %sign3A_1114 = arith.extui %sign3A_1113 : i1 to i32
    %sign3A_1115 = arith.subi %sign3A_1111, %sign3A_1114 : i32
    %ne3A_1116 = arith.cmpi ne, %sign3A_1108, %sign3A_1115 : i32
    %rem3A_1117 = arith.remsi %add3A_1099, %jit3A_1100 : i32
    %ne3A_1118 = arith.constant 0 : i32
    %ne3A_1119 = arith.cmpi ne, %rem3A_1117, %ne3A_1118 : i32
    %and3A_1120 = arith.andi %ne3A_1116, %ne3A_1119 : i1
    %sub3A_1121 = arith.constant 1 : i32
    %sub3A_1122 = arith.subi %div3A_1101, %sub3A_1121 : i32
    %select_n3A_1123 = arith.select %and3A_1120, %sub3A_1122, %div3A_1101 : i32
    %jit3A_1124 = arith.constant 2560 : i32
    %eq3A_1125 = arith.constant 0 : i32
    %eq3A_1126 = arith.cmpi eq, %jit3A_1124, %eq3A_1125 : i32
    %jit3A_1127 = arith.constant 1 : i32
    %select_n3A_1128 = arith.select %eq3A_1126, %jit3A_1127, %jit3A_1124 : i32
    %rem3A_1129 = arith.remsi %add3A_1099, %select_n3A_1128 : i32
    %ne3A_1130 = arith.constant 0 : i32
    %ne3A_1131 = arith.cmpi ne, %rem3A_1129, %ne3A_1130 : i32
    %lt3A_1132 = arith.constant 0 : i32
    %lt3A_1133 = arith.cmpi slt, %rem3A_1129, %lt3A_1132 : i32
    %lt3A_1134 = arith.constant 0 : i32
    %lt3A_1135 = arith.cmpi slt, %select_n3A_1128, %lt3A_1134 : i32
    %ne3A_1136 = arith.xori %lt3A_1133, %lt3A_1135 : i1
    %and3A_1137 = arith.andi %ne3A_1136, %ne3A_1131 : i1
    %add3A_1138 = arith.addi %rem3A_1129, %select_n3A_1128 : i32
    %select_n3A_1139 = arith.select %and3A_1137, %add3A_1138, %rem3A_1129 : i32
    %add3A_1140 = arith.constant 1536 : i32
    %add3A_1141 = arith.addi %add3A_1140, %select_n3A_1139 : i32
    %dma_start3A_1142 = arith.constant 0 : i32
    %dma_start3A_1143 = arith.constant 0 : i32
    %dma_start3A_1144 = tpu.memref_slice %arg2[%select_n3A_1123, %dma_start3A_1142, %dma_start3A_1143] : memref<4x4096x768xf32, #tpu.memory_space<hbm>> -> memref<1x4096x768xf32, #tpu.memory_space<hbm>>
    %dma_start3A_1145 = tpu.memref_squeeze %dma_start3A_1144 : memref<1x4096x768xf32, #tpu.memory_space<hbm>> -> memref<4096x768xf32, #tpu.memory_space<hbm>>
    %dma_start3A_1146 = arith.constant 0 : i32
    %dma_start3A_1147 = tpu.memref_slice %dma_start3A_1145[%add3A_1141, %dma_start3A_1146] : memref<4096x768xf32, #tpu.memory_space<hbm>> -> memref<16x768xf32, #tpu.memory_space<hbm>>
    %dma_start3A_1148 = arith.constant 0 : i32
    %dma_start3A_1149 = arith.constant 0 : i32
    %dma_start3A_1150 = tpu.memref_slice %arg2[%select_n3A_1123, %dma_start3A_1148, %dma_start3A_1149] : memref<4x4096x768xf32, #tpu.memory_space<hbm>> -> memref<1x4096x768xf32, #tpu.memory_space<hbm>>
    %dma_start3A_1151 = tpu.memref_squeeze %dma_start3A_1150 : memref<1x4096x768xf32, #tpu.memory_space<hbm>> -> memref<4096x768xf32, #tpu.memory_space<hbm>>
    %dma_start3A_1152 = arith.constant 0 : i32
    %dma_start3A_1153 = tpu.memref_slice %dma_start3A_1151[%add3A_1141, %dma_start3A_1152] : memref<4096x768xf32, #tpu.memory_space<hbm>> -> memref<16x768xf32, #tpu.memory_space<hbm>>
    tpu.enqueue_dma source(%arg3 : memref<16x768xf32, #tpu.memory_space<vmem>>) target(%dma_start3A_1153 : memref<16x768xf32, #tpu.memory_space<hbm>>) target_semaphore(%arg4 : memref<!tpu.dma_semaphore, #tpu.memory_space<semaphore_mem>>)
    %dma_wait3A = arith.constant 0 : i32
    %dma_wait3A_1154 = arith.constant 0 : i32
    %dma_wait3A_1155 = tpu.memref_slice %arg2[%select_n3A, %dma_wait3A, %dma_wait3A_1154] : memref<4x4096x768xf32, #tpu.memory_space<hbm>> -> memref<1x4096x768xf32, #tpu.memory_space<hbm>>
    %dma_wait3A_1156 = tpu.memref_squeeze %dma_wait3A_1155 : memref<1x4096x768xf32, #tpu.memory_space<hbm>> -> memref<4096x768xf32, #tpu.memory_space<hbm>>
    %dma_wait3A_1157 = arith.constant 0 : i32
    %dma_wait3A_1158 = tpu.memref_slice %dma_wait3A_1156[%add3A_40, %dma_wait3A_1157] : memref<4096x768xf32, #tpu.memory_space<hbm>> -> memref<16x768xf32, #tpu.memory_space<hbm>>
    %dma_wait3A_1159 = arith.constant 0 : i32
    %dma_wait3A_1160 = arith.constant 0 : i32
    %dma_wait3A_1161 = tpu.memref_slice %arg2[%select_n3A, %dma_wait3A_1159, %dma_wait3A_1160] : memref<4x4096x768xf32, #tpu.memory_space<hbm>> -> memref<1x4096x768xf32, #tpu.memory_space<hbm>>
    %dma_wait3A_1162 = tpu.memref_squeeze %dma_wait3A_1161 : memref<1x4096x768xf32, #tpu.memory_space<hbm>> -> memref<4096x768xf32, #tpu.memory_space<hbm>>
    %dma_wait3A_1163 = arith.constant 0 : i32
    %dma_wait3A_1164 = tpu.memref_slice %dma_wait3A_1162[%add3A_40, %dma_wait3A_1163] : memref<4096x768xf32, #tpu.memory_space<hbm>> -> memref<16x768xf32, #tpu.memory_space<hbm>>
    tpu.wait_dma2 semaphore(%arg4 : memref<!tpu.dma_semaphore, #tpu.memory_space<semaphore_mem>>) src(%arg3 : memref<16x768xf32, #tpu.memory_space<vmem>>) dst(%dma_wait3A_1164 : memref<16x768xf32, #tpu.memory_space<hbm>>)
    %dma_wait3A_1165 = arith.constant 0 : i32
    %dma_wait3A_1166 = arith.constant 0 : i32
    %dma_wait3A_1167 = tpu.memref_slice %arg2[%select_n3A_79, %dma_wait3A_1165, %dma_wait3A_1166] : memref<4x4096x768xf32, #tpu.memory_space<hbm>> -> memref<1x4096x768xf32, #tpu.memory_space<hbm>>
    %dma_wait3A_1168 = tpu.memref_squeeze %dma_wait3A_1167 : memref<1x4096x768xf32, #tpu.memory_space<hbm>> -> memref<4096x768xf32, #tpu.memory_space<hbm>>
    %dma_wait3A_1169 = arith.constant 0 : i32
    %dma_wait3A_1170 = tpu.memref_slice %dma_wait3A_1168[%add3A_97, %dma_wait3A_1169] : memref<4096x768xf32, #tpu.memory_space<hbm>> -> memref<16x768xf32, #tpu.memory_space<hbm>>
    %dma_wait3A_1171 = arith.constant 0 : i32
    %dma_wait3A_1172 = arith.constant 0 : i32
    %dma_wait3A_1173 = tpu.memref_slice %arg2[%select_n3A_79, %dma_wait3A_1171, %dma_wait3A_1172] : memref<4x4096x768xf32, #tpu.memory_space<hbm>> -> memref<1x4096x768xf32, #tpu.memory_space<hbm>>
    %dma_wait3A_1174 = tpu.memref_squeeze %dma_wait3A_1173 : memref<1x4096x768xf32, #tpu.memory_space<hbm>> -> memref<4096x768xf32, #tpu.memory_space<hbm>>
    %dma_wait3A_1175 = arith.constant 0 : i32
    %dma_wait3A_1176 = tpu.memref_slice %dma_wait3A_1174[%add3A_97, %dma_wait3A_1175] : memref<4096x768xf32, #tpu.memory_space<hbm>> -> memref<16x768xf32, #tpu.memory_space<hbm>>
    tpu.wait_dma2 semaphore(%arg4 : memref<!tpu.dma_semaphore, #tpu.memory_space<semaphore_mem>>) src(%arg3 : memref<16x768xf32, #tpu.memory_space<vmem>>) dst(%dma_wait3A_1176 : memref<16x768xf32, #tpu.memory_space<hbm>>)
    %dma_wait3A_1177 = arith.constant 0 : i32
    %dma_wait3A_1178 = arith.constant 0 : i32
    %dma_wait3A_1179 = tpu.memref_slice %arg2[%select_n3A_137, %dma_wait3A_1177, %dma_wait3A_1178] : memref<4x4096x768xf32, #tpu.memory_space<hbm>> -> memref<1x4096x768xf32, #tpu.memory_space<hbm>>
    %dma_wait3A_1180 = tpu.memref_squeeze %dma_wait3A_1179 : memref<1x4096x768xf32, #tpu.memory_space<hbm>> -> memref<4096x768xf32, #tpu.memory_space<hbm>>
    %dma_wait3A_1181 = arith.constant 0 : i32
    %dma_wait3A_1182 = tpu.memref_slice %dma_wait3A_1180[%add3A_155, %dma_wait3A_1181] : memref<4096x768xf32, #tpu.memory_space<hbm>> -> memref<16x768xf32, #tpu.memory_space<hbm>>
    %dma_wait3A_1183 = arith.constant 0 : i32
    %dma_wait3A_1184 = arith.constant 0 : i32
    %dma_wait3A_1185 = tpu.memref_slice %arg2[%select_n3A_137, %dma_wait3A_1183, %dma_wait3A_1184] : memref<4x4096x768xf32, #tpu.memory_space<hbm>> -> memref<1x4096x768xf32, #tpu.memory_space<hbm>>
    %dma_wait3A_1186 = tpu.memref_squeeze %dma_wait3A_1185 : memref<1x4096x768xf32, #tpu.memory_space<hbm>> -> memref<4096x768xf32, #tpu.memory_space<hbm>>
    %dma_wait3A_1187 = arith.constant 0 : i32
    %dma_wait3A_1188 = tpu.memref_slice %dma_wait3A_1186[%add3A_155, %dma_wait3A_1187] : memref<4096x768xf32, #tpu.memory_space<hbm>> -> memref<16x768xf32, #tpu.memory_space<hbm>>
    tpu.wait_dma2 semaphore(%arg4 : memref<!tpu.dma_semaphore, #tpu.memory_space<semaphore_mem>>) src(%arg3 : memref<16x768xf32, #tpu.memory_space<vmem>>) dst(%dma_wait3A_1188 : memref<16x768xf32, #tpu.memory_space<hbm>>)
    %dma_wait3A_1189 = arith.constant 0 : i32
    %dma_wait3A_1190 = arith.constant 0 : i32
    %dma_wait3A_1191 = tpu.memref_slice %arg2[%select_n3A_195, %dma_wait3A_1189, %dma_wait3A_1190] : memref<4x4096x768xf32, #tpu.memory_space<hbm>> -> memref<1x4096x768xf32, #tpu.memory_space<hbm>>
    %dma_wait3A_1192 = tpu.memref_squeeze %dma_wait3A_1191 : memref<1x4096x768xf32, #tpu.memory_space<hbm>> -> memref<4096x768xf32, #tpu.memory_space<hbm>>
    %dma_wait3A_1193 = arith.constant 0 : i32
    %dma_wait3A_1194 = tpu.memref_slice %dma_wait3A_1192[%add3A_213, %dma_wait3A_1193] : memref<4096x768xf32, #tpu.memory_space<hbm>> -> memref<16x768xf32, #tpu.memory_space<hbm>>
    %dma_wait3A_1195 = arith.constant 0 : i32
    %dma_wait3A_1196 = arith.constant 0 : i32
    %dma_wait3A_1197 = tpu.memref_slice %arg2[%select_n3A_195, %dma_wait3A_1195, %dma_wait3A_1196] : memref<4x4096x768xf32, #tpu.memory_space<hbm>> -> memref<1x4096x768xf32, #tpu.memory_space<hbm>>
    %dma_wait3A_1198 = tpu.memref_squeeze %dma_wait3A_1197 : memref<1x4096x768xf32, #tpu.memory_space<hbm>> -> memref<4096x768xf32, #tpu.memory_space<hbm>>
    %dma_wait3A_1199 = arith.constant 0 : i32
    %dma_wait3A_1200 = tpu.memref_slice %dma_wait3A_1198[%add3A_213, %dma_wait3A_1199] : memref<4096x768xf32, #tpu.memory_space<hbm>> -> memref<16x768xf32, #tpu.memory_space<hbm>>
    tpu.wait_dma2 semaphore(%arg4 : memref<!tpu.dma_semaphore, #tpu.memory_space<semaphore_mem>>) src(%arg3 : memref<16x768xf32, #tpu.memory_space<vmem>>) dst(%dma_wait3A_1200 : memref<16x768xf32, #tpu.memory_space<hbm>>)
    %dma_wait3A_1201 = arith.constant 0 : i32
    %dma_wait3A_1202 = arith.constant 0 : i32
    %dma_wait3A_1203 = tpu.memref_slice %arg2[%select_n3A_253, %dma_wait3A_1201, %dma_wait3A_1202] : memref<4x4096x768xf32, #tpu.memory_space<hbm>> -> memref<1x4096x768xf32, #tpu.memory_space<hbm>>
    %dma_wait3A_1204 = tpu.memref_squeeze %dma_wait3A_1203 : memref<1x4096x768xf32, #tpu.memory_space<hbm>> -> memref<4096x768xf32, #tpu.memory_space<hbm>>
    %dma_wait3A_1205 = arith.constant 0 : i32
    %dma_wait3A_1206 = tpu.memref_slice %dma_wait3A_1204[%add3A_271, %dma_wait3A_1205] : memref<4096x768xf32, #tpu.memory_space<hbm>> -> memref<16x768xf32, #tpu.memory_space<hbm>>
    %dma_wait3A_1207 = arith.constant 0 : i32
    %dma_wait3A_1208 = arith.constant 0 : i32
    %dma_wait3A_1209 = tpu.memref_slice %arg2[%select_n3A_253, %dma_wait3A_1207, %dma_wait3A_1208] : memref<4x4096x768xf32, #tpu.memory_space<hbm>> -> memref<1x4096x768xf32, #tpu.memory_space<hbm>>
    %dma_wait3A_1210 = tpu.memref_squeeze %dma_wait3A_1209 : memref<1x4096x768xf32, #tpu.memory_space<hbm>> -> memref<4096x768xf32, #tpu.memory_space<hbm>>
    %dma_wait3A_1211 = arith.constant 0 : i32
    %dma_wait3A_1212 = tpu.memref_slice %dma_wait3A_1210[%add3A_271, %dma_wait3A_1211] : memref<4096x768xf32, #tpu.memory_space<hbm>> -> memref<16x768xf32, #tpu.memory_space<hbm>>
    tpu.wait_dma2 semaphore(%arg4 : memref<!tpu.dma_semaphore, #tpu.memory_space<semaphore_mem>>) src(%arg3 : memref<16x768xf32, #tpu.memory_space<vmem>>) dst(%dma_wait3A_1212 : memref<16x768xf32, #tpu.memory_space<hbm>>)
    %dma_wait3A_1213 = arith.constant 0 : i32
    %dma_wait3A_1214 = arith.constant 0 : i32
    %dma_wait3A_1215 = tpu.memref_slice %arg2[%select_n3A_311, %dma_wait3A_1213, %dma_wait3A_1214] : memref<4x4096x768xf32, #tpu.memory_space<hbm>> -> memref<1x4096x768xf32, #tpu.memory_space<hbm>>
    %dma_wait3A_1216 = tpu.memref_squeeze %dma_wait3A_1215 : memref<1x4096x768xf32, #tpu.memory_space<hbm>> -> memref<4096x768xf32, #tpu.memory_space<hbm>>
    %dma_wait3A_1217 = arith.constant 0 : i32
    %dma_wait3A_1218 = tpu.memref_slice %dma_wait3A_1216[%add3A_329, %dma_wait3A_1217] : memref<4096x768xf32, #tpu.memory_space<hbm>> -> memref<16x768xf32, #tpu.memory_space<hbm>>
    %dma_wait3A_1219 = arith.constant 0 : i32
    %dma_wait3A_1220 = arith.constant 0 : i32
    %dma_wait3A_1221 = tpu.memref_slice %arg2[%select_n3A_311, %dma_wait3A_1219, %dma_wait3A_1220] : memref<4x4096x768xf32, #tpu.memory_space<hbm>> -> memref<1x4096x768xf32, #tpu.memory_space<hbm>>
    %dma_wait3A_1222 = tpu.memref_squeeze %dma_wait3A_1221 : memref<1x4096x768xf32, #tpu.memory_space<hbm>> -> memref<4096x768xf32, #tpu.memory_space<hbm>>
    %dma_wait3A_1223 = arith.constant 0 : i32
    %dma_wait3A_1224 = tpu.memref_slice %dma_wait3A_1222[%add3A_329, %dma_wait3A_1223] : memref<4096x768xf32, #tpu.memory_space<hbm>> -> memref<16x768xf32, #tpu.memory_space<hbm>>
    tpu.wait_dma2 semaphore(%arg4 : memref<!tpu.dma_semaphore, #tpu.memory_space<semaphore_mem>>) src(%arg3 : memref<16x768xf32, #tpu.memory_space<vmem>>) dst(%dma_wait3A_1224 : memref<16x768xf32, #tpu.memory_space<hbm>>)
    %dma_wait3A_1225 = arith.constant 0 : i32
    %dma_wait3A_1226 = arith.constant 0 : i32
    %dma_wait3A_1227 = tpu.memref_slice %arg2[%select_n3A_369, %dma_wait3A_1225, %dma_wait3A_1226] : memref<4x4096x768xf32, #tpu.memory_space<hbm>> -> memref<1x4096x768xf32, #tpu.memory_space<hbm>>
    %dma_wait3A_1228 = tpu.memref_squeeze %dma_wait3A_1227 : memref<1x4096x768xf32, #tpu.memory_space<hbm>> -> memref<4096x768xf32, #tpu.memory_space<hbm>>
    %dma_wait3A_1229 = arith.constant 0 : i32
    %dma_wait3A_1230 = tpu.memref_slice %dma_wait3A_1228[%add3A_387, %dma_wait3A_1229] : memref<4096x768xf32, #tpu.memory_space<hbm>> -> memref<16x768xf32, #tpu.memory_space<hbm>>
    %dma_wait3A_1231 = arith.constant 0 : i32
    %dma_wait3A_1232 = arith.constant 0 : i32
    %dma_wait3A_1233 = tpu.memref_slice %arg2[%select_n3A_369, %dma_wait3A_1231, %dma_wait3A_1232] : memref<4x4096x768xf32, #tpu.memory_space<hbm>> -> memref<1x4096x768xf32, #tpu.memory_space<hbm>>
    %dma_wait3A_1234 = tpu.memref_squeeze %dma_wait3A_1233 : memref<1x4096x768xf32, #tpu.memory_space<hbm>> -> memref<4096x768xf32, #tpu.memory_space<hbm>>
    %dma_wait3A_1235 = arith.constant 0 : i32
    %dma_wait3A_1236 = tpu.memref_slice %dma_wait3A_1234[%add3A_387, %dma_wait3A_1235] : memref<4096x768xf32, #tpu.memory_space<hbm>> -> memref<16x768xf32, #tpu.memory_space<hbm>>
    tpu.wait_dma2 semaphore(%arg4 : memref<!tpu.dma_semaphore, #tpu.memory_space<semaphore_mem>>) src(%arg3 : memref<16x768xf32, #tpu.memory_space<vmem>>) dst(%dma_wait3A_1236 : memref<16x768xf32, #tpu.memory_space<hbm>>)
    %dma_wait3A_1237 = arith.constant 0 : i32
    %dma_wait3A_1238 = arith.constant 0 : i32
    %dma_wait3A_1239 = tpu.memref_slice %arg2[%select_n3A_427, %dma_wait3A_1237, %dma_wait3A_1238] : memref<4x4096x768xf32, #tpu.memory_space<hbm>> -> memref<1x4096x768xf32, #tpu.memory_space<hbm>>
    %dma_wait3A_1240 = tpu.memref_squeeze %dma_wait3A_1239 : memref<1x4096x768xf32, #tpu.memory_space<hbm>> -> memref<4096x768xf32, #tpu.memory_space<hbm>>
    %dma_wait3A_1241 = arith.constant 0 : i32
    %dma_wait3A_1242 = tpu.memref_slice %dma_wait3A_1240[%add3A_445, %dma_wait3A_1241] : memref<4096x768xf32, #tpu.memory_space<hbm>> -> memref<16x768xf32, #tpu.memory_space<hbm>>
    %dma_wait3A_1243 = arith.constant 0 : i32
    %dma_wait3A_1244 = arith.constant 0 : i32
    %dma_wait3A_1245 = tpu.memref_slice %arg2[%select_n3A_427, %dma_wait3A_1243, %dma_wait3A_1244] : memref<4x4096x768xf32, #tpu.memory_space<hbm>> -> memref<1x4096x768xf32, #tpu.memory_space<hbm>>
    %dma_wait3A_1246 = tpu.memref_squeeze %dma_wait3A_1245 : memref<1x4096x768xf32, #tpu.memory_space<hbm>> -> memref<4096x768xf32, #tpu.memory_space<hbm>>
    %dma_wait3A_1247 = arith.constant 0 : i32
    %dma_wait3A_1248 = tpu.memref_slice %dma_wait3A_1246[%add3A_445, %dma_wait3A_1247] : memref<4096x768xf32, #tpu.memory_space<hbm>> -> memref<16x768xf32, #tpu.memory_space<hbm>>
    tpu.wait_dma2 semaphore(%arg4 : memref<!tpu.dma_semaphore, #tpu.memory_space<semaphore_mem>>) src(%arg3 : memref<16x768xf32, #tpu.memory_space<vmem>>) dst(%dma_wait3A_1248 : memref<16x768xf32, #tpu.memory_space<hbm>>)
    %dma_wait3A_1249 = arith.constant 0 : i32
    %dma_wait3A_1250 = arith.constant 0 : i32
    %dma_wait3A_1251 = tpu.memref_slice %arg2[%select_n3A_485, %dma_wait3A_1249, %dma_wait3A_1250] : memref<4x4096x768xf32, #tpu.memory_space<hbm>> -> memref<1x4096x768xf32, #tpu.memory_space<hbm>>
    %dma_wait3A_1252 = tpu.memref_squeeze %dma_wait3A_1251 : memref<1x4096x768xf32, #tpu.memory_space<hbm>> -> memref<4096x768xf32, #tpu.memory_space<hbm>>
    %dma_wait3A_1253 = arith.constant 0 : i32
    %dma_wait3A_1254 = tpu.memref_slice %dma_wait3A_1252[%add3A_503, %dma_wait3A_1253] : memref<4096x768xf32, #tpu.memory_space<hbm>> -> memref<16x768xf32, #tpu.memory_space<hbm>>
    %dma_wait3A_1255 = arith.constant 0 : i32
    %dma_wait3A_1256 = arith.constant 0 : i32
    %dma_wait3A_1257 = tpu.memref_slice %arg2[%select_n3A_485, %dma_wait3A_1255, %dma_wait3A_1256] : memref<4x4096x768xf32, #tpu.memory_space<hbm>> -> memref<1x4096x768xf32, #tpu.memory_space<hbm>>
    %dma_wait3A_1258 = tpu.memref_squeeze %dma_wait3A_1257 : memref<1x4096x768xf32, #tpu.memory_space<hbm>> -> memref<4096x768xf32, #tpu.memory_space<hbm>>
    %dma_wait3A_1259 = arith.constant 0 : i32
    %dma_wait3A_1260 = tpu.memref_slice %dma_wait3A_1258[%add3A_503, %dma_wait3A_1259] : memref<4096x768xf32, #tpu.memory_space<hbm>> -> memref<16x768xf32, #tpu.memory_space<hbm>>
    tpu.wait_dma2 semaphore(%arg4 : memref<!tpu.dma_semaphore, #tpu.memory_space<semaphore_mem>>) src(%arg3 : memref<16x768xf32, #tpu.memory_space<vmem>>) dst(%dma_wait3A_1260 : memref<16x768xf32, #tpu.memory_space<hbm>>)
    %dma_wait3A_1261 = arith.constant 0 : i32
    %dma_wait3A_1262 = arith.constant 0 : i32
    %dma_wait3A_1263 = tpu.memref_slice %arg2[%select_n3A_543, %dma_wait3A_1261, %dma_wait3A_1262] : memref<4x4096x768xf32, #tpu.memory_space<hbm>> -> memref<1x4096x768xf32, #tpu.memory_space<hbm>>
    %dma_wait3A_1264 = tpu.memref_squeeze %dma_wait3A_1263 : memref<1x4096x768xf32, #tpu.memory_space<hbm>> -> memref<4096x768xf32, #tpu.memory_space<hbm>>
    %dma_wait3A_1265 = arith.constant 0 : i32
    %dma_wait3A_1266 = tpu.memref_slice %dma_wait3A_1264[%add3A_561, %dma_wait3A_1265] : memref<4096x768xf32, #tpu.memory_space<hbm>> -> memref<16x768xf32, #tpu.memory_space<hbm>>
    %dma_wait3A_1267 = arith.constant 0 : i32
    %dma_wait3A_1268 = arith.constant 0 : i32
    %dma_wait3A_1269 = tpu.memref_slice %arg2[%select_n3A_543, %dma_wait3A_1267, %dma_wait3A_1268] : memref<4x4096x768xf32, #tpu.memory_space<hbm>> -> memref<1x4096x768xf32, #tpu.memory_space<hbm>>
    %dma_wait3A_1270 = tpu.memref_squeeze %dma_wait3A_1269 : memref<1x4096x768xf32, #tpu.memory_space<hbm>> -> memref<4096x768xf32, #tpu.memory_space<hbm>>
    %dma_wait3A_1271 = arith.constant 0 : i32
    %dma_wait3A_1272 = tpu.memref_slice %dma_wait3A_1270[%add3A_561, %dma_wait3A_1271] : memref<4096x768xf32, #tpu.memory_space<hbm>> -> memref<16x768xf32, #tpu.memory_space<hbm>>
    tpu.wait_dma2 semaphore(%arg4 : memref<!tpu.dma_semaphore, #tpu.memory_space<semaphore_mem>>) src(%arg3 : memref<16x768xf32, #tpu.memory_space<vmem>>) dst(%dma_wait3A_1272 : memref<16x768xf32, #tpu.memory_space<hbm>>)
    %dma_wait3A_1273 = arith.constant 0 : i32
    %dma_wait3A_1274 = arith.constant 0 : i32
    %dma_wait3A_1275 = tpu.memref_slice %arg2[%select_n3A_601, %dma_wait3A_1273, %dma_wait3A_1274] : memref<4x4096x768xf32, #tpu.memory_space<hbm>> -> memref<1x4096x768xf32, #tpu.memory_space<hbm>>
    %dma_wait3A_1276 = tpu.memref_squeeze %dma_wait3A_1275 : memref<1x4096x768xf32, #tpu.memory_space<hbm>> -> memref<4096x768xf32, #tpu.memory_space<hbm>>
    %dma_wait3A_1277 = arith.constant 0 : i32
    %dma_wait3A_1278 = tpu.memref_slice %dma_wait3A_1276[%add3A_619, %dma_wait3A_1277] : memref<4096x768xf32, #tpu.memory_space<hbm>> -> memref<16x768xf32, #tpu.memory_space<hbm>>
    %dma_wait3A_1279 = arith.constant 0 : i32
    %dma_wait3A_1280 = arith.constant 0 : i32
    %dma_wait3A_1281 = tpu.memref_slice %arg2[%select_n3A_601, %dma_wait3A_1279, %dma_wait3A_1280] : memref<4x4096x768xf32, #tpu.memory_space<hbm>> -> memref<1x4096x768xf32, #tpu.memory_space<hbm>>
    %dma_wait3A_1282 = tpu.memref_squeeze %dma_wait3A_1281 : memref<1x4096x768xf32, #tpu.memory_space<hbm>> -> memref<4096x768xf32, #tpu.memory_space<hbm>>
    %dma_wait3A_1283 = arith.constant 0 : i32
    %dma_wait3A_1284 = tpu.memref_slice %dma_wait3A_1282[%add3A_619, %dma_wait3A_1283] : memref<4096x768xf32, #tpu.memory_space<hbm>> -> memref<16x768xf32, #tpu.memory_space<hbm>>
    tpu.wait_dma2 semaphore(%arg4 : memref<!tpu.dma_semaphore, #tpu.memory_space<semaphore_mem>>) src(%arg3 : memref<16x768xf32, #tpu.memory_space<vmem>>) dst(%dma_wait3A_1284 : memref<16x768xf32, #tpu.memory_space<hbm>>)
    %dma_wait3A_1285 = arith.constant 0 : i32
    %dma_wait3A_1286 = arith.constant 0 : i32
    %dma_wait3A_1287 = tpu.memref_slice %arg2[%select_n3A_659, %dma_wait3A_1285, %dma_wait3A_1286] : memref<4x4096x768xf32, #tpu.memory_space<hbm>> -> memref<1x4096x768xf32, #tpu.memory_space<hbm>>
    %dma_wait3A_1288 = tpu.memref_squeeze %dma_wait3A_1287 : memref<1x4096x768xf32, #tpu.memory_space<hbm>> -> memref<4096x768xf32, #tpu.memory_space<hbm>>
    %dma_wait3A_1289 = arith.constant 0 : i32
    %dma_wait3A_1290 = tpu.memref_slice %dma_wait3A_1288[%add3A_677, %dma_wait3A_1289] : memref<4096x768xf32, #tpu.memory_space<hbm>> -> memref<16x768xf32, #tpu.memory_space<hbm>>
    %dma_wait3A_1291 = arith.constant 0 : i32
    %dma_wait3A_1292 = arith.constant 0 : i32
    %dma_wait3A_1293 = tpu.memref_slice %arg2[%select_n3A_659, %dma_wait3A_1291, %dma_wait3A_1292] : memref<4x4096x768xf32, #tpu.memory_space<hbm>> -> memref<1x4096x768xf32, #tpu.memory_space<hbm>>
    %dma_wait3A_1294 = tpu.memref_squeeze %dma_wait3A_1293 : memref<1x4096x768xf32, #tpu.memory_space<hbm>> -> memref<4096x768xf32, #tpu.memory_space<hbm>>
    %dma_wait3A_1295 = arith.constant 0 : i32
    %dma_wait3A_1296 = tpu.memref_slice %dma_wait3A_1294[%add3A_677, %dma_wait3A_1295] : memref<4096x768xf32, #tpu.memory_space<hbm>> -> memref<16x768xf32, #tpu.memory_space<hbm>>
    tpu.wait_dma2 semaphore(%arg4 : memref<!tpu.dma_semaphore, #tpu.memory_space<semaphore_mem>>) src(%arg3 : memref<16x768xf32, #tpu.memory_space<vmem>>) dst(%dma_wait3A_1296 : memref<16x768xf32, #tpu.memory_space<hbm>>)
    %dma_wait3A_1297 = arith.constant 0 : i32
    %dma_wait3A_1298 = arith.constant 0 : i32
    %dma_wait3A_1299 = tpu.memref_slice %arg2[%select_n3A_717, %dma_wait3A_1297, %dma_wait3A_1298] : memref<4x4096x768xf32, #tpu.memory_space<hbm>> -> memref<1x4096x768xf32, #tpu.memory_space<hbm>>
    %dma_wait3A_1300 = tpu.memref_squeeze %dma_wait3A_1299 : memref<1x4096x768xf32, #tpu.memory_space<hbm>> -> memref<4096x768xf32, #tpu.memory_space<hbm>>
    %dma_wait3A_1301 = arith.constant 0 : i32
    %dma_wait3A_1302 = tpu.memref_slice %dma_wait3A_1300[%add3A_735, %dma_wait3A_1301] : memref<4096x768xf32, #tpu.memory_space<hbm>> -> memref<16x768xf32, #tpu.memory_space<hbm>>
    %dma_wait3A_1303 = arith.constant 0 : i32
    %dma_wait3A_1304 = arith.constant 0 : i32
    %dma_wait3A_1305 = tpu.memref_slice %arg2[%select_n3A_717, %dma_wait3A_1303, %dma_wait3A_1304] : memref<4x4096x768xf32, #tpu.memory_space<hbm>> -> memref<1x4096x768xf32, #tpu.memory_space<hbm>>
    %dma_wait3A_1306 = tpu.memref_squeeze %dma_wait3A_1305 : memref<1x4096x768xf32, #tpu.memory_space<hbm>> -> memref<4096x768xf32, #tpu.memory_space<hbm>>
    %dma_wait3A_1307 = arith.constant 0 : i32
    %dma_wait3A_1308 = tpu.memref_slice %dma_wait3A_1306[%add3A_735, %dma_wait3A_1307] : memref<4096x768xf32, #tpu.memory_space<hbm>> -> memref<16x768xf32, #tpu.memory_space<hbm>>
    tpu.wait_dma2 semaphore(%arg4 : memref<!tpu.dma_semaphore, #tpu.memory_space<semaphore_mem>>) src(%arg3 : memref<16x768xf32, #tpu.memory_space<vmem>>) dst(%dma_wait3A_1308 : memref<16x768xf32, #tpu.memory_space<hbm>>)
    %dma_wait3A_1309 = arith.constant 0 : i32
    %dma_wait3A_1310 = arith.constant 0 : i32
    %dma_wait3A_1311 = tpu.memref_slice %arg2[%select_n3A_775, %dma_wait3A_1309, %dma_wait3A_1310] : memref<4x4096x768xf32, #tpu.memory_space<hbm>> -> memref<1x4096x768xf32, #tpu.memory_space<hbm>>
    %dma_wait3A_1312 = tpu.memref_squeeze %dma_wait3A_1311 : memref<1x4096x768xf32, #tpu.memory_space<hbm>> -> memref<4096x768xf32, #tpu.memory_space<hbm>>
    %dma_wait3A_1313 = arith.constant 0 : i32
    %dma_wait3A_1314 = tpu.memref_slice %dma_wait3A_1312[%add3A_793, %dma_wait3A_1313] : memref<4096x768xf32, #tpu.memory_space<hbm>> -> memref<16x768xf32, #tpu.memory_space<hbm>>
    %dma_wait3A_1315 = arith.constant 0 : i32
    %dma_wait3A_1316 = arith.constant 0 : i32
    %dma_wait3A_1317 = tpu.memref_slice %arg2[%select_n3A_775, %dma_wait3A_1315, %dma_wait3A_1316] : memref<4x4096x768xf32, #tpu.memory_space<hbm>> -> memref<1x4096x768xf32, #tpu.memory_space<hbm>>
    %dma_wait3A_1318 = tpu.memref_squeeze %dma_wait3A_1317 : memref<1x4096x768xf32, #tpu.memory_space<hbm>> -> memref<4096x768xf32, #tpu.memory_space<hbm>>
    %dma_wait3A_1319 = arith.constant 0 : i32
    %dma_wait3A_1320 = tpu.memref_slice %dma_wait3A_1318[%add3A_793, %dma_wait3A_1319] : memref<4096x768xf32, #tpu.memory_space<hbm>> -> memref<16x768xf32, #tpu.memory_space<hbm>>
    tpu.wait_dma2 semaphore(%arg4 : memref<!tpu.dma_semaphore, #tpu.memory_space<semaphore_mem>>) src(%arg3 : memref<16x768xf32, #tpu.memory_space<vmem>>) dst(%dma_wait3A_1320 : memref<16x768xf32, #tpu.memory_space<hbm>>)
    %dma_wait3A_1321 = arith.constant 0 : i32
    %dma_wait3A_1322 = arith.constant 0 : i32
    %dma_wait3A_1323 = tpu.memref_slice %arg2[%select_n3A_833, %dma_wait3A_1321, %dma_wait3A_1322] : memref<4x4096x768xf32, #tpu.memory_space<hbm>> -> memref<1x4096x768xf32, #tpu.memory_space<hbm>>
    %dma_wait3A_1324 = tpu.memref_squeeze %dma_wait3A_1323 : memref<1x4096x768xf32, #tpu.memory_space<hbm>> -> memref<4096x768xf32, #tpu.memory_space<hbm>>
    %dma_wait3A_1325 = arith.constant 0 : i32
    %dma_wait3A_1326 = tpu.memref_slice %dma_wait3A_1324[%add3A_851, %dma_wait3A_1325] : memref<4096x768xf32, #tpu.memory_space<hbm>> -> memref<16x768xf32, #tpu.memory_space<hbm>>
    %dma_wait3A_1327 = arith.constant 0 : i32
    %dma_wait3A_1328 = arith.constant 0 : i32
    %dma_wait3A_1329 = tpu.memref_slice %arg2[%select_n3A_833, %dma_wait3A_1327, %dma_wait3A_1328] : memref<4x4096x768xf32, #tpu.memory_space<hbm>> -> memref<1x4096x768xf32, #tpu.memory_space<hbm>>
    %dma_wait3A_1330 = tpu.memref_squeeze %dma_wait3A_1329 : memref<1x4096x768xf32, #tpu.memory_space<hbm>> -> memref<4096x768xf32, #tpu.memory_space<hbm>>
    %dma_wait3A_1331 = arith.constant 0 : i32
    %dma_wait3A_1332 = tpu.memref_slice %dma_wait3A_1330[%add3A_851, %dma_wait3A_1331] : memref<4096x768xf32, #tpu.memory_space<hbm>> -> memref<16x768xf32, #tpu.memory_space<hbm>>
    tpu.wait_dma2 semaphore(%arg4 : memref<!tpu.dma_semaphore, #tpu.memory_space<semaphore_mem>>) src(%arg3 : memref<16x768xf32, #tpu.memory_space<vmem>>) dst(%dma_wait3A_1332 : memref<16x768xf32, #tpu.memory_space<hbm>>)
    %dma_wait3A_1333 = arith.constant 0 : i32
    %dma_wait3A_1334 = arith.constant 0 : i32
    %dma_wait3A_1335 = tpu.memref_slice %arg2[%select_n3A_891, %dma_wait3A_1333, %dma_wait3A_1334] : memref<4x4096x768xf32, #tpu.memory_space<hbm>> -> memref<1x4096x768xf32, #tpu.memory_space<hbm>>
    %dma_wait3A_1336 = tpu.memref_squeeze %dma_wait3A_1335 : memref<1x4096x768xf32, #tpu.memory_space<hbm>> -> memref<4096x768xf32, #tpu.memory_space<hbm>>
    %dma_wait3A_1337 = arith.constant 0 : i32
    %dma_wait3A_1338 = tpu.memref_slice %dma_wait3A_1336[%add3A_909, %dma_wait3A_1337] : memref<4096x768xf32, #tpu.memory_space<hbm>> -> memref<16x768xf32, #tpu.memory_space<hbm>>
    %dma_wait3A_1339 = arith.constant 0 : i32
    %dma_wait3A_1340 = arith.constant 0 : i32
    %dma_wait3A_1341 = tpu.memref_slice %arg2[%select_n3A_891, %dma_wait3A_1339, %dma_wait3A_1340] : memref<4x4096x768xf32, #tpu.memory_space<hbm>> -> memref<1x4096x768xf32, #tpu.memory_space<hbm>>
    %dma_wait3A_1342 = tpu.memref_squeeze %dma_wait3A_1341 : memref<1x4096x768xf32, #tpu.memory_space<hbm>> -> memref<4096x768xf32, #tpu.memory_space<hbm>>
    %dma_wait3A_1343 = arith.constant 0 : i32
    %dma_wait3A_1344 = tpu.memref_slice %dma_wait3A_1342[%add3A_909, %dma_wait3A_1343] : memref<4096x768xf32, #tpu.memory_space<hbm>> -> memref<16x768xf32, #tpu.memory_space<hbm>>
    tpu.wait_dma2 semaphore(%arg4 : memref<!tpu.dma_semaphore, #tpu.memory_space<semaphore_mem>>) src(%arg3 : memref<16x768xf32, #tpu.memory_space<vmem>>) dst(%dma_wait3A_1344 : memref<16x768xf32, #tpu.memory_space<hbm>>)
    %dma_wait3A_1345 = arith.constant 0 : i32
    %dma_wait3A_1346 = arith.constant 0 : i32
    %dma_wait3A_1347 = tpu.memref_slice %arg2[%select_n3A_949, %dma_wait3A_1345, %dma_wait3A_1346] : memref<4x4096x768xf32, #tpu.memory_space<hbm>> -> memref<1x4096x768xf32, #tpu.memory_space<hbm>>
    %dma_wait3A_1348 = tpu.memref_squeeze %dma_wait3A_1347 : memref<1x4096x768xf32, #tpu.memory_space<hbm>> -> memref<4096x768xf32, #tpu.memory_space<hbm>>
    %dma_wait3A_1349 = arith.constant 0 : i32
    %dma_wait3A_1350 = tpu.memref_slice %dma_wait3A_1348[%add3A_967, %dma_wait3A_1349] : memref<4096x768xf32, #tpu.memory_space<hbm>> -> memref<16x768xf32, #tpu.memory_space<hbm>>
    %dma_wait3A_1351 = arith.constant 0 : i32
    %dma_wait3A_1352 = arith.constant 0 : i32
    %dma_wait3A_1353 = tpu.memref_slice %arg2[%select_n3A_949, %dma_wait3A_1351, %dma_wait3A_1352] : memref<4x4096x768xf32, #tpu.memory_space<hbm>> -> memref<1x4096x768xf32, #tpu.memory_space<hbm>>
    %dma_wait3A_1354 = tpu.memref_squeeze %dma_wait3A_1353 : memref<1x4096x768xf32, #tpu.memory_space<hbm>> -> memref<4096x768xf32, #tpu.memory_space<hbm>>
    %dma_wait3A_1355 = arith.constant 0 : i32
    %dma_wait3A_1356 = tpu.memref_slice %dma_wait3A_1354[%add3A_967, %dma_wait3A_1355] : memref<4096x768xf32, #tpu.memory_space<hbm>> -> memref<16x768xf32, #tpu.memory_space<hbm>>
    tpu.wait_dma2 semaphore(%arg4 : memref<!tpu.dma_semaphore, #tpu.memory_space<semaphore_mem>>) src(%arg3 : memref<16x768xf32, #tpu.memory_space<vmem>>) dst(%dma_wait3A_1356 : memref<16x768xf32, #tpu.memory_space<hbm>>)
    %dma_wait3A_1357 = arith.constant 0 : i32
    %dma_wait3A_1358 = arith.constant 0 : i32
    %dma_wait3A_1359 = tpu.memref_slice %arg2[%select_n3A_1007, %dma_wait3A_1357, %dma_wait3A_1358] : memref<4x4096x768xf32, #tpu.memory_space<hbm>> -> memref<1x4096x768xf32, #tpu.memory_space<hbm>>
    %dma_wait3A_1360 = tpu.memref_squeeze %dma_wait3A_1359 : memref<1x4096x768xf32, #tpu.memory_space<hbm>> -> memref<4096x768xf32, #tpu.memory_space<hbm>>
    %dma_wait3A_1361 = arith.constant 0 : i32
    %dma_wait3A_1362 = tpu.memref_slice %dma_wait3A_1360[%add3A_1025, %dma_wait3A_1361] : memref<4096x768xf32, #tpu.memory_space<hbm>> -> memref<16x768xf32, #tpu.memory_space<hbm>>
    %dma_wait3A_1363 = arith.constant 0 : i32
    %dma_wait3A_1364 = arith.constant 0 : i32
    %dma_wait3A_1365 = tpu.memref_slice %arg2[%select_n3A_1007, %dma_wait3A_1363, %dma_wait3A_1364] : memref<4x4096x768xf32, #tpu.memory_space<hbm>> -> memref<1x4096x768xf32, #tpu.memory_space<hbm>>
    %dma_wait3A_1366 = tpu.memref_squeeze %dma_wait3A_1365 : memref<1x4096x768xf32, #tpu.memory_space<hbm>> -> memref<4096x768xf32, #tpu.memory_space<hbm>>
    %dma_wait3A_1367 = arith.constant 0 : i32
    %dma_wait3A_1368 = tpu.memref_slice %dma_wait3A_1366[%add3A_1025, %dma_wait3A_1367] : memref<4096x768xf32, #tpu.memory_space<hbm>> -> memref<16x768xf32, #tpu.memory_space<hbm>>
    tpu.wait_dma2 semaphore(%arg4 : memref<!tpu.dma_semaphore, #tpu.memory_space<semaphore_mem>>) src(%arg3 : memref<16x768xf32, #tpu.memory_space<vmem>>) dst(%dma_wait3A_1368 : memref<16x768xf32, #tpu.memory_space<hbm>>)
    %dma_wait3A_1369 = arith.constant 0 : i32
    %dma_wait3A_1370 = arith.constant 0 : i32
    %dma_wait3A_1371 = tpu.memref_slice %arg2[%select_n3A_1065, %dma_wait3A_1369, %dma_wait3A_1370] : memref<4x4096x768xf32, #tpu.memory_space<hbm>> -> memref<1x4096x768xf32, #tpu.memory_space<hbm>>
    %dma_wait3A_1372 = tpu.memref_squeeze %dma_wait3A_1371 : memref<1x4096x768xf32, #tpu.memory_space<hbm>> -> memref<4096x768xf32, #tpu.memory_space<hbm>>
    %dma_wait3A_1373 = arith.constant 0 : i32
    %dma_wait3A_1374 = tpu.memref_slice %dma_wait3A_1372[%add3A_1083, %dma_wait3A_1373] : memref<4096x768xf32, #tpu.memory_space<hbm>> -> memref<16x768xf32, #tpu.memory_space<hbm>>
    %dma_wait3A_1375 = arith.constant 0 : i32
    %dma_wait3A_1376 = arith.constant 0 : i32
    %dma_wait3A_1377 = tpu.memref_slice %arg2[%select_n3A_1065, %dma_wait3A_1375, %dma_wait3A_1376] : memref<4x4096x768xf32, #tpu.memory_space<hbm>> -> memref<1x4096x768xf32, #tpu.memory_space<hbm>>
    %dma_wait3A_1378 = tpu.memref_squeeze %dma_wait3A_1377 : memref<1x4096x768xf32, #tpu.memory_space<hbm>> -> memref<4096x768xf32, #tpu.memory_space<hbm>>
    %dma_wait3A_1379 = arith.constant 0 : i32
    %dma_wait3A_1380 = tpu.memref_slice %dma_wait3A_1378[%add3A_1083, %dma_wait3A_1379] : memref<4096x768xf32, #tpu.memory_space<hbm>> -> memref<16x768xf32, #tpu.memory_space<hbm>>
    tpu.wait_dma2 semaphore(%arg4 : memref<!tpu.dma_semaphore, #tpu.memory_space<semaphore_mem>>) src(%arg3 : memref<16x768xf32, #tpu.memory_space<vmem>>) dst(%dma_wait3A_1380 : memref<16x768xf32, #tpu.memory_space<hbm>>)
    %dma_wait3A_1381 = arith.constant 0 : i32
    %dma_wait3A_1382 = arith.constant 0 : i32
    %dma_wait3A_1383 = tpu.memref_slice %arg2[%select_n3A_1123, %dma_wait3A_1381, %dma_wait3A_1382] : memref<4x4096x768xf32, #tpu.memory_space<hbm>> -> memref<1x4096x768xf32, #tpu.memory_space<hbm>>
    %dma_wait3A_1384 = tpu.memref_squeeze %dma_wait3A_1383 : memref<1x4096x768xf32, #tpu.memory_space<hbm>> -> memref<4096x768xf32, #tpu.memory_space<hbm>>
    %dma_wait3A_1385 = arith.constant 0 : i32
    %dma_wait3A_1386 = tpu.memref_slice %dma_wait3A_1384[%add3A_1141, %dma_wait3A_1385] : memref<4096x768xf32, #tpu.memory_space<hbm>> -> memref<16x768xf32, #tpu.memory_space<hbm>>
    %dma_wait3A_1387 = arith.constant 0 : i32
    %dma_wait3A_1388 = arith.constant 0 : i32
    %dma_wait3A_1389 = tpu.memref_slice %arg2[%select_n3A_1123, %dma_wait3A_1387, %dma_wait3A_1388] : memref<4x4096x768xf32, #tpu.memory_space<hbm>> -> memref<1x4096x768xf32, #tpu.memory_space<hbm>>
    %dma_wait3A_1390 = tpu.memref_squeeze %dma_wait3A_1389 : memref<1x4096x768xf32, #tpu.memory_space<hbm>> -> memref<4096x768xf32, #tpu.memory_space<hbm>>
    %dma_wait3A_1391 = arith.constant 0 : i32
    %dma_wait3A_1392 = tpu.memref_slice %dma_wait3A_1390[%add3A_1141, %dma_wait3A_1391] : memref<4096x768xf32, #tpu.memory_space<hbm>> -> memref<16x768xf32, #tpu.memory_space<hbm>>
    tpu.wait_dma2 semaphore(%arg4 : memref<!tpu.dma_semaphore, #tpu.memory_space<semaphore_mem>>) src(%arg3 : memref<16x768xf32, #tpu.memory_space<vmem>>) dst(%dma_wait3A_1392 : memref<16x768xf32, #tpu.memory_space<hbm>>)
    return
  }
}

module attributes {stable_mosaic.version = 14 : i64} {
  func.func @_write_body(%arg0: memref<4x8x768xf32, #tpu.memory_space<vmem>>, %arg1: memref<4x8x768xf32, #tpu.memory_space<vmem>>, %arg2: memref<4x4096x768xf32, #tpu.memory_space<any>>, %arg3: memref<4x4096x768xf32, #tpu.memory_space<any>>, %arg4: memref<4x4096x768xf32, #tpu.memory_space<any>>, %arg5: memref<4x512x768xf32, #tpu.memory_space<vmem>>, %arg6: memref<13x!tpu.dma_semaphore, #tpu.memory_space<semaphore_mem>>) attributes {dimension_semantics = [], scalar_prefetch = 0 : i64, scratch_operands = 2 : i64, tpu.core_type = #tpu.core_type<tc>} {
    %broadcast_in_dim3A = arith.constant 0.000000e+00 : f32
    %broadcast_in_dim3A_0 = vector.broadcast %broadcast_in_dim3A : f32 to vector<4x512x768xf32>
    %swap3A = arith.constant 0 : index
    %swap3A_1 = arith.constant 0 : index
    %swap3A_2 = arith.constant 0 : index
    %swap3A_3 = vector.load %arg5[%swap3A, %swap3A_1, %swap3A_2] : memref<4x512x768xf32, #tpu.memory_space<vmem>>, vector<4x512x768xf32>
    tpu.vector_store %arg5[%swap3A, %swap3A_1, %swap3A_2], %broadcast_in_dim3A_0 {strides = array<i32>} : memref<4x512x768xf32, #tpu.memory_space<vmem>>, vector<4x512x768xf32>,
    %dma_start3A = arith.constant 0 : i32
    %dma_start3A_4 = tpu.memref_slice %arg6[%dma_start3A] : memref<13x!tpu.dma_semaphore, #tpu.memory_space<semaphore_mem>> -> memref<1x!tpu.dma_semaphore, #tpu.memory_space<semaphore_mem>>
    %dma_start3A_5 = tpu.memref_squeeze %dma_start3A_4 : memref<1x!tpu.dma_semaphore, #tpu.memory_space<semaphore_mem>> -> memref<!tpu.dma_semaphore, #tpu.memory_space<semaphore_mem>>
    %dma_start3A_6 = arith.constant 0 : i32
    %dma_start3A_7 = arith.constant 0 : i32
    %dma_start3A_8 = arith.constant 0 : i32
    %dma_start3A_9 = tpu.memref_slice %arg3[%dma_start3A_6, %dma_start3A_7, %dma_start3A_8] : memref<4x4096x768xf32, #tpu.memory_space<any>> -> memref<4x8x768xf32, #tpu.memory_space<any>>
    tpu.enqueue_dma source(%arg0 : memref<4x8x768xf32, #tpu.memory_space<vmem>>) target(%dma_start3A_9 : memref<4x8x768xf32, #tpu.memory_space<any>>) target_semaphore(%dma_start3A_5 : memref<!tpu.dma_semaphore, #tpu.memory_space<semaphore_mem>>)
    %dma_start3A_10 = arith.constant 1 : i32
    %dma_start3A_11 = tpu.memref_slice %arg6[%dma_start3A_10] : memref<13x!tpu.dma_semaphore, #tpu.memory_space<semaphore_mem>> -> memref<1x!tpu.dma_semaphore, #tpu.memory_space<semaphore_mem>>
    %dma_start3A_12 = tpu.memref_squeeze %dma_start3A_11 : memref<1x!tpu.dma_semaphore, #tpu.memory_space<semaphore_mem>> -> memref<!tpu.dma_semaphore, #tpu.memory_space<semaphore_mem>>
    %dma_start3A_13 = arith.constant 0 : i32
    %dma_start3A_14 = arith.constant 0 : i32
    %dma_start3A_15 = arith.constant 0 : i32
    %dma_start3A_16 = tpu.memref_slice %arg4[%dma_start3A_13, %dma_start3A_14, %dma_start3A_15] : memref<4x4096x768xf32, #tpu.memory_space<any>> -> memref<4x8x768xf32, #tpu.memory_space<any>>
    tpu.enqueue_dma source(%arg1 : memref<4x8x768xf32, #tpu.memory_space<vmem>>) target(%dma_start3A_16 : memref<4x8x768xf32, #tpu.memory_space<any>>) target_semaphore(%dma_start3A_12 : memref<!tpu.dma_semaphore, #tpu.memory_space<semaphore_mem>>)
    %dma_start3A_17 = arith.constant 2 : i32
    %dma_start3A_18 = tpu.memref_slice %arg6[%dma_start3A_17] : memref<13x!tpu.dma_semaphore, #tpu.memory_space<semaphore_mem>> -> memref<1x!tpu.dma_semaphore, #tpu.memory_space<semaphore_mem>>
    %dma_start3A_19 = tpu.memref_squeeze %dma_start3A_18 : memref<1x!tpu.dma_semaphore, #tpu.memory_space<semaphore_mem>> -> memref<!tpu.dma_semaphore, #tpu.memory_space<semaphore_mem>>
    %dma_start3A_20 = arith.constant 0 : i32
    %dma_start3A_21 = arith.constant 8 : i32
    %dma_start3A_22 = arith.constant 0 : i32
    %dma_start3A_23 = tpu.memref_slice %arg3[%dma_start3A_20, %dma_start3A_21, %dma_start3A_22] : memref<4x4096x768xf32, #tpu.memory_space<any>> -> memref<4x504x768xf32, #tpu.memory_space<any>>
    %dma_start3A_24 = arith.constant 0 : i32
    %dma_start3A_25 = arith.constant 0 : i32
    %dma_start3A_26 = arith.constant 0 : i32
    %dma_start3A_27 = tpu.memref_slice %arg5[%dma_start3A_24, %dma_start3A_25, %dma_start3A_26] : memref<4x512x768xf32, #tpu.memory_space<vmem>> -> memref<4x504x768xf32, #tpu.memory_space<vmem>>
    tpu.enqueue_dma source(%dma_start3A_27 : memref<4x504x768xf32, #tpu.memory_space<vmem>>) target(%dma_start3A_23 : memref<4x504x768xf32, #tpu.memory_space<any>>) target_semaphore(%dma_start3A_19 : memref<!tpu.dma_semaphore, #tpu.memory_space<semaphore_mem>>)
    %dma_start3A_28 = arith.constant 3 : i32
    %dma_start3A_29 = tpu.memref_slice %arg6[%dma_start3A_28] : memref<13x!tpu.dma_semaphore, #tpu.memory_space<semaphore_mem>> -> memref<1x!tpu.dma_semaphore, #tpu.memory_space<semaphore_mem>>
    %dma_start3A_30 = tpu.memref_squeeze %dma_start3A_29 : memref<1x!tpu.dma_semaphore, #tpu.memory_space<semaphore_mem>> -> memref<!tpu.dma_semaphore, #tpu.memory_space<semaphore_mem>>
    %dma_start3A_31 = arith.constant 0 : i32
    %dma_start3A_32 = arith.constant 8 : i32
    %dma_start3A_33 = arith.constant 0 : i32
    %dma_start3A_34 = tpu.memref_slice %arg4[%dma_start3A_31, %dma_start3A_32, %dma_start3A_33] : memref<4x4096x768xf32, #tpu.memory_space<any>> -> memref<4x504x768xf32, #tpu.memory_space<any>>
    %dma_start3A_35 = arith.constant 0 : i32
    %dma_start3A_36 = arith.constant 0 : i32
    %dma_start3A_37 = arith.constant 0 : i32
    %dma_start3A_38 = tpu.memref_slice %arg5[%dma_start3A_35, %dma_start3A_36, %dma_start3A_37] : memref<4x512x768xf32, #tpu.memory_space<vmem>> -> memref<4x504x768xf32, #tpu.memory_space<vmem>>
    tpu.enqueue_dma source(%dma_start3A_38 : memref<4x504x768xf32, #tpu.memory_space<vmem>>) target(%dma_start3A_34 : memref<4x504x768xf32, #tpu.memory_space<any>>) target_semaphore(%dma_start3A_30 : memref<!tpu.dma_semaphore, #tpu.memory_space<semaphore_mem>>)
    %dma_start3A_39 = arith.constant 4 : i32
    %dma_start3A_40 = tpu.memref_slice %arg6[%dma_start3A_39] : memref<13x!tpu.dma_semaphore, #tpu.memory_space<semaphore_mem>> -> memref<1x!tpu.dma_semaphore, #tpu.memory_space<semaphore_mem>>
    %dma_start3A_41 = tpu.memref_squeeze %dma_start3A_40 : memref<1x!tpu.dma_semaphore, #tpu.memory_space<semaphore_mem>> -> memref<!tpu.dma_semaphore, #tpu.memory_space<semaphore_mem>>
    %dma_start3A_42 = arith.constant 0 : i32
    %dma_start3A_43 = arith.constant 512 : i32
    %dma_start3A_44 = arith.constant 0 : i32
    %dma_start3A_45 = tpu.memref_slice %arg3[%dma_start3A_42, %dma_start3A_43, %dma_start3A_44] : memref<4x4096x768xf32, #tpu.memory_space<any>> -> memref<4x512x768xf32, #tpu.memory_space<any>>
    tpu.enqueue_dma source(%arg5 : memref<4x512x768xf32, #tpu.memory_space<vmem>>) target(%dma_start3A_45 : memref<4x512x768xf32, #tpu.memory_space<any>>) target_semaphore(%dma_start3A_41 : memref<!tpu.dma_semaphore, #tpu.memory_space<semaphore_mem>>)
    %dma_start3A_46 = arith.constant 5 : i32
    %dma_start3A_47 = tpu.memref_slice %arg6[%dma_start3A_46] : memref<13x!tpu.dma_semaphore, #tpu.memory_space<semaphore_mem>> -> memref<1x!tpu.dma_semaphore, #tpu.memory_space<semaphore_mem>>
    %dma_start3A_48 = tpu.memref_squeeze %dma_start3A_47 : memref<1x!tpu.dma_semaphore, #tpu.memory_space<semaphore_mem>> -> memref<!tpu.dma_semaphore, #tpu.memory_space<semaphore_mem>>
    %dma_start3A_49 = arith.constant 0 : i32
    %dma_start3A_50 = arith.constant 1024 : i32
    %dma_start3A_51 = arith.constant 0 : i32
    %dma_start3A_52 = tpu.memref_slice %arg3[%dma_start3A_49, %dma_start3A_50, %dma_start3A_51] : memref<4x4096x768xf32, #tpu.memory_space<any>> -> memref<4x512x768xf32, #tpu.memory_space<any>>
    tpu.enqueue_dma source(%arg5 : memref<4x512x768xf32, #tpu.memory_space<vmem>>) target(%dma_start3A_52 : memref<4x512x768xf32, #tpu.memory_space<any>>) target_semaphore(%dma_start3A_48 : memref<!tpu.dma_semaphore, #tpu.memory_space<semaphore_mem>>)
    %dma_start3A_53 = arith.constant 6 : i32
    %dma_start3A_54 = tpu.memref_slice %arg6[%dma_start3A_53] : memref<13x!tpu.dma_semaphore, #tpu.memory_space<semaphore_mem>> -> memref<1x!tpu.dma_semaphore, #tpu.memory_space<semaphore_mem>>
    %dma_start3A_55 = tpu.memref_squeeze %dma_start3A_54 : memref<1x!tpu.dma_semaphore, #tpu.memory_space<semaphore_mem>> -> memref<!tpu.dma_semaphore, #tpu.memory_space<semaphore_mem>>
    %dma_start3A_56 = arith.constant 0 : i32
    %dma_start3A_57 = arith.constant 1536 : i32
    %dma_start3A_58 = arith.constant 0 : i32
    %dma_start3A_59 = tpu.memref_slice %arg3[%dma_start3A_56, %dma_start3A_57, %dma_start3A_58] : memref<4x4096x768xf32, #tpu.memory_space<any>> -> memref<4x512x768xf32, #tpu.memory_space<any>>
    tpu.enqueue_dma source(%arg5 : memref<4x512x768xf32, #tpu.memory_space<vmem>>) target(%dma_start3A_59 : memref<4x512x768xf32, #tpu.memory_space<any>>) target_semaphore(%dma_start3A_55 : memref<!tpu.dma_semaphore, #tpu.memory_space<semaphore_mem>>)
    %dma_start3A_60 = arith.constant 7 : i32
    %dma_start3A_61 = tpu.memref_slice %arg6[%dma_start3A_60] : memref<13x!tpu.dma_semaphore, #tpu.memory_space<semaphore_mem>> -> memref<1x!tpu.dma_semaphore, #tpu.memory_space<semaphore_mem>>
    %dma_start3A_62 = tpu.memref_squeeze %dma_start3A_61 : memref<1x!tpu.dma_semaphore, #tpu.memory_space<semaphore_mem>> -> memref<!tpu.dma_semaphore, #tpu.memory_space<semaphore_mem>>
    %dma_start3A_63 = arith.constant 0 : i32
    %dma_start3A_64 = arith.constant 2048 : i32
    %dma_start3A_65 = arith.constant 0 : i32
    %dma_start3A_66 = tpu.memref_slice %arg3[%dma_start3A_63, %dma_start3A_64, %dma_start3A_65] : memref<4x4096x768xf32, #tpu.memory_space<any>> -> memref<4x512x768xf32, #tpu.memory_space<any>>
    tpu.enqueue_dma source(%arg5 : memref<4x512x768xf32, #tpu.memory_space<vmem>>) target(%dma_start3A_66 : memref<4x512x768xf32, #tpu.memory_space<any>>) target_semaphore(%dma_start3A_62 : memref<!tpu.dma_semaphore, #tpu.memory_space<semaphore_mem>>)
    %dma_start3A_67 = arith.constant 8 : i32
    %dma_start3A_68 = tpu.memref_slice %arg6[%dma_start3A_67] : memref<13x!tpu.dma_semaphore, #tpu.memory_space<semaphore_mem>> -> memref<1x!tpu.dma_semaphore, #tpu.memory_space<semaphore_mem>>
    %dma_start3A_69 = tpu.memref_squeeze %dma_start3A_68 : memref<1x!tpu.dma_semaphore, #tpu.memory_space<semaphore_mem>> -> memref<!tpu.dma_semaphore, #tpu.memory_space<semaphore_mem>>
    %dma_start3A_70 = arith.constant 0 : i32
    %dma_start3A_71 = arith.constant 2560 : i32
    %dma_start3A_72 = arith.constant 0 : i32
    %dma_start3A_73 = tpu.memref_slice %arg3[%dma_start3A_70, %dma_start3A_71, %dma_start3A_72] : memref<4x4096x768xf32, #tpu.memory_space<any>> -> memref<4x512x768xf32, #tpu.memory_space<any>>
    tpu.enqueue_dma source(%arg5 : memref<4x512x768xf32, #tpu.memory_space<vmem>>) target(%dma_start3A_73 : memref<4x512x768xf32, #tpu.memory_space<any>>) target_semaphore(%dma_start3A_69 : memref<!tpu.dma_semaphore, #tpu.memory_space<semaphore_mem>>)
    %dma_start3A_74 = arith.constant 9 : i32
    %dma_start3A_75 = tpu.memref_slice %arg6[%dma_start3A_74] : memref<13x!tpu.dma_semaphore, #tpu.memory_space<semaphore_mem>> -> memref<1x!tpu.dma_semaphore, #tpu.memory_space<semaphore_mem>>
    %dma_start3A_76 = tpu.memref_squeeze %dma_start3A_75 : memref<1x!tpu.dma_semaphore, #tpu.memory_space<semaphore_mem>> -> memref<!tpu.dma_semaphore, #tpu.memory_space<semaphore_mem>>
    %dma_start3A_77 = arith.constant 0 : i32
    %dma_start3A_78 = arith.constant 3072 : i32
    %dma_start3A_79 = arith.constant 0 : i32
    %dma_start3A_80 = tpu.memref_slice %arg3[%dma_start3A_77, %dma_start3A_78, %dma_start3A_79] : memref<4x4096x768xf32, #tpu.memory_space<any>> -> memref<4x512x768xf32, #tpu.memory_space<any>>
    tpu.enqueue_dma source(%arg5 : memref<4x512x768xf32, #tpu.memory_space<vmem>>) target(%dma_start3A_80 : memref<4x512x768xf32, #tpu.memory_space<any>>) target_semaphore(%dma_start3A_76 : memref<!tpu.dma_semaphore, #tpu.memory_space<semaphore_mem>>)
    %dma_start3A_81 = arith.constant 10 : i32
    %dma_start3A_82 = tpu.memref_slice %arg6[%dma_start3A_81] : memref<13x!tpu.dma_semaphore, #tpu.memory_space<semaphore_mem>> -> memref<1x!tpu.dma_semaphore, #tpu.memory_space<semaphore_mem>>
    %dma_start3A_83 = tpu.memref_squeeze %dma_start3A_82 : memref<1x!tpu.dma_semaphore, #tpu.memory_space<semaphore_mem>> -> memref<!tpu.dma_semaphore, #tpu.memory_space<semaphore_mem>>
    %dma_start3A_84 = arith.constant 0 : i32
    %dma_start3A_85 = arith.constant 3584 : i32
    %dma_start3A_86 = arith.constant 0 : i32
    %dma_start3A_87 = tpu.memref_slice %arg3[%dma_start3A_84, %dma_start3A_85, %dma_start3A_86] : memref<4x4096x768xf32, #tpu.memory_space<any>> -> memref<4x512x768xf32, #tpu.memory_space<any>>
    tpu.enqueue_dma source(%arg5 : memref<4x512x768xf32, #tpu.memory_space<vmem>>) target(%dma_start3A_87 : memref<4x512x768xf32, #tpu.memory_space<any>>) target_semaphore(%dma_start3A_83 : memref<!tpu.dma_semaphore, #tpu.memory_space<semaphore_mem>>)
    %dma_start3A_88 = arith.constant 11 : i32
    %dma_start3A_89 = tpu.memref_slice %arg6[%dma_start3A_88] : memref<13x!tpu.dma_semaphore, #tpu.memory_space<semaphore_mem>> -> memref<1x!tpu.dma_semaphore, #tpu.memory_space<semaphore_mem>>
    %dma_start3A_90 = tpu.memref_squeeze %dma_start3A_89 : memref<1x!tpu.dma_semaphore, #tpu.memory_space<semaphore_mem>> -> memref<!tpu.dma_semaphore, #tpu.memory_space<semaphore_mem>>
    %dma_start3A_91 = arith.constant 0 : i32
    %dma_start3A_92 = arith.constant 512 : i32
    %dma_start3A_93 = arith.constant 0 : i32
    %dma_start3A_94 = tpu.memref_slice %arg4[%dma_start3A_91, %dma_start3A_92, %dma_start3A_93] : memref<4x4096x768xf32, #tpu.memory_space<any>> -> memref<4x512x768xf32, #tpu.memory_space<any>>
    tpu.enqueue_dma source(%arg5 : memref<4x512x768xf32, #tpu.memory_space<vmem>>) target(%dma_start3A_94 : memref<4x512x768xf32, #tpu.memory_space<any>>) target_semaphore(%dma_start3A_90 : memref<!tpu.dma_semaphore, #tpu.memory_space<semaphore_mem>>)
    %dma_start3A_95 = arith.constant 12 : i32
    %dma_start3A_96 = tpu.memref_slice %arg6[%dma_start3A_95] : memref<13x!tpu.dma_semaphore, #tpu.memory_space<semaphore_mem>> -> memref<1x!tpu.dma_semaphore, #tpu.memory_space<semaphore_mem>>
    %dma_start3A_97 = tpu.memref_squeeze %dma_start3A_96 : memref<1x!tpu.dma_semaphore, #tpu.memory_space<semaphore_mem>> -> memref<!tpu.dma_semaphore, #tpu.memory_space<semaphore_mem>>
    %dma_start3A_98 = arith.constant 0 : i32
    %dma_start3A_99 = arith.constant 1024 : i32
    %dma_start3A_100 = arith.constant 0 : i32
    %dma_start3A_101 = tpu.memref_slice %arg4[%dma_start3A_98, %dma_start3A_99, %dma_start3A_100] : memref<4x4096x768xf32, #tpu.memory_space<any>> -> memref<4x512x768xf32, #tpu.memory_space<any>>
    tpu.enqueue_dma source(%arg5 : memref<4x512x768xf32, #tpu.memory_space<vmem>>) target(%dma_start3A_101 : memref<4x512x768xf32, #tpu.memory_space<any>>) target_semaphore(%dma_start3A_97 : memref<!tpu.dma_semaphore, #tpu.memory_space<semaphore_mem>>)
    %dma_wait3A = arith.constant 0 : i32
    %dma_wait3A_102 = tpu.memref_slice %arg6[%dma_wait3A] : memref<13x!tpu.dma_semaphore, #tpu.memory_space<semaphore_mem>> -> memref<1x!tpu.dma_semaphore, #tpu.memory_space<semaphore_mem>>
    %dma_wait3A_103 = tpu.memref_squeeze %dma_wait3A_102 : memref<1x!tpu.dma_semaphore, #tpu.memory_space<semaphore_mem>> -> memref<!tpu.dma_semaphore, #tpu.memory_space<semaphore_mem>>
    %dma_wait3A_104 = arith.constant 0 : i32
    %dma_wait3A_105 = arith.constant 0 : i32
    %dma_wait3A_106 = arith.constant 0 : i32
    %dma_wait3A_107 = tpu.memref_slice %arg3[%dma_wait3A_104, %dma_wait3A_105, %dma_wait3A_106] : memref<4x4096x768xf32, #tpu.memory_space<any>> -> memref<4x8x768xf32, #tpu.memory_space<any>>
    tpu.wait_dma2 semaphore(%dma_wait3A_103 : memref<!tpu.dma_semaphore, #tpu.memory_space<semaphore_mem>>) src(%arg0 : memref<4x8x768xf32, #tpu.memory_space<vmem>>) dst(%dma_wait3A_107 : memref<4x8x768xf32, #tpu.memory_space<any>>)
    %dma_wait3A_108 = arith.constant 1 : i32
    %dma_wait3A_109 = tpu.memref_slice %arg6[%dma_wait3A_108] : memref<13x!tpu.dma_semaphore, #tpu.memory_space<semaphore_mem>> -> memref<1x!tpu.dma_semaphore, #tpu.memory_space<semaphore_mem>>
    %dma_wait3A_110 = tpu.memref_squeeze %dma_wait3A_109 : memref<1x!tpu.dma_semaphore, #tpu.memory_space<semaphore_mem>> -> memref<!tpu.dma_semaphore, #tpu.memory_space<semaphore_mem>>
    %dma_wait3A_111 = arith.constant 0 : i32
    %dma_wait3A_112 = arith.constant 0 : i32
    %dma_wait3A_113 = arith.constant 0 : i32
    %dma_wait3A_114 = tpu.memref_slice %arg4[%dma_wait3A_111, %dma_wait3A_112, %dma_wait3A_113] : memref<4x4096x768xf32, #tpu.memory_space<any>> -> memref<4x8x768xf32, #tpu.memory_space<any>>
    tpu.wait_dma2 semaphore(%dma_wait3A_110 : memref<!tpu.dma_semaphore, #tpu.memory_space<semaphore_mem>>) src(%arg1 : memref<4x8x768xf32, #tpu.memory_space<vmem>>) dst(%dma_wait3A_114 : memref<4x8x768xf32, #tpu.memory_space<any>>)
    %dma_wait3A_115 = arith.constant 2 : i32
    %dma_wait3A_116 = tpu.memref_slice %arg6[%dma_wait3A_115] : memref<13x!tpu.dma_semaphore, #tpu.memory_space<semaphore_mem>> -> memref<1x!tpu.dma_semaphore, #tpu.memory_space<semaphore_mem>>
    %dma_wait3A_117 = tpu.memref_squeeze %dma_wait3A_116 : memref<1x!tpu.dma_semaphore, #tpu.memory_space<semaphore_mem>> -> memref<!tpu.dma_semaphore, #tpu.memory_space<semaphore_mem>>
    %dma_wait3A_118 = arith.constant 0 : i32
    %dma_wait3A_119 = arith.constant 8 : i32
    %dma_wait3A_120 = arith.constant 0 : i32
    %dma_wait3A_121 = tpu.memref_slice %arg3[%dma_wait3A_118, %dma_wait3A_119, %dma_wait3A_120] : memref<4x4096x768xf32, #tpu.memory_space<any>> -> memref<4x504x768xf32, #tpu.memory_space<any>>
    %dma_wait3A_122 = arith.constant 0 : i32
    %dma_wait3A_123 = arith.constant 0 : i32
    %dma_wait3A_124 = arith.constant 0 : i32
    %dma_wait3A_125 = tpu.memref_slice %arg5[%dma_wait3A_122, %dma_wait3A_123, %dma_wait3A_124] : memref<4x512x768xf32, #tpu.memory_space<vmem>> -> memref<4x504x768xf32, #tpu.memory_space<vmem>>
    tpu.wait_dma2 semaphore(%dma_wait3A_117 : memref<!tpu.dma_semaphore, #tpu.memory_space<semaphore_mem>>) src(%dma_wait3A_125 : memref<4x504x768xf32, #tpu.memory_space<vmem>>) dst(%dma_wait3A_121 : memref<4x504x768xf32, #tpu.memory_space<any>>)
    %dma_wait3A_126 = arith.constant 3 : i32
    %dma_wait3A_127 = tpu.memref_slice %arg6[%dma_wait3A_126] : memref<13x!tpu.dma_semaphore, #tpu.memory_space<semaphore_mem>> -> memref<1x!tpu.dma_semaphore, #tpu.memory_space<semaphore_mem>>
    %dma_wait3A_128 = tpu.memref_squeeze %dma_wait3A_127 : memref<1x!tpu.dma_semaphore, #tpu.memory_space<semaphore_mem>> -> memref<!tpu.dma_semaphore, #tpu.memory_space<semaphore_mem>>
    %dma_wait3A_129 = arith.constant 0 : i32
    %dma_wait3A_130 = arith.constant 8 : i32
    %dma_wait3A_131 = arith.constant 0 : i32
    %dma_wait3A_132 = tpu.memref_slice %arg4[%dma_wait3A_129, %dma_wait3A_130, %dma_wait3A_131] : memref<4x4096x768xf32, #tpu.memory_space<any>> -> memref<4x504x768xf32, #tpu.memory_space<any>>
    %dma_wait3A_133 = arith.constant 0 : i32
    %dma_wait3A_134 = arith.constant 0 : i32
    %dma_wait3A_135 = arith.constant 0 : i32
    %dma_wait3A_136 = tpu.memref_slice %arg5[%dma_wait3A_133, %dma_wait3A_134, %dma_wait3A_135] : memref<4x512x768xf32, #tpu.memory_space<vmem>> -> memref<4x504x768xf32, #tpu.memory_space<vmem>>
    tpu.wait_dma2 semaphore(%dma_wait3A_128 : memref<!tpu.dma_semaphore, #tpu.memory_space<semaphore_mem>>) src(%dma_wait3A_136 : memref<4x504x768xf32, #tpu.memory_space<vmem>>) dst(%dma_wait3A_132 : memref<4x504x768xf32, #tpu.memory_space<any>>)
    %dma_wait3A_137 = arith.constant 4 : i32
    %dma_wait3A_138 = tpu.memref_slice %arg6[%dma_wait3A_137] : memref<13x!tpu.dma_semaphore, #tpu.memory_space<semaphore_mem>> -> memref<1x!tpu.dma_semaphore, #tpu.memory_space<semaphore_mem>>
    %dma_wait3A_139 = tpu.memref_squeeze %dma_wait3A_138 : memref<1x!tpu.dma_semaphore, #tpu.memory_space<semaphore_mem>> -> memref<!tpu.dma_semaphore, #tpu.memory_space<semaphore_mem>>
    %dma_wait3A_140 = arith.constant 0 : i32
    %dma_wait3A_141 = arith.constant 512 : i32
    %dma_wait3A_142 = arith.constant 0 : i32
    %dma_wait3A_143 = tpu.memref_slice %arg3[%dma_wait3A_140, %dma_wait3A_141, %dma_wait3A_142] : memref<4x4096x768xf32, #tpu.memory_space<any>> -> memref<4x512x768xf32, #tpu.memory_space<any>>
    tpu.wait_dma2 semaphore(%dma_wait3A_139 : memref<!tpu.dma_semaphore, #tpu.memory_space<semaphore_mem>>) src(%arg5 : memref<4x512x768xf32, #tpu.memory_space<vmem>>) dst(%dma_wait3A_143 : memref<4x512x768xf32, #tpu.memory_space<any>>)
    %dma_wait3A_144 = arith.constant 5 : i32
    %dma_wait3A_145 = tpu.memref_slice %arg6[%dma_wait3A_144] : memref<13x!tpu.dma_semaphore, #tpu.memory_space<semaphore_mem>> -> memref<1x!tpu.dma_semaphore, #tpu.memory_space<semaphore_mem>>
    %dma_wait3A_146 = tpu.memref_squeeze %dma_wait3A_145 : memref<1x!tpu.dma_semaphore, #tpu.memory_space<semaphore_mem>> -> memref<!tpu.dma_semaphore, #tpu.memory_space<semaphore_mem>>
    %dma_wait3A_147 = arith.constant 0 : i32
    %dma_wait3A_148 = arith.constant 1024 : i32
    %dma_wait3A_149 = arith.constant 0 : i32
    %dma_wait3A_150 = tpu.memref_slice %arg3[%dma_wait3A_147, %dma_wait3A_148, %dma_wait3A_149] : memref<4x4096x768xf32, #tpu.memory_space<any>> -> memref<4x512x768xf32, #tpu.memory_space<any>>
    tpu.wait_dma2 semaphore(%dma_wait3A_146 : memref<!tpu.dma_semaphore, #tpu.memory_space<semaphore_mem>>) src(%arg5 : memref<4x512x768xf32, #tpu.memory_space<vmem>>) dst(%dma_wait3A_150 : memref<4x512x768xf32, #tpu.memory_space<any>>)
    %dma_wait3A_151 = arith.constant 6 : i32
    %dma_wait3A_152 = tpu.memref_slice %arg6[%dma_wait3A_151] : memref<13x!tpu.dma_semaphore, #tpu.memory_space<semaphore_mem>> -> memref<1x!tpu.dma_semaphore, #tpu.memory_space<semaphore_mem>>
    %dma_wait3A_153 = tpu.memref_squeeze %dma_wait3A_152 : memref<1x!tpu.dma_semaphore, #tpu.memory_space<semaphore_mem>> -> memref<!tpu.dma_semaphore, #tpu.memory_space<semaphore_mem>>
    %dma_wait3A_154 = arith.constant 0 : i32
    %dma_wait3A_155 = arith.constant 1536 : i32
    %dma_wait3A_156 = arith.constant 0 : i32
    %dma_wait3A_157 = tpu.memref_slice %arg3[%dma_wait3A_154, %dma_wait3A_155, %dma_wait3A_156] : memref<4x4096x768xf32, #tpu.memory_space<any>> -> memref<4x512x768xf32, #tpu.memory_space<any>>
    tpu.wait_dma2 semaphore(%dma_wait3A_153 : memref<!tpu.dma_semaphore, #tpu.memory_space<semaphore_mem>>) src(%arg5 : memref<4x512x768xf32, #tpu.memory_space<vmem>>) dst(%dma_wait3A_157 : memref<4x512x768xf32, #tpu.memory_space<any>>)
    %dma_wait3A_158 = arith.constant 7 : i32
    %dma_wait3A_159 = tpu.memref_slice %arg6[%dma_wait3A_158] : memref<13x!tpu.dma_semaphore, #tpu.memory_space<semaphore_mem>> -> memref<1x!tpu.dma_semaphore, #tpu.memory_space<semaphore_mem>>
    %dma_wait3A_160 = tpu.memref_squeeze %dma_wait3A_159 : memref<1x!tpu.dma_semaphore, #tpu.memory_space<semaphore_mem>> -> memref<!tpu.dma_semaphore, #tpu.memory_space<semaphore_mem>>
    %dma_wait3A_161 = arith.constant 0 : i32
    %dma_wait3A_162 = arith.constant 2048 : i32
    %dma_wait3A_163 = arith.constant 0 : i32
    %dma_wait3A_164 = tpu.memref_slice %arg3[%dma_wait3A_161, %dma_wait3A_162, %dma_wait3A_163] : memref<4x4096x768xf32, #tpu.memory_space<any>> -> memref<4x512x768xf32, #tpu.memory_space<any>>
    tpu.wait_dma2 semaphore(%dma_wait3A_160 : memref<!tpu.dma_semaphore, #tpu.memory_space<semaphore_mem>>) src(%arg5 : memref<4x512x768xf32, #tpu.memory_space<vmem>>) dst(%dma_wait3A_164 : memref<4x512x768xf32, #tpu.memory_space<any>>)
    %dma_wait3A_165 = arith.constant 8 : i32
    %dma_wait3A_166 = tpu.memref_slice %arg6[%dma_wait3A_165] : memref<13x!tpu.dma_semaphore, #tpu.memory_space<semaphore_mem>> -> memref<1x!tpu.dma_semaphore, #tpu.memory_space<semaphore_mem>>
    %dma_wait3A_167 = tpu.memref_squeeze %dma_wait3A_166 : memref<1x!tpu.dma_semaphore, #tpu.memory_space<semaphore_mem>> -> memref<!tpu.dma_semaphore, #tpu.memory_space<semaphore_mem>>
    %dma_wait3A_168 = arith.constant 0 : i32
    %dma_wait3A_169 = arith.constant 2560 : i32
    %dma_wait3A_170 = arith.constant 0 : i32
    %dma_wait3A_171 = tpu.memref_slice %arg3[%dma_wait3A_168, %dma_wait3A_169, %dma_wait3A_170] : memref<4x4096x768xf32, #tpu.memory_space<any>> -> memref<4x512x768xf32, #tpu.memory_space<any>>
    tpu.wait_dma2 semaphore(%dma_wait3A_167 : memref<!tpu.dma_semaphore, #tpu.memory_space<semaphore_mem>>) src(%arg5 : memref<4x512x768xf32, #tpu.memory_space<vmem>>) dst(%dma_wait3A_171 : memref<4x512x768xf32, #tpu.memory_space<any>>)
    %dma_wait3A_172 = arith.constant 9 : i32
    %dma_wait3A_173 = tpu.memref_slice %arg6[%dma_wait3A_172] : memref<13x!tpu.dma_semaphore, #tpu.memory_space<semaphore_mem>> -> memref<1x!tpu.dma_semaphore, #tpu.memory_space<semaphore_mem>>
    %dma_wait3A_174 = tpu.memref_squeeze %dma_wait3A_173 : memref<1x!tpu.dma_semaphore, #tpu.memory_space<semaphore_mem>> -> memref<!tpu.dma_semaphore, #tpu.memory_space<semaphore_mem>>
    %dma_wait3A_175 = arith.constant 0 : i32
    %dma_wait3A_176 = arith.constant 3072 : i32
    %dma_wait3A_177 = arith.constant 0 : i32
    %dma_wait3A_178 = tpu.memref_slice %arg3[%dma_wait3A_175, %dma_wait3A_176, %dma_wait3A_177] : memref<4x4096x768xf32, #tpu.memory_space<any>> -> memref<4x512x768xf32, #tpu.memory_space<any>>
    tpu.wait_dma2 semaphore(%dma_wait3A_174 : memref<!tpu.dma_semaphore, #tpu.memory_space<semaphore_mem>>) src(%arg5 : memref<4x512x768xf32, #tpu.memory_space<vmem>>) dst(%dma_wait3A_178 : memref<4x512x768xf32, #tpu.memory_space<any>>)
    %dma_wait3A_179 = arith.constant 10 : i32
    %dma_wait3A_180 = tpu.memref_slice %arg6[%dma_wait3A_179] : memref<13x!tpu.dma_semaphore, #tpu.memory_space<semaphore_mem>> -> memref<1x!tpu.dma_semaphore, #tpu.memory_space<semaphore_mem>>
    %dma_wait3A_181 = tpu.memref_squeeze %dma_wait3A_180 : memref<1x!tpu.dma_semaphore, #tpu.memory_space<semaphore_mem>> -> memref<!tpu.dma_semaphore, #tpu.memory_space<semaphore_mem>>
    %dma_wait3A_182 = arith.constant 0 : i32
    %dma_wait3A_183 = arith.constant 3584 : i32
    %dma_wait3A_184 = arith.constant 0 : i32
    %dma_wait3A_185 = tpu.memref_slice %arg3[%dma_wait3A_182, %dma_wait3A_183, %dma_wait3A_184] : memref<4x4096x768xf32, #tpu.memory_space<any>> -> memref<4x512x768xf32, #tpu.memory_space<any>>
    tpu.wait_dma2 semaphore(%dma_wait3A_181 : memref<!tpu.dma_semaphore, #tpu.memory_space<semaphore_mem>>) src(%arg5 : memref<4x512x768xf32, #tpu.memory_space<vmem>>) dst(%dma_wait3A_185 : memref<4x512x768xf32, #tpu.memory_space<any>>)
    %dma_wait3A_186 = arith.constant 11 : i32
    %dma_wait3A_187 = tpu.memref_slice %arg6[%dma_wait3A_186] : memref<13x!tpu.dma_semaphore, #tpu.memory_space<semaphore_mem>> -> memref<1x!tpu.dma_semaphore, #tpu.memory_space<semaphore_mem>>
    %dma_wait3A_188 = tpu.memref_squeeze %dma_wait3A_187 : memref<1x!tpu.dma_semaphore, #tpu.memory_space<semaphore_mem>> -> memref<!tpu.dma_semaphore, #tpu.memory_space<semaphore_mem>>
    %dma_wait3A_189 = arith.constant 0 : i32
    %dma_wait3A_190 = arith.constant 512 : i32
    %dma_wait3A_191 = arith.constant 0 : i32
    %dma_wait3A_192 = tpu.memref_slice %arg4[%dma_wait3A_189, %dma_wait3A_190, %dma_wait3A_191] : memref<4x4096x768xf32, #tpu.memory_space<any>> -> memref<4x512x768xf32, #tpu.memory_space<any>>
    tpu.wait_dma2 semaphore(%dma_wait3A_188 : memref<!tpu.dma_semaphore, #tpu.memory_space<semaphore_mem>>) src(%arg5 : memref<4x512x768xf32, #tpu.memory_space<vmem>>) dst(%dma_wait3A_192 : memref<4x512x768xf32, #tpu.memory_space<any>>)
    %dma_wait3A_193 = arith.constant 12 : i32
    %dma_wait3A_194 = tpu.memref_slice %arg6[%dma_wait3A_193] : memref<13x!tpu.dma_semaphore, #tpu.memory_space<semaphore_mem>> -> memref<1x!tpu.dma_semaphore, #tpu.memory_space<semaphore_mem>>
    %dma_wait3A_195 = tpu.memref_squeeze %dma_wait3A_194 : memref<1x!tpu.dma_semaphore, #tpu.memory_space<semaphore_mem>> -> memref<!tpu.dma_semaphore, #tpu.memory_space<semaphore_mem>>
    %dma_wait3A_196 = arith.constant 0 : i32
    %dma_wait3A_197 = arith.constant 1024 : i32
    %dma_wait3A_198 = arith.constant 0 : i32
    %dma_wait3A_199 = tpu.memref_slice %arg4[%dma_wait3A_196, %dma_wait3A_197, %dma_wait3A_198] : memref<4x4096x768xf32, #tpu.memory_space<any>> -> memref<4x512x768xf32, #tpu.memory_space<any>>
    tpu.wait_dma2 semaphore(%dma_wait3A_195 : memref<!tpu.dma_semaphore, #tpu.memory_space<semaphore_mem>>) src(%arg5 : memref<4x512x768xf32, #tpu.memory_space<vmem>>) dst(%dma_wait3A_199 : memref<4x512x768xf32, #tpu.memory_space<any>>)
    return
  }
}

module attributes {stable_mosaic.version = 14 : i64} {
  func.func @_scores_fusion_body(%arg0: i32, %arg1: memref<4x512x768xf32, #tpu.memory_space<vmem>>, %arg2: memref<4x4096x768xf32, #tpu.memory_space<any>>, %arg3: memref<4x4096x768xf32, #tpu.memory_space<any>>, %arg4: memref<768x768xf32, #tpu.memory_space<vmem>>, %arg5: memref<1x768xf32, #tpu.memory_space<vmem>>, %arg6: memref<4x8x768xf32, #tpu.memory_space<vmem>>, %arg7: memref<4x8x768xf32, #tpu.memory_space<vmem>>, %arg8: memref<4x4096xf32, #tpu.memory_space<vmem>>, %arg9: memref<4x4x768xf32, #tpu.memory_space<vmem>>, %arg10: memref<4x4x768xf32, #tpu.memory_space<vmem>>, %arg11: memref<20x!tpu.dma_semaphore, #tpu.memory_space<semaphore_mem>>) attributes {dimension_semantics = [#tpu.dimension_semantics<arbitrary>], iteration_bounds = array<i64: 8>, scalar_prefetch = 0 : i64, scratch_operands = 4 : i64, tpu.core_type = #tpu.core_type<tc>, window_params = [{transform_indices = @transform_0, window_bounds = array<i64: 4, 512, 768>}, {}, {}, {pipeline_mode = #tpu.pipeline_mode<synchronous>, transform_indices = @transform_3, window_bounds = array<i64: 768, 768>}, {pipeline_mode = #tpu.pipeline_mode<synchronous>, transform_indices = @transform_4, window_bounds = array<i64: 1, 768>}, {pipeline_mode = #tpu.pipeline_mode<synchronous>, transform_indices = @transform_5, window_bounds = array<i64: 4, 8, 768>}, {pipeline_mode = #tpu.pipeline_mode<synchronous>, transform_indices = @transform_6, window_bounds = array<i64: 4, 8, 768>}]} {
    %eq3A = arith.constant 0 : i32
    %eq3A_0 = arith.cmpi eq, %arg0, %eq3A : i32
    %convert_element_type3A = arith.extui %eq3A_0 : i1 to i32
    %cond3A = arith.constant 0 : i32
    %cond3A_1 = arith.cmpi ne, %convert_element_type3A, %cond3A : i32
    scf.if %cond3A_1 {
      %dma_start3A = arith.constant 0 : i32
      %dma_start3A_15 = arith.constant 0 : i32
      %dma_start3A_16 = arith.constant 16 : i32
      %dma_start3A_17 = tpu.memref_slice %arg11[%dma_start3A_16] : memref<20x!tpu.dma_semaphore, #tpu.memory_space<semaphore_mem>> -> memref<1x!tpu.dma_semaphore, #tpu.memory_space<semaphore_mem>>
      %dma_start3A_18 = tpu.memref_squeeze %dma_start3A_17 : memref<1x!tpu.dma_semaphore, #tpu.memory_space<semaphore_mem>> -> memref<!tpu.dma_semaphore, #tpu.memory_space<semaphore_mem>>
      %dma_start3A_19 = arith.constant 0 : i32
      %dma_start3A_20 = arith.constant 0 : i32
      %dma_start3A_21 = tpu.memref_slice %arg10[%dma_start3A_15, %dma_start3A_19, %dma_start3A_20] : memref<4x4x768xf32, #tpu.memory_space<vmem>> -> memref<1x4x768xf32, #tpu.memory_space<vmem>>
      %dma_start3A_22 = tpu.memref_squeeze %dma_start3A_21 : memref<1x4x768xf32, #tpu.memory_space<vmem>> -> memref<4x768xf32, #tpu.memory_space<vmem>>
      %dma_start3A_23 = arith.constant 0 : i32
      %dma_start3A_24 = arith.constant 0 : i32
      %dma_start3A_25 = tpu.memref_slice %arg3[%dma_start3A, %dma_start3A_23, %dma_start3A_24] : memref<4x4096x768xf32, #tpu.memory_space<any>> -> memref<1x4096x768xf32, #tpu.memory_space<any>>
      %dma_start3A_26 = tpu.memref_squeeze %dma_start3A_25 : memref<1x4096x768xf32, #tpu.memory_space<any>> -> memref<4096x768xf32, #tpu.memory_space<any>>
      %dma_start3A_27 = arith.constant 0 : i32
      %dma_start3A_28 = arith.constant 0 : i32
      %dma_start3A_29 = tpu.memref_slice %dma_start3A_26[%dma_start3A_27, %dma_start3A_28] : memref<4096x768xf32, #tpu.memory_space<any>> -> memref<4x768xf32, #tpu.memory_space<any>>
      tpu.enqueue_dma source(%dma_start3A_29 : memref<4x768xf32, #tpu.memory_space<any>>) target(%dma_start3A_22 : memref<4x768xf32, #tpu.memory_space<vmem>>) target_semaphore(%dma_start3A_18 : memref<!tpu.dma_semaphore, #tpu.memory_space<semaphore_mem>>)
      %dma_start3A_30 = arith.constant 1 : i32
      %dma_start3A_31 = arith.constant 1 : i32
      %dma_start3A_32 = arith.constant 17 : i32
      %dma_start3A_33 = tpu.memref_slice %arg11[%dma_start3A_32] : memref<20x!tpu.dma_semaphore, #tpu.memory_space<semaphore_mem>> -> memref<1x!tpu.dma_semaphore, #tpu.memory_space<semaphore_mem>>
      %dma_start3A_34 = tpu.memref_squeeze %dma_start3A_33 : memref<1x!tpu.dma_semaphore, #tpu.memory_space<semaphore_mem>> -> memref<!tpu.dma_semaphore, #tpu.memory_space<semaphore_mem>>
      %dma_start3A_35 = arith.constant 0 : i32
      %dma_start3A_36 = arith.constant 0 : i32
      %dma_start3A_37 = tpu.memref_slice %arg10[%dma_start3A_31, %dma_start3A_35, %dma_start3A_36] : memref<4x4x768xf32, #tpu.memory_space<vmem>> -> memref<1x4x768xf32, #tpu.memory_space<vmem>>
      %dma_start3A_38 = tpu.memref_squeeze %dma_start3A_37 : memref<1x4x768xf32, #tpu.memory_space<vmem>> -> memref<4x768xf32, #tpu.memory_space<vmem>>
      %dma_start3A_39 = arith.constant 0 : i32
      %dma_start3A_40 = arith.constant 0 : i32
      %dma_start3A_41 = tpu.memref_slice %arg3[%dma_start3A_30, %dma_start3A_39, %dma_start3A_40] : memref<4x4096x768xf32, #tpu.memory_space<any>> -> memref<1x4096x768xf32, #tpu.memory_space<any>>
      %dma_start3A_42 = tpu.memref_squeeze %dma_start3A_41 : memref<1x4096x768xf32, #tpu.memory_space<any>> -> memref<4096x768xf32, #tpu.memory_space<any>>
      %dma_start3A_43 = arith.constant 0 : i32
      %dma_start3A_44 = arith.constant 0 : i32
      %dma_start3A_45 = tpu.memref_slice %dma_start3A_42[%dma_start3A_43, %dma_start3A_44] : memref<4096x768xf32, #tpu.memory_space<any>> -> memref<4x768xf32, #tpu.memory_space<any>>
      tpu.enqueue_dma source(%dma_start3A_45 : memref<4x768xf32, #tpu.memory_space<any>>) target(%dma_start3A_38 : memref<4x768xf32, #tpu.memory_space<vmem>>) target_semaphore(%dma_start3A_34 : memref<!tpu.dma_semaphore, #tpu.memory_space<semaphore_mem>>)
      %dma_start3A_46 = arith.constant 2 : i32
      %dma_start3A_47 = arith.constant 2 : i32
      %dma_start3A_48 = arith.constant 18 : i32
      %dma_start3A_49 = tpu.memref_slice %arg11[%dma_start3A_48] : memref<20x!tpu.dma_semaphore, #tpu.memory_space<semaphore_mem>> -> memref<1x!tpu.dma_semaphore, #tpu.memory_space<semaphore_mem>>
      %dma_start3A_50 = tpu.memref_squeeze %dma_start3A_49 : memref<1x!tpu.dma_semaphore, #tpu.memory_space<semaphore_mem>> -> memref<!tpu.dma_semaphore, #tpu.memory_space<semaphore_mem>>
      %dma_start3A_51 = arith.constant 0 : i32
      %dma_start3A_52 = arith.constant 0 : i32
      %dma_start3A_53 = tpu.memref_slice %arg10[%dma_start3A_47, %dma_start3A_51, %dma_start3A_52] : memref<4x4x768xf32, #tpu.memory_space<vmem>> -> memref<1x4x768xf32, #tpu.memory_space<vmem>>
      %dma_start3A_54 = tpu.memref_squeeze %dma_start3A_53 : memref<1x4x768xf32, #tpu.memory_space<vmem>> -> memref<4x768xf32, #tpu.memory_space<vmem>>
      %dma_start3A_55 = arith.constant 0 : i32
      %dma_start3A_56 = arith.constant 0 : i32
      %dma_start3A_57 = tpu.memref_slice %arg3[%dma_start3A_46, %dma_start3A_55, %dma_start3A_56] : memref<4x4096x768xf32, #tpu.memory_space<any>> -> memref<1x4096x768xf32, #tpu.memory_space<any>>
      %dma_start3A_58 = tpu.memref_squeeze %dma_start3A_57 : memref<1x4096x768xf32, #tpu.memory_space<any>> -> memref<4096x768xf32, #tpu.memory_space<any>>
      %dma_start3A_59 = arith.constant 0 : i32
      %dma_start3A_60 = arith.constant 0 : i32
      %dma_start3A_61 = tpu.memref_slice %dma_start3A_58[%dma_start3A_59, %dma_start3A_60] : memref<4096x768xf32, #tpu.memory_space<any>> -> memref<4x768xf32, #tpu.memory_space<any>>
      tpu.enqueue_dma source(%dma_start3A_61 : memref<4x768xf32, #tpu.memory_space<any>>) target(%dma_start3A_54 : memref<4x768xf32, #tpu.memory_space<vmem>>) target_semaphore(%dma_start3A_50 : memref<!tpu.dma_semaphore, #tpu.memory_space<semaphore_mem>>)
      %dma_start3A_62 = arith.constant 3 : i32
      %dma_start3A_63 = arith.constant 3 : i32
      %dma_start3A_64 = arith.constant 19 : i32
      %dma_start3A_65 = tpu.memref_slice %arg11[%dma_start3A_64] : memref<20x!tpu.dma_semaphore, #tpu.memory_space<semaphore_mem>> -> memref<1x!tpu.dma_semaphore, #tpu.memory_space<semaphore_mem>>
      %dma_start3A_66 = tpu.memref_squeeze %dma_start3A_65 : memref<1x!tpu.dma_semaphore, #tpu.memory_space<semaphore_mem>> -> memref<!tpu.dma_semaphore, #tpu.memory_space<semaphore_mem>>
      %dma_start3A_67 = arith.constant 0 : i32
      %dma_start3A_68 = arith.constant 0 : i32
      %dma_start3A_69 = tpu.memref_slice %arg10[%dma_start3A_63, %dma_start3A_67, %dma_start3A_68] : memref<4x4x768xf32, #tpu.memory_space<vmem>> -> memref<1x4x768xf32, #tpu.memory_space<vmem>>
      %dma_start3A_70 = tpu.memref_squeeze %dma_start3A_69 : memref<1x4x768xf32, #tpu.memory_space<vmem>> -> memref<4x768xf32, #tpu.memory_space<vmem>>
      %dma_start3A_71 = arith.constant 0 : i32
      %dma_start3A_72 = arith.constant 0 : i32
      %dma_start3A_73 = tpu.memref_slice %arg3[%dma_start3A_62, %dma_start3A_71, %dma_start3A_72] : memref<4x4096x768xf32, #tpu.memory_space<any>> -> memref<1x4096x768xf32, #tpu.memory_space<any>>
      %dma_start3A_74 = tpu.memref_squeeze %dma_start3A_73 : memref<1x4096x768xf32, #tpu.memory_space<any>> -> memref<4096x768xf32, #tpu.memory_space<any>>
      %dma_start3A_75 = arith.constant 0 : i32
      %dma_start3A_76 = arith.constant 0 : i32
      %dma_start3A_77 = tpu.memref_slice %dma_start3A_74[%dma_start3A_75, %dma_start3A_76] : memref<4096x768xf32, #tpu.memory_space<any>> -> memref<4x768xf32, #tpu.memory_space<any>>
      tpu.enqueue_dma source(%dma_start3A_77 : memref<4x768xf32, #tpu.memory_space<any>>) target(%dma_start3A_70 : memref<4x768xf32, #tpu.memory_space<vmem>>) target_semaphore(%dma_start3A_66 : memref<!tpu.dma_semaphore, #tpu.memory_space<semaphore_mem>>)
    } else {
    }
    %get3A = arith.constant 0 : index
    %get3A_2 = arith.constant 0 : index
    %get3A_3 = arith.constant 0 : index
    %get3A_4 = vector.load %arg1[%get3A, %get3A_2, %get3A_3] : memref<4x512x768xf32, #tpu.memory_space<vmem>>, vector<4x512x768xf32>
    %mul3A = arith.mulf %get3A_4, %get3A_4 : vector<4x512x768xf32>
    %reduce_sum3A = arith.constant dense<0.000000e+00> : vector<4x512xf32>
    %reduce_sum3A_5 = vector.multi_reduction <add>, %mul3A, %reduce_sum3A [2] : vector<4x512x768xf32> to vector<4x512xf32>
    %mul3A_6 = arith.constant 512 : i32
    %mul3A_7 = arith.muli %arg0, %mul3A_6 : i32
    %swap3A = arith.constant 0 : index
    %swap3A_8 = arith.index_cast %mul3A_7 : i32 to index
    %swap3A_9 = vector.load %arg8[%swap3A, %swap3A_8] : memref<4x4096xf32, #tpu.memory_space<vmem>>, vector<4x512xf32>
    tpu.vector_store %arg8[%swap3A, %swap3A_8], %reduce_sum3A_5 {strides = array<i32>} : memref<4x4096xf32, #tpu.memory_space<vmem>>, vector<4x512xf32>,
    %eq3A_10 = arith.constant 7 : i32
    %eq3A_11 = arith.cmpi eq, %arg0, %eq3A_10 : i32
    %convert_element_type3A_12 = arith.extui %eq3A_11 : i1 to i32
    %cond3A_13 = arith.constant 0 : i32
    %cond3A_14 = arith.cmpi ne, %convert_element_type3A_12, %cond3A_13 : i32
    scf.if %cond3A_14 {
      %get3A_15 = arith.constant 0 : index
      %get3A_16 = arith.constant 0 : index
      %get3A_17 = vector.load %arg8[%get3A_15, %get3A_16] : memref<4x4096xf32, #tpu.memory_space<vmem>>, vector<4x4096xf32>
      %iota3A = tpu.iota {dimensions = array<i32: 1>} : vector<4x4096xi32>
      %slice3A = vector.extract_strided_slice %get3A_17 {offsets = [0, 0], sizes = [1, 4096], strides = [1, 1]} : vector<4x4096xf32> to vector<1x4096xf32>
      %slice3A_18 = vector.extract_strided_slice %iota3A {offsets = [0, 0], sizes = [1, 4096], strides = [1, 1]} : vector<4x4096xi32> to vector<1x4096xi32>
      %reduce_max3A = vector.shape_cast %slice3A : vector<1x4096xf32> to vector<1x1x4096xf32>
      %reduce_max3A_19 = arith.constant dense<0xFF800000> : vector<1xf32>
      %reduce_max3A_20 = vector.multi_reduction <maximumf>, %reduce_max3A, %reduce_max3A_19 [1, 2] : vector<1x1x4096xf32> to vector<1xf32>
      %reduce_max3A_21 = vector.shape_cast %reduce_max3A_20 : vector<1xf32> to vector<1x1x1xf32>
      %reduce_max3A_22 = vector.extract %reduce_max3A_21[0, 0, 0] : f32 from vector<1x1x1xf32>
      %eq3A_23 = vector.broadcast %reduce_max3A_22 : f32 to vector<1x4096xf32>
      %eq3A_24 = arith.cmpf oeq, %slice3A, %eq3A_23 : vector<1x4096xf32>
      %jit3A = arith.constant 1073741824 : i32
      %broadcast_in_dim3A = vector.broadcast %jit3A : i32 to vector<1x4096xi32>
      %select_n3A = arith.select %eq3A_24, %slice3A_18, %broadcast_in_dim3A : vector<1x4096xi1>, vector<1x4096xi32>
      %reduce_min3A = vector.shape_cast %select_n3A : vector<1x4096xi32> to vector<1x1x4096xi32>
      %reduce_min3A_25 = arith.constant dense<2147483647> : vector<1xi32>
      %reduce_min3A_26 = vector.multi_reduction <minsi>, %reduce_min3A, %reduce_min3A_25 [1, 2] : vector<1x1x4096xi32> to vector<1xi32>
      %reduce_min3A_27 = vector.shape_cast %reduce_min3A_26 : vector<1xi32> to vector<1x1x1xi32>
      %reduce_min3A_28 = vector.extract %reduce_min3A_27[0, 0, 0] : i32 from vector<1x1x1xi32>
      %dma_start3A = arith.constant 0 : i32
      %dma_start3A_29 = arith.constant 0 : i32
      %dma_start3A_30 = arith.constant 0 : i32
      %dma_start3A_31 = tpu.memref_slice %arg11[%dma_start3A_30] : memref<20x!tpu.dma_semaphore, #tpu.memory_space<semaphore_mem>> -> memref<1x!tpu.dma_semaphore, #tpu.memory_space<semaphore_mem>>
      %dma_start3A_32 = tpu.memref_squeeze %dma_start3A_31 : memref<1x!tpu.dma_semaphore, #tpu.memory_space<semaphore_mem>> -> memref<!tpu.dma_semaphore, #tpu.memory_space<semaphore_mem>>
      %dma_start3A_33 = arith.constant 0 : i32
      %dma_start3A_34 = arith.constant 0 : i32
      %dma_start3A_35 = tpu.memref_slice %arg9[%dma_start3A_29, %dma_start3A_33, %dma_start3A_34] : memref<4x4x768xf32, #tpu.memory_space<vmem>> -> memref<1x4x768xf32, #tpu.memory_space<vmem>>
      %dma_start3A_36 = tpu.memref_squeeze %dma_start3A_35 : memref<1x4x768xf32, #tpu.memory_space<vmem>> -> memref<4x768xf32, #tpu.memory_space<vmem>>
      %dma_start3A_37 = arith.constant 0 : i32
      %dma_start3A_38 = arith.constant 0 : i32
      %dma_start3A_39 = tpu.memref_slice %dma_start3A_36[%dma_start3A_37, %dma_start3A_38] : memref<4x768xf32, #tpu.memory_space<vmem>> -> memref<1x768xf32, #tpu.memory_space<vmem>>
      %dma_start3A_40 = arith.constant 0 : i32
      %dma_start3A_41 = arith.constant 0 : i32
      %dma_start3A_42 = tpu.memref_slice %arg2[%dma_start3A, %dma_start3A_40, %dma_start3A_41] : memref<4x4096x768xf32, #tpu.memory_space<any>> -> memref<1x4096x768xf32, #tpu.memory_space<any>>
      %dma_start3A_43 = tpu.memref_squeeze %dma_start3A_42 : memref<1x4096x768xf32, #tpu.memory_space<any>> -> memref<4096x768xf32, #tpu.memory_space<any>>
      %dma_start3A_44 = arith.constant 0 : i32
      %dma_start3A_45 = tpu.memref_slice %dma_start3A_43[%reduce_min3A_28, %dma_start3A_44] : memref<4096x768xf32, #tpu.memory_space<any>> -> memref<1x768xf32, #tpu.memory_space<any>>
      tpu.enqueue_dma source(%dma_start3A_45 : memref<1x768xf32, #tpu.memory_space<any>>) target(%dma_start3A_39 : memref<1x768xf32, #tpu.memory_space<vmem>>) target_semaphore(%dma_start3A_32 : memref<!tpu.dma_semaphore, #tpu.memory_space<semaphore_mem>>)
      %eq3A_46 = vector.broadcast %reduce_min3A_28 : i32 to vector<1x4096xi32>
      %eq3A_47 = arith.cmpi eq, %slice3A_18, %eq3A_46 : vector<1x4096xi32>
      %jit3A_48 = arith.constant -1.000000e+00 : f32
      %broadcast_in_dim3A_49 = vector.broadcast %jit3A_48 : f32 to vector<1x4096xf32>
      %select_n3A_50 = arith.select %eq3A_47, %broadcast_in_dim3A_49, %slice3A : vector<1x4096xi1>, vector<1x4096xf32>
      %reduce_max3A_51 = vector.shape_cast %select_n3A_50 : vector<1x4096xf32> to vector<1x1x4096xf32>
      %reduce_max3A_52 = arith.constant dense<0xFF800000> : vector<1xf32>
      %reduce_max3A_53 = vector.multi_reduction <maximumf>, %reduce_max3A_51, %reduce_max3A_52 [1, 2] : vector<1x1x4096xf32> to vector<1xf32>
      %reduce_max3A_54 = vector.shape_cast %reduce_max3A_53 : vector<1xf32> to vector<1x1x1xf32>
      %reduce_max3A_55 = vector.extract %reduce_max3A_54[0, 0, 0] : f32 from vector<1x1x1xf32>
      %eq3A_56 = vector.broadcast %reduce_max3A_55 : f32 to vector<1x4096xf32>
      %eq3A_57 = arith.cmpf oeq, %select_n3A_50, %eq3A_56 : vector<1x4096xf32>
      %jit3A_58 = arith.constant 1073741824 : i32
      %broadcast_in_dim3A_59 = vector.broadcast %jit3A_58 : i32 to vector<1x4096xi32>
      %select_n3A_60 = arith.select %eq3A_57, %slice3A_18, %broadcast_in_dim3A_59 : vector<1x4096xi1>, vector<1x4096xi32>
      %reduce_min3A_61 = vector.shape_cast %select_n3A_60 : vector<1x4096xi32> to vector<1x1x4096xi32>
      %reduce_min3A_62 = arith.constant dense<2147483647> : vector<1xi32>
      %reduce_min3A_63 = vector.multi_reduction <minsi>, %reduce_min3A_61, %reduce_min3A_62 [1, 2] : vector<1x1x4096xi32> to vector<1xi32>
      %reduce_min3A_64 = vector.shape_cast %reduce_min3A_63 : vector<1xi32> to vector<1x1x1xi32>
      %reduce_min3A_65 = vector.extract %reduce_min3A_64[0, 0, 0] : i32 from vector<1x1x1xi32>
      %dma_start3A_66 = arith.constant 0 : i32
      %dma_start3A_67 = arith.constant 0 : i32
      %dma_start3A_68 = arith.constant 1 : i32
      %dma_start3A_69 = tpu.memref_slice %arg11[%dma_start3A_68] : memref<20x!tpu.dma_semaphore, #tpu.memory_space<semaphore_mem>> -> memref<1x!tpu.dma_semaphore, #tpu.memory_space<semaphore_mem>>
      %dma_start3A_70 = tpu.memref_squeeze %dma_start3A_69 : memref<1x!tpu.dma_semaphore, #tpu.memory_space<semaphore_mem>> -> memref<!tpu.dma_semaphore, #tpu.memory_space<semaphore_mem>>
      %dma_start3A_71 = arith.constant 0 : i32
      %dma_start3A_72 = arith.constant 0 : i32
      %dma_start3A_73 = tpu.memref_slice %arg9[%dma_start3A_67, %dma_start3A_71, %dma_start3A_72] : memref<4x4x768xf32, #tpu.memory_space<vmem>> -> memref<1x4x768xf32, #tpu.memory_space<vmem>>
      %dma_start3A_74 = tpu.memref_squeeze %dma_start3A_73 : memref<1x4x768xf32, #tpu.memory_space<vmem>> -> memref<4x768xf32, #tpu.memory_space<vmem>>
      %dma_start3A_75 = arith.constant 1 : i32
      %dma_start3A_76 = arith.constant 0 : i32
      %dma_start3A_77 = tpu.memref_slice %dma_start3A_74[%dma_start3A_75, %dma_start3A_76] : memref<4x768xf32, #tpu.memory_space<vmem>> -> memref<1x768xf32, #tpu.memory_space<vmem>>
      %dma_start3A_78 = arith.constant 0 : i32
      %dma_start3A_79 = arith.constant 0 : i32
      %dma_start3A_80 = tpu.memref_slice %arg2[%dma_start3A_66, %dma_start3A_78, %dma_start3A_79] : memref<4x4096x768xf32, #tpu.memory_space<any>> -> memref<1x4096x768xf32, #tpu.memory_space<any>>
      %dma_start3A_81 = tpu.memref_squeeze %dma_start3A_80 : memref<1x4096x768xf32, #tpu.memory_space<any>> -> memref<4096x768xf32, #tpu.memory_space<any>>
      %dma_start3A_82 = arith.constant 0 : i32
      %dma_start3A_83 = tpu.memref_slice %dma_start3A_81[%reduce_min3A_65, %dma_start3A_82] : memref<4096x768xf32, #tpu.memory_space<any>> -> memref<1x768xf32, #tpu.memory_space<any>>
      tpu.enqueue_dma source(%dma_start3A_83 : memref<1x768xf32, #tpu.memory_space<any>>) target(%dma_start3A_77 : memref<1x768xf32, #tpu.memory_space<vmem>>) target_semaphore(%dma_start3A_70 : memref<!tpu.dma_semaphore, #tpu.memory_space<semaphore_mem>>)
      %eq3A_84 = vector.broadcast %reduce_min3A_65 : i32 to vector<1x4096xi32>
      %eq3A_85 = arith.cmpi eq, %slice3A_18, %eq3A_84 : vector<1x4096xi32>
      %jit3A_86 = arith.constant -1.000000e+00 : f32
      %broadcast_in_dim3A_87 = vector.broadcast %jit3A_86 : f32 to vector<1x4096xf32>
      %select_n3A_88 = arith.select %eq3A_85, %broadcast_in_dim3A_87, %select_n3A_50 : vector<1x4096xi1>, vector<1x4096xf32>
      %reduce_max3A_89 = vector.shape_cast %select_n3A_88 : vector<1x4096xf32> to vector<1x1x4096xf32>
      %reduce_max3A_90 = arith.constant dense<0xFF800000> : vector<1xf32>
      %reduce_max3A_91 = vector.multi_reduction <maximumf>, %reduce_max3A_89, %reduce_max3A_90 [1, 2] : vector<1x1x4096xf32> to vector<1xf32>
      %reduce_max3A_92 = vector.shape_cast %reduce_max3A_91 : vector<1xf32> to vector<1x1x1xf32>
      %reduce_max3A_93 = vector.extract %reduce_max3A_92[0, 0, 0] : f32 from vector<1x1x1xf32>
      %eq3A_94 = vector.broadcast %reduce_max3A_93 : f32 to vector<1x4096xf32>
      %eq3A_95 = arith.cmpf oeq, %select_n3A_88, %eq3A_94 : vector<1x4096xf32>
      %jit3A_96 = arith.constant 1073741824 : i32
      %broadcast_in_dim3A_97 = vector.broadcast %jit3A_96 : i32 to vector<1x4096xi32>
      %select_n3A_98 = arith.select %eq3A_95, %slice3A_18, %broadcast_in_dim3A_97 : vector<1x4096xi1>, vector<1x4096xi32>
      %reduce_min3A_99 = vector.shape_cast %select_n3A_98 : vector<1x4096xi32> to vector<1x1x4096xi32>
      %reduce_min3A_100 = arith.constant dense<2147483647> : vector<1xi32>
      %reduce_min3A_101 = vector.multi_reduction <minsi>, %reduce_min3A_99, %reduce_min3A_100 [1, 2] : vector<1x1x4096xi32> to vector<1xi32>
      %reduce_min3A_102 = vector.shape_cast %reduce_min3A_101 : vector<1xi32> to vector<1x1x1xi32>
      %reduce_min3A_103 = vector.extract %reduce_min3A_102[0, 0, 0] : i32 from vector<1x1x1xi32>
      %dma_start3A_104 = arith.constant 0 : i32
      %dma_start3A_105 = arith.constant 0 : i32
      %dma_start3A_106 = arith.constant 2 : i32
      %dma_start3A_107 = tpu.memref_slice %arg11[%dma_start3A_106] : memref<20x!tpu.dma_semaphore, #tpu.memory_space<semaphore_mem>> -> memref<1x!tpu.dma_semaphore, #tpu.memory_space<semaphore_mem>>
      %dma_start3A_108 = tpu.memref_squeeze %dma_start3A_107 : memref<1x!tpu.dma_semaphore, #tpu.memory_space<semaphore_mem>> -> memref<!tpu.dma_semaphore, #tpu.memory_space<semaphore_mem>>
      %dma_start3A_109 = arith.constant 0 : i32
      %dma_start3A_110 = arith.constant 0 : i32
      %dma_start3A_111 = tpu.memref_slice %arg9[%dma_start3A_105, %dma_start3A_109, %dma_start3A_110] : memref<4x4x768xf32, #tpu.memory_space<vmem>> -> memref<1x4x768xf32, #tpu.memory_space<vmem>>
      %dma_start3A_112 = tpu.memref_squeeze %dma_start3A_111 : memref<1x4x768xf32, #tpu.memory_space<vmem>> -> memref<4x768xf32, #tpu.memory_space<vmem>>
      %dma_start3A_113 = arith.constant 2 : i32
      %dma_start3A_114 = arith.constant 0 : i32
      %dma_start3A_115 = tpu.memref_slice %dma_start3A_112[%dma_start3A_113, %dma_start3A_114] : memref<4x768xf32, #tpu.memory_space<vmem>> -> memref<1x768xf32, #tpu.memory_space<vmem>>
      %dma_start3A_116 = arith.constant 0 : i32
      %dma_start3A_117 = arith.constant 0 : i32
      %dma_start3A_118 = tpu.memref_slice %arg2[%dma_start3A_104, %dma_start3A_116, %dma_start3A_117] : memref<4x4096x768xf32, #tpu.memory_space<any>> -> memref<1x4096x768xf32, #tpu.memory_space<any>>
      %dma_start3A_119 = tpu.memref_squeeze %dma_start3A_118 : memref<1x4096x768xf32, #tpu.memory_space<any>> -> memref<4096x768xf32, #tpu.memory_space<any>>
      %dma_start3A_120 = arith.constant 0 : i32
      %dma_start3A_121 = tpu.memref_slice %dma_start3A_119[%reduce_min3A_103, %dma_start3A_120] : memref<4096x768xf32, #tpu.memory_space<any>> -> memref<1x768xf32, #tpu.memory_space<any>>
      tpu.enqueue_dma source(%dma_start3A_121 : memref<1x768xf32, #tpu.memory_space<any>>) target(%dma_start3A_115 : memref<1x768xf32, #tpu.memory_space<vmem>>) target_semaphore(%dma_start3A_108 : memref<!tpu.dma_semaphore, #tpu.memory_space<semaphore_mem>>)
      %eq3A_122 = vector.broadcast %reduce_min3A_103 : i32 to vector<1x4096xi32>
      %eq3A_123 = arith.cmpi eq, %slice3A_18, %eq3A_122 : vector<1x4096xi32>
      %jit3A_124 = arith.constant -1.000000e+00 : f32
      %broadcast_in_dim3A_125 = vector.broadcast %jit3A_124 : f32 to vector<1x4096xf32>
      %select_n3A_126 = arith.select %eq3A_123, %broadcast_in_dim3A_125, %select_n3A_88 : vector<1x4096xi1>, vector<1x4096xf32>
      %reduce_max3A_127 = vector.shape_cast %select_n3A_126 : vector<1x4096xf32> to vector<1x1x4096xf32>
      %reduce_max3A_128 = arith.constant dense<0xFF800000> : vector<1xf32>
      %reduce_max3A_129 = vector.multi_reduction <maximumf>, %reduce_max3A_127, %reduce_max3A_128 [1, 2] : vector<1x1x4096xf32> to vector<1xf32>
      %reduce_max3A_130 = vector.shape_cast %reduce_max3A_129 : vector<1xf32> to vector<1x1x1xf32>
      %reduce_max3A_131 = vector.extract %reduce_max3A_130[0, 0, 0] : f32 from vector<1x1x1xf32>
      %eq3A_132 = vector.broadcast %reduce_max3A_131 : f32 to vector<1x4096xf32>
      %eq3A_133 = arith.cmpf oeq, %select_n3A_126, %eq3A_132 : vector<1x4096xf32>
      %jit3A_134 = arith.constant 1073741824 : i32
      %broadcast_in_dim3A_135 = vector.broadcast %jit3A_134 : i32 to vector<1x4096xi32>
      %select_n3A_136 = arith.select %eq3A_133, %slice3A_18, %broadcast_in_dim3A_135 : vector<1x4096xi1>, vector<1x4096xi32>
      %reduce_min3A_137 = vector.shape_cast %select_n3A_136 : vector<1x4096xi32> to vector<1x1x4096xi32>
      %reduce_min3A_138 = arith.constant dense<2147483647> : vector<1xi32>
      %reduce_min3A_139 = vector.multi_reduction <minsi>, %reduce_min3A_137, %reduce_min3A_138 [1, 2] : vector<1x1x4096xi32> to vector<1xi32>
      %reduce_min3A_140 = vector.shape_cast %reduce_min3A_139 : vector<1xi32> to vector<1x1x1xi32>
      %reduce_min3A_141 = vector.extract %reduce_min3A_140[0, 0, 0] : i32 from vector<1x1x1xi32>
      %dma_start3A_142 = arith.constant 0 : i32
      %dma_start3A_143 = arith.constant 0 : i32
      %dma_start3A_144 = arith.constant 3 : i32
      %dma_start3A_145 = tpu.memref_slice %arg11[%dma_start3A_144] : memref<20x!tpu.dma_semaphore, #tpu.memory_space<semaphore_mem>> -> memref<1x!tpu.dma_semaphore, #tpu.memory_space<semaphore_mem>>
      %dma_start3A_146 = tpu.memref_squeeze %dma_start3A_145 : memref<1x!tpu.dma_semaphore, #tpu.memory_space<semaphore_mem>> -> memref<!tpu.dma_semaphore, #tpu.memory_space<semaphore_mem>>
      %dma_start3A_147 = arith.constant 0 : i32
      %dma_start3A_148 = arith.constant 0 : i32
      %dma_start3A_149 = tpu.memref_slice %arg9[%dma_start3A_143, %dma_start3A_147, %dma_start3A_148] : memref<4x4x768xf32, #tpu.memory_space<vmem>> -> memref<1x4x768xf32, #tpu.memory_space<vmem>>
      %dma_start3A_150 = tpu.memref_squeeze %dma_start3A_149 : memref<1x4x768xf32, #tpu.memory_space<vmem>> -> memref<4x768xf32, #tpu.memory_space<vmem>>
      %dma_start3A_151 = arith.constant 3 : i32
      %dma_start3A_152 = arith.constant 0 : i32
      %dma_start3A_153 = tpu.memref_slice %dma_start3A_150[%dma_start3A_151, %dma_start3A_152] : memref<4x768xf32, #tpu.memory_space<vmem>> -> memref<1x768xf32, #tpu.memory_space<vmem>>
      %dma_start3A_154 = arith.constant 0 : i32
      %dma_start3A_155 = arith.constant 0 : i32
      %dma_start3A_156 = tpu.memref_slice %arg2[%dma_start3A_142, %dma_start3A_154, %dma_start3A_155] : memref<4x4096x768xf32, #tpu.memory_space<any>> -> memref<1x4096x768xf32, #tpu.memory_space<any>>
      %dma_start3A_157 = tpu.memref_squeeze %dma_start3A_156 : memref<1x4096x768xf32, #tpu.memory_space<any>> -> memref<4096x768xf32, #tpu.memory_space<any>>
      %dma_start3A_158 = arith.constant 0 : i32
      %dma_start3A_159 = tpu.memref_slice %dma_start3A_157[%reduce_min3A_141, %dma_start3A_158] : memref<4096x768xf32, #tpu.memory_space<any>> -> memref<1x768xf32, #tpu.memory_space<any>>
      tpu.enqueue_dma source(%dma_start3A_159 : memref<1x768xf32, #tpu.memory_space<any>>) target(%dma_start3A_153 : memref<1x768xf32, #tpu.memory_space<vmem>>) target_semaphore(%dma_start3A_146 : memref<!tpu.dma_semaphore, #tpu.memory_space<semaphore_mem>>)
      %slice3A_160 = vector.extract_strided_slice %get3A_17 {offsets = [1, 0], sizes = [1, 4096], strides = [1, 1]} : vector<4x4096xf32> to vector<1x4096xf32>
      %slice3A_161 = vector.extract_strided_slice %iota3A {offsets = [1, 0], sizes = [1, 4096], strides = [1, 1]} : vector<4x4096xi32> to vector<1x4096xi32>
      %reduce_max3A_162 = vector.shape_cast %slice3A_160 : vector<1x4096xf32> to vector<1x1x4096xf32>
      %reduce_max3A_163 = arith.constant dense<0xFF800000> : vector<1xf32>
      %reduce_max3A_164 = vector.multi_reduction <maximumf>, %reduce_max3A_162, %reduce_max3A_163 [1, 2] : vector<1x1x4096xf32> to vector<1xf32>
      %reduce_max3A_165 = vector.shape_cast %reduce_max3A_164 : vector<1xf32> to vector<1x1x1xf32>
      %reduce_max3A_166 = vector.extract %reduce_max3A_165[0, 0, 0] : f32 from vector<1x1x1xf32>
      %eq3A_167 = vector.broadcast %reduce_max3A_166 : f32 to vector<1x4096xf32>
      %eq3A_168 = arith.cmpf oeq, %slice3A_160, %eq3A_167 : vector<1x4096xf32>
      %jit3A_169 = arith.constant 1073741824 : i32
      %broadcast_in_dim3A_170 = vector.broadcast %jit3A_169 : i32 to vector<1x4096xi32>
      %select_n3A_171 = arith.select %eq3A_168, %slice3A_161, %broadcast_in_dim3A_170 : vector<1x4096xi1>, vector<1x4096xi32>
      %reduce_min3A_172 = vector.shape_cast %select_n3A_171 : vector<1x4096xi32> to vector<1x1x4096xi32>
      %reduce_min3A_173 = arith.constant dense<2147483647> : vector<1xi32>
      %reduce_min3A_174 = vector.multi_reduction <minsi>, %reduce_min3A_172, %reduce_min3A_173 [1, 2] : vector<1x1x4096xi32> to vector<1xi32>
      %reduce_min3A_175 = vector.shape_cast %reduce_min3A_174 : vector<1xi32> to vector<1x1x1xi32>
      %reduce_min3A_176 = vector.extract %reduce_min3A_175[0, 0, 0] : i32 from vector<1x1x1xi32>
      %dma_start3A_177 = arith.constant 1 : i32
      %dma_start3A_178 = arith.constant 1 : i32
      %dma_start3A_179 = arith.constant 4 : i32
      %dma_start3A_180 = tpu.memref_slice %arg11[%dma_start3A_179] : memref<20x!tpu.dma_semaphore, #tpu.memory_space<semaphore_mem>> -> memref<1x!tpu.dma_semaphore, #tpu.memory_space<semaphore_mem>>
      %dma_start3A_181 = tpu.memref_squeeze %dma_start3A_180 : memref<1x!tpu.dma_semaphore, #tpu.memory_space<semaphore_mem>> -> memref<!tpu.dma_semaphore, #tpu.memory_space<semaphore_mem>>
      %dma_start3A_182 = arith.constant 0 : i32
      %dma_start3A_183 = arith.constant 0 : i32
      %dma_start3A_184 = tpu.memref_slice %arg9[%dma_start3A_178, %dma_start3A_182, %dma_start3A_183] : memref<4x4x768xf32, #tpu.memory_space<vmem>> -> memref<1x4x768xf32, #tpu.memory_space<vmem>>
      %dma_start3A_185 = tpu.memref_squeeze %dma_start3A_184 : memref<1x4x768xf32, #tpu.memory_space<vmem>> -> memref<4x768xf32, #tpu.memory_space<vmem>>
      %dma_start3A_186 = arith.constant 0 : i32
      %dma_start3A_187 = arith.constant 0 : i32
      %dma_start3A_188 = tpu.memref_slice %dma_start3A_185[%dma_start3A_186, %dma_start3A_187] : memref<4x768xf32, #tpu.memory_space<vmem>> -> memref<1x768xf32, #tpu.memory_space<vmem>>
      %dma_start3A_189 = arith.constant 0 : i32
      %dma_start3A_190 = arith.constant 0 : i32
      %dma_start3A_191 = tpu.memref_slice %arg2[%dma_start3A_177, %dma_start3A_189, %dma_start3A_190] : memref<4x4096x768xf32, #tpu.memory_space<any>> -> memref<1x4096x768xf32, #tpu.memory_space<any>>
      %dma_start3A_192 = tpu.memref_squeeze %dma_start3A_191 : memref<1x4096x768xf32, #tpu.memory_space<any>> -> memref<4096x768xf32, #tpu.memory_space<any>>
      %dma_start3A_193 = arith.constant 0 : i32
      %dma_start3A_194 = tpu.memref_slice %dma_start3A_192[%reduce_min3A_176, %dma_start3A_193] : memref<4096x768xf32, #tpu.memory_space<any>> -> memref<1x768xf32, #tpu.memory_space<any>>
      tpu.enqueue_dma source(%dma_start3A_194 : memref<1x768xf32, #tpu.memory_space<any>>) target(%dma_start3A_188 : memref<1x768xf32, #tpu.memory_space<vmem>>) target_semaphore(%dma_start3A_181 : memref<!tpu.dma_semaphore, #tpu.memory_space<semaphore_mem>>)
      %eq3A_195 = vector.broadcast %reduce_min3A_176 : i32 to vector<1x4096xi32>
      %eq3A_196 = arith.cmpi eq, %slice3A_161, %eq3A_195 : vector<1x4096xi32>
      %jit3A_197 = arith.constant -1.000000e+00 : f32
      %broadcast_in_dim3A_198 = vector.broadcast %jit3A_197 : f32 to vector<1x4096xf32>
      %select_n3A_199 = arith.select %eq3A_196, %broadcast_in_dim3A_198, %slice3A_160 : vector<1x4096xi1>, vector<1x4096xf32>
      %reduce_max3A_200 = vector.shape_cast %select_n3A_199 : vector<1x4096xf32> to vector<1x1x4096xf32>
      %reduce_max3A_201 = arith.constant dense<0xFF800000> : vector<1xf32>
      %reduce_max3A_202 = vector.multi_reduction <maximumf>, %reduce_max3A_200, %reduce_max3A_201 [1, 2] : vector<1x1x4096xf32> to vector<1xf32>
      %reduce_max3A_203 = vector.shape_cast %reduce_max3A_202 : vector<1xf32> to vector<1x1x1xf32>
      %reduce_max3A_204 = vector.extract %reduce_max3A_203[0, 0, 0] : f32 from vector<1x1x1xf32>
      %eq3A_205 = vector.broadcast %reduce_max3A_204 : f32 to vector<1x4096xf32>
      %eq3A_206 = arith.cmpf oeq, %select_n3A_199, %eq3A_205 : vector<1x4096xf32>
      %jit3A_207 = arith.constant 1073741824 : i32
      %broadcast_in_dim3A_208 = vector.broadcast %jit3A_207 : i32 to vector<1x4096xi32>
      %select_n3A_209 = arith.select %eq3A_206, %slice3A_161, %broadcast_in_dim3A_208 : vector<1x4096xi1>, vector<1x4096xi32>
      %reduce_min3A_210 = vector.shape_cast %select_n3A_209 : vector<1x4096xi32> to vector<1x1x4096xi32>
      %reduce_min3A_211 = arith.constant dense<2147483647> : vector<1xi32>
      %reduce_min3A_212 = vector.multi_reduction <minsi>, %reduce_min3A_210, %reduce_min3A_211 [1, 2] : vector<1x1x4096xi32> to vector<1xi32>
      %reduce_min3A_213 = vector.shape_cast %reduce_min3A_212 : vector<1xi32> to vector<1x1x1xi32>
      %reduce_min3A_214 = vector.extract %reduce_min3A_213[0, 0, 0] : i32 from vector<1x1x1xi32>
      %dma_start3A_215 = arith.constant 1 : i32
      %dma_start3A_216 = arith.constant 1 : i32
      %dma_start3A_217 = arith.constant 5 : i32
      %dma_start3A_218 = tpu.memref_slice %arg11[%dma_start3A_217] : memref<20x!tpu.dma_semaphore, #tpu.memory_space<semaphore_mem>> -> memref<1x!tpu.dma_semaphore, #tpu.memory_space<semaphore_mem>>
      %dma_start3A_219 = tpu.memref_squeeze %dma_start3A_218 : memref<1x!tpu.dma_semaphore, #tpu.memory_space<semaphore_mem>> -> memref<!tpu.dma_semaphore, #tpu.memory_space<semaphore_mem>>
      %dma_start3A_220 = arith.constant 0 : i32
      %dma_start3A_221 = arith.constant 0 : i32
      %dma_start3A_222 = tpu.memref_slice %arg9[%dma_start3A_216, %dma_start3A_220, %dma_start3A_221] : memref<4x4x768xf32, #tpu.memory_space<vmem>> -> memref<1x4x768xf32, #tpu.memory_space<vmem>>
      %dma_start3A_223 = tpu.memref_squeeze %dma_start3A_222 : memref<1x4x768xf32, #tpu.memory_space<vmem>> -> memref<4x768xf32, #tpu.memory_space<vmem>>
      %dma_start3A_224 = arith.constant 1 : i32
      %dma_start3A_225 = arith.constant 0 : i32
      %dma_start3A_226 = tpu.memref_slice %dma_start3A_223[%dma_start3A_224, %dma_start3A_225] : memref<4x768xf32, #tpu.memory_space<vmem>> -> memref<1x768xf32, #tpu.memory_space<vmem>>
      %dma_start3A_227 = arith.constant 0 : i32
      %dma_start3A_228 = arith.constant 0 : i32
      %dma_start3A_229 = tpu.memref_slice %arg2[%dma_start3A_215, %dma_start3A_227, %dma_start3A_228] : memref<4x4096x768xf32, #tpu.memory_space<any>> -> memref<1x4096x768xf32, #tpu.memory_space<any>>
      %dma_start3A_230 = tpu.memref_squeeze %dma_start3A_229 : memref<1x4096x768xf32, #tpu.memory_space<any>> -> memref<4096x768xf32, #tpu.memory_space<any>>
      %dma_start3A_231 = arith.constant 0 : i32
      %dma_start3A_232 = tpu.memref_slice %dma_start3A_230[%reduce_min3A_214, %dma_start3A_231] : memref<4096x768xf32, #tpu.memory_space<any>> -> memref<1x768xf32, #tpu.memory_space<any>>
      tpu.enqueue_dma source(%dma_start3A_232 : memref<1x768xf32, #tpu.memory_space<any>>) target(%dma_start3A_226 : memref<1x768xf32, #tpu.memory_space<vmem>>) target_semaphore(%dma_start3A_219 : memref<!tpu.dma_semaphore, #tpu.memory_space<semaphore_mem>>)
      %eq3A_233 = vector.broadcast %reduce_min3A_214 : i32 to vector<1x4096xi32>
      %eq3A_234 = arith.cmpi eq, %slice3A_161, %eq3A_233 : vector<1x4096xi32>
      %jit3A_235 = arith.constant -1.000000e+00 : f32
      %broadcast_in_dim3A_236 = vector.broadcast %jit3A_235 : f32 to vector<1x4096xf32>
      %select_n3A_237 = arith.select %eq3A_234, %broadcast_in_dim3A_236, %select_n3A_199 : vector<1x4096xi1>, vector<1x4096xf32>
      %reduce_max3A_238 = vector.shape_cast %select_n3A_237 : vector<1x4096xf32> to vector<1x1x4096xf32>
      %reduce_max3A_239 = arith.constant dense<0xFF800000> : vector<1xf32>
      %reduce_max3A_240 = vector.multi_reduction <maximumf>, %reduce_max3A_238, %reduce_max3A_239 [1, 2] : vector<1x1x4096xf32> to vector<1xf32>
      %reduce_max3A_241 = vector.shape_cast %reduce_max3A_240 : vector<1xf32> to vector<1x1x1xf32>
      %reduce_max3A_242 = vector.extract %reduce_max3A_241[0, 0, 0] : f32 from vector<1x1x1xf32>
      %eq3A_243 = vector.broadcast %reduce_max3A_242 : f32 to vector<1x4096xf32>
      %eq3A_244 = arith.cmpf oeq, %select_n3A_237, %eq3A_243 : vector<1x4096xf32>
      %jit3A_245 = arith.constant 1073741824 : i32
      %broadcast_in_dim3A_246 = vector.broadcast %jit3A_245 : i32 to vector<1x4096xi32>
      %select_n3A_247 = arith.select %eq3A_244, %slice3A_161, %broadcast_in_dim3A_246 : vector<1x4096xi1>, vector<1x4096xi32>
      %reduce_min3A_248 = vector.shape_cast %select_n3A_247 : vector<1x4096xi32> to vector<1x1x4096xi32>
      %reduce_min3A_249 = arith.constant dense<2147483647> : vector<1xi32>
      %reduce_min3A_250 = vector.multi_reduction <minsi>, %reduce_min3A_248, %reduce_min3A_249 [1, 2] : vector<1x1x4096xi32> to vector<1xi32>
      %reduce_min3A_251 = vector.shape_cast %reduce_min3A_250 : vector<1xi32> to vector<1x1x1xi32>
      %reduce_min3A_252 = vector.extract %reduce_min3A_251[0, 0, 0] : i32 from vector<1x1x1xi32>
      %dma_start3A_253 = arith.constant 1 : i32
      %dma_start3A_254 = arith.constant 1 : i32
      %dma_start3A_255 = arith.constant 6 : i32
      %dma_start3A_256 = tpu.memref_slice %arg11[%dma_start3A_255] : memref<20x!tpu.dma_semaphore, #tpu.memory_space<semaphore_mem>> -> memref<1x!tpu.dma_semaphore, #tpu.memory_space<semaphore_mem>>
      %dma_start3A_257 = tpu.memref_squeeze %dma_start3A_256 : memref<1x!tpu.dma_semaphore, #tpu.memory_space<semaphore_mem>> -> memref<!tpu.dma_semaphore, #tpu.memory_space<semaphore_mem>>
      %dma_start3A_258 = arith.constant 0 : i32
      %dma_start3A_259 = arith.constant 0 : i32
      %dma_start3A_260 = tpu.memref_slice %arg9[%dma_start3A_254, %dma_start3A_258, %dma_start3A_259] : memref<4x4x768xf32, #tpu.memory_space<vmem>> -> memref<1x4x768xf32, #tpu.memory_space<vmem>>
      %dma_start3A_261 = tpu.memref_squeeze %dma_start3A_260 : memref<1x4x768xf32, #tpu.memory_space<vmem>> -> memref<4x768xf32, #tpu.memory_space<vmem>>
      %dma_start3A_262 = arith.constant 2 : i32
      %dma_start3A_263 = arith.constant 0 : i32
      %dma_start3A_264 = tpu.memref_slice %dma_start3A_261[%dma_start3A_262, %dma_start3A_263] : memref<4x768xf32, #tpu.memory_space<vmem>> -> memref<1x768xf32, #tpu.memory_space<vmem>>
      %dma_start3A_265 = arith.constant 0 : i32
      %dma_start3A_266 = arith.constant 0 : i32
      %dma_start3A_267 = tpu.memref_slice %arg2[%dma_start3A_253, %dma_start3A_265, %dma_start3A_266] : memref<4x4096x768xf32, #tpu.memory_space<any>> -> memref<1x4096x768xf32, #tpu.memory_space<any>>
      %dma_start3A_268 = tpu.memref_squeeze %dma_start3A_267 : memref<1x4096x768xf32, #tpu.memory_space<any>> -> memref<4096x768xf32, #tpu.memory_space<any>>
      %dma_start3A_269 = arith.constant 0 : i32
      %dma_start3A_270 = tpu.memref_slice %dma_start3A_268[%reduce_min3A_252, %dma_start3A_269] : memref<4096x768xf32, #tpu.memory_space<any>> -> memref<1x768xf32, #tpu.memory_space<any>>
      tpu.enqueue_dma source(%dma_start3A_270 : memref<1x768xf32, #tpu.memory_space<any>>) target(%dma_start3A_264 : memref<1x768xf32, #tpu.memory_space<vmem>>) target_semaphore(%dma_start3A_257 : memref<!tpu.dma_semaphore, #tpu.memory_space<semaphore_mem>>)
      %eq3A_271 = vector.broadcast %reduce_min3A_252 : i32 to vector<1x4096xi32>
      %eq3A_272 = arith.cmpi eq, %slice3A_161, %eq3A_271 : vector<1x4096xi32>
      %jit3A_273 = arith.constant -1.000000e+00 : f32
      %broadcast_in_dim3A_274 = vector.broadcast %jit3A_273 : f32 to vector<1x4096xf32>
      %select_n3A_275 = arith.select %eq3A_272, %broadcast_in_dim3A_274, %select_n3A_237 : vector<1x4096xi1>, vector<1x4096xf32>
      %reduce_max3A_276 = vector.shape_cast %select_n3A_275 : vector<1x4096xf32> to vector<1x1x4096xf32>
      %reduce_max3A_277 = arith.constant dense<0xFF800000> : vector<1xf32>
      %reduce_max3A_278 = vector.multi_reduction <maximumf>, %reduce_max3A_276, %reduce_max3A_277 [1, 2] : vector<1x1x4096xf32> to vector<1xf32>
      %reduce_max3A_279 = vector.shape_cast %reduce_max3A_278 : vector<1xf32> to vector<1x1x1xf32>
      %reduce_max3A_280 = vector.extract %reduce_max3A_279[0, 0, 0] : f32 from vector<1x1x1xf32>
      %eq3A_281 = vector.broadcast %reduce_max3A_280 : f32 to vector<1x4096xf32>
      %eq3A_282 = arith.cmpf oeq, %select_n3A_275, %eq3A_281 : vector<1x4096xf32>
      %jit3A_283 = arith.constant 1073741824 : i32
      %broadcast_in_dim3A_284 = vector.broadcast %jit3A_283 : i32 to vector<1x4096xi32>
      %select_n3A_285 = arith.select %eq3A_282, %slice3A_161, %broadcast_in_dim3A_284 : vector<1x4096xi1>, vector<1x4096xi32>
      %reduce_min3A_286 = vector.shape_cast %select_n3A_285 : vector<1x4096xi32> to vector<1x1x4096xi32>
      %reduce_min3A_287 = arith.constant dense<2147483647> : vector<1xi32>
      %reduce_min3A_288 = vector.multi_reduction <minsi>, %reduce_min3A_286, %reduce_min3A_287 [1, 2] : vector<1x1x4096xi32> to vector<1xi32>
      %reduce_min3A_289 = vector.shape_cast %reduce_min3A_288 : vector<1xi32> to vector<1x1x1xi32>
      %reduce_min3A_290 = vector.extract %reduce_min3A_289[0, 0, 0] : i32 from vector<1x1x1xi32>
      %dma_start3A_291 = arith.constant 1 : i32
      %dma_start3A_292 = arith.constant 1 : i32
      %dma_start3A_293 = arith.constant 7 : i32
      %dma_start3A_294 = tpu.memref_slice %arg11[%dma_start3A_293] : memref<20x!tpu.dma_semaphore, #tpu.memory_space<semaphore_mem>> -> memref<1x!tpu.dma_semaphore, #tpu.memory_space<semaphore_mem>>
      %dma_start3A_295 = tpu.memref_squeeze %dma_start3A_294 : memref<1x!tpu.dma_semaphore, #tpu.memory_space<semaphore_mem>> -> memref<!tpu.dma_semaphore, #tpu.memory_space<semaphore_mem>>
      %dma_start3A_296 = arith.constant 0 : i32
      %dma_start3A_297 = arith.constant 0 : i32
      %dma_start3A_298 = tpu.memref_slice %arg9[%dma_start3A_292, %dma_start3A_296, %dma_start3A_297] : memref<4x4x768xf32, #tpu.memory_space<vmem>> -> memref<1x4x768xf32, #tpu.memory_space<vmem>>
      %dma_start3A_299 = tpu.memref_squeeze %dma_start3A_298 : memref<1x4x768xf32, #tpu.memory_space<vmem>> -> memref<4x768xf32, #tpu.memory_space<vmem>>
      %dma_start3A_300 = arith.constant 3 : i32
      %dma_start3A_301 = arith.constant 0 : i32
      %dma_start3A_302 = tpu.memref_slice %dma_start3A_299[%dma_start3A_300, %dma_start3A_301] : memref<4x768xf32, #tpu.memory_space<vmem>> -> memref<1x768xf32, #tpu.memory_space<vmem>>
      %dma_start3A_303 = arith.constant 0 : i32
      %dma_start3A_304 = arith.constant 0 : i32
      %dma_start3A_305 = tpu.memref_slice %arg2[%dma_start3A_291, %dma_start3A_303, %dma_start3A_304] : memref<4x4096x768xf32, #tpu.memory_space<any>> -> memref<1x4096x768xf32, #tpu.memory_space<any>>
      %dma_start3A_306 = tpu.memref_squeeze %dma_start3A_305 : memref<1x4096x768xf32, #tpu.memory_space<any>> -> memref<4096x768xf32, #tpu.memory_space<any>>
      %dma_start3A_307 = arith.constant 0 : i32
      %dma_start3A_308 = tpu.memref_slice %dma_start3A_306[%reduce_min3A_290, %dma_start3A_307] : memref<4096x768xf32, #tpu.memory_space<any>> -> memref<1x768xf32, #tpu.memory_space<any>>
      tpu.enqueue_dma source(%dma_start3A_308 : memref<1x768xf32, #tpu.memory_space<any>>) target(%dma_start3A_302 : memref<1x768xf32, #tpu.memory_space<vmem>>) target_semaphore(%dma_start3A_295 : memref<!tpu.dma_semaphore, #tpu.memory_space<semaphore_mem>>)
      %slice3A_309 = vector.extract_strided_slice %get3A_17 {offsets = [2, 0], sizes = [1, 4096], strides = [1, 1]} : vector<4x4096xf32> to vector<1x4096xf32>
      %slice3A_310 = vector.extract_strided_slice %iota3A {offsets = [2, 0], sizes = [1, 4096], strides = [1, 1]} : vector<4x4096xi32> to vector<1x4096xi32>
      %reduce_max3A_311 = vector.shape_cast %slice3A_309 : vector<1x4096xf32> to vector<1x1x4096xf32>
      %reduce_max3A_312 = arith.constant dense<0xFF800000> : vector<1xf32>
      %reduce_max3A_313 = vector.multi_reduction <maximumf>, %reduce_max3A_311, %reduce_max3A_312 [1, 2] : vector<1x1x4096xf32> to vector<1xf32>
      %reduce_max3A_314 = vector.shape_cast %reduce_max3A_313 : vector<1xf32> to vector<1x1x1xf32>
      %reduce_max3A_315 = vector.extract %reduce_max3A_314[0, 0, 0] : f32 from vector<1x1x1xf32>
      %eq3A_316 = vector.broadcast %reduce_max3A_315 : f32 to vector<1x4096xf32>
      %eq3A_317 = arith.cmpf oeq, %slice3A_309, %eq3A_316 : vector<1x4096xf32>
      %jit3A_318 = arith.constant 1073741824 : i32
      %broadcast_in_dim3A_319 = vector.broadcast %jit3A_318 : i32 to vector<1x4096xi32>
      %select_n3A_320 = arith.select %eq3A_317, %slice3A_310, %broadcast_in_dim3A_319 : vector<1x4096xi1>, vector<1x4096xi32>
      %reduce_min3A_321 = vector.shape_cast %select_n3A_320 : vector<1x4096xi32> to vector<1x1x4096xi32>
      %reduce_min3A_322 = arith.constant dense<2147483647> : vector<1xi32>
      %reduce_min3A_323 = vector.multi_reduction <minsi>, %reduce_min3A_321, %reduce_min3A_322 [1, 2] : vector<1x1x4096xi32> to vector<1xi32>
      %reduce_min3A_324 = vector.shape_cast %reduce_min3A_323 : vector<1xi32> to vector<1x1x1xi32>
      %reduce_min3A_325 = vector.extract %reduce_min3A_324[0, 0, 0] : i32 from vector<1x1x1xi32>
      %dma_start3A_326 = arith.constant 2 : i32
      %dma_start3A_327 = arith.constant 2 : i32
      %dma_start3A_328 = arith.constant 8 : i32
      %dma_start3A_329 = tpu.memref_slice %arg11[%dma_start3A_328] : memref<20x!tpu.dma_semaphore, #tpu.memory_space<semaphore_mem>> -> memref<1x!tpu.dma_semaphore, #tpu.memory_space<semaphore_mem>>
      %dma_start3A_330 = tpu.memref_squeeze %dma_start3A_329 : memref<1x!tpu.dma_semaphore, #tpu.memory_space<semaphore_mem>> -> memref<!tpu.dma_semaphore, #tpu.memory_space<semaphore_mem>>
      %dma_start3A_331 = arith.constant 0 : i32
      %dma_start3A_332 = arith.constant 0 : i32
      %dma_start3A_333 = tpu.memref_slice %arg9[%dma_start3A_327, %dma_start3A_331, %dma_start3A_332] : memref<4x4x768xf32, #tpu.memory_space<vmem>> -> memref<1x4x768xf32, #tpu.memory_space<vmem>>
      %dma_start3A_334 = tpu.memref_squeeze %dma_start3A_333 : memref<1x4x768xf32, #tpu.memory_space<vmem>> -> memref<4x768xf32, #tpu.memory_space<vmem>>
      %dma_start3A_335 = arith.constant 0 : i32
      %dma_start3A_336 = arith.constant 0 : i32
      %dma_start3A_337 = tpu.memref_slice %dma_start3A_334[%dma_start3A_335, %dma_start3A_336] : memref<4x768xf32, #tpu.memory_space<vmem>> -> memref<1x768xf32, #tpu.memory_space<vmem>>
      %dma_start3A_338 = arith.constant 0 : i32
      %dma_start3A_339 = arith.constant 0 : i32
      %dma_start3A_340 = tpu.memref_slice %arg2[%dma_start3A_326, %dma_start3A_338, %dma_start3A_339] : memref<4x4096x768xf32, #tpu.memory_space<any>> -> memref<1x4096x768xf32, #tpu.memory_space<any>>
      %dma_start3A_341 = tpu.memref_squeeze %dma_start3A_340 : memref<1x4096x768xf32, #tpu.memory_space<any>> -> memref<4096x768xf32, #tpu.memory_space<any>>
      %dma_start3A_342 = arith.constant 0 : i32
      %dma_start3A_343 = tpu.memref_slice %dma_start3A_341[%reduce_min3A_325, %dma_start3A_342] : memref<4096x768xf32, #tpu.memory_space<any>> -> memref<1x768xf32, #tpu.memory_space<any>>
      tpu.enqueue_dma source(%dma_start3A_343 : memref<1x768xf32, #tpu.memory_space<any>>) target(%dma_start3A_337 : memref<1x768xf32, #tpu.memory_space<vmem>>) target_semaphore(%dma_start3A_330 : memref<!tpu.dma_semaphore, #tpu.memory_space<semaphore_mem>>)
      %eq3A_344 = vector.broadcast %reduce_min3A_325 : i32 to vector<1x4096xi32>
      %eq3A_345 = arith.cmpi eq, %slice3A_310, %eq3A_344 : vector<1x4096xi32>
      %jit3A_346 = arith.constant -1.000000e+00 : f32
      %broadcast_in_dim3A_347 = vector.broadcast %jit3A_346 : f32 to vector<1x4096xf32>
      %select_n3A_348 = arith.select %eq3A_345, %broadcast_in_dim3A_347, %slice3A_309 : vector<1x4096xi1>, vector<1x4096xf32>
      %reduce_max3A_349 = vector.shape_cast %select_n3A_348 : vector<1x4096xf32> to vector<1x1x4096xf32>
      %reduce_max3A_350 = arith.constant dense<0xFF800000> : vector<1xf32>
      %reduce_max3A_351 = vector.multi_reduction <maximumf>, %reduce_max3A_349, %reduce_max3A_350 [1, 2] : vector<1x1x4096xf32> to vector<1xf32>
      %reduce_max3A_352 = vector.shape_cast %reduce_max3A_351 : vector<1xf32> to vector<1x1x1xf32>
      %reduce_max3A_353 = vector.extract %reduce_max3A_352[0, 0, 0] : f32 from vector<1x1x1xf32>
      %eq3A_354 = vector.broadcast %reduce_max3A_353 : f32 to vector<1x4096xf32>
      %eq3A_355 = arith.cmpf oeq, %select_n3A_348, %eq3A_354 : vector<1x4096xf32>
      %jit3A_356 = arith.constant 1073741824 : i32
      %broadcast_in_dim3A_357 = vector.broadcast %jit3A_356 : i32 to vector<1x4096xi32>
      %select_n3A_358 = arith.select %eq3A_355, %slice3A_310, %broadcast_in_dim3A_357 : vector<1x4096xi1>, vector<1x4096xi32>
      %reduce_min3A_359 = vector.shape_cast %select_n3A_358 : vector<1x4096xi32> to vector<1x1x4096xi32>
      %reduce_min3A_360 = arith.constant dense<2147483647> : vector<1xi32>
      %reduce_min3A_361 = vector.multi_reduction <minsi>, %reduce_min3A_359, %reduce_min3A_360 [1, 2] : vector<1x1x4096xi32> to vector<1xi32>
      %reduce_min3A_362 = vector.shape_cast %reduce_min3A_361 : vector<1xi32> to vector<1x1x1xi32>
      %reduce_min3A_363 = vector.extract %reduce_min3A_362[0, 0, 0] : i32 from vector<1x1x1xi32>
      %dma_start3A_364 = arith.constant 2 : i32
      %dma_start3A_365 = arith.constant 2 : i32
      %dma_start3A_366 = arith.constant 9 : i32
      %dma_start3A_367 = tpu.memref_slice %arg11[%dma_start3A_366] : memref<20x!tpu.dma_semaphore, #tpu.memory_space<semaphore_mem>> -> memref<1x!tpu.dma_semaphore, #tpu.memory_space<semaphore_mem>>
      %dma_start3A_368 = tpu.memref_squeeze %dma_start3A_367 : memref<1x!tpu.dma_semaphore, #tpu.memory_space<semaphore_mem>> -> memref<!tpu.dma_semaphore, #tpu.memory_space<semaphore_mem>>
      %dma_start3A_369 = arith.constant 0 : i32
      %dma_start3A_370 = arith.constant 0 : i32
      %dma_start3A_371 = tpu.memref_slice %arg9[%dma_start3A_365, %dma_start3A_369, %dma_start3A_370] : memref<4x4x768xf32, #tpu.memory_space<vmem>> -> memref<1x4x768xf32, #tpu.memory_space<vmem>>
      %dma_start3A_372 = tpu.memref_squeeze %dma_start3A_371 : memref<1x4x768xf32, #tpu.memory_space<vmem>> -> memref<4x768xf32, #tpu.memory_space<vmem>>
      %dma_start3A_373 = arith.constant 1 : i32
      %dma_start3A_374 = arith.constant 0 : i32
      %dma_start3A_375 = tpu.memref_slice %dma_start3A_372[%dma_start3A_373, %dma_start3A_374] : memref<4x768xf32, #tpu.memory_space<vmem>> -> memref<1x768xf32, #tpu.memory_space<vmem>>
      %dma_start3A_376 = arith.constant 0 : i32
      %dma_start3A_377 = arith.constant 0 : i32
      %dma_start3A_378 = tpu.memref_slice %arg2[%dma_start3A_364, %dma_start3A_376, %dma_start3A_377] : memref<4x4096x768xf32, #tpu.memory_space<any>> -> memref<1x4096x768xf32, #tpu.memory_space<any>>
      %dma_start3A_379 = tpu.memref_squeeze %dma_start3A_378 : memref<1x4096x768xf32, #tpu.memory_space<any>> -> memref<4096x768xf32, #tpu.memory_space<any>>
      %dma_start3A_380 = arith.constant 0 : i32
      %dma_start3A_381 = tpu.memref_slice %dma_start3A_379[%reduce_min3A_363, %dma_start3A_380] : memref<4096x768xf32, #tpu.memory_space<any>> -> memref<1x768xf32, #tpu.memory_space<any>>
      tpu.enqueue_dma source(%dma_start3A_381 : memref<1x768xf32, #tpu.memory_space<any>>) target(%dma_start3A_375 : memref<1x768xf32, #tpu.memory_space<vmem>>) target_semaphore(%dma_start3A_368 : memref<!tpu.dma_semaphore, #tpu.memory_space<semaphore_mem>>)
      %eq3A_382 = vector.broadcast %reduce_min3A_363 : i32 to vector<1x4096xi32>
      %eq3A_383 = arith.cmpi eq, %slice3A_310, %eq3A_382 : vector<1x4096xi32>
      %jit3A_384 = arith.constant -1.000000e+00 : f32
      %broadcast_in_dim3A_385 = vector.broadcast %jit3A_384 : f32 to vector<1x4096xf32>
      %select_n3A_386 = arith.select %eq3A_383, %broadcast_in_dim3A_385, %select_n3A_348 : vector<1x4096xi1>, vector<1x4096xf32>
      %reduce_max3A_387 = vector.shape_cast %select_n3A_386 : vector<1x4096xf32> to vector<1x1x4096xf32>
      %reduce_max3A_388 = arith.constant dense<0xFF800000> : vector<1xf32>
      %reduce_max3A_389 = vector.multi_reduction <maximumf>, %reduce_max3A_387, %reduce_max3A_388 [1, 2] : vector<1x1x4096xf32> to vector<1xf32>
      %reduce_max3A_390 = vector.shape_cast %reduce_max3A_389 : vector<1xf32> to vector<1x1x1xf32>
      %reduce_max3A_391 = vector.extract %reduce_max3A_390[0, 0, 0] : f32 from vector<1x1x1xf32>
      %eq3A_392 = vector.broadcast %reduce_max3A_391 : f32 to vector<1x4096xf32>
      %eq3A_393 = arith.cmpf oeq, %select_n3A_386, %eq3A_392 : vector<1x4096xf32>
      %jit3A_394 = arith.constant 1073741824 : i32
      %broadcast_in_dim3A_395 = vector.broadcast %jit3A_394 : i32 to vector<1x4096xi32>
      %select_n3A_396 = arith.select %eq3A_393, %slice3A_310, %broadcast_in_dim3A_395 : vector<1x4096xi1>, vector<1x4096xi32>
      %reduce_min3A_397 = vector.shape_cast %select_n3A_396 : vector<1x4096xi32> to vector<1x1x4096xi32>
      %reduce_min3A_398 = arith.constant dense<2147483647> : vector<1xi32>
      %reduce_min3A_399 = vector.multi_reduction <minsi>, %reduce_min3A_397, %reduce_min3A_398 [1, 2] : vector<1x1x4096xi32> to vector<1xi32>
      %reduce_min3A_400 = vector.shape_cast %reduce_min3A_399 : vector<1xi32> to vector<1x1x1xi32>
      %reduce_min3A_401 = vector.extract %reduce_min3A_400[0, 0, 0] : i32 from vector<1x1x1xi32>
      %dma_start3A_402 = arith.constant 2 : i32
      %dma_start3A_403 = arith.constant 2 : i32
      %dma_start3A_404 = arith.constant 10 : i32
      %dma_start3A_405 = tpu.memref_slice %arg11[%dma_start3A_404] : memref<20x!tpu.dma_semaphore, #tpu.memory_space<semaphore_mem>> -> memref<1x!tpu.dma_semaphore, #tpu.memory_space<semaphore_mem>>
      %dma_start3A_406 = tpu.memref_squeeze %dma_start3A_405 : memref<1x!tpu.dma_semaphore, #tpu.memory_space<semaphore_mem>> -> memref<!tpu.dma_semaphore, #tpu.memory_space<semaphore_mem>>
      %dma_start3A_407 = arith.constant 0 : i32
      %dma_start3A_408 = arith.constant 0 : i32
      %dma_start3A_409 = tpu.memref_slice %arg9[%dma_start3A_403, %dma_start3A_407, %dma_start3A_408] : memref<4x4x768xf32, #tpu.memory_space<vmem>> -> memref<1x4x768xf32, #tpu.memory_space<vmem>>
      %dma_start3A_410 = tpu.memref_squeeze %dma_start3A_409 : memref<1x4x768xf32, #tpu.memory_space<vmem>> -> memref<4x768xf32, #tpu.memory_space<vmem>>
      %dma_start3A_411 = arith.constant 2 : i32
      %dma_start3A_412 = arith.constant 0 : i32
      %dma_start3A_413 = tpu.memref_slice %dma_start3A_410[%dma_start3A_411, %dma_start3A_412] : memref<4x768xf32, #tpu.memory_space<vmem>> -> memref<1x768xf32, #tpu.memory_space<vmem>>
      %dma_start3A_414 = arith.constant 0 : i32
      %dma_start3A_415 = arith.constant 0 : i32
      %dma_start3A_416 = tpu.memref_slice %arg2[%dma_start3A_402, %dma_start3A_414, %dma_start3A_415] : memref<4x4096x768xf32, #tpu.memory_space<any>> -> memref<1x4096x768xf32, #tpu.memory_space<any>>
      %dma_start3A_417 = tpu.memref_squeeze %dma_start3A_416 : memref<1x4096x768xf32, #tpu.memory_space<any>> -> memref<4096x768xf32, #tpu.memory_space<any>>
      %dma_start3A_418 = arith.constant 0 : i32
      %dma_start3A_419 = tpu.memref_slice %dma_start3A_417[%reduce_min3A_401, %dma_start3A_418] : memref<4096x768xf32, #tpu.memory_space<any>> -> memref<1x768xf32, #tpu.memory_space<any>>
      tpu.enqueue_dma source(%dma_start3A_419 : memref<1x768xf32, #tpu.memory_space<any>>) target(%dma_start3A_413 : memref<1x768xf32, #tpu.memory_space<vmem>>) target_semaphore(%dma_start3A_406 : memref<!tpu.dma_semaphore, #tpu.memory_space<semaphore_mem>>)
      %eq3A_420 = vector.broadcast %reduce_min3A_401 : i32 to vector<1x4096xi32>
      %eq3A_421 = arith.cmpi eq, %slice3A_310, %eq3A_420 : vector<1x4096xi32>
      %jit3A_422 = arith.constant -1.000000e+00 : f32
      %broadcast_in_dim3A_423 = vector.broadcast %jit3A_422 : f32 to vector<1x4096xf32>
      %select_n3A_424 = arith.select %eq3A_421, %broadcast_in_dim3A_423, %select_n3A_386 : vector<1x4096xi1>, vector<1x4096xf32>
      %reduce_max3A_425 = vector.shape_cast %select_n3A_424 : vector<1x4096xf32> to vector<1x1x4096xf32>
      %reduce_max3A_426 = arith.constant dense<0xFF800000> : vector<1xf32>
      %reduce_max3A_427 = vector.multi_reduction <maximumf>, %reduce_max3A_425, %reduce_max3A_426 [1, 2] : vector<1x1x4096xf32> to vector<1xf32>
      %reduce_max3A_428 = vector.shape_cast %reduce_max3A_427 : vector<1xf32> to vector<1x1x1xf32>
      %reduce_max3A_429 = vector.extract %reduce_max3A_428[0, 0, 0] : f32 from vector<1x1x1xf32>
      %eq3A_430 = vector.broadcast %reduce_max3A_429 : f32 to vector<1x4096xf32>
      %eq3A_431 = arith.cmpf oeq, %select_n3A_424, %eq3A_430 : vector<1x4096xf32>
      %jit3A_432 = arith.constant 1073741824 : i32
      %broadcast_in_dim3A_433 = vector.broadcast %jit3A_432 : i32 to vector<1x4096xi32>
      %select_n3A_434 = arith.select %eq3A_431, %slice3A_310, %broadcast_in_dim3A_433 : vector<1x4096xi1>, vector<1x4096xi32>
      %reduce_min3A_435 = vector.shape_cast %select_n3A_434 : vector<1x4096xi32> to vector<1x1x4096xi32>
      %reduce_min3A_436 = arith.constant dense<2147483647> : vector<1xi32>
      %reduce_min3A_437 = vector.multi_reduction <minsi>, %reduce_min3A_435, %reduce_min3A_436 [1, 2] : vector<1x1x4096xi32> to vector<1xi32>
      %reduce_min3A_438 = vector.shape_cast %reduce_min3A_437 : vector<1xi32> to vector<1x1x1xi32>
      %reduce_min3A_439 = vector.extract %reduce_min3A_438[0, 0, 0] : i32 from vector<1x1x1xi32>
      %dma_start3A_440 = arith.constant 2 : i32
      %dma_start3A_441 = arith.constant 2 : i32
      %dma_start3A_442 = arith.constant 11 : i32
      %dma_start3A_443 = tpu.memref_slice %arg11[%dma_start3A_442] : memref<20x!tpu.dma_semaphore, #tpu.memory_space<semaphore_mem>> -> memref<1x!tpu.dma_semaphore, #tpu.memory_space<semaphore_mem>>
      %dma_start3A_444 = tpu.memref_squeeze %dma_start3A_443 : memref<1x!tpu.dma_semaphore, #tpu.memory_space<semaphore_mem>> -> memref<!tpu.dma_semaphore, #tpu.memory_space<semaphore_mem>>
      %dma_start3A_445 = arith.constant 0 : i32
      %dma_start3A_446 = arith.constant 0 : i32
      %dma_start3A_447 = tpu.memref_slice %arg9[%dma_start3A_441, %dma_start3A_445, %dma_start3A_446] : memref<4x4x768xf32, #tpu.memory_space<vmem>> -> memref<1x4x768xf32, #tpu.memory_space<vmem>>
      %dma_start3A_448 = tpu.memref_squeeze %dma_start3A_447 : memref<1x4x768xf32, #tpu.memory_space<vmem>> -> memref<4x768xf32, #tpu.memory_space<vmem>>
      %dma_start3A_449 = arith.constant 3 : i32
      %dma_start3A_450 = arith.constant 0 : i32
      %dma_start3A_451 = tpu.memref_slice %dma_start3A_448[%dma_start3A_449, %dma_start3A_450] : memref<4x768xf32, #tpu.memory_space<vmem>> -> memref<1x768xf32, #tpu.memory_space<vmem>>
      %dma_start3A_452 = arith.constant 0 : i32
      %dma_start3A_453 = arith.constant 0 : i32
      %dma_start3A_454 = tpu.memref_slice %arg2[%dma_start3A_440, %dma_start3A_452, %dma_start3A_453] : memref<4x4096x768xf32, #tpu.memory_space<any>> -> memref<1x4096x768xf32, #tpu.memory_space<any>>
      %dma_start3A_455 = tpu.memref_squeeze %dma_start3A_454 : memref<1x4096x768xf32, #tpu.memory_space<any>> -> memref<4096x768xf32, #tpu.memory_space<any>>
      %dma_start3A_456 = arith.constant 0 : i32
      %dma_start3A_457 = tpu.memref_slice %dma_start3A_455[%reduce_min3A_439, %dma_start3A_456] : memref<4096x768xf32, #tpu.memory_space<any>> -> memref<1x768xf32, #tpu.memory_space<any>>
      tpu.enqueue_dma source(%dma_start3A_457 : memref<1x768xf32, #tpu.memory_space<any>>) target(%dma_start3A_451 : memref<1x768xf32, #tpu.memory_space<vmem>>) target_semaphore(%dma_start3A_444 : memref<!tpu.dma_semaphore, #tpu.memory_space<semaphore_mem>>)
      %slice3A_458 = vector.extract_strided_slice %get3A_17 {offsets = [3, 0], sizes = [1, 4096], strides = [1, 1]} : vector<4x4096xf32> to vector<1x4096xf32>
      %slice3A_459 = vector.extract_strided_slice %iota3A {offsets = [3, 0], sizes = [1, 4096], strides = [1, 1]} : vector<4x4096xi32> to vector<1x4096xi32>
      %reduce_max3A_460 = vector.shape_cast %slice3A_458 : vector<1x4096xf32> to vector<1x1x4096xf32>
      %reduce_max3A_461 = arith.constant dense<0xFF800000> : vector<1xf32>
      %reduce_max3A_462 = vector.multi_reduction <maximumf>, %reduce_max3A_460, %reduce_max3A_461 [1, 2] : vector<1x1x4096xf32> to vector<1xf32>
      %reduce_max3A_463 = vector.shape_cast %reduce_max3A_462 : vector<1xf32> to vector<1x1x1xf32>
      %reduce_max3A_464 = vector.extract %reduce_max3A_463[0, 0, 0] : f32 from vector<1x1x1xf32>
      %eq3A_465 = vector.broadcast %reduce_max3A_464 : f32 to vector<1x4096xf32>
      %eq3A_466 = arith.cmpf oeq, %slice3A_458, %eq3A_465 : vector<1x4096xf32>
      %jit3A_467 = arith.constant 1073741824 : i32
      %broadcast_in_dim3A_468 = vector.broadcast %jit3A_467 : i32 to vector<1x4096xi32>
      %select_n3A_469 = arith.select %eq3A_466, %slice3A_459, %broadcast_in_dim3A_468 : vector<1x4096xi1>, vector<1x4096xi32>
      %reduce_min3A_470 = vector.shape_cast %select_n3A_469 : vector<1x4096xi32> to vector<1x1x4096xi32>
      %reduce_min3A_471 = arith.constant dense<2147483647> : vector<1xi32>
      %reduce_min3A_472 = vector.multi_reduction <minsi>, %reduce_min3A_470, %reduce_min3A_471 [1, 2] : vector<1x1x4096xi32> to vector<1xi32>
      %reduce_min3A_473 = vector.shape_cast %reduce_min3A_472 : vector<1xi32> to vector<1x1x1xi32>
      %reduce_min3A_474 = vector.extract %reduce_min3A_473[0, 0, 0] : i32 from vector<1x1x1xi32>
      %dma_start3A_475 = arith.constant 3 : i32
      %dma_start3A_476 = arith.constant 3 : i32
      %dma_start3A_477 = arith.constant 12 : i32
      %dma_start3A_478 = tpu.memref_slice %arg11[%dma_start3A_477] : memref<20x!tpu.dma_semaphore, #tpu.memory_space<semaphore_mem>> -> memref<1x!tpu.dma_semaphore, #tpu.memory_space<semaphore_mem>>
      %dma_start3A_479 = tpu.memref_squeeze %dma_start3A_478 : memref<1x!tpu.dma_semaphore, #tpu.memory_space<semaphore_mem>> -> memref<!tpu.dma_semaphore, #tpu.memory_space<semaphore_mem>>
      %dma_start3A_480 = arith.constant 0 : i32
      %dma_start3A_481 = arith.constant 0 : i32
      %dma_start3A_482 = tpu.memref_slice %arg9[%dma_start3A_476, %dma_start3A_480, %dma_start3A_481] : memref<4x4x768xf32, #tpu.memory_space<vmem>> -> memref<1x4x768xf32, #tpu.memory_space<vmem>>
      %dma_start3A_483 = tpu.memref_squeeze %dma_start3A_482 : memref<1x4x768xf32, #tpu.memory_space<vmem>> -> memref<4x768xf32, #tpu.memory_space<vmem>>
      %dma_start3A_484 = arith.constant 0 : i32
      %dma_start3A_485 = arith.constant 0 : i32
      %dma_start3A_486 = tpu.memref_slice %dma_start3A_483[%dma_start3A_484, %dma_start3A_485] : memref<4x768xf32, #tpu.memory_space<vmem>> -> memref<1x768xf32, #tpu.memory_space<vmem>>
      %dma_start3A_487 = arith.constant 0 : i32
      %dma_start3A_488 = arith.constant 0 : i32
      %dma_start3A_489 = tpu.memref_slice %arg2[%dma_start3A_475, %dma_start3A_487, %dma_start3A_488] : memref<4x4096x768xf32, #tpu.memory_space<any>> -> memref<1x4096x768xf32, #tpu.memory_space<any>>
      %dma_start3A_490 = tpu.memref_squeeze %dma_start3A_489 : memref<1x4096x768xf32, #tpu.memory_space<any>> -> memref<4096x768xf32, #tpu.memory_space<any>>
      %dma_start3A_491 = arith.constant 0 : i32
      %dma_start3A_492 = tpu.memref_slice %dma_start3A_490[%reduce_min3A_474, %dma_start3A_491] : memref<4096x768xf32, #tpu.memory_space<any>> -> memref<1x768xf32, #tpu.memory_space<any>>
      tpu.enqueue_dma source(%dma_start3A_492 : memref<1x768xf32, #tpu.memory_space<any>>) target(%dma_start3A_486 : memref<1x768xf32, #tpu.memory_space<vmem>>) target_semaphore(%dma_start3A_479 : memref<!tpu.dma_semaphore, #tpu.memory_space<semaphore_mem>>)
      %eq3A_493 = vector.broadcast %reduce_min3A_474 : i32 to vector<1x4096xi32>
      %eq3A_494 = arith.cmpi eq, %slice3A_459, %eq3A_493 : vector<1x4096xi32>
      %jit3A_495 = arith.constant -1.000000e+00 : f32
      %broadcast_in_dim3A_496 = vector.broadcast %jit3A_495 : f32 to vector<1x4096xf32>
      %select_n3A_497 = arith.select %eq3A_494, %broadcast_in_dim3A_496, %slice3A_458 : vector<1x4096xi1>, vector<1x4096xf32>
      %reduce_max3A_498 = vector.shape_cast %select_n3A_497 : vector<1x4096xf32> to vector<1x1x4096xf32>
      %reduce_max3A_499 = arith.constant dense<0xFF800000> : vector<1xf32>
      %reduce_max3A_500 = vector.multi_reduction <maximumf>, %reduce_max3A_498, %reduce_max3A_499 [1, 2] : vector<1x1x4096xf32> to vector<1xf32>
      %reduce_max3A_501 = vector.shape_cast %reduce_max3A_500 : vector<1xf32> to vector<1x1x1xf32>
      %reduce_max3A_502 = vector.extract %reduce_max3A_501[0, 0, 0] : f32 from vector<1x1x1xf32>
      %eq3A_503 = vector.broadcast %reduce_max3A_502 : f32 to vector<1x4096xf32>
      %eq3A_504 = arith.cmpf oeq, %select_n3A_497, %eq3A_503 : vector<1x4096xf32>
      %jit3A_505 = arith.constant 1073741824 : i32
      %broadcast_in_dim3A_506 = vector.broadcast %jit3A_505 : i32 to vector<1x4096xi32>
      %select_n3A_507 = arith.select %eq3A_504, %slice3A_459, %broadcast_in_dim3A_506 : vector<1x4096xi1>, vector<1x4096xi32>
      %reduce_min3A_508 = vector.shape_cast %select_n3A_507 : vector<1x4096xi32> to vector<1x1x4096xi32>
      %reduce_min3A_509 = arith.constant dense<2147483647> : vector<1xi32>
      %reduce_min3A_510 = vector.multi_reduction <minsi>, %reduce_min3A_508, %reduce_min3A_509 [1, 2] : vector<1x1x4096xi32> to vector<1xi32>
      %reduce_min3A_511 = vector.shape_cast %reduce_min3A_510 : vector<1xi32> to vector<1x1x1xi32>
      %reduce_min3A_512 = vector.extract %reduce_min3A_511[0, 0, 0] : i32 from vector<1x1x1xi32>
      %dma_start3A_513 = arith.constant 3 : i32
      %dma_start3A_514 = arith.constant 3 : i32
      %dma_start3A_515 = arith.constant 13 : i32
      %dma_start3A_516 = tpu.memref_slice %arg11[%dma_start3A_515] : memref<20x!tpu.dma_semaphore, #tpu.memory_space<semaphore_mem>> -> memref<1x!tpu.dma_semaphore, #tpu.memory_space<semaphore_mem>>
      %dma_start3A_517 = tpu.memref_squeeze %dma_start3A_516 : memref<1x!tpu.dma_semaphore, #tpu.memory_space<semaphore_mem>> -> memref<!tpu.dma_semaphore, #tpu.memory_space<semaphore_mem>>
      %dma_start3A_518 = arith.constant 0 : i32
      %dma_start3A_519 = arith.constant 0 : i32
      %dma_start3A_520 = tpu.memref_slice %arg9[%dma_start3A_514, %dma_start3A_518, %dma_start3A_519] : memref<4x4x768xf32, #tpu.memory_space<vmem>> -> memref<1x4x768xf32, #tpu.memory_space<vmem>>
      %dma_start3A_521 = tpu.memref_squeeze %dma_start3A_520 : memref<1x4x768xf32, #tpu.memory_space<vmem>> -> memref<4x768xf32, #tpu.memory_space<vmem>>
      %dma_start3A_522 = arith.constant 1 : i32
      %dma_start3A_523 = arith.constant 0 : i32
      %dma_start3A_524 = tpu.memref_slice %dma_start3A_521[%dma_start3A_522, %dma_start3A_523] : memref<4x768xf32, #tpu.memory_space<vmem>> -> memref<1x768xf32, #tpu.memory_space<vmem>>
      %dma_start3A_525 = arith.constant 0 : i32
      %dma_start3A_526 = arith.constant 0 : i32
      %dma_start3A_527 = tpu.memref_slice %arg2[%dma_start3A_513, %dma_start3A_525, %dma_start3A_526] : memref<4x4096x768xf32, #tpu.memory_space<any>> -> memref<1x4096x768xf32, #tpu.memory_space<any>>
      %dma_start3A_528 = tpu.memref_squeeze %dma_start3A_527 : memref<1x4096x768xf32, #tpu.memory_space<any>> -> memref<4096x768xf32, #tpu.memory_space<any>>
      %dma_start3A_529 = arith.constant 0 : i32
      %dma_start3A_530 = tpu.memref_slice %dma_start3A_528[%reduce_min3A_512, %dma_start3A_529] : memref<4096x768xf32, #tpu.memory_space<any>> -> memref<1x768xf32, #tpu.memory_space<any>>
      tpu.enqueue_dma source(%dma_start3A_530 : memref<1x768xf32, #tpu.memory_space<any>>) target(%dma_start3A_524 : memref<1x768xf32, #tpu.memory_space<vmem>>) target_semaphore(%dma_start3A_517 : memref<!tpu.dma_semaphore, #tpu.memory_space<semaphore_mem>>)
      %eq3A_531 = vector.broadcast %reduce_min3A_512 : i32 to vector<1x4096xi32>
      %eq3A_532 = arith.cmpi eq, %slice3A_459, %eq3A_531 : vector<1x4096xi32>
      %jit3A_533 = arith.constant -1.000000e+00 : f32
      %broadcast_in_dim3A_534 = vector.broadcast %jit3A_533 : f32 to vector<1x4096xf32>
      %select_n3A_535 = arith.select %eq3A_532, %broadcast_in_dim3A_534, %select_n3A_497 : vector<1x4096xi1>, vector<1x4096xf32>
      %reduce_max3A_536 = vector.shape_cast %select_n3A_535 : vector<1x4096xf32> to vector<1x1x4096xf32>
      %reduce_max3A_537 = arith.constant dense<0xFF800000> : vector<1xf32>
      %reduce_max3A_538 = vector.multi_reduction <maximumf>, %reduce_max3A_536, %reduce_max3A_537 [1, 2] : vector<1x1x4096xf32> to vector<1xf32>
      %reduce_max3A_539 = vector.shape_cast %reduce_max3A_538 : vector<1xf32> to vector<1x1x1xf32>
      %reduce_max3A_540 = vector.extract %reduce_max3A_539[0, 0, 0] : f32 from vector<1x1x1xf32>
      %eq3A_541 = vector.broadcast %reduce_max3A_540 : f32 to vector<1x4096xf32>
      %eq3A_542 = arith.cmpf oeq, %select_n3A_535, %eq3A_541 : vector<1x4096xf32>
      %jit3A_543 = arith.constant 1073741824 : i32
      %broadcast_in_dim3A_544 = vector.broadcast %jit3A_543 : i32 to vector<1x4096xi32>
      %select_n3A_545 = arith.select %eq3A_542, %slice3A_459, %broadcast_in_dim3A_544 : vector<1x4096xi1>, vector<1x4096xi32>
      %reduce_min3A_546 = vector.shape_cast %select_n3A_545 : vector<1x4096xi32> to vector<1x1x4096xi32>
      %reduce_min3A_547 = arith.constant dense<2147483647> : vector<1xi32>
      %reduce_min3A_548 = vector.multi_reduction <minsi>, %reduce_min3A_546, %reduce_min3A_547 [1, 2] : vector<1x1x4096xi32> to vector<1xi32>
      %reduce_min3A_549 = vector.shape_cast %reduce_min3A_548 : vector<1xi32> to vector<1x1x1xi32>
      %reduce_min3A_550 = vector.extract %reduce_min3A_549[0, 0, 0] : i32 from vector<1x1x1xi32>
      %dma_start3A_551 = arith.constant 3 : i32
      %dma_start3A_552 = arith.constant 3 : i32
      %dma_start3A_553 = arith.constant 14 : i32
      %dma_start3A_554 = tpu.memref_slice %arg11[%dma_start3A_553] : memref<20x!tpu.dma_semaphore, #tpu.memory_space<semaphore_mem>> -> memref<1x!tpu.dma_semaphore, #tpu.memory_space<semaphore_mem>>
      %dma_start3A_555 = tpu.memref_squeeze %dma_start3A_554 : memref<1x!tpu.dma_semaphore, #tpu.memory_space<semaphore_mem>> -> memref<!tpu.dma_semaphore, #tpu.memory_space<semaphore_mem>>
      %dma_start3A_556 = arith.constant 0 : i32
      %dma_start3A_557 = arith.constant 0 : i32
      %dma_start3A_558 = tpu.memref_slice %arg9[%dma_start3A_552, %dma_start3A_556, %dma_start3A_557] : memref<4x4x768xf32, #tpu.memory_space<vmem>> -> memref<1x4x768xf32, #tpu.memory_space<vmem>>
      %dma_start3A_559 = tpu.memref_squeeze %dma_start3A_558 : memref<1x4x768xf32, #tpu.memory_space<vmem>> -> memref<4x768xf32, #tpu.memory_space<vmem>>
      %dma_start3A_560 = arith.constant 2 : i32
      %dma_start3A_561 = arith.constant 0 : i32
      %dma_start3A_562 = tpu.memref_slice %dma_start3A_559[%dma_start3A_560, %dma_start3A_561] : memref<4x768xf32, #tpu.memory_space<vmem>> -> memref<1x768xf32, #tpu.memory_space<vmem>>
      %dma_start3A_563 = arith.constant 0 : i32
      %dma_start3A_564 = arith.constant 0 : i32
      %dma_start3A_565 = tpu.memref_slice %arg2[%dma_start3A_551, %dma_start3A_563, %dma_start3A_564] : memref<4x4096x768xf32, #tpu.memory_space<any>> -> memref<1x4096x768xf32, #tpu.memory_space<any>>
      %dma_start3A_566 = tpu.memref_squeeze %dma_start3A_565 : memref<1x4096x768xf32, #tpu.memory_space<any>> -> memref<4096x768xf32, #tpu.memory_space<any>>
      %dma_start3A_567 = arith.constant 0 : i32
      %dma_start3A_568 = tpu.memref_slice %dma_start3A_566[%reduce_min3A_550, %dma_start3A_567] : memref<4096x768xf32, #tpu.memory_space<any>> -> memref<1x768xf32, #tpu.memory_space<any>>
      tpu.enqueue_dma source(%dma_start3A_568 : memref<1x768xf32, #tpu.memory_space<any>>) target(%dma_start3A_562 : memref<1x768xf32, #tpu.memory_space<vmem>>) target_semaphore(%dma_start3A_555 : memref<!tpu.dma_semaphore, #tpu.memory_space<semaphore_mem>>)
      %eq3A_569 = vector.broadcast %reduce_min3A_550 : i32 to vector<1x4096xi32>
      %eq3A_570 = arith.cmpi eq, %slice3A_459, %eq3A_569 : vector<1x4096xi32>
      %jit3A_571 = arith.constant -1.000000e+00 : f32
      %broadcast_in_dim3A_572 = vector.broadcast %jit3A_571 : f32 to vector<1x4096xf32>
      %select_n3A_573 = arith.select %eq3A_570, %broadcast_in_dim3A_572, %select_n3A_535 : vector<1x4096xi1>, vector<1x4096xf32>
      %reduce_max3A_574 = vector.shape_cast %select_n3A_573 : vector<1x4096xf32> to vector<1x1x4096xf32>
      %reduce_max3A_575 = arith.constant dense<0xFF800000> : vector<1xf32>
      %reduce_max3A_576 = vector.multi_reduction <maximumf>, %reduce_max3A_574, %reduce_max3A_575 [1, 2] : vector<1x1x4096xf32> to vector<1xf32>
      %reduce_max3A_577 = vector.shape_cast %reduce_max3A_576 : vector<1xf32> to vector<1x1x1xf32>
      %reduce_max3A_578 = vector.extract %reduce_max3A_577[0, 0, 0] : f32 from vector<1x1x1xf32>
      %eq3A_579 = vector.broadcast %reduce_max3A_578 : f32 to vector<1x4096xf32>
      %eq3A_580 = arith.cmpf oeq, %select_n3A_573, %eq3A_579 : vector<1x4096xf32>
      %jit3A_581 = arith.constant 1073741824 : i32
      %broadcast_in_dim3A_582 = vector.broadcast %jit3A_581 : i32 to vector<1x4096xi32>
      %select_n3A_583 = arith.select %eq3A_580, %slice3A_459, %broadcast_in_dim3A_582 : vector<1x4096xi1>, vector<1x4096xi32>
      %reduce_min3A_584 = vector.shape_cast %select_n3A_583 : vector<1x4096xi32> to vector<1x1x4096xi32>
      %reduce_min3A_585 = arith.constant dense<2147483647> : vector<1xi32>
      %reduce_min3A_586 = vector.multi_reduction <minsi>, %reduce_min3A_584, %reduce_min3A_585 [1, 2] : vector<1x1x4096xi32> to vector<1xi32>
      %reduce_min3A_587 = vector.shape_cast %reduce_min3A_586 : vector<1xi32> to vector<1x1x1xi32>
      %reduce_min3A_588 = vector.extract %reduce_min3A_587[0, 0, 0] : i32 from vector<1x1x1xi32>
      %dma_start3A_589 = arith.constant 3 : i32
      %dma_start3A_590 = arith.constant 3 : i32
      %dma_start3A_591 = arith.constant 15 : i32
      %dma_start3A_592 = tpu.memref_slice %arg11[%dma_start3A_591] : memref<20x!tpu.dma_semaphore, #tpu.memory_space<semaphore_mem>> -> memref<1x!tpu.dma_semaphore, #tpu.memory_space<semaphore_mem>>
      %dma_start3A_593 = tpu.memref_squeeze %dma_start3A_592 : memref<1x!tpu.dma_semaphore, #tpu.memory_space<semaphore_mem>> -> memref<!tpu.dma_semaphore, #tpu.memory_space<semaphore_mem>>
      %dma_start3A_594 = arith.constant 0 : i32
      %dma_start3A_595 = arith.constant 0 : i32
      %dma_start3A_596 = tpu.memref_slice %arg9[%dma_start3A_590, %dma_start3A_594, %dma_start3A_595] : memref<4x4x768xf32, #tpu.memory_space<vmem>> -> memref<1x4x768xf32, #tpu.memory_space<vmem>>
      %dma_start3A_597 = tpu.memref_squeeze %dma_start3A_596 : memref<1x4x768xf32, #tpu.memory_space<vmem>> -> memref<4x768xf32, #tpu.memory_space<vmem>>
      %dma_start3A_598 = arith.constant 3 : i32
      %dma_start3A_599 = arith.constant 0 : i32
      %dma_start3A_600 = tpu.memref_slice %dma_start3A_597[%dma_start3A_598, %dma_start3A_599] : memref<4x768xf32, #tpu.memory_space<vmem>> -> memref<1x768xf32, #tpu.memory_space<vmem>>
      %dma_start3A_601 = arith.constant 0 : i32
      %dma_start3A_602 = arith.constant 0 : i32
      %dma_start3A_603 = tpu.memref_slice %arg2[%dma_start3A_589, %dma_start3A_601, %dma_start3A_602] : memref<4x4096x768xf32, #tpu.memory_space<any>> -> memref<1x4096x768xf32, #tpu.memory_space<any>>
      %dma_start3A_604 = tpu.memref_squeeze %dma_start3A_603 : memref<1x4096x768xf32, #tpu.memory_space<any>> -> memref<4096x768xf32, #tpu.memory_space<any>>
      %dma_start3A_605 = arith.constant 0 : i32
      %dma_start3A_606 = tpu.memref_slice %dma_start3A_604[%reduce_min3A_588, %dma_start3A_605] : memref<4096x768xf32, #tpu.memory_space<any>> -> memref<1x768xf32, #tpu.memory_space<any>>
      tpu.enqueue_dma source(%dma_start3A_606 : memref<1x768xf32, #tpu.memory_space<any>>) target(%dma_start3A_600 : memref<1x768xf32, #tpu.memory_space<vmem>>) target_semaphore(%dma_start3A_593 : memref<!tpu.dma_semaphore, #tpu.memory_space<semaphore_mem>>)
      %dma_wait3A = arith.constant 0 : i32
      %dma_wait3A_607 = arith.constant 0 : i32
      %dma_wait3A_608 = arith.constant 0 : i32
      %dma_wait3A_609 = tpu.memref_slice %arg11[%dma_wait3A_608] : memref<20x!tpu.dma_semaphore, #tpu.memory_space<semaphore_mem>> -> memref<1x!tpu.dma_semaphore, #tpu.memory_space<semaphore_mem>>
      %dma_wait3A_610 = tpu.memref_squeeze %dma_wait3A_609 : memref<1x!tpu.dma_semaphore, #tpu.memory_space<semaphore_mem>> -> memref<!tpu.dma_semaphore, #tpu.memory_space<semaphore_mem>>
      %dma_wait3A_611 = arith.constant 0 : i32
      %dma_wait3A_612 = arith.constant 0 : i32
      %dma_wait3A_613 = tpu.memref_slice %arg9[%dma_wait3A_607, %dma_wait3A_611, %dma_wait3A_612] : memref<4x4x768xf32, #tpu.memory_space<vmem>> -> memref<1x4x768xf32, #tpu.memory_space<vmem>>
      %dma_wait3A_614 = tpu.memref_squeeze %dma_wait3A_613 : memref<1x4x768xf32, #tpu.memory_space<vmem>> -> memref<4x768xf32, #tpu.memory_space<vmem>>
      %dma_wait3A_615 = arith.constant 0 : i32
      %dma_wait3A_616 = arith.constant 0 : i32
      %dma_wait3A_617 = tpu.memref_slice %dma_wait3A_614[%dma_wait3A_615, %dma_wait3A_616] : memref<4x768xf32, #tpu.memory_space<vmem>> -> memref<1x768xf32, #tpu.memory_space<vmem>>
      %dma_wait3A_618 = arith.constant 0 : i32
      %dma_wait3A_619 = arith.constant 0 : i32
      %dma_wait3A_620 = tpu.memref_slice %arg2[%dma_wait3A, %dma_wait3A_618, %dma_wait3A_619] : memref<4x4096x768xf32, #tpu.memory_space<any>> -> memref<1x4096x768xf32, #tpu.memory_space<any>>
      %dma_wait3A_621 = tpu.memref_squeeze %dma_wait3A_620 : memref<1x4096x768xf32, #tpu.memory_space<any>> -> memref<4096x768xf32, #tpu.memory_space<any>>
      %dma_wait3A_622 = arith.constant 0 : i32
      %dma_wait3A_623 = tpu.memref_slice %dma_wait3A_621[%reduce_min3A_28, %dma_wait3A_622] : memref<4096x768xf32, #tpu.memory_space<any>> -> memref<1x768xf32, #tpu.memory_space<any>>
      tpu.wait_dma2 semaphore(%dma_wait3A_610 : memref<!tpu.dma_semaphore, #tpu.memory_space<semaphore_mem>>) src(%dma_wait3A_623 : memref<1x768xf32, #tpu.memory_space<any>>) dst(%dma_wait3A_617 : memref<1x768xf32, #tpu.memory_space<vmem>>)
      %dma_wait3A_624 = arith.constant 0 : i32
      %dma_wait3A_625 = arith.constant 0 : i32
      %dma_wait3A_626 = arith.constant 1 : i32
      %dma_wait3A_627 = tpu.memref_slice %arg11[%dma_wait3A_626] : memref<20x!tpu.dma_semaphore, #tpu.memory_space<semaphore_mem>> -> memref<1x!tpu.dma_semaphore, #tpu.memory_space<semaphore_mem>>
      %dma_wait3A_628 = tpu.memref_squeeze %dma_wait3A_627 : memref<1x!tpu.dma_semaphore, #tpu.memory_space<semaphore_mem>> -> memref<!tpu.dma_semaphore, #tpu.memory_space<semaphore_mem>>
      %dma_wait3A_629 = arith.constant 0 : i32
      %dma_wait3A_630 = arith.constant 0 : i32
      %dma_wait3A_631 = tpu.memref_slice %arg9[%dma_wait3A_625, %dma_wait3A_629, %dma_wait3A_630] : memref<4x4x768xf32, #tpu.memory_space<vmem>> -> memref<1x4x768xf32, #tpu.memory_space<vmem>>
      %dma_wait3A_632 = tpu.memref_squeeze %dma_wait3A_631 : memref<1x4x768xf32, #tpu.memory_space<vmem>> -> memref<4x768xf32, #tpu.memory_space<vmem>>
      %dma_wait3A_633 = arith.constant 1 : i32
      %dma_wait3A_634 = arith.constant 0 : i32
      %dma_wait3A_635 = tpu.memref_slice %dma_wait3A_632[%dma_wait3A_633, %dma_wait3A_634] : memref<4x768xf32, #tpu.memory_space<vmem>> -> memref<1x768xf32, #tpu.memory_space<vmem>>
      %dma_wait3A_636 = arith.constant 0 : i32
      %dma_wait3A_637 = arith.constant 0 : i32
      %dma_wait3A_638 = tpu.memref_slice %arg2[%dma_wait3A_624, %dma_wait3A_636, %dma_wait3A_637] : memref<4x4096x768xf32, #tpu.memory_space<any>> -> memref<1x4096x768xf32, #tpu.memory_space<any>>
      %dma_wait3A_639 = tpu.memref_squeeze %dma_wait3A_638 : memref<1x4096x768xf32, #tpu.memory_space<any>> -> memref<4096x768xf32, #tpu.memory_space<any>>
      %dma_wait3A_640 = arith.constant 0 : i32
      %dma_wait3A_641 = tpu.memref_slice %dma_wait3A_639[%reduce_min3A_65, %dma_wait3A_640] : memref<4096x768xf32, #tpu.memory_space<any>> -> memref<1x768xf32, #tpu.memory_space<any>>
      tpu.wait_dma2 semaphore(%dma_wait3A_628 : memref<!tpu.dma_semaphore, #tpu.memory_space<semaphore_mem>>) src(%dma_wait3A_641 : memref<1x768xf32, #tpu.memory_space<any>>) dst(%dma_wait3A_635 : memref<1x768xf32, #tpu.memory_space<vmem>>)
      %dma_wait3A_642 = arith.constant 0 : i32
      %dma_wait3A_643 = arith.constant 0 : i32
      %dma_wait3A_644 = arith.constant 2 : i32
      %dma_wait3A_645 = tpu.memref_slice %arg11[%dma_wait3A_644] : memref<20x!tpu.dma_semaphore, #tpu.memory_space<semaphore_mem>> -> memref<1x!tpu.dma_semaphore, #tpu.memory_space<semaphore_mem>>
      %dma_wait3A_646 = tpu.memref_squeeze %dma_wait3A_645 : memref<1x!tpu.dma_semaphore, #tpu.memory_space<semaphore_mem>> -> memref<!tpu.dma_semaphore, #tpu.memory_space<semaphore_mem>>
      %dma_wait3A_647 = arith.constant 0 : i32
      %dma_wait3A_648 = arith.constant 0 : i32
      %dma_wait3A_649 = tpu.memref_slice %arg9[%dma_wait3A_643, %dma_wait3A_647, %dma_wait3A_648] : memref<4x4x768xf32, #tpu.memory_space<vmem>> -> memref<1x4x768xf32, #tpu.memory_space<vmem>>
      %dma_wait3A_650 = tpu.memref_squeeze %dma_wait3A_649 : memref<1x4x768xf32, #tpu.memory_space<vmem>> -> memref<4x768xf32, #tpu.memory_space<vmem>>
      %dma_wait3A_651 = arith.constant 2 : i32
      %dma_wait3A_652 = arith.constant 0 : i32
      %dma_wait3A_653 = tpu.memref_slice %dma_wait3A_650[%dma_wait3A_651, %dma_wait3A_652] : memref<4x768xf32, #tpu.memory_space<vmem>> -> memref<1x768xf32, #tpu.memory_space<vmem>>
      %dma_wait3A_654 = arith.constant 0 : i32
      %dma_wait3A_655 = arith.constant 0 : i32
      %dma_wait3A_656 = tpu.memref_slice %arg2[%dma_wait3A_642, %dma_wait3A_654, %dma_wait3A_655] : memref<4x4096x768xf32, #tpu.memory_space<any>> -> memref<1x4096x768xf32, #tpu.memory_space<any>>
      %dma_wait3A_657 = tpu.memref_squeeze %dma_wait3A_656 : memref<1x4096x768xf32, #tpu.memory_space<any>> -> memref<4096x768xf32, #tpu.memory_space<any>>
      %dma_wait3A_658 = arith.constant 0 : i32
      %dma_wait3A_659 = tpu.memref_slice %dma_wait3A_657[%reduce_min3A_103, %dma_wait3A_658] : memref<4096x768xf32, #tpu.memory_space<any>> -> memref<1x768xf32, #tpu.memory_space<any>>
      tpu.wait_dma2 semaphore(%dma_wait3A_646 : memref<!tpu.dma_semaphore, #tpu.memory_space<semaphore_mem>>) src(%dma_wait3A_659 : memref<1x768xf32, #tpu.memory_space<any>>) dst(%dma_wait3A_653 : memref<1x768xf32, #tpu.memory_space<vmem>>)
      %dma_wait3A_660 = arith.constant 0 : i32
      %dma_wait3A_661 = arith.constant 0 : i32
      %dma_wait3A_662 = arith.constant 3 : i32
      %dma_wait3A_663 = tpu.memref_slice %arg11[%dma_wait3A_662] : memref<20x!tpu.dma_semaphore, #tpu.memory_space<semaphore_mem>> -> memref<1x!tpu.dma_semaphore, #tpu.memory_space<semaphore_mem>>
      %dma_wait3A_664 = tpu.memref_squeeze %dma_wait3A_663 : memref<1x!tpu.dma_semaphore, #tpu.memory_space<semaphore_mem>> -> memref<!tpu.dma_semaphore, #tpu.memory_space<semaphore_mem>>
      %dma_wait3A_665 = arith.constant 0 : i32
      %dma_wait3A_666 = arith.constant 0 : i32
      %dma_wait3A_667 = tpu.memref_slice %arg9[%dma_wait3A_661, %dma_wait3A_665, %dma_wait3A_666] : memref<4x4x768xf32, #tpu.memory_space<vmem>> -> memref<1x4x768xf32, #tpu.memory_space<vmem>>
      %dma_wait3A_668 = tpu.memref_squeeze %dma_wait3A_667 : memref<1x4x768xf32, #tpu.memory_space<vmem>> -> memref<4x768xf32, #tpu.memory_space<vmem>>
      %dma_wait3A_669 = arith.constant 3 : i32
      %dma_wait3A_670 = arith.constant 0 : i32
      %dma_wait3A_671 = tpu.memref_slice %dma_wait3A_668[%dma_wait3A_669, %dma_wait3A_670] : memref<4x768xf32, #tpu.memory_space<vmem>> -> memref<1x768xf32, #tpu.memory_space<vmem>>
      %dma_wait3A_672 = arith.constant 0 : i32
      %dma_wait3A_673 = arith.constant 0 : i32
      %dma_wait3A_674 = tpu.memref_slice %arg2[%dma_wait3A_660, %dma_wait3A_672, %dma_wait3A_673] : memref<4x4096x768xf32, #tpu.memory_space<any>> -> memref<1x4096x768xf32, #tpu.memory_space<any>>
      %dma_wait3A_675 = tpu.memref_squeeze %dma_wait3A_674 : memref<1x4096x768xf32, #tpu.memory_space<any>> -> memref<4096x768xf32, #tpu.memory_space<any>>
      %dma_wait3A_676 = arith.constant 0 : i32
      %dma_wait3A_677 = tpu.memref_slice %dma_wait3A_675[%reduce_min3A_141, %dma_wait3A_676] : memref<4096x768xf32, #tpu.memory_space<any>> -> memref<1x768xf32, #tpu.memory_space<any>>
      tpu.wait_dma2 semaphore(%dma_wait3A_664 : memref<!tpu.dma_semaphore, #tpu.memory_space<semaphore_mem>>) src(%dma_wait3A_677 : memref<1x768xf32, #tpu.memory_space<any>>) dst(%dma_wait3A_671 : memref<1x768xf32, #tpu.memory_space<vmem>>)
      %dma_wait3A_678 = arith.constant 1 : i32
      %dma_wait3A_679 = arith.constant 1 : i32
      %dma_wait3A_680 = arith.constant 4 : i32
      %dma_wait3A_681 = tpu.memref_slice %arg11[%dma_wait3A_680] : memref<20x!tpu.dma_semaphore, #tpu.memory_space<semaphore_mem>> -> memref<1x!tpu.dma_semaphore, #tpu.memory_space<semaphore_mem>>
      %dma_wait3A_682 = tpu.memref_squeeze %dma_wait3A_681 : memref<1x!tpu.dma_semaphore, #tpu.memory_space<semaphore_mem>> -> memref<!tpu.dma_semaphore, #tpu.memory_space<semaphore_mem>>
      %dma_wait3A_683 = arith.constant 0 : i32
      %dma_wait3A_684 = arith.constant 0 : i32
      %dma_wait3A_685 = tpu.memref_slice %arg9[%dma_wait3A_679, %dma_wait3A_683, %dma_wait3A_684] : memref<4x4x768xf32, #tpu.memory_space<vmem>> -> memref<1x4x768xf32, #tpu.memory_space<vmem>>
      %dma_wait3A_686 = tpu.memref_squeeze %dma_wait3A_685 : memref<1x4x768xf32, #tpu.memory_space<vmem>> -> memref<4x768xf32, #tpu.memory_space<vmem>>
      %dma_wait3A_687 = arith.constant 0 : i32
      %dma_wait3A_688 = arith.constant 0 : i32
      %dma_wait3A_689 = tpu.memref_slice %dma_wait3A_686[%dma_wait3A_687, %dma_wait3A_688] : memref<4x768xf32, #tpu.memory_space<vmem>> -> memref<1x768xf32, #tpu.memory_space<vmem>>
      %dma_wait3A_690 = arith.constant 0 : i32
      %dma_wait3A_691 = arith.constant 0 : i32
      %dma_wait3A_692 = tpu.memref_slice %arg2[%dma_wait3A_678, %dma_wait3A_690, %dma_wait3A_691] : memref<4x4096x768xf32, #tpu.memory_space<any>> -> memref<1x4096x768xf32, #tpu.memory_space<any>>
      %dma_wait3A_693 = tpu.memref_squeeze %dma_wait3A_692 : memref<1x4096x768xf32, #tpu.memory_space<any>> -> memref<4096x768xf32, #tpu.memory_space<any>>
      %dma_wait3A_694 = arith.constant 0 : i32
      %dma_wait3A_695 = tpu.memref_slice %dma_wait3A_693[%reduce_min3A_176, %dma_wait3A_694] : memref<4096x768xf32, #tpu.memory_space<any>> -> memref<1x768xf32, #tpu.memory_space<any>>
      tpu.wait_dma2 semaphore(%dma_wait3A_682 : memref<!tpu.dma_semaphore, #tpu.memory_space<semaphore_mem>>) src(%dma_wait3A_695 : memref<1x768xf32, #tpu.memory_space<any>>) dst(%dma_wait3A_689 : memref<1x768xf32, #tpu.memory_space<vmem>>)
      %dma_wait3A_696 = arith.constant 1 : i32
      %dma_wait3A_697 = arith.constant 1 : i32
      %dma_wait3A_698 = arith.constant 5 : i32
      %dma_wait3A_699 = tpu.memref_slice %arg11[%dma_wait3A_698] : memref<20x!tpu.dma_semaphore, #tpu.memory_space<semaphore_mem>> -> memref<1x!tpu.dma_semaphore, #tpu.memory_space<semaphore_mem>>
      %dma_wait3A_700 = tpu.memref_squeeze %dma_wait3A_699 : memref<1x!tpu.dma_semaphore, #tpu.memory_space<semaphore_mem>> -> memref<!tpu.dma_semaphore, #tpu.memory_space<semaphore_mem>>
      %dma_wait3A_701 = arith.constant 0 : i32
      %dma_wait3A_702 = arith.constant 0 : i32
      %dma_wait3A_703 = tpu.memref_slice %arg9[%dma_wait3A_697, %dma_wait3A_701, %dma_wait3A_702] : memref<4x4x768xf32, #tpu.memory_space<vmem>> -> memref<1x4x768xf32, #tpu.memory_space<vmem>>
      %dma_wait3A_704 = tpu.memref_squeeze %dma_wait3A_703 : memref<1x4x768xf32, #tpu.memory_space<vmem>> -> memref<4x768xf32, #tpu.memory_space<vmem>>
      %dma_wait3A_705 = arith.constant 1 : i32
      %dma_wait3A_706 = arith.constant 0 : i32
      %dma_wait3A_707 = tpu.memref_slice %dma_wait3A_704[%dma_wait3A_705, %dma_wait3A_706] : memref<4x768xf32, #tpu.memory_space<vmem>> -> memref<1x768xf32, #tpu.memory_space<vmem>>
      %dma_wait3A_708 = arith.constant 0 : i32
      %dma_wait3A_709 = arith.constant 0 : i32
      %dma_wait3A_710 = tpu.memref_slice %arg2[%dma_wait3A_696, %dma_wait3A_708, %dma_wait3A_709] : memref<4x4096x768xf32, #tpu.memory_space<any>> -> memref<1x4096x768xf32, #tpu.memory_space<any>>
      %dma_wait3A_711 = tpu.memref_squeeze %dma_wait3A_710 : memref<1x4096x768xf32, #tpu.memory_space<any>> -> memref<4096x768xf32, #tpu.memory_space<any>>
      %dma_wait3A_712 = arith.constant 0 : i32
      %dma_wait3A_713 = tpu.memref_slice %dma_wait3A_711[%reduce_min3A_214, %dma_wait3A_712] : memref<4096x768xf32, #tpu.memory_space<any>> -> memref<1x768xf32, #tpu.memory_space<any>>
      tpu.wait_dma2 semaphore(%dma_wait3A_700 : memref<!tpu.dma_semaphore, #tpu.memory_space<semaphore_mem>>) src(%dma_wait3A_713 : memref<1x768xf32, #tpu.memory_space<any>>) dst(%dma_wait3A_707 : memref<1x768xf32, #tpu.memory_space<vmem>>)
      %dma_wait3A_714 = arith.constant 1 : i32
      %dma_wait3A_715 = arith.constant 1 : i32
      %dma_wait3A_716 = arith.constant 6 : i32
      %dma_wait3A_717 = tpu.memref_slice %arg11[%dma_wait3A_716] : memref<20x!tpu.dma_semaphore, #tpu.memory_space<semaphore_mem>> -> memref<1x!tpu.dma_semaphore, #tpu.memory_space<semaphore_mem>>
      %dma_wait3A_718 = tpu.memref_squeeze %dma_wait3A_717 : memref<1x!tpu.dma_semaphore, #tpu.memory_space<semaphore_mem>> -> memref<!tpu.dma_semaphore, #tpu.memory_space<semaphore_mem>>
      %dma_wait3A_719 = arith.constant 0 : i32
      %dma_wait3A_720 = arith.constant 0 : i32
      %dma_wait3A_721 = tpu.memref_slice %arg9[%dma_wait3A_715, %dma_wait3A_719, %dma_wait3A_720] : memref<4x4x768xf32, #tpu.memory_space<vmem>> -> memref<1x4x768xf32, #tpu.memory_space<vmem>>
      %dma_wait3A_722 = tpu.memref_squeeze %dma_wait3A_721 : memref<1x4x768xf32, #tpu.memory_space<vmem>> -> memref<4x768xf32, #tpu.memory_space<vmem>>
      %dma_wait3A_723 = arith.constant 2 : i32
      %dma_wait3A_724 = arith.constant 0 : i32
      %dma_wait3A_725 = tpu.memref_slice %dma_wait3A_722[%dma_wait3A_723, %dma_wait3A_724] : memref<4x768xf32, #tpu.memory_space<vmem>> -> memref<1x768xf32, #tpu.memory_space<vmem>>
      %dma_wait3A_726 = arith.constant 0 : i32
      %dma_wait3A_727 = arith.constant 0 : i32
      %dma_wait3A_728 = tpu.memref_slice %arg2[%dma_wait3A_714, %dma_wait3A_726, %dma_wait3A_727] : memref<4x4096x768xf32, #tpu.memory_space<any>> -> memref<1x4096x768xf32, #tpu.memory_space<any>>
      %dma_wait3A_729 = tpu.memref_squeeze %dma_wait3A_728 : memref<1x4096x768xf32, #tpu.memory_space<any>> -> memref<4096x768xf32, #tpu.memory_space<any>>
      %dma_wait3A_730 = arith.constant 0 : i32
      %dma_wait3A_731 = tpu.memref_slice %dma_wait3A_729[%reduce_min3A_252, %dma_wait3A_730] : memref<4096x768xf32, #tpu.memory_space<any>> -> memref<1x768xf32, #tpu.memory_space<any>>
      tpu.wait_dma2 semaphore(%dma_wait3A_718 : memref<!tpu.dma_semaphore, #tpu.memory_space<semaphore_mem>>) src(%dma_wait3A_731 : memref<1x768xf32, #tpu.memory_space<any>>) dst(%dma_wait3A_725 : memref<1x768xf32, #tpu.memory_space<vmem>>)
      %dma_wait3A_732 = arith.constant 1 : i32
      %dma_wait3A_733 = arith.constant 1 : i32
      %dma_wait3A_734 = arith.constant 7 : i32
      %dma_wait3A_735 = tpu.memref_slice %arg11[%dma_wait3A_734] : memref<20x!tpu.dma_semaphore, #tpu.memory_space<semaphore_mem>> -> memref<1x!tpu.dma_semaphore, #tpu.memory_space<semaphore_mem>>
      %dma_wait3A_736 = tpu.memref_squeeze %dma_wait3A_735 : memref<1x!tpu.dma_semaphore, #tpu.memory_space<semaphore_mem>> -> memref<!tpu.dma_semaphore, #tpu.memory_space<semaphore_mem>>
      %dma_wait3A_737 = arith.constant 0 : i32
      %dma_wait3A_738 = arith.constant 0 : i32
      %dma_wait3A_739 = tpu.memref_slice %arg9[%dma_wait3A_733, %dma_wait3A_737, %dma_wait3A_738] : memref<4x4x768xf32, #tpu.memory_space<vmem>> -> memref<1x4x768xf32, #tpu.memory_space<vmem>>
      %dma_wait3A_740 = tpu.memref_squeeze %dma_wait3A_739 : memref<1x4x768xf32, #tpu.memory_space<vmem>> -> memref<4x768xf32, #tpu.memory_space<vmem>>
      %dma_wait3A_741 = arith.constant 3 : i32
      %dma_wait3A_742 = arith.constant 0 : i32
      %dma_wait3A_743 = tpu.memref_slice %dma_wait3A_740[%dma_wait3A_741, %dma_wait3A_742] : memref<4x768xf32, #tpu.memory_space<vmem>> -> memref<1x768xf32, #tpu.memory_space<vmem>>
      %dma_wait3A_744 = arith.constant 0 : i32
      %dma_wait3A_745 = arith.constant 0 : i32
      %dma_wait3A_746 = tpu.memref_slice %arg2[%dma_wait3A_732, %dma_wait3A_744, %dma_wait3A_745] : memref<4x4096x768xf32, #tpu.memory_space<any>> -> memref<1x4096x768xf32, #tpu.memory_space<any>>
      %dma_wait3A_747 = tpu.memref_squeeze %dma_wait3A_746 : memref<1x4096x768xf32, #tpu.memory_space<any>> -> memref<4096x768xf32, #tpu.memory_space<any>>
      %dma_wait3A_748 = arith.constant 0 : i32
      %dma_wait3A_749 = tpu.memref_slice %dma_wait3A_747[%reduce_min3A_290, %dma_wait3A_748] : memref<4096x768xf32, #tpu.memory_space<any>> -> memref<1x768xf32, #tpu.memory_space<any>>
      tpu.wait_dma2 semaphore(%dma_wait3A_736 : memref<!tpu.dma_semaphore, #tpu.memory_space<semaphore_mem>>) src(%dma_wait3A_749 : memref<1x768xf32, #tpu.memory_space<any>>) dst(%dma_wait3A_743 : memref<1x768xf32, #tpu.memory_space<vmem>>)
      %dma_wait3A_750 = arith.constant 2 : i32
      %dma_wait3A_751 = arith.constant 2 : i32
      %dma_wait3A_752 = arith.constant 8 : i32
      %dma_wait3A_753 = tpu.memref_slice %arg11[%dma_wait3A_752] : memref<20x!tpu.dma_semaphore, #tpu.memory_space<semaphore_mem>> -> memref<1x!tpu.dma_semaphore, #tpu.memory_space<semaphore_mem>>
      %dma_wait3A_754 = tpu.memref_squeeze %dma_wait3A_753 : memref<1x!tpu.dma_semaphore, #tpu.memory_space<semaphore_mem>> -> memref<!tpu.dma_semaphore, #tpu.memory_space<semaphore_mem>>
      %dma_wait3A_755 = arith.constant 0 : i32
      %dma_wait3A_756 = arith.constant 0 : i32
      %dma_wait3A_757 = tpu.memref_slice %arg9[%dma_wait3A_751, %dma_wait3A_755, %dma_wait3A_756] : memref<4x4x768xf32, #tpu.memory_space<vmem>> -> memref<1x4x768xf32, #tpu.memory_space<vmem>>
      %dma_wait3A_758 = tpu.memref_squeeze %dma_wait3A_757 : memref<1x4x768xf32, #tpu.memory_space<vmem>> -> memref<4x768xf32, #tpu.memory_space<vmem>>
      %dma_wait3A_759 = arith.constant 0 : i32
      %dma_wait3A_760 = arith.constant 0 : i32
      %dma_wait3A_761 = tpu.memref_slice %dma_wait3A_758[%dma_wait3A_759, %dma_wait3A_760] : memref<4x768xf32, #tpu.memory_space<vmem>> -> memref<1x768xf32, #tpu.memory_space<vmem>>
      %dma_wait3A_762 = arith.constant 0 : i32
      %dma_wait3A_763 = arith.constant 0 : i32
      %dma_wait3A_764 = tpu.memref_slice %arg2[%dma_wait3A_750, %dma_wait3A_762, %dma_wait3A_763] : memref<4x4096x768xf32, #tpu.memory_space<any>> -> memref<1x4096x768xf32, #tpu.memory_space<any>>
      %dma_wait3A_765 = tpu.memref_squeeze %dma_wait3A_764 : memref<1x4096x768xf32, #tpu.memory_space<any>> -> memref<4096x768xf32, #tpu.memory_space<any>>
      %dma_wait3A_766 = arith.constant 0 : i32
      %dma_wait3A_767 = tpu.memref_slice %dma_wait3A_765[%reduce_min3A_325, %dma_wait3A_766] : memref<4096x768xf32, #tpu.memory_space<any>> -> memref<1x768xf32, #tpu.memory_space<any>>
      tpu.wait_dma2 semaphore(%dma_wait3A_754 : memref<!tpu.dma_semaphore, #tpu.memory_space<semaphore_mem>>) src(%dma_wait3A_767 : memref<1x768xf32, #tpu.memory_space<any>>) dst(%dma_wait3A_761 : memref<1x768xf32, #tpu.memory_space<vmem>>)
      %dma_wait3A_768 = arith.constant 2 : i32
      %dma_wait3A_769 = arith.constant 2 : i32
      %dma_wait3A_770 = arith.constant 9 : i32
      %dma_wait3A_771 = tpu.memref_slice %arg11[%dma_wait3A_770] : memref<20x!tpu.dma_semaphore, #tpu.memory_space<semaphore_mem>> -> memref<1x!tpu.dma_semaphore, #tpu.memory_space<semaphore_mem>>
      %dma_wait3A_772 = tpu.memref_squeeze %dma_wait3A_771 : memref<1x!tpu.dma_semaphore, #tpu.memory_space<semaphore_mem>> -> memref<!tpu.dma_semaphore, #tpu.memory_space<semaphore_mem>>
      %dma_wait3A_773 = arith.constant 0 : i32
      %dma_wait3A_774 = arith.constant 0 : i32
      %dma_wait3A_775 = tpu.memref_slice %arg9[%dma_wait3A_769, %dma_wait3A_773, %dma_wait3A_774] : memref<4x4x768xf32, #tpu.memory_space<vmem>> -> memref<1x4x768xf32, #tpu.memory_space<vmem>>
      %dma_wait3A_776 = tpu.memref_squeeze %dma_wait3A_775 : memref<1x4x768xf32, #tpu.memory_space<vmem>> -> memref<4x768xf32, #tpu.memory_space<vmem>>
      %dma_wait3A_777 = arith.constant 1 : i32
      %dma_wait3A_778 = arith.constant 0 : i32
      %dma_wait3A_779 = tpu.memref_slice %dma_wait3A_776[%dma_wait3A_777, %dma_wait3A_778] : memref<4x768xf32, #tpu.memory_space<vmem>> -> memref<1x768xf32, #tpu.memory_space<vmem>>
      %dma_wait3A_780 = arith.constant 0 : i32
      %dma_wait3A_781 = arith.constant 0 : i32
      %dma_wait3A_782 = tpu.memref_slice %arg2[%dma_wait3A_768, %dma_wait3A_780, %dma_wait3A_781] : memref<4x4096x768xf32, #tpu.memory_space<any>> -> memref<1x4096x768xf32, #tpu.memory_space<any>>
      %dma_wait3A_783 = tpu.memref_squeeze %dma_wait3A_782 : memref<1x4096x768xf32, #tpu.memory_space<any>> -> memref<4096x768xf32, #tpu.memory_space<any>>
      %dma_wait3A_784 = arith.constant 0 : i32
      %dma_wait3A_785 = tpu.memref_slice %dma_wait3A_783[%reduce_min3A_363, %dma_wait3A_784] : memref<4096x768xf32, #tpu.memory_space<any>> -> memref<1x768xf32, #tpu.memory_space<any>>
      tpu.wait_dma2 semaphore(%dma_wait3A_772 : memref<!tpu.dma_semaphore, #tpu.memory_space<semaphore_mem>>) src(%dma_wait3A_785 : memref<1x768xf32, #tpu.memory_space<any>>) dst(%dma_wait3A_779 : memref<1x768xf32, #tpu.memory_space<vmem>>)
      %dma_wait3A_786 = arith.constant 2 : i32
      %dma_wait3A_787 = arith.constant 2 : i32
      %dma_wait3A_788 = arith.constant 10 : i32
      %dma_wait3A_789 = tpu.memref_slice %arg11[%dma_wait3A_788] : memref<20x!tpu.dma_semaphore, #tpu.memory_space<semaphore_mem>> -> memref<1x!tpu.dma_semaphore, #tpu.memory_space<semaphore_mem>>
      %dma_wait3A_790 = tpu.memref_squeeze %dma_wait3A_789 : memref<1x!tpu.dma_semaphore, #tpu.memory_space<semaphore_mem>> -> memref<!tpu.dma_semaphore, #tpu.memory_space<semaphore_mem>>
      %dma_wait3A_791 = arith.constant 0 : i32
      %dma_wait3A_792 = arith.constant 0 : i32
      %dma_wait3A_793 = tpu.memref_slice %arg9[%dma_wait3A_787, %dma_wait3A_791, %dma_wait3A_792] : memref<4x4x768xf32, #tpu.memory_space<vmem>> -> memref<1x4x768xf32, #tpu.memory_space<vmem>>
      %dma_wait3A_794 = tpu.memref_squeeze %dma_wait3A_793 : memref<1x4x768xf32, #tpu.memory_space<vmem>> -> memref<4x768xf32, #tpu.memory_space<vmem>>
      %dma_wait3A_795 = arith.constant 2 : i32
      %dma_wait3A_796 = arith.constant 0 : i32
      %dma_wait3A_797 = tpu.memref_slice %dma_wait3A_794[%dma_wait3A_795, %dma_wait3A_796] : memref<4x768xf32, #tpu.memory_space<vmem>> -> memref<1x768xf32, #tpu.memory_space<vmem>>
      %dma_wait3A_798 = arith.constant 0 : i32
      %dma_wait3A_799 = arith.constant 0 : i32
      %dma_wait3A_800 = tpu.memref_slice %arg2[%dma_wait3A_786, %dma_wait3A_798, %dma_wait3A_799] : memref<4x4096x768xf32, #tpu.memory_space<any>> -> memref<1x4096x768xf32, #tpu.memory_space<any>>
      %dma_wait3A_801 = tpu.memref_squeeze %dma_wait3A_800 : memref<1x4096x768xf32, #tpu.memory_space<any>> -> memref<4096x768xf32, #tpu.memory_space<any>>
      %dma_wait3A_802 = arith.constant 0 : i32
      %dma_wait3A_803 = tpu.memref_slice %dma_wait3A_801[%reduce_min3A_401, %dma_wait3A_802] : memref<4096x768xf32, #tpu.memory_space<any>> -> memref<1x768xf32, #tpu.memory_space<any>>
      tpu.wait_dma2 semaphore(%dma_wait3A_790 : memref<!tpu.dma_semaphore, #tpu.memory_space<semaphore_mem>>) src(%dma_wait3A_803 : memref<1x768xf32, #tpu.memory_space<any>>) dst(%dma_wait3A_797 : memref<1x768xf32, #tpu.memory_space<vmem>>)
      %dma_wait3A_804 = arith.constant 2 : i32
      %dma_wait3A_805 = arith.constant 2 : i32
      %dma_wait3A_806 = arith.constant 11 : i32
      %dma_wait3A_807 = tpu.memref_slice %arg11[%dma_wait3A_806] : memref<20x!tpu.dma_semaphore, #tpu.memory_space<semaphore_mem>> -> memref<1x!tpu.dma_semaphore, #tpu.memory_space<semaphore_mem>>
      %dma_wait3A_808 = tpu.memref_squeeze %dma_wait3A_807 : memref<1x!tpu.dma_semaphore, #tpu.memory_space<semaphore_mem>> -> memref<!tpu.dma_semaphore, #tpu.memory_space<semaphore_mem>>
      %dma_wait3A_809 = arith.constant 0 : i32
      %dma_wait3A_810 = arith.constant 0 : i32
      %dma_wait3A_811 = tpu.memref_slice %arg9[%dma_wait3A_805, %dma_wait3A_809, %dma_wait3A_810] : memref<4x4x768xf32, #tpu.memory_space<vmem>> -> memref<1x4x768xf32, #tpu.memory_space<vmem>>
      %dma_wait3A_812 = tpu.memref_squeeze %dma_wait3A_811 : memref<1x4x768xf32, #tpu.memory_space<vmem>> -> memref<4x768xf32, #tpu.memory_space<vmem>>
      %dma_wait3A_813 = arith.constant 3 : i32
      %dma_wait3A_814 = arith.constant 0 : i32
      %dma_wait3A_815 = tpu.memref_slice %dma_wait3A_812[%dma_wait3A_813, %dma_wait3A_814] : memref<4x768xf32, #tpu.memory_space<vmem>> -> memref<1x768xf32, #tpu.memory_space<vmem>>
      %dma_wait3A_816 = arith.constant 0 : i32
      %dma_wait3A_817 = arith.constant 0 : i32
      %dma_wait3A_818 = tpu.memref_slice %arg2[%dma_wait3A_804, %dma_wait3A_816, %dma_wait3A_817] : memref<4x4096x768xf32, #tpu.memory_space<any>> -> memref<1x4096x768xf32, #tpu.memory_space<any>>
      %dma_wait3A_819 = tpu.memref_squeeze %dma_wait3A_818 : memref<1x4096x768xf32, #tpu.memory_space<any>> -> memref<4096x768xf32, #tpu.memory_space<any>>
      %dma_wait3A_820 = arith.constant 0 : i32
      %dma_wait3A_821 = tpu.memref_slice %dma_wait3A_819[%reduce_min3A_439, %dma_wait3A_820] : memref<4096x768xf32, #tpu.memory_space<any>> -> memref<1x768xf32, #tpu.memory_space<any>>
      tpu.wait_dma2 semaphore(%dma_wait3A_808 : memref<!tpu.dma_semaphore, #tpu.memory_space<semaphore_mem>>) src(%dma_wait3A_821 : memref<1x768xf32, #tpu.memory_space<any>>) dst(%dma_wait3A_815 : memref<1x768xf32, #tpu.memory_space<vmem>>)
      %dma_wait3A_822 = arith.constant 3 : i32
      %dma_wait3A_823 = arith.constant 3 : i32
      %dma_wait3A_824 = arith.constant 12 : i32
      %dma_wait3A_825 = tpu.memref_slice %arg11[%dma_wait3A_824] : memref<20x!tpu.dma_semaphore, #tpu.memory_space<semaphore_mem>> -> memref<1x!tpu.dma_semaphore, #tpu.memory_space<semaphore_mem>>
      %dma_wait3A_826 = tpu.memref_squeeze %dma_wait3A_825 : memref<1x!tpu.dma_semaphore, #tpu.memory_space<semaphore_mem>> -> memref<!tpu.dma_semaphore, #tpu.memory_space<semaphore_mem>>
      %dma_wait3A_827 = arith.constant 0 : i32
      %dma_wait3A_828 = arith.constant 0 : i32
      %dma_wait3A_829 = tpu.memref_slice %arg9[%dma_wait3A_823, %dma_wait3A_827, %dma_wait3A_828] : memref<4x4x768xf32, #tpu.memory_space<vmem>> -> memref<1x4x768xf32, #tpu.memory_space<vmem>>
      %dma_wait3A_830 = tpu.memref_squeeze %dma_wait3A_829 : memref<1x4x768xf32, #tpu.memory_space<vmem>> -> memref<4x768xf32, #tpu.memory_space<vmem>>
      %dma_wait3A_831 = arith.constant 0 : i32
      %dma_wait3A_832 = arith.constant 0 : i32
      %dma_wait3A_833 = tpu.memref_slice %dma_wait3A_830[%dma_wait3A_831, %dma_wait3A_832] : memref<4x768xf32, #tpu.memory_space<vmem>> -> memref<1x768xf32, #tpu.memory_space<vmem>>
      %dma_wait3A_834 = arith.constant 0 : i32
      %dma_wait3A_835 = arith.constant 0 : i32
      %dma_wait3A_836 = tpu.memref_slice %arg2[%dma_wait3A_822, %dma_wait3A_834, %dma_wait3A_835] : memref<4x4096x768xf32, #tpu.memory_space<any>> -> memref<1x4096x768xf32, #tpu.memory_space<any>>
      %dma_wait3A_837 = tpu.memref_squeeze %dma_wait3A_836 : memref<1x4096x768xf32, #tpu.memory_space<any>> -> memref<4096x768xf32, #tpu.memory_space<any>>
      %dma_wait3A_838 = arith.constant 0 : i32
      %dma_wait3A_839 = tpu.memref_slice %dma_wait3A_837[%reduce_min3A_474, %dma_wait3A_838] : memref<4096x768xf32, #tpu.memory_space<any>> -> memref<1x768xf32, #tpu.memory_space<any>>
      tpu.wait_dma2 semaphore(%dma_wait3A_826 : memref<!tpu.dma_semaphore, #tpu.memory_space<semaphore_mem>>) src(%dma_wait3A_839 : memref<1x768xf32, #tpu.memory_space<any>>) dst(%dma_wait3A_833 : memref<1x768xf32, #tpu.memory_space<vmem>>)
      %dma_wait3A_840 = arith.constant 3 : i32
      %dma_wait3A_841 = arith.constant 3 : i32
      %dma_wait3A_842 = arith.constant 13 : i32
      %dma_wait3A_843 = tpu.memref_slice %arg11[%dma_wait3A_842] : memref<20x!tpu.dma_semaphore, #tpu.memory_space<semaphore_mem>> -> memref<1x!tpu.dma_semaphore, #tpu.memory_space<semaphore_mem>>
      %dma_wait3A_844 = tpu.memref_squeeze %dma_wait3A_843 : memref<1x!tpu.dma_semaphore, #tpu.memory_space<semaphore_mem>> -> memref<!tpu.dma_semaphore, #tpu.memory_space<semaphore_mem>>
      %dma_wait3A_845 = arith.constant 0 : i32
      %dma_wait3A_846 = arith.constant 0 : i32
      %dma_wait3A_847 = tpu.memref_slice %arg9[%dma_wait3A_841, %dma_wait3A_845, %dma_wait3A_846] : memref<4x4x768xf32, #tpu.memory_space<vmem>> -> memref<1x4x768xf32, #tpu.memory_space<vmem>>
      %dma_wait3A_848 = tpu.memref_squeeze %dma_wait3A_847 : memref<1x4x768xf32, #tpu.memory_space<vmem>> -> memref<4x768xf32, #tpu.memory_space<vmem>>
      %dma_wait3A_849 = arith.constant 1 : i32
      %dma_wait3A_850 = arith.constant 0 : i32
      %dma_wait3A_851 = tpu.memref_slice %dma_wait3A_848[%dma_wait3A_849, %dma_wait3A_850] : memref<4x768xf32, #tpu.memory_space<vmem>> -> memref<1x768xf32, #tpu.memory_space<vmem>>
      %dma_wait3A_852 = arith.constant 0 : i32
      %dma_wait3A_853 = arith.constant 0 : i32
      %dma_wait3A_854 = tpu.memref_slice %arg2[%dma_wait3A_840, %dma_wait3A_852, %dma_wait3A_853] : memref<4x4096x768xf32, #tpu.memory_space<any>> -> memref<1x4096x768xf32, #tpu.memory_space<any>>
      %dma_wait3A_855 = tpu.memref_squeeze %dma_wait3A_854 : memref<1x4096x768xf32, #tpu.memory_space<any>> -> memref<4096x768xf32, #tpu.memory_space<any>>
      %dma_wait3A_856 = arith.constant 0 : i32
      %dma_wait3A_857 = tpu.memref_slice %dma_wait3A_855[%reduce_min3A_512, %dma_wait3A_856] : memref<4096x768xf32, #tpu.memory_space<any>> -> memref<1x768xf32, #tpu.memory_space<any>>
      tpu.wait_dma2 semaphore(%dma_wait3A_844 : memref<!tpu.dma_semaphore, #tpu.memory_space<semaphore_mem>>) src(%dma_wait3A_857 : memref<1x768xf32, #tpu.memory_space<any>>) dst(%dma_wait3A_851 : memref<1x768xf32, #tpu.memory_space<vmem>>)
      %dma_wait3A_858 = arith.constant 3 : i32
      %dma_wait3A_859 = arith.constant 3 : i32
      %dma_wait3A_860 = arith.constant 14 : i32
      %dma_wait3A_861 = tpu.memref_slice %arg11[%dma_wait3A_860] : memref<20x!tpu.dma_semaphore, #tpu.memory_space<semaphore_mem>> -> memref<1x!tpu.dma_semaphore, #tpu.memory_space<semaphore_mem>>
      %dma_wait3A_862 = tpu.memref_squeeze %dma_wait3A_861 : memref<1x!tpu.dma_semaphore, #tpu.memory_space<semaphore_mem>> -> memref<!tpu.dma_semaphore, #tpu.memory_space<semaphore_mem>>
      %dma_wait3A_863 = arith.constant 0 : i32
      %dma_wait3A_864 = arith.constant 0 : i32
      %dma_wait3A_865 = tpu.memref_slice %arg9[%dma_wait3A_859, %dma_wait3A_863, %dma_wait3A_864] : memref<4x4x768xf32, #tpu.memory_space<vmem>> -> memref<1x4x768xf32, #tpu.memory_space<vmem>>
      %dma_wait3A_866 = tpu.memref_squeeze %dma_wait3A_865 : memref<1x4x768xf32, #tpu.memory_space<vmem>> -> memref<4x768xf32, #tpu.memory_space<vmem>>
      %dma_wait3A_867 = arith.constant 2 : i32
      %dma_wait3A_868 = arith.constant 0 : i32
      %dma_wait3A_869 = tpu.memref_slice %dma_wait3A_866[%dma_wait3A_867, %dma_wait3A_868] : memref<4x768xf32, #tpu.memory_space<vmem>> -> memref<1x768xf32, #tpu.memory_space<vmem>>
      %dma_wait3A_870 = arith.constant 0 : i32
      %dma_wait3A_871 = arith.constant 0 : i32
      %dma_wait3A_872 = tpu.memref_slice %arg2[%dma_wait3A_858, %dma_wait3A_870, %dma_wait3A_871] : memref<4x4096x768xf32, #tpu.memory_space<any>> -> memref<1x4096x768xf32, #tpu.memory_space<any>>
      %dma_wait3A_873 = tpu.memref_squeeze %dma_wait3A_872 : memref<1x4096x768xf32, #tpu.memory_space<any>> -> memref<4096x768xf32, #tpu.memory_space<any>>
      %dma_wait3A_874 = arith.constant 0 : i32
      %dma_wait3A_875 = tpu.memref_slice %dma_wait3A_873[%reduce_min3A_550, %dma_wait3A_874] : memref<4096x768xf32, #tpu.memory_space<any>> -> memref<1x768xf32, #tpu.memory_space<any>>
      tpu.wait_dma2 semaphore(%dma_wait3A_862 : memref<!tpu.dma_semaphore, #tpu.memory_space<semaphore_mem>>) src(%dma_wait3A_875 : memref<1x768xf32, #tpu.memory_space<any>>) dst(%dma_wait3A_869 : memref<1x768xf32, #tpu.memory_space<vmem>>)
      %dma_wait3A_876 = arith.constant 3 : i32
      %dma_wait3A_877 = arith.constant 3 : i32
      %dma_wait3A_878 = arith.constant 15 : i32
      %dma_wait3A_879 = tpu.memref_slice %arg11[%dma_wait3A_878] : memref<20x!tpu.dma_semaphore, #tpu.memory_space<semaphore_mem>> -> memref<1x!tpu.dma_semaphore, #tpu.memory_space<semaphore_mem>>
      %dma_wait3A_880 = tpu.memref_squeeze %dma_wait3A_879 : memref<1x!tpu.dma_semaphore, #tpu.memory_space<semaphore_mem>> -> memref<!tpu.dma_semaphore, #tpu.memory_space<semaphore_mem>>
      %dma_wait3A_881 = arith.constant 0 : i32
      %dma_wait3A_882 = arith.constant 0 : i32
      %dma_wait3A_883 = tpu.memref_slice %arg9[%dma_wait3A_877, %dma_wait3A_881, %dma_wait3A_882] : memref<4x4x768xf32, #tpu.memory_space<vmem>> -> memref<1x4x768xf32, #tpu.memory_space<vmem>>
      %dma_wait3A_884 = tpu.memref_squeeze %dma_wait3A_883 : memref<1x4x768xf32, #tpu.memory_space<vmem>> -> memref<4x768xf32, #tpu.memory_space<vmem>>
      %dma_wait3A_885 = arith.constant 3 : i32
      %dma_wait3A_886 = arith.constant 0 : i32
      %dma_wait3A_887 = tpu.memref_slice %dma_wait3A_884[%dma_wait3A_885, %dma_wait3A_886] : memref<4x768xf32, #tpu.memory_space<vmem>> -> memref<1x768xf32, #tpu.memory_space<vmem>>
      %dma_wait3A_888 = arith.constant 0 : i32
      %dma_wait3A_889 = arith.constant 0 : i32
      %dma_wait3A_890 = tpu.memref_slice %arg2[%dma_wait3A_876, %dma_wait3A_888, %dma_wait3A_889] : memref<4x4096x768xf32, #tpu.memory_space<any>> -> memref<1x4096x768xf32, #tpu.memory_space<any>>
      %dma_wait3A_891 = tpu.memref_squeeze %dma_wait3A_890 : memref<1x4096x768xf32, #tpu.memory_space<any>> -> memref<4096x768xf32, #tpu.memory_space<any>>
      %dma_wait3A_892 = arith.constant 0 : i32
      %dma_wait3A_893 = tpu.memref_slice %dma_wait3A_891[%reduce_min3A_588, %dma_wait3A_892] : memref<4096x768xf32, #tpu.memory_space<any>> -> memref<1x768xf32, #tpu.memory_space<any>>
      tpu.wait_dma2 semaphore(%dma_wait3A_880 : memref<!tpu.dma_semaphore, #tpu.memory_space<semaphore_mem>>) src(%dma_wait3A_893 : memref<1x768xf32, #tpu.memory_space<any>>) dst(%dma_wait3A_887 : memref<1x768xf32, #tpu.memory_space<vmem>>)
      %dma_wait3A_894 = arith.constant 0 : i32
      %dma_wait3A_895 = arith.constant 0 : i32
      %dma_wait3A_896 = arith.constant 16 : i32
      %dma_wait3A_897 = tpu.memref_slice %arg11[%dma_wait3A_896] : memref<20x!tpu.dma_semaphore, #tpu.memory_space<semaphore_mem>> -> memref<1x!tpu.dma_semaphore, #tpu.memory_space<semaphore_mem>>
      %dma_wait3A_898 = tpu.memref_squeeze %dma_wait3A_897 : memref<1x!tpu.dma_semaphore, #tpu.memory_space<semaphore_mem>> -> memref<!tpu.dma_semaphore, #tpu.memory_space<semaphore_mem>>
      %dma_wait3A_899 = arith.constant 0 : i32
      %dma_wait3A_900 = arith.constant 0 : i32
      %dma_wait3A_901 = tpu.memref_slice %arg10[%dma_wait3A_895, %dma_wait3A_899, %dma_wait3A_900] : memref<4x4x768xf32, #tpu.memory_space<vmem>> -> memref<1x4x768xf32, #tpu.memory_space<vmem>>
      %dma_wait3A_902 = tpu.memref_squeeze %dma_wait3A_901 : memref<1x4x768xf32, #tpu.memory_space<vmem>> -> memref<4x768xf32, #tpu.memory_space<vmem>>
      %dma_wait3A_903 = arith.constant 0 : i32
      %dma_wait3A_904 = arith.constant 0 : i32
      %dma_wait3A_905 = tpu.memref_slice %arg3[%dma_wait3A_894, %dma_wait3A_903, %dma_wait3A_904] : memref<4x4096x768xf32, #tpu.memory_space<any>> -> memref<1x4096x768xf32, #tpu.memory_space<any>>
      %dma_wait3A_906 = tpu.memref_squeeze %dma_wait3A_905 : memref<1x4096x768xf32, #tpu.memory_space<any>> -> memref<4096x768xf32, #tpu.memory_space<any>>
      %dma_wait3A_907 = arith.constant 0 : i32
      %dma_wait3A_908 = arith.constant 0 : i32
      %dma_wait3A_909 = tpu.memref_slice %dma_wait3A_906[%dma_wait3A_907, %dma_wait3A_908] : memref<4096x768xf32, #tpu.memory_space<any>> -> memref<4x768xf32, #tpu.memory_space<any>>
      tpu.wait_dma2 semaphore(%dma_wait3A_898 : memref<!tpu.dma_semaphore, #tpu.memory_space<semaphore_mem>>) src(%dma_wait3A_909 : memref<4x768xf32, #tpu.memory_space<any>>) dst(%dma_wait3A_902 : memref<4x768xf32, #tpu.memory_space<vmem>>)
      %dma_wait3A_910 = arith.constant 1 : i32
      %dma_wait3A_911 = arith.constant 1 : i32
      %dma_wait3A_912 = arith.constant 17 : i32
      %dma_wait3A_913 = tpu.memref_slice %arg11[%dma_wait3A_912] : memref<20x!tpu.dma_semaphore, #tpu.memory_space<semaphore_mem>> -> memref<1x!tpu.dma_semaphore, #tpu.memory_space<semaphore_mem>>
      %dma_wait3A_914 = tpu.memref_squeeze %dma_wait3A_913 : memref<1x!tpu.dma_semaphore, #tpu.memory_space<semaphore_mem>> -> memref<!tpu.dma_semaphore, #tpu.memory_space<semaphore_mem>>
      %dma_wait3A_915 = arith.constant 0 : i32
      %dma_wait3A_916 = arith.constant 0 : i32
      %dma_wait3A_917 = tpu.memref_slice %arg10[%dma_wait3A_911, %dma_wait3A_915, %dma_wait3A_916] : memref<4x4x768xf32, #tpu.memory_space<vmem>> -> memref<1x4x768xf32, #tpu.memory_space<vmem>>
      %dma_wait3A_918 = tpu.memref_squeeze %dma_wait3A_917 : memref<1x4x768xf32, #tpu.memory_space<vmem>> -> memref<4x768xf32, #tpu.memory_space<vmem>>
      %dma_wait3A_919 = arith.constant 0 : i32
      %dma_wait3A_920 = arith.constant 0 : i32
      %dma_wait3A_921 = tpu.memref_slice %arg3[%dma_wait3A_910, %dma_wait3A_919, %dma_wait3A_920] : memref<4x4096x768xf32, #tpu.memory_space<any>> -> memref<1x4096x768xf32, #tpu.memory_space<any>>
      %dma_wait3A_922 = tpu.memref_squeeze %dma_wait3A_921 : memref<1x4096x768xf32, #tpu.memory_space<any>> -> memref<4096x768xf32, #tpu.memory_space<any>>
      %dma_wait3A_923 = arith.constant 0 : i32
      %dma_wait3A_924 = arith.constant 0 : i32
      %dma_wait3A_925 = tpu.memref_slice %dma_wait3A_922[%dma_wait3A_923, %dma_wait3A_924] : memref<4096x768xf32, #tpu.memory_space<any>> -> memref<4x768xf32, #tpu.memory_space<any>>
      tpu.wait_dma2 semaphore(%dma_wait3A_914 : memref<!tpu.dma_semaphore, #tpu.memory_space<semaphore_mem>>) src(%dma_wait3A_925 : memref<4x768xf32, #tpu.memory_space<any>>) dst(%dma_wait3A_918 : memref<4x768xf32, #tpu.memory_space<vmem>>)
      %dma_wait3A_926 = arith.constant 2 : i32
      %dma_wait3A_927 = arith.constant 2 : i32
      %dma_wait3A_928 = arith.constant 18 : i32
      %dma_wait3A_929 = tpu.memref_slice %arg11[%dma_wait3A_928] : memref<20x!tpu.dma_semaphore, #tpu.memory_space<semaphore_mem>> -> memref<1x!tpu.dma_semaphore, #tpu.memory_space<semaphore_mem>>
      %dma_wait3A_930 = tpu.memref_squeeze %dma_wait3A_929 : memref<1x!tpu.dma_semaphore, #tpu.memory_space<semaphore_mem>> -> memref<!tpu.dma_semaphore, #tpu.memory_space<semaphore_mem>>
      %dma_wait3A_931 = arith.constant 0 : i32
      %dma_wait3A_932 = arith.constant 0 : i32
      %dma_wait3A_933 = tpu.memref_slice %arg10[%dma_wait3A_927, %dma_wait3A_931, %dma_wait3A_932] : memref<4x4x768xf32, #tpu.memory_space<vmem>> -> memref<1x4x768xf32, #tpu.memory_space<vmem>>
      %dma_wait3A_934 = tpu.memref_squeeze %dma_wait3A_933 : memref<1x4x768xf32, #tpu.memory_space<vmem>> -> memref<4x768xf32, #tpu.memory_space<vmem>>
      %dma_wait3A_935 = arith.constant 0 : i32
      %dma_wait3A_936 = arith.constant 0 : i32
      %dma_wait3A_937 = tpu.memref_slice %arg3[%dma_wait3A_926, %dma_wait3A_935, %dma_wait3A_936] : memref<4x4096x768xf32, #tpu.memory_space<any>> -> memref<1x4096x768xf32, #tpu.memory_space<any>>
      %dma_wait3A_938 = tpu.memref_squeeze %dma_wait3A_937 : memref<1x4096x768xf32, #tpu.memory_space<any>> -> memref<4096x768xf32, #tpu.memory_space<any>>
      %dma_wait3A_939 = arith.constant 0 : i32
      %dma_wait3A_940 = arith.constant 0 : i32
      %dma_wait3A_941 = tpu.memref_slice %dma_wait3A_938[%dma_wait3A_939, %dma_wait3A_940] : memref<4096x768xf32, #tpu.memory_space<any>> -> memref<4x768xf32, #tpu.memory_space<any>>
      tpu.wait_dma2 semaphore(%dma_wait3A_930 : memref<!tpu.dma_semaphore, #tpu.memory_space<semaphore_mem>>) src(%dma_wait3A_941 : memref<4x768xf32, #tpu.memory_space<any>>) dst(%dma_wait3A_934 : memref<4x768xf32, #tpu.memory_space<vmem>>)
      %dma_wait3A_942 = arith.constant 3 : i32
      %dma_wait3A_943 = arith.constant 3 : i32
      %dma_wait3A_944 = arith.constant 19 : i32
      %dma_wait3A_945 = tpu.memref_slice %arg11[%dma_wait3A_944] : memref<20x!tpu.dma_semaphore, #tpu.memory_space<semaphore_mem>> -> memref<1x!tpu.dma_semaphore, #tpu.memory_space<semaphore_mem>>
      %dma_wait3A_946 = tpu.memref_squeeze %dma_wait3A_945 : memref<1x!tpu.dma_semaphore, #tpu.memory_space<semaphore_mem>> -> memref<!tpu.dma_semaphore, #tpu.memory_space<semaphore_mem>>
      %dma_wait3A_947 = arith.constant 0 : i32
      %dma_wait3A_948 = arith.constant 0 : i32
      %dma_wait3A_949 = tpu.memref_slice %arg10[%dma_wait3A_943, %dma_wait3A_947, %dma_wait3A_948] : memref<4x4x768xf32, #tpu.memory_space<vmem>> -> memref<1x4x768xf32, #tpu.memory_space<vmem>>
      %dma_wait3A_950 = tpu.memref_squeeze %dma_wait3A_949 : memref<1x4x768xf32, #tpu.memory_space<vmem>> -> memref<4x768xf32, #tpu.memory_space<vmem>>
      %dma_wait3A_951 = arith.constant 0 : i32
      %dma_wait3A_952 = arith.constant 0 : i32
      %dma_wait3A_953 = tpu.memref_slice %arg3[%dma_wait3A_942, %dma_wait3A_951, %dma_wait3A_952] : memref<4x4096x768xf32, #tpu.memory_space<any>> -> memref<1x4096x768xf32, #tpu.memory_space<any>>
      %dma_wait3A_954 = tpu.memref_squeeze %dma_wait3A_953 : memref<1x4096x768xf32, #tpu.memory_space<any>> -> memref<4096x768xf32, #tpu.memory_space<any>>
      %dma_wait3A_955 = arith.constant 0 : i32
      %dma_wait3A_956 = arith.constant 0 : i32
      %dma_wait3A_957 = tpu.memref_slice %dma_wait3A_954[%dma_wait3A_955, %dma_wait3A_956] : memref<4096x768xf32, #tpu.memory_space<any>> -> memref<4x768xf32, #tpu.memory_space<any>>
      tpu.wait_dma2 semaphore(%dma_wait3A_946 : memref<!tpu.dma_semaphore, #tpu.memory_space<semaphore_mem>>) src(%dma_wait3A_957 : memref<4x768xf32, #tpu.memory_space<any>>) dst(%dma_wait3A_950 : memref<4x768xf32, #tpu.memory_space<vmem>>)
      %get3A_958 = arith.constant 0 : index
      %get3A_959 = arith.constant 0 : index
      %get3A_960 = vector.load %arg4[%get3A_958, %get3A_959] : memref<768x768xf32, #tpu.memory_space<vmem>>, vector<768x768xf32>
      %get3A_961 = arith.constant 0 : index
      %get3A_962 = arith.constant 0 : index
      %get3A_963 = vector.load %arg5[%get3A_961, %get3A_962] : memref<1x768xf32, #tpu.memory_space<vmem>>, vector<1x768xf32>
      %broadcast_in_dim3A_964 = arith.constant 0.000000e+00 : f32
      %broadcast_in_dim3A_965 = vector.broadcast %broadcast_in_dim3A_964 : f32 to vector<4x8x768xf32>
      %swap3A_966 = arith.constant 0 : index
      %swap3A_967 = arith.constant 0 : index
      %swap3A_968 = arith.constant 0 : index
      %swap3A_969 = vector.load %arg6[%swap3A_966, %swap3A_967, %swap3A_968] : memref<4x8x768xf32, #tpu.memory_space<vmem>>, vector<4x8x768xf32>
      tpu.vector_store %arg6[%swap3A_966, %swap3A_967, %swap3A_968], %broadcast_in_dim3A_965 {strides = array<i32>} : memref<4x8x768xf32, #tpu.memory_space<vmem>>, vector<4x8x768xf32>,
      %broadcast_in_dim3A_970 = arith.constant 0.000000e+00 : f32
      %broadcast_in_dim3A_971 = vector.broadcast %broadcast_in_dim3A_970 : f32 to vector<4x8x768xf32>
      %swap3A_972 = arith.constant 0 : index
      %swap3A_973 = arith.constant 0 : index
      %swap3A_974 = arith.constant 0 : index
      %swap3A_975 = vector.load %arg7[%swap3A_972, %swap3A_973, %swap3A_974] : memref<4x8x768xf32, #tpu.memory_space<vmem>>, vector<4x8x768xf32>
      tpu.vector_store %arg7[%swap3A_972, %swap3A_973, %swap3A_974], %broadcast_in_dim3A_971 {strides = array<i32>} : memref<4x8x768xf32, #tpu.memory_space<vmem>>, vector<4x8x768xf32>,
      %get3A_976 = arith.constant 0 : index
      %get3A_977 = arith.constant 0 : index
      %get3A_978 = arith.constant 0 : index
      %get3A_979 = vector.load %arg9[%get3A_976, %get3A_977, %get3A_978] : memref<4x4x768xf32, #tpu.memory_space<vmem>>, vector<1x4x768xf32>
      %get3A_980 = vector.shape_cast %get3A_979 : vector<1x4x768xf32> to vector<4x768xf32>
      %get3A_981 = arith.constant 0 : index
      %get3A_982 = arith.constant 0 : index
      %get3A_983 = arith.constant 0 : index
      %get3A_984 = vector.load %arg10[%get3A_981, %get3A_982, %get3A_983] : memref<4x4x768xf32, #tpu.memory_space<vmem>>, vector<1x4x768xf32>
      %get3A_985 = vector.shape_cast %get3A_984 : vector<1x4x768xf32> to vector<4x768xf32>
      %dot_general3A = arith.constant dense<0.000000e+00> : vector<4x768xf32>
      %dot_general3A_986 = tpu.matmul %get3A_980, %get3A_960, %dot_general3A {dimension_numbers = #tpu.dot_dimension_numbers<[1], [1], [0], [0], [0, 0, 1, 0], [], []>, precision = #tpu.contract_precision<fp32>, transpose_lhs_hint = false} : vector<4x768xf32>, vector<768x768xf32>, vector<4x768xf32> -> vector<4x768xf32>
      %add3A = vector.broadcast %get3A_963 : vector<1x768xf32> to vector<4x768xf32>
      %add3A_987 = arith.addf %dot_general3A_986, %add3A : vector<4x768xf32>
      %dot_general3A_988 = arith.constant dense<0.000000e+00> : vector<4x4xf32>
      %dot_general3A_989 = tpu.matmul %add3A_987, %get3A_985, %dot_general3A_988 {dimension_numbers = #tpu.dot_dimension_numbers<[1], [1], [0], [0], [0, 0, 1, 0], [], []>, precision = #tpu.contract_precision<fp32>, transpose_lhs_hint = false} : vector<4x768xf32>, vector<4x768xf32>, vector<4x4xf32> -> vector<4x4xf32>
      %reduce_max3A_990 = arith.constant dense<0xFF800000> : vector<4xf32>
      %reduce_max3A_991 = vector.multi_reduction <maximumf>, %dot_general3A_989, %reduce_max3A_990 [1] : vector<4x4xf32> to vector<4xf32>
      %max3A = arith.constant 0xFF800000 : f32
      %max3A_992 = vector.broadcast %max3A : f32 to vector<4xf32>
      %max3A_993 = arith.maximumf %max3A_992, %reduce_max3A_991 : vector<4xf32>
      %broadcast_in_dim3A_994 = vector.shape_cast %max3A_993 : vector<4xf32> to vector<4x1xf32>
      %sub3A = vector.broadcast %broadcast_in_dim3A_994 : vector<4x1xf32> to vector<4x4xf32>
      %sub3A_995 = arith.subf %dot_general3A_989, %sub3A : vector<4x4xf32>
      %exp3A = math.exp %sub3A_995 : vector<4x4xf32>
      %reduce_sum3A_996 = arith.constant dense<0.000000e+00> : vector<4xf32>
      %reduce_sum3A_997 = vector.multi_reduction <add>, %exp3A, %reduce_sum3A_996 [1] : vector<4x4xf32> to vector<4xf32>
      %broadcast_in_dim3A_998 = vector.shape_cast %reduce_sum3A_997 : vector<4xf32> to vector<4x1xf32>
      %div3A = vector.broadcast %broadcast_in_dim3A_998 : vector<4x1xf32> to vector<4x4xf32>
      %div3A_999 = arith.divf %exp3A, %div3A : vector<4x4xf32>
      %dot_general3A_1000 = arith.constant dense<0.000000e+00> : vector<4x768xf32>
      %dot_general3A_1001 = tpu.matmul %div3A_999, %get3A_985, %dot_general3A_1000 {dimension_numbers = #tpu.dot_dimension_numbers<[1], [0], [0], [1], [0, 0, 1, 1], [], []>, precision = #tpu.contract_precision<fp32>, transpose_lhs_hint = false} : vector<4x4xf32>, vector<4x768xf32>, vector<4x768xf32> -> vector<4x768xf32>
      %swap3A_1002 = arith.constant 0 : index
      %swap3A_1003 = arith.constant 0 : index
      %swap3A_1004 = arith.constant 0 : index
      %swap3A_1005 = vector.load %arg6[%swap3A_1002, %swap3A_1003, %swap3A_1004] : memref<4x8x768xf32, #tpu.memory_space<vmem>>, vector<1x4x768xf32>
      %swap3A_1006 = vector.shape_cast %swap3A_1005 : vector<1x4x768xf32> to vector<4x768xf32>
      %swap3A_1007 = vector.shape_cast %dot_general3A_1001 : vector<4x768xf32> to vector<1x4x768xf32>
      tpu.vector_store %arg6[%swap3A_1002, %swap3A_1003, %swap3A_1004], %swap3A_1007 {strides = array<i32>} : memref<4x8x768xf32, #tpu.memory_space<vmem>>, vector<1x4x768xf32>,
      %dot_general3A_1008 = arith.constant dense<0.000000e+00> : vector<4x768xf32>
      %dot_general3A_1009 = tpu.matmul %div3A_999, %get3A_980, %dot_general3A_1008 {dimension_numbers = #tpu.dot_dimension_numbers<[0], [0], [1], [1], [0, 1, 1, 1], [], []>, precision = #tpu.contract_precision<fp32>, transpose_lhs_hint = false} : vector<4x4xf32>, vector<4x768xf32>, vector<4x768xf32> -> vector<4x768xf32>
      %swap3A_1010 = arith.constant 0 : index
      %swap3A_1011 = arith.constant 0 : index
      %swap3A_1012 = arith.constant 0 : index
      %swap3A_1013 = vector.load %arg7[%swap3A_1010, %swap3A_1011, %swap3A_1012] : memref<4x8x768xf32, #tpu.memory_space<vmem>>, vector<1x4x768xf32>
      %swap3A_1014 = vector.shape_cast %swap3A_1013 : vector<1x4x768xf32> to vector<4x768xf32>
      %swap3A_1015 = vector.shape_cast %dot_general3A_1009 : vector<4x768xf32> to vector<1x4x768xf32>
      tpu.vector_store %arg7[%swap3A_1010, %swap3A_1011, %swap3A_1012], %swap3A_1015 {strides = array<i32>} : memref<4x8x768xf32, #tpu.memory_space<vmem>>, vector<1x4x768xf32>,
      %get3A_1016 = arith.constant 1 : index
      %get3A_1017 = arith.constant 0 : index
      %get3A_1018 = arith.constant 0 : index
      %get3A_1019 = vector.load %arg9[%get3A_1016, %get3A_1017, %get3A_1018] : memref<4x4x768xf32, #tpu.memory_space<vmem>>, vector<1x4x768xf32>
      %get3A_1020 = vector.shape_cast %get3A_1019 : vector<1x4x768xf32> to vector<4x768xf32>
      %get3A_1021 = arith.constant 1 : index
      %get3A_1022 = arith.constant 0 : index
      %get3A_1023 = arith.constant 0 : index
      %get3A_1024 = vector.load %arg10[%get3A_1021, %get3A_1022, %get3A_1023] : memref<4x4x768xf32, #tpu.memory_space<vmem>>, vector<1x4x768xf32>
      %get3A_1025 = vector.shape_cast %get3A_1024 : vector<1x4x768xf32> to vector<4x768xf32>
      %dot_general3A_1026 = arith.constant dense<0.000000e+00> : vector<4x768xf32>
      %dot_general3A_1027 = tpu.matmul %get3A_1020, %get3A_960, %dot_general3A_1026 {dimension_numbers = #tpu.dot_dimension_numbers<[1], [1], [0], [0], [0, 0, 1, 0], [], []>, precision = #tpu.contract_precision<fp32>, transpose_lhs_hint = false} : vector<4x768xf32>, vector<768x768xf32>, vector<4x768xf32> -> vector<4x768xf32>
      %add3A_1028 = vector.broadcast %get3A_963 : vector<1x768xf32> to vector<4x768xf32>
      %add3A_1029 = arith.addf %dot_general3A_1027, %add3A_1028 : vector<4x768xf32>
      %dot_general3A_1030 = arith.constant dense<0.000000e+00> : vector<4x4xf32>
      %dot_general3A_1031 = tpu.matmul %add3A_1029, %get3A_1025, %dot_general3A_1030 {dimension_numbers = #tpu.dot_dimension_numbers<[1], [1], [0], [0], [0, 0, 1, 0], [], []>, precision = #tpu.contract_precision<fp32>, transpose_lhs_hint = false} : vector<4x768xf32>, vector<4x768xf32>, vector<4x4xf32> -> vector<4x4xf32>
      %reduce_max3A_1032 = arith.constant dense<0xFF800000> : vector<4xf32>
      %reduce_max3A_1033 = vector.multi_reduction <maximumf>, %dot_general3A_1031, %reduce_max3A_1032 [1] : vector<4x4xf32> to vector<4xf32>
      %max3A_1034 = arith.constant 0xFF800000 : f32
      %max3A_1035 = vector.broadcast %max3A_1034 : f32 to vector<4xf32>
      %max3A_1036 = arith.maximumf %max3A_1035, %reduce_max3A_1033 : vector<4xf32>
      %broadcast_in_dim3A_1037 = vector.shape_cast %max3A_1036 : vector<4xf32> to vector<4x1xf32>
      %sub3A_1038 = vector.broadcast %broadcast_in_dim3A_1037 : vector<4x1xf32> to vector<4x4xf32>
      %sub3A_1039 = arith.subf %dot_general3A_1031, %sub3A_1038 : vector<4x4xf32>
      %exp3A_1040 = math.exp %sub3A_1039 : vector<4x4xf32>
      %reduce_sum3A_1041 = arith.constant dense<0.000000e+00> : vector<4xf32>
      %reduce_sum3A_1042 = vector.multi_reduction <add>, %exp3A_1040, %reduce_sum3A_1041 [1] : vector<4x4xf32> to vector<4xf32>
      %broadcast_in_dim3A_1043 = vector.shape_cast %reduce_sum3A_1042 : vector<4xf32> to vector<4x1xf32>
      %div3A_1044 = vector.broadcast %broadcast_in_dim3A_1043 : vector<4x1xf32> to vector<4x4xf32>
      %div3A_1045 = arith.divf %exp3A_1040, %div3A_1044 : vector<4x4xf32>
      %dot_general3A_1046 = arith.constant dense<0.000000e+00> : vector<4x768xf32>
      %dot_general3A_1047 = tpu.matmul %div3A_1045, %get3A_1025, %dot_general3A_1046 {dimension_numbers = #tpu.dot_dimension_numbers<[1], [0], [0], [1], [0, 0, 1, 1], [], []>, precision = #tpu.contract_precision<fp32>, transpose_lhs_hint = false} : vector<4x4xf32>, vector<4x768xf32>, vector<4x768xf32> -> vector<4x768xf32>
      %swap3A_1048 = arith.constant 1 : index
      %swap3A_1049 = arith.constant 0 : index
      %swap3A_1050 = arith.constant 0 : index
      %swap3A_1051 = vector.load %arg6[%swap3A_1048, %swap3A_1049, %swap3A_1050] : memref<4x8x768xf32, #tpu.memory_space<vmem>>, vector<1x4x768xf32>
      %swap3A_1052 = vector.shape_cast %swap3A_1051 : vector<1x4x768xf32> to vector<4x768xf32>
      %swap3A_1053 = vector.shape_cast %dot_general3A_1047 : vector<4x768xf32> to vector<1x4x768xf32>
      tpu.vector_store %arg6[%swap3A_1048, %swap3A_1049, %swap3A_1050], %swap3A_1053 {strides = array<i32>} : memref<4x8x768xf32, #tpu.memory_space<vmem>>, vector<1x4x768xf32>,
      %dot_general3A_1054 = arith.constant dense<0.000000e+00> : vector<4x768xf32>
      %dot_general3A_1055 = tpu.matmul %div3A_1045, %get3A_1020, %dot_general3A_1054 {dimension_numbers = #tpu.dot_dimension_numbers<[0], [0], [1], [1], [0, 1, 1, 1], [], []>, precision = #tpu.contract_precision<fp32>, transpose_lhs_hint = false} : vector<4x4xf32>, vector<4x768xf32>, vector<4x768xf32> -> vector<4x768xf32>
      %swap3A_1056 = arith.constant 1 : index
      %swap3A_1057 = arith.constant 0 : index
      %swap3A_1058 = arith.constant 0 : index
      %swap3A_1059 = vector.load %arg7[%swap3A_1056, %swap3A_1057, %swap3A_1058] : memref<4x8x768xf32, #tpu.memory_space<vmem>>, vector<1x4x768xf32>
      %swap3A_1060 = vector.shape_cast %swap3A_1059 : vector<1x4x768xf32> to vector<4x768xf32>
      %swap3A_1061 = vector.shape_cast %dot_general3A_1055 : vector<4x768xf32> to vector<1x4x768xf32>
      tpu.vector_store %arg7[%swap3A_1056, %swap3A_1057, %swap3A_1058], %swap3A_1061 {strides = array<i32>} : memref<4x8x768xf32, #tpu.memory_space<vmem>>, vector<1x4x768xf32>,
      %get3A_1062 = arith.constant 2 : index
      %get3A_1063 = arith.constant 0 : index
      %get3A_1064 = arith.constant 0 : index
      %get3A_1065 = vector.load %arg9[%get3A_1062, %get3A_1063, %get3A_1064] : memref<4x4x768xf32, #tpu.memory_space<vmem>>, vector<1x4x768xf32>
      %get3A_1066 = vector.shape_cast %get3A_1065 : vector<1x4x768xf32> to vector<4x768xf32>
      %get3A_1067 = arith.constant 2 : index
      %get3A_1068 = arith.constant 0 : index
      %get3A_1069 = arith.constant 0 : index
      %get3A_1070 = vector.load %arg10[%get3A_1067, %get3A_1068, %get3A_1069] : memref<4x4x768xf32, #tpu.memory_space<vmem>>, vector<1x4x768xf32>
      %get3A_1071 = vector.shape_cast %get3A_1070 : vector<1x4x768xf32> to vector<4x768xf32>
      %dot_general3A_1072 = arith.constant dense<0.000000e+00> : vector<4x768xf32>
      %dot_general3A_1073 = tpu.matmul %get3A_1066, %get3A_960, %dot_general3A_1072 {dimension_numbers = #tpu.dot_dimension_numbers<[1], [1], [0], [0], [0, 0, 1, 0], [], []>, precision = #tpu.contract_precision<fp32>, transpose_lhs_hint = false} : vector<4x768xf32>, vector<768x768xf32>, vector<4x768xf32> -> vector<4x768xf32>
      %add3A_1074 = vector.broadcast %get3A_963 : vector<1x768xf32> to vector<4x768xf32>
      %add3A_1075 = arith.addf %dot_general3A_1073, %add3A_1074 : vector<4x768xf32>
      %dot_general3A_1076 = arith.constant dense<0.000000e+00> : vector<4x4xf32>
      %dot_general3A_1077 = tpu.matmul %add3A_1075, %get3A_1071, %dot_general3A_1076 {dimension_numbers = #tpu.dot_dimension_numbers<[1], [1], [0], [0], [0, 0, 1, 0], [], []>, precision = #tpu.contract_precision<fp32>, transpose_lhs_hint = false} : vector<4x768xf32>, vector<4x768xf32>, vector<4x4xf32> -> vector<4x4xf32>
      %reduce_max3A_1078 = arith.constant dense<0xFF800000> : vector<4xf32>
      %reduce_max3A_1079 = vector.multi_reduction <maximumf>, %dot_general3A_1077, %reduce_max3A_1078 [1] : vector<4x4xf32> to vector<4xf32>
      %max3A_1080 = arith.constant 0xFF800000 : f32
      %max3A_1081 = vector.broadcast %max3A_1080 : f32 to vector<4xf32>
      %max3A_1082 = arith.maximumf %max3A_1081, %reduce_max3A_1079 : vector<4xf32>
      %broadcast_in_dim3A_1083 = vector.shape_cast %max3A_1082 : vector<4xf32> to vector<4x1xf32>
      %sub3A_1084 = vector.broadcast %broadcast_in_dim3A_1083 : vector<4x1xf32> to vector<4x4xf32>
      %sub3A_1085 = arith.subf %dot_general3A_1077, %sub3A_1084 : vector<4x4xf32>
      %exp3A_1086 = math.exp %sub3A_1085 : vector<4x4xf32>
      %reduce_sum3A_1087 = arith.constant dense<0.000000e+00> : vector<4xf32>
      %reduce_sum3A_1088 = vector.multi_reduction <add>, %exp3A_1086, %reduce_sum3A_1087 [1] : vector<4x4xf32> to vector<4xf32>
      %broadcast_in_dim3A_1089 = vector.shape_cast %reduce_sum3A_1088 : vector<4xf32> to vector<4x1xf32>
      %div3A_1090 = vector.broadcast %broadcast_in_dim3A_1089 : vector<4x1xf32> to vector<4x4xf32>
      %div3A_1091 = arith.divf %exp3A_1086, %div3A_1090 : vector<4x4xf32>
      %dot_general3A_1092 = arith.constant dense<0.000000e+00> : vector<4x768xf32>
      %dot_general3A_1093 = tpu.matmul %div3A_1091, %get3A_1071, %dot_general3A_1092 {dimension_numbers = #tpu.dot_dimension_numbers<[1], [0], [0], [1], [0, 0, 1, 1], [], []>, precision = #tpu.contract_precision<fp32>, transpose_lhs_hint = false} : vector<4x4xf32>, vector<4x768xf32>, vector<4x768xf32> -> vector<4x768xf32>
      %swap3A_1094 = arith.constant 2 : index
      %swap3A_1095 = arith.constant 0 : index
      %swap3A_1096 = arith.constant 0 : index
      %swap3A_1097 = vector.load %arg6[%swap3A_1094, %swap3A_1095, %swap3A_1096] : memref<4x8x768xf32, #tpu.memory_space<vmem>>, vector<1x4x768xf32>
      %swap3A_1098 = vector.shape_cast %swap3A_1097 : vector<1x4x768xf32> to vector<4x768xf32>
      %swap3A_1099 = vector.shape_cast %dot_general3A_1093 : vector<4x768xf32> to vector<1x4x768xf32>
      tpu.vector_store %arg6[%swap3A_1094, %swap3A_1095, %swap3A_1096], %swap3A_1099 {strides = array<i32>} : memref<4x8x768xf32, #tpu.memory_space<vmem>>, vector<1x4x768xf32>,
      %dot_general3A_1100 = arith.constant dense<0.000000e+00> : vector<4x768xf32>
      %dot_general3A_1101 = tpu.matmul %div3A_1091, %get3A_1066, %dot_general3A_1100 {dimension_numbers = #tpu.dot_dimension_numbers<[0], [0], [1], [1], [0, 1, 1, 1], [], []>, precision = #tpu.contract_precision<fp32>, transpose_lhs_hint = false} : vector<4x4xf32>, vector<4x768xf32>, vector<4x768xf32> -> vector<4x768xf32>
      %swap3A_1102 = arith.constant 2 : index
      %swap3A_1103 = arith.constant 0 : index
      %swap3A_1104 = arith.constant 0 : index
      %swap3A_1105 = vector.load %arg7[%swap3A_1102, %swap3A_1103, %swap3A_1104] : memref<4x8x768xf32, #tpu.memory_space<vmem>>, vector<1x4x768xf32>
      %swap3A_1106 = vector.shape_cast %swap3A_1105 : vector<1x4x768xf32> to vector<4x768xf32>
      %swap3A_1107 = vector.shape_cast %dot_general3A_1101 : vector<4x768xf32> to vector<1x4x768xf32>
      tpu.vector_store %arg7[%swap3A_1102, %swap3A_1103, %swap3A_1104], %swap3A_1107 {strides = array<i32>} : memref<4x8x768xf32, #tpu.memory_space<vmem>>, vector<1x4x768xf32>,
      %get3A_1108 = arith.constant 3 : index
      %get3A_1109 = arith.constant 0 : index
      %get3A_1110 = arith.constant 0 : index
      %get3A_1111 = vector.load %arg9[%get3A_1108, %get3A_1109, %get3A_1110] : memref<4x4x768xf32, #tpu.memory_space<vmem>>, vector<1x4x768xf32>
      %get3A_1112 = vector.shape_cast %get3A_1111 : vector<1x4x768xf32> to vector<4x768xf32>
      %get3A_1113 = arith.constant 3 : index
      %get3A_1114 = arith.constant 0 : index
      %get3A_1115 = arith.constant 0 : index
      %get3A_1116 = vector.load %arg10[%get3A_1113, %get3A_1114, %get3A_1115] : memref<4x4x768xf32, #tpu.memory_space<vmem>>, vector<1x4x768xf32>
      %get3A_1117 = vector.shape_cast %get3A_1116 : vector<1x4x768xf32> to vector<4x768xf32>
      %dot_general3A_1118 = arith.constant dense<0.000000e+00> : vector<4x768xf32>
      %dot_general3A_1119 = tpu.matmul %get3A_1112, %get3A_960, %dot_general3A_1118 {dimension_numbers = #tpu.dot_dimension_numbers<[1], [1], [0], [0], [0, 0, 1, 0], [], []>, precision = #tpu.contract_precision<fp32>, transpose_lhs_hint = false} : vector<4x768xf32>, vector<768x768xf32>, vector<4x768xf32> -> vector<4x768xf32>
      %add3A_1120 = vector.broadcast %get3A_963 : vector<1x768xf32> to vector<4x768xf32>
      %add3A_1121 = arith.addf %dot_general3A_1119, %add3A_1120 : vector<4x768xf32>
      %dot_general3A_1122 = arith.constant dense<0.000000e+00> : vector<4x4xf32>
      %dot_general3A_1123 = tpu.matmul %add3A_1121, %get3A_1117, %dot_general3A_1122 {dimension_numbers = #tpu.dot_dimension_numbers<[1], [1], [0], [0], [0, 0, 1, 0], [], []>, precision = #tpu.contract_precision<fp32>, transpose_lhs_hint = false} : vector<4x768xf32>, vector<4x768xf32>, vector<4x4xf32> -> vector<4x4xf32>
      %reduce_max3A_1124 = arith.constant dense<0xFF800000> : vector<4xf32>
      %reduce_max3A_1125 = vector.multi_reduction <maximumf>, %dot_general3A_1123, %reduce_max3A_1124 [1] : vector<4x4xf32> to vector<4xf32>
      %max3A_1126 = arith.constant 0xFF800000 : f32
      %max3A_1127 = vector.broadcast %max3A_1126 : f32 to vector<4xf32>
      %max3A_1128 = arith.maximumf %max3A_1127, %reduce_max3A_1125 : vector<4xf32>
      %broadcast_in_dim3A_1129 = vector.shape_cast %max3A_1128 : vector<4xf32> to vector<4x1xf32>
      %sub3A_1130 = vector.broadcast %broadcast_in_dim3A_1129 : vector<4x1xf32> to vector<4x4xf32>
      %sub3A_1131 = arith.subf %dot_general3A_1123, %sub3A_1130 : vector<4x4xf32>
      %exp3A_1132 = math.exp %sub3A_1131 : vector<4x4xf32>
      %reduce_sum3A_1133 = arith.constant dense<0.000000e+00> : vector<4xf32>
      %reduce_sum3A_1134 = vector.multi_reduction <add>, %exp3A_1132, %reduce_sum3A_1133 [1] : vector<4x4xf32> to vector<4xf32>
      %broadcast_in_dim3A_1135 = vector.shape_cast %reduce_sum3A_1134 : vector<4xf32> to vector<4x1xf32>
      %div3A_1136 = vector.broadcast %broadcast_in_dim3A_1135 : vector<4x1xf32> to vector<4x4xf32>
      %div3A_1137 = arith.divf %exp3A_1132, %div3A_1136 : vector<4x4xf32>
      %dot_general3A_1138 = arith.constant dense<0.000000e+00> : vector<4x768xf32>
      %dot_general3A_1139 = tpu.matmul %div3A_1137, %get3A_1117, %dot_general3A_1138 {dimension_numbers = #tpu.dot_dimension_numbers<[1], [0], [0], [1], [0, 0, 1, 1], [], []>, precision = #tpu.contract_precision<fp32>, transpose_lhs_hint = false} : vector<4x4xf32>, vector<4x768xf32>, vector<4x768xf32> -> vector<4x768xf32>
      %swap3A_1140 = arith.constant 3 : index
      %swap3A_1141 = arith.constant 0 : index
      %swap3A_1142 = arith.constant 0 : index
      %swap3A_1143 = vector.load %arg6[%swap3A_1140, %swap3A_1141, %swap3A_1142] : memref<4x8x768xf32, #tpu.memory_space<vmem>>, vector<1x4x768xf32>
      %swap3A_1144 = vector.shape_cast %swap3A_1143 : vector<1x4x768xf32> to vector<4x768xf32>
      %swap3A_1145 = vector.shape_cast %dot_general3A_1139 : vector<4x768xf32> to vector<1x4x768xf32>
      tpu.vector_store %arg6[%swap3A_1140, %swap3A_1141, %swap3A_1142], %swap3A_1145 {strides = array<i32>} : memref<4x8x768xf32, #tpu.memory_space<vmem>>, vector<1x4x768xf32>,
      %dot_general3A_1146 = arith.constant dense<0.000000e+00> : vector<4x768xf32>
      %dot_general3A_1147 = tpu.matmul %div3A_1137, %get3A_1112, %dot_general3A_1146 {dimension_numbers = #tpu.dot_dimension_numbers<[0], [0], [1], [1], [0, 1, 1, 1], [], []>, precision = #tpu.contract_precision<fp32>, transpose_lhs_hint = false} : vector<4x4xf32>, vector<4x768xf32>, vector<4x768xf32> -> vector<4x768xf32>
      %swap3A_1148 = arith.constant 3 : index
      %swap3A_1149 = arith.constant 0 : index
      %swap3A_1150 = arith.constant 0 : index
      %swap3A_1151 = vector.load %arg7[%swap3A_1148, %swap3A_1149, %swap3A_1150] : memref<4x8x768xf32, #tpu.memory_space<vmem>>, vector<1x4x768xf32>
      %swap3A_1152 = vector.shape_cast %swap3A_1151 : vector<1x4x768xf32> to vector<4x768xf32>
      %swap3A_1153 = vector.shape_cast %dot_general3A_1147 : vector<4x768xf32> to vector<1x4x768xf32>
      tpu.vector_store %arg7[%swap3A_1148, %swap3A_1149, %swap3A_1150], %swap3A_1153 {strides = array<i32>} : memref<4x8x768xf32, #tpu.memory_space<vmem>>, vector<1x4x768xf32>,
    } else {
    }
    return
  }
  func.func @transform_0(%arg0: i32) -> (i32, i32, i32) {
    %c0_i32 = arith.constant 0 : i32
    %c0_i32_0 = arith.constant 0 : i32
    %c0_i32_1 = arith.constant 0 : i32
    return %c0_i32, %arg0, %c0_i32_0 : i32, i32, i32
  }
  func.func @transform_3(%arg0: i32) -> (i32, i32) {
    %c0_i32 = arith.constant 0 : i32
    %c0_i32_0 = arith.constant 0 : i32
    %c0_i32_1 = arith.constant 0 : i32
    return %c0_i32, %c0_i32_0 : i32, i32
  }
  func.func @transform_4(%arg0: i32) -> (i32, i32) {
    %c0_i32 = arith.constant 0 : i32
    %c0_i32_0 = arith.constant 0 : i32
    %c0_i32_1 = arith.constant 0 : i32
    return %c0_i32, %c0_i32_0 : i32, i32
  }
  func.func @transform_5(%arg0: i32) -> (i32, i32, i32) {
    %c0_i32 = arith.constant 0 : i32
    %c0_i32_0 = arith.constant 0 : i32
    %c0_i32_1 = arith.constant 0 : i32
    %c0_i32_2 = arith.constant 0 : i32
    return %c0_i32, %c0_i32_0, %c0_i32_1 : i32, i32, i32
  }
  func.func @transform_6(%arg0: i32) -> (i32, i32, i32) {
    %c0_i32 = arith.constant 0 : i32
    %c0_i32_0 = arith.constant 0 : i32
    %c0_i32_1 = arith.constant 0 : i32
    %c0_i32_2 = arith.constant 0 : i32
    return %c0_i32, %c0_i32_0, %c0_i32_1 : i32, i32, i32
  }
}

</mosaic_0001>

<sc_bundles>
// kernel: kernel.5.cloned.1.call-start
scs
__scs_entry_jumppad:
0x0: {  	(pc) =	sbr.rel $0x88, $3  }
0x1: {  	(tag) =	ssettag $0x0;
	lr =	simm.s32 $0x1  }
0x2: {  	[smem:$0x3F9D] =	sst lr;
	_ =	strace $0xD0000000  }
0x3: {  	_ = 	snop  }
0x4: {  	_ = 	snop  }
0x5: {  	_ = 	snop  }
0x6: {  	_ = 	snop  }
0x7: {  	_ = 	snop  }
__scs_overlays_trampoline_lowered:
0x8: {  	[smem:$0x3FAC] =	sst s0  }
0x9: {  	[smem:$0x3FAD] =	sst s1  }
0xa: {  	[smem:$0x3FAE] =	sst s2  }
0xb: {  	[smem:$0x3FAF] =	sst s3  }
0xc: {  	[smem:$0x3FB0] =	sst s4  }
0xd: {  	[smem:$0x3FB1] =	sst s5  }
0xe: {  	[smem:$0x3FB2] =	sst s6  }
0xf: {  	[smem:$0x3FB3] =	sst s7  }
0x10: {  	[smem:$0x3FB4] =	sst s8  }
0x11: {  	[smem:$0x3FB5] =	sst s9;
	s0 =	simm.s32 @!p0 $0x0  }
0x12: {  	s1 =	sld [smem:$0x3F9B];
	s0 =	simm.s32 @p0 $0x1  }
0x13: {  	[smem:$0x3FB6] =	sst s0;
	s0 =	simm.s32 @!p1 $0x0  }
0x14: {  	s2 =	sld [smem:$0x3F9A];
	s0 =	simm.s32 @p1 $0x1  }
0x15: {  	[smem:$0x3FB7] =	sst s0;
	s0 =	simm.s32 @!p2 $0x0  }
0x16: {  	s3 =	sld [smem:$0x3FDB];
	s0 =	simm.s32 @p2 $0x1  }
0x17: {  	s4 =	simm.s32 $0x1BF5;
	[smem:$0x3FB9] =	sst s0  }
0x18: {  	s0 =	sld [smem:$0x3F9C];
	_ =	swait.ge [sflag:s4], $0x0  }
0x19: {  	s7 =	sld [smem:$0x3F9D]  }
0x1a: {  	s8 =	sadd.s32 $0xFFFFE003, lr  }
0x1b: {  	s9 =	sadd.s32 $0xFFFFFEF7, lr;
	s5 =	simm.s32 $0xFFFFFFFF;
	p2 =	slt.u32 s8, $0xFFFFF086  }
0x1c: {  	p1 =	slt.u32 s9, $0xF7A;
	s5 =	simm.s32 @!p2 $0x0  }
0x1d: {  	s5 =	simm.s32 @p1 $0x1;
	p0 =	seq.s32 s7, s2  }
0x1e: {  	s7 =	smul.u32 @!p0 $0xF7A, s2;
	p2 =	seq.s32 @!p0 s5, $0x0  }
0x1f: {  	s9 =	smul.u32 $0xF7A, s1;
	s8 =	simm.s32 @!p0 $0x1BF5;
	p2 =	por !p2, p0  }
0x20: {  	[sflag:s8] =	ssyncset.s32 @!p0 $0xFFFFF086;
	s6 =	sadd.s32 @!p0 s3, s7;
	s7 =	simm.s32 @!p0 $0x108  }
0x21: {  	s3 =	sadd.s32 s3, s9;
	s6 =	sadd.s32 @!p0 $0x88, s6;
	s7 =	simm.s32 @p2 $0x1082  }
0x22: {  	[simem:s7], [sflag:s8] =	dma.local @!p0 [hbm:s6], $0xF7A  }
0x23: {  	s9 =	sor.u32 $0xD0000000, s2;
	s6 =	simm.s32 $0x108;
	_ =	swait.ge @!p0 [sflag:s8], $0x0  }
0x24: {  	s3 =	sadd.s32 $0x88, s3;
	s6 =	simm.s32 @!p1 $0x1082;
	[sflag:s4] =	ssyncset.s32 $0xFFFFF086  }
0x25: {  	[simem:s6], [sflag:s4] =	dma.local [hbm:s3], $0xF7A  }
0x26: {  	[smem:$0x3F9D] =	sst s1;
	(tag) =	ssettag s2;
	_ =	strace s9  }
0x27: {  	s1 =	sld [smem:$0x3FAD]  }
0x28: {  	s2 =	sld [smem:$0x3FAE]  }
0x29: {  	s4 =	sld [smem:$0x3FB0]  }
0x2a: {  	p0 =	seq.s32 s5, $0x0;
	s5 =	sld [smem:$0x3FB1]  }
0x2b: {  	s6 =	sld [smem:$0x3FB2]  }
0x2c: {  	s7 =	sld [smem:$0x3FB3]  }
0x2d: {  	s3 =	simm.s32 $0x108;
	s8 =	sld [smem:$0x3FB4]  }
0x2e: {  	s3 =	simm.s32 @!p0 $0x1082;
	s9 =	sld [smem:$0x3FB5]  }
0x2f: {  	lr =	sadd.s32 s0, s3;
	s0 =	sld [smem:$0x3FAC]  }
0x30: {  	s3 =	sld [smem:$0x3FAF]  }
0x31: {  	[smem:$0x3FB8] =	sst s10  }
0x32: {  	s10 =	sld [smem:$0x3FB6];
	_ =	sdelay $0x3  }
0x33: {  	p0 =	seq.s32 s10, $0x1;
	s10 =	sld [smem:$0x3FB8];
	_ =	sdelay $0x3  }
0x34: {  	[smem:$0x3FB8] =	sst s10  }
0x35: {  	s10 =	sld [smem:$0x3FB7];
	_ =	sdelay $0x3  }
0x36: {  	p1 =	seq.s32 s10, $0x1;
	s10 =	sld [smem:$0x3FB8];
	_ =	sdelay $0x3  }
0x37: {  	[smem:$0x3FB8] =	sst s10  }
0x38: {  	s10 =	sld [smem:$0x3FB9]  }
0x39: {  	_ = 	snop;
	(pc) =	sbr.ind lr, $3  }
0x3a: {  	_ = 	snop  }
0x3b: {  	_ = 	snop  }
0x3c: {  	p2 =	seq.s32 s10, $0x1;
	s10 =	sld [smem:$0x3FB8]  }
0x3d: {  	_ =	shalt  }
0x3e: {  	_ =	shalt  }
0x3f: {  	_ =	shalt  }
0x40: {  	_ =	shalt  }
0x41: {  	_ =	shalt  }
0x42: {  	_ =	shalt  }
0x43: {  	_ =	shalt  }
0x44: {  	_ =	shalt  }
0x45: {  	_ =	shalt  }
0x46: {  	_ =	shalt  }
0x47: {  	_ =	shalt  }
0x48: {  	_ =	shalt  }
0x49: {  	_ =	shalt  }
0x4a: {  	_ =	shalt  }
0x4b: {  	_ =	shalt  }
0x4c: {  	_ =	shalt  }
0x4d: {  	_ =	shalt  }
0x4e: {  	_ =	shalt  }
0x4f: {  	_ =	shalt  }
0x50: {  	_ =	shalt  }
0x51: {  	_ =	shalt  }
0x52: {  	_ =	shalt  }
0x53: {  	_ =	shalt  }
0x54: {  	_ =	shalt  }
0x55: {  	_ =	shalt  }
0x56: {  	_ =	shalt  }
0x57: {  	_ =	shalt  }
0x58: {  	_ =	shalt  }
0x59: {  	_ =	shalt  }
0x5a: {  	_ =	shalt  }
0x5b: {  	_ =	shalt  }
0x5c: {  	_ =	shalt  }
0x5d: {  	_ =	shalt  }
0x5e: {  	_ =	shalt  }
0x5f: {  	_ =	shalt  }
0x60: {  	_ =	shalt  }
0x61: {  	_ =	shalt  }
0x62: {  	_ =	shalt  }
0x63: {  	_ =	shalt  }
0x64: {  	_ =	shalt  }
0x65: {  	_ =	shalt  }
0x66: {  	_ =	shalt  }
0x67: {  	_ =	shalt  }
0x68: {  	_ =	shalt  }
0x69: {  	_ =	shalt  }
0x6a: {  	_ =	shalt  }
0x6b: {  	_ =	shalt  }
0x6c: {  	_ =	shalt  }
0x6d: {  	_ =	shalt  }
0x6e: {  	_ =	shalt  }
0x6f: {  	_ =	shalt  }
0x70: {  	_ =	shalt  }
0x71: {  	_ =	shalt  }
0x72: {  	_ =	shalt  }
0x73: {  	_ =	shalt  }
0x74: {  	_ =	shalt  }
0x75: {  	_ =	shalt  }
0x76: {  	_ =	shalt  }
0x77: {  	_ =	shalt  }
0x78: {  	_ =	shalt  }
0x79: {  	_ =	shalt  }
0x7a: {  	_ =	shalt  }
0x7b: {  	_ =	shalt  }
0x7c: {  	_ =	shalt  }
0x7d: {  	_ =	shalt  }
0x7e: {  	_ =	shalt  }
0x7f: {  	_ =	shalt  }
0x80: {  	_ =	shalt  }
0x81: {  	_ =	shalt  }
0x82: {  	_ =	shalt  }
0x83: {  	_ =	shalt  }
0x84: {  	_ =	shalt  }
0x85: {  	_ =	shalt  }
0x86: {  	_ =	shalt  }
0x87: {  	_ =	shalt  }
.Lfunc_end0:
.L_simem_size_0:
called_computation_lowered:
.L_overlay_start_0:
0x88: {  	s2 =	sld [smem:$0x3FD9]  }
0x89: {  	s3 =	sld [smem:$0x3FFE];
	_ =	sdelay $0x1  }
0x8a: {  	s1 =	srdreg.scid  }
0x8b: {  	s0 =	sand.u32 $0x1, s1  }
0x8c: {  	s15 =	sshll.u32 s0, $0xA;
	s2 =	sadd.s32 s3, s2  }
0x8d: {  	s2 =	sadd.s32 s2, s15  }
0x8e: {  	[smem:$0x3FC4] =	sst s2  }
0x8f: {  	_ = 	snop  }
0x90: {  	s2 =	sld [smem:$0x3FD0];
	_ =	sdelay $0x2  }
0x91: {  	s16 =	simm.s32 $0xA;
	s4 =	simm.s32 $0x10  }
0x92: {  	[smem:s4], [sflag:s16] =	dma.local [hbm:s2], $0x1  }
0x93: {  	_ =	swait.eq [sflag:s16], $0x1  }
0x94: {  	[sflag:s16] =	ssyncset.done $0x0  }
0x95: {  	[sflag:s16] =	ssyncadd.s32 $0xFFFFFFFF  }
0x96: {  	s17 =	sld [smem:$0x11];
	(tm) =	ssettm $0x1  }
0x97: {  	s18 =	sld [smem:$0x3FFB];
	_ =	sdelay $0x3  }
0x98: {  	_ =	strace s18  }
0x99: {  	s3 =	sld [smem:$0x3FFC];
	_ =	sdelay $0x3  }
0x9a: {  	_ =	strace s3  }
0x9b: {  	s3 =	sld [smem:$0x3FFD];
	_ =	sdelay $0x3  }
0x9c: {  	_ =	strace s3  }
0x9d: {  	_ =	strace $0x8FFFFFFF  }
0x9e: {  	s19 =	sld [smem:$0x3FDB];
	_ =	sdelay $0x1  }
0x9f: {  	s20 =	simm.s32 $_scs_section_size  }
0xa0: {  	s5 =	simm.s32 $_size__tile_overlayer_lowered;
	s6 =	simm.s32 $_tile_overlayer_lowered  }
0xa1: {  	s23 =	simm.s32 $0x1BFF;
	s22 =	sshll.u32 s6, $0x1;
	s3 =	sadd.s32 s20, s19  }
0xa2: {  	s7 =	simm.s32 $0x0;
	s21 =	sshll.u32 s5, $0x1;
	s5 =	sadd.s32 s22, s3  }
0xa3: {  	[timem:s7], [sflag:s23] =	dma.local [hbm:s5], s21  }
0xa4: {  	_ =	swait.ge [sflag:s23], s21  }
0xa5: {  	s4 =	ssub.s32 $0x0, s21;
	[sflag:s23] =	ssyncset.done $0x0  }
0xa6: {  	[sflag:s23] =	ssyncadd.s32 s4;
	_ =	sdelay $0x1  }
0xa7: {  	s24 =	simm.s32 $0x1B8B  }
0xa8: {  	_ =	swait.ge [sflag:s24], $0x1  }
0xa9: {  	[sflag:s24] =	ssyncset.done $0x0  }
0xaa: {  	s25 =	simm.s32 $0x1B8E;
	[sflag:s24] =	ssyncadd.s32 $0xFFFFFFFF  }
0xab: {  	s26 =	simm.s32 $execute0_lowered;
	[smem:$0x3FD2] =	sst s25  }
0xac: {  	s4 =	sshll.u32 s26, $0x1;
	_ =	strace $0x80000046;
	[dreg:$0x1] =	wrdreg $0xFFFFFFFF  }
0xad: {  	s28 =	simm.s32 $_size_execute0_lowered;
	s3 =	sadd.s32 s3, s4;
	[dreg:$0x0] =	wrdreg $0x0  }
0xae: {  	s4 =	sshll.u32 s28, $0x1;
	[dreg:$0x2] =	wrdreg s3  }
0xaf: {  	[dreg:$0x3] =	wrdreg s4  }
0xb0: {  	[dreg:$0x4] =	wrdreg $0xC0  }
0xb1: {  	_ =	task [dreg:s7], $0x5FFFF  }
0xb2: {  	[dreg:$0x1] =	wrdreg $0xFFFFFFFF  }
0xb3: {  	[dreg:$0x0] =	wrdreg $0x60  }
0xb4: {  	[dreg:$0x2] =	wrdreg s17  }
0xb5: {  	[dreg:$0x3] =	wrdreg $0x9  }
0xb6: {  	_ =	task.clear_ibuf [dreg:s7], $0x4FFFF;
	_ =	strace $0x90000046  }
0xb7: {  	s29 =	simm.s32 $0x9;
	_ =	strace $0x80000048  }
0xb8: {  	_ =	swait.ge [sflag:s29], $0x1  }
0xb9: {  	[sflag:s29] =	ssyncadd.s32 $0xFFFFFFFF  }
0xba: {  	_ =	strace $0x90000048  }
0xbb: {  	_ =	sfence  }
0xbc: {  	s30 =	sld [smem:$0x0];
	_ =	sdelay $0x2  }
0xbd: {  	s31 =	sshll.u32 s1, $0xD;
	s1 =	sshrl.u32 s1, $0x2  }
0xbe: {  	s3 =	sand.u32 $0x4000, s31;
	s1 =	sadd.s32 s1, s30  }
0xbf: {  	s0 =	sor.u32 s3, s0;
	s1 =	sshll.u32 s1, $0x11  }
0xc0: {  	s0 =	sor.u32 s1, s0  }
0xc1: {  	s0 =	sadd.s32 $0x8F2B, s0  }
0xc2: {  	[sflag:s0] =	ssyncadd.remote.s32 $0x1  }
0xc3: {  	_ =	sfence.sel $0xFFFF  }
0xc4: {  	[dreg:$0x0] =	wrdreg $0xFFFFFFFF;
	(pc) =	sbr.abs _section_cstart, $3  }
0xc5: {  	[dreg:$0x1] =	wrdreg $0xFFFFFFFF  }
0xc6: {  	_ =	task.clear_ibuf [dreg:s7], $0x2FFFF;
	_ =	strace $0x9FFFFFFF  }
0xc7: {  	(tm) =	ssettm $0x7FFFFFFF  }
tec
execute0_lowered:
.L_overlay_start_1:
0x0: {  	(tag) =	ssettag $0x1  }
0x1: {  	s1 =	srdreg.scid;
	s0 =	stileid.u32  }
0x2: {  	s1 =	sand.u32 $0x1, s1;
	s2 =	sshll.u32 s0, $0x1  }
0x3: {  	s4 =	sor.u32 s1, s2  }
0x4: {  	s3 =	smul.u32 $0x100040, s4  }
0x5: {  	s5 =	sshrl.u32 s0, $0x2;
	s2 =	smul.u32 $0x140, s4  }
0x6: {  	s5 =	smul.u32 $0x60000, s5;
	s3 =	sshrl.u32 s3, $0x17  }
0x7: {  	s1 =	ssub.s32 $0x2, s1;
	s6 =	sor.u32 $0x10, s2;
	s3 =	smul.u32 $0xA00, s3  }
0x8: {  	s22 =	sshrl.u32 s1, $0x1;
	s9 =	sor.u32 $0x20, s2;
	s7 =	smul.u32 $0xCCD, s6  }
0x9: {  	s1 =	ssub.s32 s1, s22;
	s13 =	sor.u32 $0x30, s2;
	s10 =	smul.u32 $0xCCD, s9  }
0xa: {  	s1 =	smax.u32 s1, $0x1;
	s23 =	smul.u32 $0xCCD, s13  }
0xb: {  	s3 =	ssub.s32 s2, s3;
	s7 =	sshrl.u32 s7, $0x17;
	s21 =	sshrl.u32 s10, $0x17  }
0xc: {  	s26 =	sshrl.u32 s23, $0x17;
	s3 =	sand.u32 $0xFFC0, s3;
	s7 =	smul.u32 $0xA00, s7  }
0xd: {  	s12 =	smul.u32 $0xA00, s21;
	s8 =	sshrl.u32 s3, $0x3;
	s3 =	rddreg [dreg:$0x0]  }
0xe: {  	s11 =	smul.u32 $0x300, s8;
	s6 =	ssub.s32 s6, s7;
	s24 =	sadd.s32 s3, s5  }
0xf: {  	s8 =	smul.u32 $0x8000C0, s4;
	s28 =	ssub.s32 s9, s12;
	s25 =	sand.u32 $0xFFD0, s6  }
0x10: {  	s6 =	smul.u32 $0xA00, s26;
	s7 =	sand.u32 $0xFFE0, s28;
	s4 =	sadd.s32 s24, s11  }
0x11: {  	s5 =	sshrl.u32 s25, $0x3;
	s29 =	sadd.s32 $0x1999C0, s8;
	s31 =	sadd.s32 $0x200030, s8  }
0x12: {  	s15 =	sadd.s32 $0x2666A0, s8;
	s5 =	smul.u32 $0x300, s5;
	s9 =	sshrl.u32 s29, $0x1A  }
0x13: {  	s7 =	sshrl.u32 s7, $0x3;
	s18 =	sadd.s32 $0x2CCD10, s8;
	s30 =	smul.u32 $0xA00, s9  }
0x14: {  	s21 =	sadd.s32 $0x333380, s8;
	s7 =	smul.u32 $0x300, s7;
	s12 =	sshrl.u32 s31, $0x1A  }
0x15: {  	s6 =	ssub.s32 s13, s6;
	s14 =	smul.u32 $0xA00, s12;
	s11 =	ssub.s32 s2, s30  }
0x16: {  	s6 =	sand.u32 $0xFFF0, s6;
	s9 =	smul.u32 $0x60000, s9;
	s11 =	sadd.s32 $0x40, s11  }
0x17: {  	s12 =	smul.u32 $0x60000, s12;
	s6 =	sshrl.u32 s6, $0x3;
	s11 =	sand.u32 $0xFFC0, s11  }
0x18: {  	s0 =	smul.u32 $0x300, s6;
	s14 =	ssub.s32 s2, s14;
	s13 =	sshrl.u32 s11, $0x3  }
0x19: {  	s11 =	sadd.s32 $0x50, s14;
	s14 =	sshrl.u32 s18, $0x1A;
	s10 =	smul.u32 $0x300, s13  }
0x1a: {  	s5 =	sadd.s32 s24, s5;
	s13 =	sshrl.u32 s15, $0x1A;
	s15 =	smul.u32 $0xA00, s14  }
0x1b: {  	s6 =	sadd.s32 s24, s7;
	s9 =	sadd.s32 s3, s9;
	s22 =	smul.u32 $0x60000, s14  }
0x1c: {  	s12 =	sadd.s32 s3, s12;
	s16 =	sand.u32 $0xFFD0, s11;
	s17 =	smul.u32 $0xA00, s13  }
0x1d: {  	s19 =	smul.u32 $0x60000, s13;
	s9 =	sadd.s32 s9, s10;
	s10 =	sshrl.u32 s16, $0x3  }
0x1e: {  	s20 =	ssub.s32 s2, s15;
	s15 =	sshrl.u32 s21, $0x1A;
	s10 =	smul.u32 $0x300, s10  }
0x1f: {  	s11 =	ssub.s32 s2, s17;
	s16 =	smul.u32 $0xA00, s15;
	s17 =	sadd.s32 $0x400060, s8  }
0x20: {  	s30 =	sadd.s32 $0x4666D0, s8;
	s15 =	smul.u32 $0x60000, s15;
	s17 =	sshrl.u32 s17, $0x1A  }
0x21: {  	s13 =	sadd.s32 $0x70, s20;
	s20 =	sadd.s32 $0x4CCD40, s8;
	s18 =	smul.u32 $0xA00, s17  }
0x22: {  	s7 =	sadd.s32 s24, s0;
	s20 =	sshrl.u32 s20, $0x1A;
	s17 =	smul.u32 $0x60000, s17  }
0x23: {  	s24 =	sadd.s32 $0x3999F0, s8;
	s13 =	sand.u32 $0xFFF0, s13;
	s21 =	smul.u32 $0xA00, s20  }
0x24: {  	s11 =	sadd.s32 $0x60, s11;
	s13 =	sshrl.u32 s13, $0x3;
	s20 =	smul.u32 $0x60000, s20  }
0x25: {  	s23 =	ssub.s32 s2, s16;
	s16 =	sshrl.u32 s24, $0x1A;
	s13 =	smul.u32 $0x300, s13  }
0x26: {  	s10 =	sadd.s32 s12, s10;
	s11 =	sand.u32 $0xFFE0, s11;
	s26 =	smul.u32 $0xA00, s16  }
0x27: {  	s12 =	sadd.s32 s3, s19;
	s11 =	sshrl.u32 s11, $0x3;
	s28 =	smul.u32 $0x60000, s16  }
0x28: {  	s15 =	sadd.s32 s3, s15;
	s14 =	sadd.s32 $0x80, s23;
	s11 =	smul.u32 $0x300, s11  }
0x29: {  	s25 =	sand.u32 $0xFFC0, s14;
	s29 =	ssub.s32 s2, s18;
	s18 =	sshrl.u32 s30, $0x1A  }
0x2a: {  	s17 =	sadd.s32 s3, s17;
	s21 =	ssub.s32 s2, s21;
	s19 =	smul.u32 $0xA00, s18  }
0x2b: {  	s14 =	ssub.s32 s2, s26;
	s16 =	sadd.s32 $0xA0, s29;
	s0 =	smul.u32 $0x60000, s18  }
0x2c: {  	s18 =	sadd.s32 $0xC0, s21;
	s11 =	sadd.s32 s12, s11;
	s12 =	sadd.s32 s3, s22  }
0x2d: {  	s14 =	sadd.s32 $0x90, s14;
	s16 =	sand.u32 $0xFFE0, s16;
	s22 =	sadd.s32 $0x5333B0, s8  }
0x2e: {  	s18 =	sand.u32 $0xFFC0, s18;
	s12 =	sadd.s32 s12, s13;
	s13 =	sshrl.u32 s25, $0x3  }
0x2f: {  	s14 =	sand.u32 $0xFFD0, s14;
	s16 =	sshrl.u32 s16, $0x3;
	s13 =	smul.u32 $0x300, s13  }
0x30: {  	s19 =	ssub.s32 s2, s19;
	s18 =	sshrl.u32 s18, $0x3;
	s16 =	smul.u32 $0x300, s16  }
0x31: {  	s25 =	sadd.s32 $0x599A20, s8;
	s14 =	sshrl.u32 s14, $0x3;
	s24 =	smul.u32 $0x300, s18  }
0x32: {  	s19 =	sadd.s32 $0xB0, s19;
	s18 =	sshrl.u32 s25, $0x1A;
	s14 =	smul.u32 $0x300, s14  }
0x33: {  	s31 =	sand.u32 $0xFFF0, s19;
	s19 =	sshrl.u32 s22, $0x1A;
	s22 =	smul.u32 $0xA00, s18  }
0x34: {  	s20 =	sadd.s32 s3, s20;
	s29 =	sadd.s32 $0x600090, s8;
	s18 =	smul.u32 $0x60000, s18  }
0x35: {  	s13 =	sadd.s32 s15, s13;
	s15 =	sadd.s32 s3, s28;
	s23 =	smul.u32 $0xA00, s19  }
0x36: {  	s19 =	smul.u32 $0x60000, s19;
	s15 =	sadd.s32 s15, s14;
	s14 =	sadd.s32 s17, s16  }
0x37: {  	s16 =	sshrl.u32 s31, $0x3;
	s17 =	sadd.s32 s3, s0;
	s28 =	ssub.s32 s2, s22  }
0x38: {  	s22 =	sshrl.u32 s29, $0x1A;
	s18 =	sadd.s32 s3, s18;
	s16 =	smul.u32 $0x300, s16  }
0x39: {  	s21 =	ssub.s32 s2, s23;
	s19 =	sadd.s32 s3, s19;
	s23 =	smul.u32 $0xA00, s22  }
0x3a: {  	s22 =	smul.u32 $0x60000, s22;
	s14 =	sadd.s32 $0x24000, s14;
	s21 =	sadd.s32 $0xD0, s21  }
0x3b: {  	s16 =	sadd.s32 s17, s16;
	s17 =	sadd.s32 s20, s24;
	s26 =	sand.u32 $0xFFD0, s21  }
0x3c: {  	s21 =	sadd.s32 $0xE0, s28;
	s24 =	sadd.s32 $0x666700, s8;
	s20 =	sshrl.u32 s26, $0x3  }
0x3d: {  	s23 =	ssub.s32 s2, s23;
	s24 =	sshrl.u32 s24, $0x1A;
	s20 =	smul.u32 $0x300, s20  }
0x3e: {  	s22 =	sadd.s32 s3, s22;
	s21 =	sand.u32 $0xFFE0, s21;
	s25 =	smul.u32 $0xA00, s24  }
0x3f: {  	s26 =	sadd.s32 $0x6CCD70, s8;
	s21 =	sshrl.u32 s21, $0x3;
	s24 =	smul.u32 $0x60000, s24  }
0x40: {  	s23 =	sadd.s32 $0xF0, s23;
	s26 =	sshrl.u32 s26, $0x1A;
	s21 =	smul.u32 $0x300, s21  }
0x41: {  	s8 =	sadd.s32 $0x7333E0, s8;
	s23 =	sand.u32 $0xFFF0, s23;
	s28 =	smul.u32 $0xA00, s26  }
0x42: {  	s8 =	sshrl.u32 s8, $0x1A;
	s23 =	sshrl.u32 s23, $0x3;
	s26 =	smul.u32 $0x60000, s26  }
0x43: {  	s25 =	ssub.s32 s2, s25;
	s23 =	smul.u32 $0x300, s23;
	s19 =	sadd.s32 s19, s20  }
0x44: {  	s31 =	sadd.s32 s3, s24;
	s25 =	sadd.s32 $0x100, s25;
	s28 =	ssub.s32 s2, s28  }
0x45: {  	s18 =	sadd.s32 s18, s21;
	s26 =	sadd.s32 s3, s26;
	s25 =	sand.u32 $0xFFC0, s25  }
0x46: {  	s28 =	sadd.s32 $0x110, s28;
	s21 =	sadd.s32 s22, s23;
	s22 =	smul.u32 $0x60000, s8  }
0x47: {  	s8 =	smul.u32 $0xA00, s8;
	s18 =	sadd.s32 $0x24000, s18;
	s25 =	sshrl.u32 s25, $0x3  }
0x48: {  	s30 =	sand.u32 $0xFFD0, s28;
	s28 =	sadd.s32 $0x130, s2;
	s20 =	smul.u32 $0x300, s25  }
0x49: {  	s25 =	sshrl.u32 s30, $0x3;
	s29 =	smul.u32 $0x6667, s28;
	s30 =	ssub.s32 s2, s8  }
0x4a: {  	s22 =	sadd.s32 s3, s22;
	s2 =	rddreg [dreg:$0x1];
	s8 =	simm.s32 $0x0  }
0x4b: {  	s25 =	smul.u32 $0x300, s25;
	[smem:$0x7FF] =	sst s8;
	s0 =	sshrl.u32 s29, $0x1A  }
0x4c: {  	s20 =	sadd.s32 s31, s20;
	_ =	strace $0x80000047;
	s29 =	smul.u32 $0x60000, s0  }
0x4d: {  	s23 =	sadd.s32 s26, s25;
	s24 =	smul.u32 $0xA00, s0;
	s25 =	sadd.s32 $0x120, s30  }
0x4e: {  	s20 =	sadd.s32 $0x24000, s20;
	s25 =	sand.u32 $0xFFE0, s25;
	s26 =	sadd.s32 s3, s29  }
0x4f: {  	s24 =	ssub.s32 s28, s24;
	s3 =	sadd.s32 $0x24000, s4;
	s4 =	sadd.s32 $0x24000, s5  }
0x50: {  	s5 =	sadd.s32 $0x24000, s6;
	s6 =	sadd.s32 $0x24000, s7;
	s7 =	sadd.s32 $0x24000, s9  }
0x51: {  	s9 =	sadd.s32 $0x24000, s10;
	s10 =	sadd.s32 $0x24000, s11;
	s11 =	sadd.s32 $0x24000, s12  }
0x52: {  	s12 =	sadd.s32 $0x24000, s13;
	s31 =	sshrl.u32 s25, $0x3;
	s24 =	sand.u32 $0xFFF0, s24  }
0x53: {  	s13 =	sadd.s32 $0x24000, s15;
	s25 =	smul.u32 $0x300, s31;
	s24 =	sshrl.u32 s24, $0x3  }
0x54: {  	s15 =	sadd.s32 $0x24000, s16;
	s16 =	sadd.s32 $0x24000, s17;
	s24 =	smul.u32 $0x300, s24  }
0x55: {  	s17 =	sadd.s32 $0x24000, s19;
	s19 =	sadd.s32 $0x24000, s21;
	s21 =	sadd.s32 $0x24000, s23  }
0x56: {  	s22 =	sadd.s32 s22, s25;
	s25 =	simm.s32 $0x0;
	s24 =	sadd.s32 s26, s24  }
0x57: {  	v0 =	vimm.f32 $0.0e+00;
	s22 =	sadd.s32 $0x24000, s22;
	s23 =	sadd.s32 $0x24000, s24;
	s24 =	simm.s32 $0x1  }
.LBB2_1:
0x58: {  	s26 =	simm.s32 $0x0  }
.LBB2_2:
0x59: {  	s28 =	sshrl.u32 s26, $0x3  }
0x5a: {  	s28 =	smul.u32 $0x6000, s28  }
0x5b: {  	s29 =	sshll.u32 s26, $0x7  }
0x5c: {  	s29 =	sand.u32 $0x380, s29;
	s30 =	sshra.s32 s28, $0x2;
	s28 =	simm.s32 $0x0  }
0x5d: {  	s29 =	sor.u32 s29, s30;
	s30 =	sand.u32 $0x1C00, s28  }
0x5e: {  	s31 =	sand.u32 $0x70, s28;
	s0 =	sadd.s32 s30, s29  }
0x5f: {  	s30 =	simm.s32 $0x10;
	s31 =	sadd.s32 s31, s0  }
.LBB2_3:
0x60: {  	p0 =	sne.s32 s30, $0x2F0  }
0x61: {  	[tilespmem:s31+$0x0] =	vst v0;
	s28 =	sadd.s32 $0x80, s28;
	s0 =	smov.u32 s30;
	s30 =	sadd.s32 $0x10, s30  }
.Ltmp0:
0x62: {  	(pc) =	sbr.rel @p0 .LBB2_3-.Ltmp0, $4  }
0x63: {  	_ = 	snop  }
0x64: {  	s31 =	sand.u32 $0x1C00, s28  }
0x65: {  	s0 =	sand.u32 $0x70, s0;
	s31 =	sadd.s32 s31, s29  }
0x66: {  	s31 =	sadd.s32 s0, s31  }
0x67: {  	s26 =	sadd.s32 $0x1, s26  }
0x68: {  	p0 =	sne.s32 s26, $0x10  }
.Ltmp1:
0x69: {  	_ = 	snop;
	(pc) =	sbr.rel @p0 .LBB2_2-.Ltmp1, $2  }
0x6a: {  	_ =	sdelay $0x2  }
0x6b: {  	[tilespmem:s31+$0x0] =	vst v0  }
0x6c: {  	[hbm4b:s3+s8] =	stream.linear.scatter [tilespmem:s8], [sflag:$0x1], $0x3000, $0x38;
	[tilespmem:$0x3000] =	vst v63  }
0x6d: {  	_ = 	snop  }
0x6e: {  	[hbm4b:s4+s8] =	stream.linear.scatter [tilespmem:s8], [sflag:$0x1], $0x3000, $0x38;
	[tilespmem:$0x3000] =	vst v63  }
0x6f: {  	_ = 	snop  }
0x70: {  	[hbm4b:s5+s8] =	stream.linear.scatter [tilespmem:s8], [sflag:$0x1], $0x3000, $0x38;
	[tilespmem:$0x3000] =	vst v63  }
0x71: {  	_ = 	snop  }
0x72: {  	[hbm4b:s6+s8] =	stream.linear.scatter [tilespmem:s8], [sflag:$0x1], $0x3000, $0x38;
	[tilespmem:$0x3000] =	vst v63  }
0x73: {  	_ = 	snop  }
0x74: {  	[hbm4b:s7+s8] =	stream.linear.scatter [tilespmem:s8], [sflag:$0x1], $0x3000, $0x38;
	[tilespmem:$0x3000] =	vst v63  }
0x75: {  	_ = 	snop  }
0x76: {  	[hbm4b:s9+s8] =	stream.linear.scatter [tilespmem:s8], [sflag:$0x1], $0x3000, $0x38;
	[tilespmem:$0x3000] =	vst v63  }
0x77: {  	_ = 	snop  }
0x78: {  	[hbm4b:s10+s8] =	stream.linear.scatter [tilespmem:s8], [sflag:$0x1], $0x3000, $0x38;
	[tilespmem:$0x3000] =	vst v63  }
0x79: {  	_ = 	snop  }
0x7a: {  	[hbm4b:s11+s8] =	stream.linear.scatter [tilespmem:s8], [sflag:$0x1], $0x3000, $0x38;
	[tilespmem:$0x3000] =	vst v63  }
0x7b: {  	_ = 	snop  }
0x7c: {  	[hbm4b:s12+s8] =	stream.linear.scatter [tilespmem:s8], [sflag:$0x1], $0x3000, $0x38;
	[tilespmem:$0x3000] =	vst v63  }
0x7d: {  	_ = 	snop  }
0x7e: {  	[hbm4b:s13+s8] =	stream.linear.scatter [tilespmem:s8], [sflag:$0x1], $0x3000, $0x38;
	[tilespmem:$0x3000] =	vst v63  }
0x7f: {  	_ = 	snop  }
0x80: {  	[hbm4b:s14+s8] =	stream.linear.scatter [tilespmem:s8], [sflag:$0x1], $0x3000, $0x38;
	[tilespmem:$0x3000] =	vst v63  }
0x81: {  	_ = 	snop  }
0x82: {  	[hbm4b:s15+s8] =	stream.linear.scatter [tilespmem:s8], [sflag:$0x1], $0x3000, $0x38;
	[tilespmem:$0x3000] =	vst v63  }
0x83: {  	_ = 	snop  }
0x84: {  	[hbm4b:s16+s8] =	stream.linear.scatter [tilespmem:s8], [sflag:$0x1], $0x3000, $0x38;
	[tilespmem:$0x3000] =	vst v63  }
0x85: {  	_ = 	snop  }
0x86: {  	[hbm4b:s17+s8] =	stream.linear.scatter [tilespmem:s8], [sflag:$0x1], $0x3000, $0x38;
	[tilespmem:$0x3000] =	vst v63  }
0x87: {  	_ = 	snop  }
0x88: {  	[hbm4b:s18+s8] =	stream.linear.scatter [tilespmem:s8], [sflag:$0x1], $0x3000, $0x38;
	[tilespmem:$0x3000] =	vst v63  }
0x89: {  	_ = 	snop  }
0x8a: {  	[hbm4b:s19+s8] =	stream.linear.scatter [tilespmem:s8], [sflag:$0x1], $0x3000, $0x38;
	[tilespmem:$0x3000] =	vst v63  }
0x8b: {  	_ = 	snop  }
0x8c: {  	[hbm4b:s20+s8] =	stream.linear.scatter [tilespmem:s8], [sflag:$0x1], $0x3000, $0x38;
	[tilespmem:$0x3000] =	vst v63  }
0x8d: {  	_ = 	snop  }
0x8e: {  	[hbm4b:s21+s8] =	stream.linear.scatter [tilespmem:s8], [sflag:$0x1], $0x3000, $0x38;
	[tilespmem:$0x3000] =	vst v63  }
0x8f: {  	_ = 	snop  }
0x90: {  	[hbm4b:s22+s8] =	stream.linear.scatter [tilespmem:s8], [sflag:$0x1], $0x3000, $0x38;
	[tilespmem:$0x3000] =	vst v63  }
0x91: {  	_ = 	snop  }
0x92: {  	[hbm4b:s23+s8] =	stream.linear.scatter [tilespmem:s8], [sflag:$0x1], $0x3000, $0x38;
	[tilespmem:$0x3000] =	vst v63  }
0x93: {  	_ =	swait.ge [sflag:s24], $0x3000  }
0x94: {  	[sflag:s24] =	ssyncset.done $0x0  }
0x95: {  	[sflag:s24] =	ssyncadd.s32 $0xFFFFD000  }
0x96: {  	_ =	swait.ge [sflag:s24], $0x3000  }
0x97: {  	[sflag:s24] =	ssyncset.done $0x0  }
0x98: {  	[sflag:s24] =	ssyncadd.s32 $0xFFFFD000  }
0x99: {  	_ =	swait.ge [sflag:s24], $0x3000  }
0x9a: {  	[sflag:s24] =	ssyncset.done $0x0  }
0x9b: {  	[sflag:s24] =	ssyncadd.s32 $0xFFFFD000  }
0x9c: {  	_ =	swait.ge [sflag:s24], $0x3000  }
0x9d: {  	[sflag:s24] =	ssyncset.done $0x0  }
0x9e: {  	[sflag:s24] =	ssyncadd.s32 $0xFFFFD000  }
0x9f: {  	_ =	swait.ge [sflag:s24], $0x3000  }
0xa0: {  	[sflag:s24] =	ssyncset.done $0x0  }
0xa1: {  	[sflag:s24] =	ssyncadd.s32 $0xFFFFD000  }
0xa2: {  	_ =	swait.ge [sflag:s24], $0x3000  }
0xa3: {  	[sflag:s24] =	ssyncset.done $0x0  }
0xa4: {  	[sflag:s24] =	ssyncadd.s32 $0xFFFFD000  }
0xa5: {  	_ =	swait.ge [sflag:s24], $0x3000  }
0xa6: {  	[sflag:s24] =	ssyncset.done $0x0  }
0xa7: {  	[sflag:s24] =	ssyncadd.s32 $0xFFFFD000  }
0xa8: {  	_ =	swait.ge [sflag:s24], $0x3000  }
0xa9: {  	[sflag:s24] =	ssyncset.done $0x0  }
0xaa: {  	[sflag:s24] =	ssyncadd.s32 $0xFFFFD000  }
0xab: {  	_ =	swait.ge [sflag:s24], $0x3000  }
0xac: {  	[sflag:s24] =	ssyncset.done $0x0  }
0xad: {  	[sflag:s24] =	ssyncadd.s32 $0xFFFFD000  }
0xae: {  	_ =	swait.ge [sflag:s24], $0x3000  }
0xaf: {  	[sflag:s24] =	ssyncset.done $0x0  }
0xb0: {  	[sflag:s24] =	ssyncadd.s32 $0xFFFFD000  }
0xb1: {  	_ =	swait.ge [sflag:s24], $0x3000  }
0xb2: {  	[sflag:s24] =	ssyncset.done $0x0  }
0xb3: {  	[sflag:s24] =	ssyncadd.s32 $0xFFFFD000  }
0xb4: {  	_ =	swait.ge [sflag:s24], $0x3000  }
0xb5: {  	[sflag:s24] =	ssyncset.done $0x0  }
0xb6: {  	[sflag:s24] =	ssyncadd.s32 $0xFFFFD000  }
0xb7: {  	_ =	swait.ge [sflag:s24], $0x3000  }
0xb8: {  	[sflag:s24] =	ssyncset.done $0x0  }
0xb9: {  	[sflag:s24] =	ssyncadd.s32 $0xFFFFD000  }
0xba: {  	_ =	swait.ge [sflag:s24], $0x3000  }
0xbb: {  	[sflag:s24] =	ssyncset.done $0x0  }
0xbc: {  	[sflag:s24] =	ssyncadd.s32 $0xFFFFD000  }
0xbd: {  	_ =	swait.ge [sflag:s24], $0x3000  }
0xbe: {  	[sflag:s24] =	ssyncset.done $0x0  }
0xbf: {  	[sflag:s24] =	ssyncadd.s32 $0xFFFFD000  }
0xc0: {  	_ =	swait.ge [sflag:s24], $0x3000  }
0xc1: {  	[sflag:s24] =	ssyncset.done $0x0  }
0xc2: {  	[sflag:s24] =	ssyncadd.s32 $0xFFFFD000  }
0xc3: {  	_ =	swait.ge [sflag:s24], $0x3000  }
0xc4: {  	[sflag:s24] =	ssyncset.done $0x0  }
0xc5: {  	[sflag:s24] =	ssyncadd.s32 $0xFFFFD000  }
0xc6: {  	_ =	swait.ge [sflag:s24], $0x3000  }
0xc7: {  	[sflag:s24] =	ssyncset.done $0x0  }
0xc8: {  	s25 =	sadd.s32 $0x1, s25;
	[sflag:s24] =	ssyncadd.s32 $0xFFFFD000  }
0xc9: {  	p0 =	sne.s32 s25, s1;
	_ =	swait.ge [sflag:s24], $0x3000  }
.Ltmp2:
0xca: {  	[sflag:s24] =	ssyncset.done $0x0;
	(pc) =	sbr.rel @p0 .LBB2_1-.Ltmp2, $4  }
0xcb: {  	[sflag:s24] =	ssyncadd.s32 $0xFFFFD000  }
0xcc: {  	_ =	swait.ge [sflag:s24], $0x3000  }
0xcd: {  	[sflag:s24] =	ssyncset.done $0x0  }
0xce: {  	[sflag:s24] =	ssyncadd.s32 $0xFFFFD000  }
0xcf: {  	_ =	sfence.sel $0x180000  }
0xd0: {  	s0 =	stileid.u32;
	[bflag:$0x0] =	sbarrier.arrive $0xFFFF  }
0xd1: {  	p0 =	sne.s32 s0, $0x0;
	_ =	strace $0x90000047  }
0xd2: {  	s0 =	sadd.s32 @!p0 $0x100000, s2;
	[bflag:$0x2] =	sbarrier.arrive $0xFFFF  }
0xd3: {  	[sflag:s0] =	ssyncadd.tile.s32 @!p0 $0x1;
	_ =	shalt  }
.Lfunc_end2:
_tile_overlayer_lowered:
.L_overlay_start_2:
0xd4: {  	(tag) =	ssettag $0x2  }
0xd5: {  	s0 =	rddreg [dreg:$0x0];
	s2 =	stileid.u32  }
0xd6: {  	s1 =	rddreg [dreg:$0x1];
	p0 =	sne.s32 s2, $0x0  }
0xd7: {  	s3 =	rddreg [dreg:$0x2];
	[bflag:$0x3] =	sbarrier.arrive $0xFFFF;
	s2 =	simm.s32 @!p0 $0x1C02  }
0xd8: {  	[timem:s3], [sflag:s2] =	dma.local @!p0 [hbm:s0], s1  }
0xd9: {  	s0 =	simm.s32 @!p0 $0x2  }
0xda: {  	_ =	swait.ge @!p0 [sflag:s0], s1  }
0xdb: {  	s1 =	ssub.s32 @!p0 $0x0, s1;
	[sflag:s0] =	ssyncset.done @!p0 $0x0  }
0xdc: {  	[sflag:s0] =	ssyncadd.s32 @!p0 s1  }
0xdd: {  	[bflag:$0x3] =	sbarrier.arrive $0xFFFF  }
0xde: {  	_ =	shalt  }

</sc_bundles>
